<compile_context>
chip_gen: v7x
topology: tpu7x:2x2x1
jax: 0.10.2.dev20260603
libtpu: 0.0.44.dev20260713+nightly
codegen_flags: <defaults>
</compile_context>

<pallas_src>
import functools

import jax
import jax.numpy as jnp
from jax import lax
from jax.experimental import pallas as pl
from jax.experimental.pallas import tpu as pltpu
from jax.experimental.pallas import tpu_sc as plsc

N = 10000
E = 320000
D_IN = 128
HID = 16
NUM_CLASSES = 64

NC = 2
NS = 16
NW = NC * NS
EPW = E // NW
CHUNK = 125
NCHUNK = EPW // CHUNK
NBUF = 8
DEG_Q = 8

SLAB = 640
STRIDE = 624
NVB = SLAB // 16

_mesh = plsc.VectorSubcoreMesh(
    core_axis_name="c", subcore_axis_name="s", num_cores=NC, num_subcores=NS)

_sc_params = pltpu.CompilerParams(use_tc_tiling_on_sc=False)


def _rsqrt16(d):
    i = lax.bitcast_convert_type(d, jnp.int32)
    y = lax.bitcast_convert_type(jnp.int32(0x5F3759DF) - (i >> 1), jnp.float32)
    for _ in range(3):
        y = y * (1.5 - 0.5 * d * y * y)
    return y


@functools.partial(
    pl.kernel,
    out_type=jax.ShapeDtypeStruct((NC, N), jnp.float32),
    mesh=_mesh,
    scratch_types=[
        pltpu.VMEM((NCHUNK, CHUNK), jnp.int32),
        pltpu.VMEM((128,), jnp.float32),
        pltpu.VMEM_SHARED((N,), jnp.float32),
        pltpu.SemaphoreType.DMA,
    ],
)
def _deg_sc(dst_hbm, zeros1_hbm, out_hbm, dst_v, ones_v, deg_sh, sem):
    c = lax.axis_index("c")
    s = lax.axis_index("s")
    for i in range(128 // 16):
        ones_v[pl.ds(i * 16, 16)] = jnp.ones((16,), jnp.float32)

    @pl.when(s == 0)
    def _zero():
        pltpu.sync_copy(zeros1_hbm, deg_sh)

    plsc.subcore_barrier()
    base = (c * NS + s) * NCHUNK
    pltpu.sync_copy(dst_hbm.at[pl.ds(base, NCHUNK)], dst_v)

    def body(j, carry):
        pltpu.async_copy(ones_v.at[pl.ds(0, CHUNK)], deg_sh.at[dst_v.at[j]],
                         sem, add=True)

        @pl.when(j >= DEG_Q)
        def _pace():
            pltpu.make_async_copy(
                ones_v.at[pl.ds(0, CHUNK)], deg_sh.at[dst_v.at[j]], sem).wait()

        return carry

    lax.fori_loop(0, NCHUNK, body, 0)
    for _ in range(DEG_Q):
        pltpu.make_async_copy(
            ones_v.at[pl.ds(0, CHUNK)], deg_sh.at[dst_v.at[0]], sem).wait()
    plsc.subcore_barrier()

    @pl.when(s == 0)
    def _out():
        pltpu.sync_copy(deg_sh, out_hbm.at[c])


def _edge_phase(table, src_v, dst_v, rows_v, agg_sh, gsems, ssems):
    for b in range(NBUF):
        pltpu.async_copy(table.at[src_v.at[b]], rows_v.at[b], gsems[b])

    def body(o, carry):
        for b in range(NBUF):
            m = o * NBUF + b
            pltpu.make_async_copy(
                table.at[src_v.at[m]], rows_v.at[b], gsems[b]).wait()
            pltpu.async_copy(
                rows_v.at[b], agg_sh.at[dst_v.at[m]], ssems[b], add=True)

            @pl.when(o < NCHUNK // NBUF - 1)
            def _next():
                pltpu.make_async_copy(
                    rows_v.at[b], agg_sh.at[dst_v.at[m]], ssems[b]).wait()
                pltpu.async_copy(
                    table.at[src_v.at[m + NBUF]], rows_v.at[b], gsems[b])

        return carry

    lax.fori_loop(0, NCHUNK // NBUF, body, 0)
    for b in range(NBUF):
        m = NCHUNK - NBUF + b
        pltpu.make_async_copy(
            rows_v.at[b], agg_sh.at[dst_v.at[m]], ssems[b]).wait()


@functools.partial(
    pl.kernel,
    out_type=(
        jax.ShapeDtypeStruct((NC, N, HID), jnp.float32),
        jax.ShapeDtypeStruct((NC, N, HID), jnp.float32),
    ),
    mesh=_mesh,
    scratch_types=[
        pltpu.VMEM((SLAB, HID), jnp.float32),
        pltpu.VMEM((SLAB,), jnp.float32),
        pltpu.VMEM((SLAB,), jnp.float32),
        pltpu.VMEM((NCHUNK, CHUNK), jnp.int32),
        pltpu.VMEM((NCHUNK, CHUNK), jnp.int32),
        pltpu.VMEM((NBUF, CHUNK, HID), jnp.float32),
        pltpu.VMEM_SHARED((N, HID), jnp.float32),
        [pltpu.SemaphoreType.DMA] * NBUF,
        [pltpu.SemaphoreType.DMA] * NBUF,
    ],
    compiler_params=_sc_params,
)
def _agg1_sc(hbar_hbm, degp_hbm, src_hbm, dst_hbm, zeros2_hbm,
             hs1d_hbm, out_hbm,
             hb_v, d0_v, d1_v, src_v, dst_v, rows_v, agg_sh, gsems, ssems):
    c = lax.axis_index("c")
    s = lax.axis_index("s")
    rbase = s * STRIDE
    base = (c * NS + s) * NCHUNK
    pltpu.sync_copy(src_hbm.at[pl.ds(base, NCHUNK)], src_v)
    pltpu.sync_copy(dst_hbm.at[pl.ds(base, NCHUNK)], dst_v)
    pltpu.sync_copy(zeros2_hbm.at[pl.ds(rbase, SLAB)],
                    agg_sh.at[pl.ds(rbase, SLAB)])
    pltpu.sync_copy(hbar_hbm.at[pl.ds(rbase, SLAB)], hb_v)
    pltpu.sync_copy(degp_hbm.at[0, pl.ds(rbase, SLAB)], d0_v)
    pltpu.sync_copy(degp_hbm.at[1, pl.ds(rbase, SLAB)], d1_v)

    def blk(b, carry):
        o = b * 16
        deg = d0_v[pl.ds(o, 16)] + d1_v[pl.ds(o, 16)] + 1.0
        dis = _rsqrt16(deg)
        for i in range(16):
            hb_v[o + i] = hb_v[o + i] * dis[i]
        return carry

    lax.fori_loop(0, NVB, blk, 0)
    pltpu.sync_copy(hb_v, hs1d_hbm.at[c, pl.ds(rbase, SLAB)])
    plsc.subcore_barrier()

    _edge_phase(hs1d_hbm.at[c], src_v, dst_v, rows_v, agg_sh, gsems, ssems)
    plsc.subcore_barrier()
    pltpu.sync_copy(agg_sh.at[pl.ds(rbase, SLAB)],
                    out_hbm.at[c, pl.ds(rbase, SLAB)])


@functools.partial(
    pl.kernel,
    out_type=(
        jax.ShapeDtypeStruct((NC, N, HID), jnp.float32),
        jax.ShapeDtypeStruct((NC, N, HID), jnp.float32),
    ),
    mesh=_mesh,
    scratch_types=[
        pltpu.VMEM((SLAB, HID), jnp.float32),
        pltpu.VMEM((SLAB, HID), jnp.float32),
        pltpu.VMEM((SLAB, HID), jnp.float32),
        pltpu.VMEM((SLAB,), jnp.float32),
        pltpu.VMEM((SLAB,), jnp.float32),
        pltpu.VMEM((HID,), jnp.float32),
        pltpu.VMEM((NCHUNK, CHUNK), jnp.int32),
        pltpu.VMEM((NCHUNK, CHUNK), jnp.int32),
        pltpu.VMEM((NBUF, CHUNK, HID), jnp.float32),
        pltpu.VMEM_SHARED((N, HID), jnp.float32),
        [pltpu.SemaphoreType.DMA] * NBUF,
        [pltpu.SemaphoreType.DMA] * NBUF,
    ],
    compiler_params=_sc_params,
)
def _agg2_sc(agg1_hbm, hs1d_hbm, degp_hbm, b1_hbm, src_hbm, dst_hbm,
             zeros2_hbm, out_hbm, hs2d_hbm,
             p0_v, p1_v, hs1_v, d0_v, d1_v, b1_v, src_v, dst_v, rows_v,
             agg_sh, gsems, ssems):
    c = lax.axis_index("c")
    s = lax.axis_index("s")
    rbase = s * STRIDE
    base = (c * NS + s) * NCHUNK
    pltpu.sync_copy(src_hbm.at[pl.ds(base, NCHUNK)], src_v)
    pltpu.sync_copy(dst_hbm.at[pl.ds(base, NCHUNK)], dst_v)
    pltpu.sync_copy(zeros2_hbm.at[pl.ds(rbase, SLAB)],
                    agg_sh.at[pl.ds(rbase, SLAB)])
    pltpu.sync_copy(agg1_hbm.at[0, pl.ds(rbase, SLAB)], p0_v)
    pltpu.sync_copy(agg1_hbm.at[1, pl.ds(rbase, SLAB)], p1_v)
    pltpu.sync_copy(hs1d_hbm.at[c, pl.ds(rbase, SLAB)], hs1_v)
    pltpu.sync_copy(degp_hbm.at[0, pl.ds(rbase, SLAB)], d0_v)
    pltpu.sync_copy(degp_hbm.at[1, pl.ds(rbase, SLAB)], d1_v)
    pltpu.sync_copy(b1_hbm, b1_v)
    b1r = b1_v[...]

    def blk(b, carry):
        o = b * 16
        deg = d0_v[pl.ds(o, 16)] + d1_v[pl.ds(o, 16)] + 1.0
        dis = _rsqrt16(deg)
        for i in range(16):
            n = o + i
            row = (p0_v[n] + p1_v[n] + hs1_v[n]) * dis[i] + b1r
            p0_v[n] = jnp.maximum(row, 0.0) * dis[i]
        return carry

    lax.fori_loop(0, NVB, blk, 0)
    pltpu.sync_copy(p0_v, hs2d_hbm.at[c, pl.ds(rbase, SLAB)])
    plsc.subcore_barrier()

    _edge_phase(hs2d_hbm.at[c], src_v, dst_v, rows_v, agg_sh, gsems, ssems)
    plsc.subcore_barrier()

    pltpu.sync_copy(agg_sh.at[pl.ds(rbase, SLAB)], hs1_v)

    def qblk(b, carry):
        o = b * 16
        deg = d0_v[pl.ds(o, 16)] + d1_v[pl.ds(o, 16)] + 1.0
        dis = _rsqrt16(deg)
        for i in range(16):
            n = o + i
            hs1_v[n] = (hs1_v[n] + 0.5 * p0_v[n]) * dis[i]
        return carry

    lax.fori_loop(0, NVB, qblk, 0)
    pltpu.sync_copy(hs1_v, out_hbm.at[c, pl.ds(rbase, SLAB)])


def _mm_body(x_ref, w1_ref, hb_ref):
    hb_ref[...] = jnp.dot(x_ref[...], w1_ref[...],
                          preferred_element_type=jnp.float32)


def _tc_mm(x, W1):
    return pl.pallas_call(
        _mm_body,
        out_shape=jax.ShapeDtypeStruct((N, HID), jnp.float32),
    )(x, W1)


def _out_body(q_ref, w2_ref, b2_ref, out_ref):
    a = q_ref[0] + q_ref[1]
    o = jnp.dot(a, w2_ref[...], preferred_element_type=jnp.float32)
    o = o + b2_ref[...]
    m = jnp.max(o, axis=1, keepdims=True)
    e = jnp.exp(o - m)
    lse = jnp.log(jnp.sum(e, axis=1, keepdims=True))
    out_ref[...] = (o - m) - lse


def _tc_out(q, W2, b2):
    return pl.pallas_call(
        _out_body,
        out_shape=jax.ShapeDtypeStruct((N, NUM_CLASSES), jnp.float32),
    )(q, W2, b2)


def kernel(x, edge_index, W1, b1, W2, b2):
    src2d = edge_index[0].reshape(E // CHUNK, CHUNK)
    dst2d = edge_index[1].reshape(E // CHUNK, CHUNK)
    zeros1 = jnp.zeros((N,), jnp.float32)
    zeros2 = jnp.zeros((N, HID), jnp.float32)

    hbar = _tc_mm(x, W1)
    degp = _deg_sc(dst2d, zeros1)
    hs1d, agg1 = _agg1_sc(hbar, degp, src2d, dst2d, zeros2)
    q, _hs2d = _agg2_sc(agg1, hs1d, degp, b1, src2d, dst2d, zeros2)
    return _tc_out(q, W2, b2.reshape(1, NUM_CLASSES))

# --- scband reference (transcript-rebuilt; emitter-appended) ---
"""Pipeline reference for scband-gcn-22969485099838 (READ-ONLY COPY).

The authoritative reference and input builder live on the scoring server;
editing this copy changes nothing except your own understanding.
"""

import jax, jax.numpy as jnp
import numpy as np

N = 10000
E = 320000
D_IN = 128
HID = 16
NUM_CLASSES = 64


def setup_inputs(seed: int = 0) -> dict:
    key = jax.random.key(seed)
    k1, k2, k3, k4 = jax.random.split(key, 4)
    x = jax.random.normal(k1, (N, D_IN), dtype=jnp.float32)
    edge_index = jax.random.randint(k2, (2, E), 0, N, dtype=jnp.int32)
    W1 = jax.random.normal(k3, (D_IN, HID), dtype=jnp.float32) * (1.0 / np.sqrt(D_IN))
    b1 = jnp.zeros((HID,), dtype=jnp.float32)
    W2 = jax.random.normal(k4, (HID, NUM_CLASSES), dtype=jnp.float32) * (1.0 / np.sqrt(HID))
    b2 = jnp.zeros((NUM_CLASSES,), dtype=jnp.float32)
    return {"x": x, "edge_index": edge_index, "W1": W1, "b1": b1, "W2": W2, "b2": b2}


def _gcn_layer(x, src, dst, W, b, n):
    # GCNConv: out = D^{-1/2} (A + I) D^{-1/2} X W + b  (self-loops already appended to src/dst)
    h = x @ W
    deg = jnp.zeros((n,), dtype=x.dtype).at[dst].add(1.0)
    deg_inv_sqrt = jnp.where(deg > 0, jax.lax.rsqrt(jnp.maximum(deg, 1e-12)), 0.0)
    norm = deg_inv_sqrt[src] * deg_inv_sqrt[dst]
    msg = h[src] * norm[:, None]
    out = jax.ops.segment_sum(msg, dst, num_segments=n)
    return out + b


def reference(x, edge_index, W1, b1, W2, b2):
    n = x.shape[0]
    loop = jnp.arange(n, dtype=edge_index.dtype)
    src = jnp.concatenate([edge_index[0], loop])
    dst = jnp.concatenate([edge_index[1], loop])
    h = _gcn_layer(x, src, dst, W1, b1, n)
    h = jax.nn.relu(h)
    # F.dropout(training=self.training): identity in eval mode
    out = _gcn_layer(h, src, dst, W2, b2, n)
    return jax.nn.log_softmax(out, axis=1)

if __name__ == "__main__":
    import jax
    _d = setup_inputs()
    print(jax.jit(kernel)(*tuple(_d.values())))

</pallas_src>

<mosaic_0001>
#map = affine_map<(d0, d1) -> (0, 0)>
#map1 = affine_map<(d0, d1) -> (0, 0, 0)>
module attributes {stable_mosaic.version = 14 : i64} {
  func.func @_agg1_sc(%arg0: i32, %arg1: i32, %arg2: memref<10000x16xf32, #tpu.memory_space<hbm>>, %arg3: memref<2x10000xf32, #tpu.memory_space<hbm>>, %arg4: memref<2560x125xi32, #tpu.memory_space<hbm>>, %arg5: memref<2560x125xi32, #tpu.memory_space<hbm>>, %arg6: memref<10000x16xf32, #tpu.memory_space<hbm>>, %arg7: memref<2x10000x16xf32, #tpu.memory_space<hbm>>, %arg8: memref<2x10000x16xf32, #tpu.memory_space<hbm>>, %arg9: memref<640x16xf32, #tpu.memory_space<vmem>>, %arg10: memref<640xf32, #tpu.memory_space<vmem>>, %arg11: memref<640xf32, #tpu.memory_space<vmem>>, %arg12: memref<80x125xi32, #tpu.memory_space<vmem>>, %arg13: memref<80x125xi32, #tpu.memory_space<vmem>>, %arg14: memref<8x125x16xf32, #tpu.memory_space<vmem>>, %arg15: memref<10000x16xf32, #tpu.memory_space<vmem_shared>>, %arg16: memref<!tpu.dma_semaphore, #tpu.memory_space<semaphore_mem>>, %arg17: memref<!tpu.dma_semaphore, #tpu.memory_space<semaphore_mem>>, %arg18: memref<!tpu.dma_semaphore, #tpu.memory_space<semaphore_mem>>, %arg19: memref<!tpu.dma_semaphore, #tpu.memory_space<semaphore_mem>>, %arg20: memref<!tpu.dma_semaphore, #tpu.memory_space<semaphore_mem>>, %arg21: memref<!tpu.dma_semaphore, #tpu.memory_space<semaphore_mem>>, %arg22: memref<!tpu.dma_semaphore, #tpu.memory_space<semaphore_mem>>, %arg23: memref<!tpu.dma_semaphore, #tpu.memory_space<semaphore_mem>>, %arg24: memref<!tpu.dma_semaphore, #tpu.memory_space<semaphore_mem>>, %arg25: memref<!tpu.dma_semaphore, #tpu.memory_space<semaphore_mem>>, %arg26: memref<!tpu.dma_semaphore, #tpu.memory_space<semaphore_mem>>, %arg27: memref<!tpu.dma_semaphore, #tpu.memory_space<semaphore_mem>>, %arg28: memref<!tpu.dma_semaphore, #tpu.memory_space<semaphore_mem>>, %arg29: memref<!tpu.dma_semaphore, #tpu.memory_space<semaphore_mem>>, %arg30: memref<!tpu.dma_semaphore, #tpu.memory_space<semaphore_mem>>, %arg31: memref<!tpu.dma_semaphore, #tpu.memory_space<semaphore_mem>>) attributes {dimension_semantics = [#tpu.dimension_semantics<core_parallel>, #tpu.dimension_semantics<subcore_parallel>], iteration_bounds = array<i64: 2, 16>, scalar_prefetch = 0 : i64, scratch_operands = 23 : i64, tpu.core_type = #tpu.core_type<sc_vector_subcore>, window_params = [{transform_indices = #map}, {transform_indices = #map}, {transform_indices = #map}, {transform_indices = #map}, {transform_indices = #map}, {transform_indices = #map1}, {transform_indices = #map1}]} {
    %mul3A = arith.constant 624 : i32
    %mul3A_0 = arith.muli %arg1, %mul3A : i32
    %mul3A_1 = arith.constant 16 : i32
    %mul3A_2 = arith.muli %arg0, %mul3A_1 : i32
    %add3A = arith.addi %mul3A_2, %arg1 : i32
    %mul3A_3 = arith.constant 80 : i32
    %mul3A_4 = arith.muli %add3A, %mul3A_3 : i32
    "tpu.region"() ({
      %run_scoped3A_240 = tpu.sem_alloc : memref<!tpu.dma_semaphore, #tpu.memory_space<semaphore_mem>>
      %dma_start3A_241 = arith.constant 0 : i32
      %dma_start3A_242 = tpu.memref_slice %arg4[%mul3A_4, %dma_start3A_241] : memref<2560x125xi32, #tpu.memory_space<hbm>> -> memref<80x125xi32, #tpu.memory_space<hbm>>
      %dma_start3A_243 = arith.constant 0 : i32
      %dma_start3A_244 = tpu.memref_slice %arg4[%mul3A_4, %dma_start3A_243] : memref<2560x125xi32, #tpu.memory_space<hbm>> -> memref<80x125xi32, #tpu.memory_space<hbm>>
      tpu.enqueue_dma source(%dma_start3A_244 : memref<80x125xi32, #tpu.memory_space<hbm>>) target(%arg12 : memref<80x125xi32, #tpu.memory_space<vmem>>) target_semaphore(%run_scoped3A_240 : memref<!tpu.dma_semaphore, #tpu.memory_space<semaphore_mem>>)
      %dma_wait3A_245 = arith.constant 0 : i32
      %dma_wait3A_246 = tpu.memref_slice %arg4[%mul3A_4, %dma_wait3A_245] : memref<2560x125xi32, #tpu.memory_space<hbm>> -> memref<80x125xi32, #tpu.memory_space<hbm>>
      %dma_wait3A_247 = arith.constant 0 : i32
      %dma_wait3A_248 = tpu.memref_slice %arg4[%mul3A_4, %dma_wait3A_247] : memref<2560x125xi32, #tpu.memory_space<hbm>> -> memref<80x125xi32, #tpu.memory_space<hbm>>
      tpu.wait_dma2 semaphore(%run_scoped3A_240 : memref<!tpu.dma_semaphore, #tpu.memory_space<semaphore_mem>>) src(%dma_wait3A_248 : memref<80x125xi32, #tpu.memory_space<hbm>>) dst(%arg12 : memref<80x125xi32, #tpu.memory_space<vmem>>)
      tpu.yield
    }) : () -> ()
    "tpu.region"() ({
      %run_scoped3A_240 = tpu.sem_alloc : memref<!tpu.dma_semaphore, #tpu.memory_space<semaphore_mem>>
      %dma_start3A_241 = arith.constant 0 : i32
      %dma_start3A_242 = tpu.memref_slice %arg5[%mul3A_4, %dma_start3A_241] : memref<2560x125xi32, #tpu.memory_space<hbm>> -> memref<80x125xi32, #tpu.memory_space<hbm>>
      %dma_start3A_243 = arith.constant 0 : i32
      %dma_start3A_244 = tpu.memref_slice %arg5[%mul3A_4, %dma_start3A_243] : memref<2560x125xi32, #tpu.memory_space<hbm>> -> memref<80x125xi32, #tpu.memory_space<hbm>>
      tpu.enqueue_dma source(%dma_start3A_244 : memref<80x125xi32, #tpu.memory_space<hbm>>) target(%arg13 : memref<80x125xi32, #tpu.memory_space<vmem>>) target_semaphore(%run_scoped3A_240 : memref<!tpu.dma_semaphore, #tpu.memory_space<semaphore_mem>>)
      %dma_wait3A_245 = arith.constant 0 : i32
      %dma_wait3A_246 = tpu.memref_slice %arg5[%mul3A_4, %dma_wait3A_245] : memref<2560x125xi32, #tpu.memory_space<hbm>> -> memref<80x125xi32, #tpu.memory_space<hbm>>
      %dma_wait3A_247 = arith.constant 0 : i32
      %dma_wait3A_248 = tpu.memref_slice %arg5[%mul3A_4, %dma_wait3A_247] : memref<2560x125xi32, #tpu.memory_space<hbm>> -> memref<80x125xi32, #tpu.memory_space<hbm>>
      tpu.wait_dma2 semaphore(%run_scoped3A_240 : memref<!tpu.dma_semaphore, #tpu.memory_space<semaphore_mem>>) src(%dma_wait3A_248 : memref<80x125xi32, #tpu.memory_space<hbm>>) dst(%arg13 : memref<80x125xi32, #tpu.memory_space<vmem>>)
      tpu.yield
    }) : () -> ()
    "tpu.region"() ({
      %run_scoped3A_240 = tpu.sem_alloc : memref<!tpu.dma_semaphore, #tpu.memory_space<semaphore_mem>>
      %dma_start3A_241 = arith.constant 0 : i32
      %dma_start3A_242 = tpu.memref_slice %arg15[%mul3A_0, %dma_start3A_241] : memref<10000x16xf32, #tpu.memory_space<vmem_shared>> -> memref<640x16xf32, #tpu.memory_space<vmem_shared>>
      %dma_start3A_243 = arith.constant 0 : i32
      %dma_start3A_244 = tpu.memref_slice %arg6[%mul3A_0, %dma_start3A_243] : memref<10000x16xf32, #tpu.memory_space<hbm>> -> memref<640x16xf32, #tpu.memory_space<hbm>>
      tpu.enqueue_dma source(%dma_start3A_244 : memref<640x16xf32, #tpu.memory_space<hbm>>) target(%dma_start3A_242 : memref<640x16xf32, #tpu.memory_space<vmem_shared>>) target_semaphore(%run_scoped3A_240 : memref<!tpu.dma_semaphore, #tpu.memory_space<semaphore_mem>>)
      %dma_wait3A_245 = arith.constant 0 : i32
      %dma_wait3A_246 = tpu.memref_slice %arg15[%mul3A_0, %dma_wait3A_245] : memref<10000x16xf32, #tpu.memory_space<vmem_shared>> -> memref<640x16xf32, #tpu.memory_space<vmem_shared>>
      %dma_wait3A_247 = arith.constant 0 : i32
      %dma_wait3A_248 = tpu.memref_slice %arg6[%mul3A_0, %dma_wait3A_247] : memref<10000x16xf32, #tpu.memory_space<hbm>> -> memref<640x16xf32, #tpu.memory_space<hbm>>
      tpu.wait_dma2 semaphore(%run_scoped3A_240 : memref<!tpu.dma_semaphore, #tpu.memory_space<semaphore_mem>>) src(%dma_wait3A_248 : memref<640x16xf32, #tpu.memory_space<hbm>>) dst(%dma_wait3A_246 : memref<640x16xf32, #tpu.memory_space<vmem_shared>>)
      tpu.yield
    }) : () -> ()
    "tpu.region"() ({
      %run_scoped3A_240 = tpu.sem_alloc : memref<!tpu.dma_semaphore, #tpu.memory_space<semaphore_mem>>
      %dma_start3A_241 = arith.constant 0 : i32
      %dma_start3A_242 = tpu.memref_slice %arg2[%mul3A_0, %dma_start3A_241] : memref<10000x16xf32, #tpu.memory_space<hbm>> -> memref<640x16xf32, #tpu.memory_space<hbm>>
      %dma_start3A_243 = arith.constant 0 : i32
      %dma_start3A_244 = tpu.memref_slice %arg2[%mul3A_0, %dma_start3A_243] : memref<10000x16xf32, #tpu.memory_space<hbm>> -> memref<640x16xf32, #tpu.memory_space<hbm>>
      tpu.enqueue_dma source(%dma_start3A_244 : memref<640x16xf32, #tpu.memory_space<hbm>>) target(%arg9 : memref<640x16xf32, #tpu.memory_space<vmem>>) target_semaphore(%run_scoped3A_240 : memref<!tpu.dma_semaphore, #tpu.memory_space<semaphore_mem>>)
      %dma_wait3A_245 = arith.constant 0 : i32
      %dma_wait3A_246 = tpu.memref_slice %arg2[%mul3A_0, %dma_wait3A_245] : memref<10000x16xf32, #tpu.memory_space<hbm>> -> memref<640x16xf32, #tpu.memory_space<hbm>>
      %dma_wait3A_247 = arith.constant 0 : i32
      %dma_wait3A_248 = tpu.memref_slice %arg2[%mul3A_0, %dma_wait3A_247] : memref<10000x16xf32, #tpu.memory_space<hbm>> -> memref<640x16xf32, #tpu.memory_space<hbm>>
      tpu.wait_dma2 semaphore(%run_scoped3A_240 : memref<!tpu.dma_semaphore, #tpu.memory_space<semaphore_mem>>) src(%dma_wait3A_248 : memref<640x16xf32, #tpu.memory_space<hbm>>) dst(%arg9 : memref<640x16xf32, #tpu.memory_space<vmem>>)
      tpu.yield
    }) : () -> ()
    %run_scoped3A = arith.constant 0 : i32
    "tpu.region"() ({
      %run_scoped3A_240 = tpu.sem_alloc : memref<!tpu.dma_semaphore, #tpu.memory_space<semaphore_mem>>
      %dma_start3A_241 = tpu.memref_slice %arg3[%run_scoped3A, %mul3A_0] : memref<2x10000xf32, #tpu.memory_space<hbm>> -> memref<1x640xf32, #tpu.memory_space<hbm>>
      %dma_start3A_242 = tpu.memref_squeeze %dma_start3A_241 : memref<1x640xf32, #tpu.memory_space<hbm>> -> memref<640xf32, #tpu.memory_space<hbm>>
      %dma_start3A_243 = tpu.memref_slice %arg3[%run_scoped3A, %mul3A_0] : memref<2x10000xf32, #tpu.memory_space<hbm>> -> memref<1x640xf32, #tpu.memory_space<hbm>>
      %dma_start3A_244 = tpu.memref_squeeze %dma_start3A_243 : memref<1x640xf32, #tpu.memory_space<hbm>> -> memref<640xf32, #tpu.memory_space<hbm>>
      tpu.enqueue_dma source(%dma_start3A_244 : memref<640xf32, #tpu.memory_space<hbm>>) target(%arg10 : memref<640xf32, #tpu.memory_space<vmem>>) target_semaphore(%run_scoped3A_240 : memref<!tpu.dma_semaphore, #tpu.memory_space<semaphore_mem>>)
      %dma_wait3A_245 = tpu.memref_slice %arg3[%run_scoped3A, %mul3A_0] : memref<2x10000xf32, #tpu.memory_space<hbm>> -> memref<1x640xf32, #tpu.memory_space<hbm>>
      %dma_wait3A_246 = tpu.memref_squeeze %dma_wait3A_245 : memref<1x640xf32, #tpu.memory_space<hbm>> -> memref<640xf32, #tpu.memory_space<hbm>>
      %dma_wait3A_247 = tpu.memref_slice %arg3[%run_scoped3A, %mul3A_0] : memref<2x10000xf32, #tpu.memory_space<hbm>> -> memref<1x640xf32, #tpu.memory_space<hbm>>
      %dma_wait3A_248 = tpu.memref_squeeze %dma_wait3A_247 : memref<1x640xf32, #tpu.memory_space<hbm>> -> memref<640xf32, #tpu.memory_space<hbm>>
      tpu.wait_dma2 semaphore(%run_scoped3A_240 : memref<!tpu.dma_semaphore, #tpu.memory_space<semaphore_mem>>) src(%dma_wait3A_248 : memref<640xf32, #tpu.memory_space<hbm>>) dst(%arg10 : memref<640xf32, #tpu.memory_space<vmem>>)
      tpu.yield
    }) : () -> ()
    %run_scoped3A_5 = arith.constant 1 : i32
    "tpu.region"() ({
      %run_scoped3A_240 = tpu.sem_alloc : memref<!tpu.dma_semaphore, #tpu.memory_space<semaphore_mem>>
      %dma_start3A_241 = tpu.memref_slice %arg3[%run_scoped3A_5, %mul3A_0] : memref<2x10000xf32, #tpu.memory_space<hbm>> -> memref<1x640xf32, #tpu.memory_space<hbm>>
      %dma_start3A_242 = tpu.memref_squeeze %dma_start3A_241 : memref<1x640xf32, #tpu.memory_space<hbm>> -> memref<640xf32, #tpu.memory_space<hbm>>
      %dma_start3A_243 = tpu.memref_slice %arg3[%run_scoped3A_5, %mul3A_0] : memref<2x10000xf32, #tpu.memory_space<hbm>> -> memref<1x640xf32, #tpu.memory_space<hbm>>
      %dma_start3A_244 = tpu.memref_squeeze %dma_start3A_243 : memref<1x640xf32, #tpu.memory_space<hbm>> -> memref<640xf32, #tpu.memory_space<hbm>>
      tpu.enqueue_dma source(%dma_start3A_244 : memref<640xf32, #tpu.memory_space<hbm>>) target(%arg11 : memref<640xf32, #tpu.memory_space<vmem>>) target_semaphore(%run_scoped3A_240 : memref<!tpu.dma_semaphore, #tpu.memory_space<semaphore_mem>>)
      %dma_wait3A_245 = tpu.memref_slice %arg3[%run_scoped3A_5, %mul3A_0] : memref<2x10000xf32, #tpu.memory_space<hbm>> -> memref<1x640xf32, #tpu.memory_space<hbm>>
      %dma_wait3A_246 = tpu.memref_squeeze %dma_wait3A_245 : memref<1x640xf32, #tpu.memory_space<hbm>> -> memref<640xf32, #tpu.memory_space<hbm>>
      %dma_wait3A_247 = tpu.memref_slice %arg3[%run_scoped3A_5, %mul3A_0] : memref<2x10000xf32, #tpu.memory_space<hbm>> -> memref<1x640xf32, #tpu.memory_space<hbm>>
      %dma_wait3A_248 = tpu.memref_squeeze %dma_wait3A_247 : memref<1x640xf32, #tpu.memory_space<hbm>> -> memref<640xf32, #tpu.memory_space<hbm>>
      tpu.wait_dma2 semaphore(%run_scoped3A_240 : memref<!tpu.dma_semaphore, #tpu.memory_space<semaphore_mem>>) src(%dma_wait3A_248 : memref<640xf32, #tpu.memory_space<hbm>>) dst(%arg11 : memref<640xf32, #tpu.memory_space<vmem>>)
      tpu.yield
    }) : () -> ()
    %scan3A = arith.constant 0 : i32
    %scan3A_6 = arith.constant 0 : i32
    %scan3A_7 = arith.constant 40 : i32
    %scan3A_8 = arith.addi %scan3A_6, %scan3A_7 : i32
    %scan3A_9 = arith.constant 1 : i32
    scf.for %scan3A_240 = %scan3A_6 to %scan3A_8 step %scan3A_9  : i32 {
      %mul3A_241 = arith.constant 16 : i32
      %mul3A_242 = arith.muli %scan3A_240, %mul3A_241 : i32
      %get3A = arith.index_cast %mul3A_242 : i32 to index
      %get3A_243 = tpu.vector_load %arg10[%get3A] {strides = array<i32>} : memref<640xf32, #tpu.memory_space<vmem>>, vector<16xf32>,
      %get3A_244 = vector.shape_cast %get3A_243 : vector<16xf32> to vector<16xf32>
      %get3A_245 = arith.index_cast %mul3A_242 : i32 to index
      %get3A_246 = tpu.vector_load %arg11[%get3A_245] {strides = array<i32>} : memref<640xf32, #tpu.memory_space<vmem>>, vector<16xf32>,
      %get3A_247 = vector.shape_cast %get3A_246 : vector<16xf32> to vector<16xf32>
      %add3A_248 = arith.addf %get3A_244, %get3A_247 : vector<16xf32>
      %add3A_249 = arith.constant 1.000000e+00 : f32
      %add3A_250 = vector.broadcast %add3A_249 : f32 to vector<16xf32>
      %add3A_251 = arith.addf %add3A_248, %add3A_250 : vector<16xf32>
      %bitcast_convert_type3A = tpu.bitcast %add3A_251 : vector<16xf32> -> vector<16xi32>
      %shift_right_arithmetic3A = arith.constant 1 : i32
      %shift_right_arithmetic3A_252 = vector.broadcast %shift_right_arithmetic3A : i32 to vector<16xi32>
      %shift_right_arithmetic3A_253 = arith.shrsi %bitcast_convert_type3A, %shift_right_arithmetic3A_252 : vector<16xi32>
      %sub3A = arith.constant 1597463007 : i32
      %sub3A_254 = vector.broadcast %sub3A : i32 to vector<16xi32>
      %sub3A_255 = arith.subi %sub3A_254, %shift_right_arithmetic3A_253 : vector<16xi32>
      %bitcast_convert_type3A_256 = tpu.bitcast %sub3A_255 : vector<16xi32> -> vector<16xf32>
      %mul3A_257 = arith.constant 5.000000e-01 : f32
      %mul3A_258 = vector.broadcast %mul3A_257 : f32 to vector<16xf32>
      %mul3A_259 = arith.mulf %mul3A_258, %add3A_251 : vector<16xf32>
      %mul3A_260 = arith.mulf %mul3A_259, %bitcast_convert_type3A_256 : vector<16xf32>
      %mul3A_261 = arith.mulf %mul3A_260, %bitcast_convert_type3A_256 : vector<16xf32>
      %sub3A_262 = arith.constant 1.500000e+00 : f32
      %sub3A_263 = vector.broadcast %sub3A_262 : f32 to vector<16xf32>
      %sub3A_264 = arith.subf %sub3A_263, %mul3A_261 : vector<16xf32>
      %mul3A_265 = arith.mulf %bitcast_convert_type3A_256, %sub3A_264 : vector<16xf32>
      %mul3A_266 = arith.constant 5.000000e-01 : f32
      %mul3A_267 = vector.broadcast %mul3A_266 : f32 to vector<16xf32>
      %mul3A_268 = arith.mulf %mul3A_267, %add3A_251 : vector<16xf32>
      %mul3A_269 = arith.mulf %mul3A_268, %mul3A_265 : vector<16xf32>
      %mul3A_270 = arith.mulf %mul3A_269, %mul3A_265 : vector<16xf32>
      %sub3A_271 = arith.constant 1.500000e+00 : f32
      %sub3A_272 = vector.broadcast %sub3A_271 : f32 to vector<16xf32>
      %sub3A_273 = arith.subf %sub3A_272, %mul3A_270 : vector<16xf32>
      %mul3A_274 = arith.mulf %mul3A_265, %sub3A_273 : vector<16xf32>
      %mul3A_275 = arith.constant 5.000000e-01 : f32
      %mul3A_276 = vector.broadcast %mul3A_275 : f32 to vector<16xf32>
      %mul3A_277 = arith.mulf %mul3A_276, %add3A_251 : vector<16xf32>
      %mul3A_278 = arith.mulf %mul3A_277, %mul3A_274 : vector<16xf32>
      %mul3A_279 = arith.mulf %mul3A_278, %mul3A_274 : vector<16xf32>
      %sub3A_280 = arith.constant 1.500000e+00 : f32
      %sub3A_281 = vector.broadcast %sub3A_280 : f32 to vector<16xf32>
      %sub3A_282 = arith.subf %sub3A_281, %mul3A_279 : vector<16xf32>
      %mul3A_283 = arith.mulf %mul3A_274, %sub3A_282 : vector<16xf32>
      %add3A_284 = arith.constant 0 : i32
      %add3A_285 = arith.addi %mul3A_242, %add3A_284 : i32
      %get3A_286 = arith.index_cast %add3A_285 : i32 to index
      %get3A_287 = arith.constant 0 : index
      %get3A_288 = tpu.vector_load %arg9[%get3A_286, %get3A_287] {strides = array<i32>} : memref<640x16xf32, #tpu.memory_space<vmem>>, vector<1x16xf32>,
      %get3A_289 = vector.shape_cast %get3A_288 : vector<1x16xf32> to vector<16xf32>
      %slice3A = vector.extract_strided_slice %mul3A_283 {offsets = [0], sizes = [1], strides = [1]} : vector<16xf32> to vector<1xf32>
      %squeeze3A = vector.extract %slice3A[0] : f32 from vector<1xf32>
      %mul3A_290 = vector.broadcast %squeeze3A : f32 to vector<16xf32>
      %mul3A_291 = arith.mulf %get3A_289, %mul3A_290 : vector<16xf32>
      %add3A_292 = arith.constant 0 : i32
      %add3A_293 = arith.addi %mul3A_242, %add3A_292 : i32
      %swap3A = arith.index_cast %add3A_293 : i32 to index
      %swap3A_294 = arith.constant 0 : index
      %swap3A_295 = tpu.vector_load %arg9[%swap3A, %swap3A_294] {strides = array<i32>} : memref<640x16xf32, #tpu.memory_space<vmem>>, vector<1x16xf32>,
      %swap3A_296 = vector.shape_cast %swap3A_295 : vector<1x16xf32> to vector<16xf32>
      %swap3A_297 = vector.shape_cast %mul3A_291 : vector<16xf32> to vector<1x16xf32>
      tpu.vector_store %arg9[%swap3A, %swap3A_294], %swap3A_297 {strides = array<i32>} : memref<640x16xf32, #tpu.memory_space<vmem>>, vector<1x16xf32>,
      %add3A_298 = arith.constant 1 : i32
      %add3A_299 = arith.addi %mul3A_242, %add3A_298 : i32
      %get3A_300 = arith.index_cast %add3A_299 : i32 to index
      %get3A_301 = arith.constant 0 : index
      %get3A_302 = tpu.vector_load %arg9[%get3A_300, %get3A_301] {strides = array<i32>} : memref<640x16xf32, #tpu.memory_space<vmem>>, vector<1x16xf32>,
      %get3A_303 = vector.shape_cast %get3A_302 : vector<1x16xf32> to vector<16xf32>
      %slice3A_304 = vector.extract_strided_slice %mul3A_283 {offsets = [1], sizes = [1], strides = [1]} : vector<16xf32> to vector<1xf32>
      %squeeze3A_305 = vector.extract %slice3A_304[0] : f32 from vector<1xf32>
      %mul3A_306 = vector.broadcast %squeeze3A_305 : f32 to vector<16xf32>
      %mul3A_307 = arith.mulf %get3A_303, %mul3A_306 : vector<16xf32>
      %add3A_308 = arith.constant 1 : i32
      %add3A_309 = arith.addi %mul3A_242, %add3A_308 : i32
      %swap3A_310 = arith.index_cast %add3A_309 : i32 to index
      %swap3A_311 = arith.constant 0 : index
      %swap3A_312 = tpu.vector_load %arg9[%swap3A_310, %swap3A_311] {strides = array<i32>} : memref<640x16xf32, #tpu.memory_space<vmem>>, vector<1x16xf32>,
      %swap3A_313 = vector.shape_cast %swap3A_312 : vector<1x16xf32> to vector<16xf32>
      %swap3A_314 = vector.shape_cast %mul3A_307 : vector<16xf32> to vector<1x16xf32>
      tpu.vector_store %arg9[%swap3A_310, %swap3A_311], %swap3A_314 {strides = array<i32>} : memref<640x16xf32, #tpu.memory_space<vmem>>, vector<1x16xf32>,
      %add3A_315 = arith.constant 2 : i32
      %add3A_316 = arith.addi %mul3A_242, %add3A_315 : i32
      %get3A_317 = arith.index_cast %add3A_316 : i32 to index
      %get3A_318 = arith.constant 0 : index
      %get3A_319 = tpu.vector_load %arg9[%get3A_317, %get3A_318] {strides = array<i32>} : memref<640x16xf32, #tpu.memory_space<vmem>>, vector<1x16xf32>,
      %get3A_320 = vector.shape_cast %get3A_319 : vector<1x16xf32> to vector<16xf32>
      %slice3A_321 = vector.extract_strided_slice %mul3A_283 {offsets = [2], sizes = [1], strides = [1]} : vector<16xf32> to vector<1xf32>
      %squeeze3A_322 = vector.extract %slice3A_321[0] : f32 from vector<1xf32>
      %mul3A_323 = vector.broadcast %squeeze3A_322 : f32 to vector<16xf32>
      %mul3A_324 = arith.mulf %get3A_320, %mul3A_323 : vector<16xf32>
      %add3A_325 = arith.constant 2 : i32
      %add3A_326 = arith.addi %mul3A_242, %add3A_325 : i32
      %swap3A_327 = arith.index_cast %add3A_326 : i32 to index
      %swap3A_328 = arith.constant 0 : index
      %swap3A_329 = tpu.vector_load %arg9[%swap3A_327, %swap3A_328] {strides = array<i32>} : memref<640x16xf32, #tpu.memory_space<vmem>>, vector<1x16xf32>,
      %swap3A_330 = vector.shape_cast %swap3A_329 : vector<1x16xf32> to vector<16xf32>
      %swap3A_331 = vector.shape_cast %mul3A_324 : vector<16xf32> to vector<1x16xf32>
      tpu.vector_store %arg9[%swap3A_327, %swap3A_328], %swap3A_331 {strides = array<i32>} : memref<640x16xf32, #tpu.memory_space<vmem>>, vector<1x16xf32>,
      %add3A_332 = arith.constant 3 : i32
      %add3A_333 = arith.addi %mul3A_242, %add3A_332 : i32
      %get3A_334 = arith.index_cast %add3A_333 : i32 to index
      %get3A_335 = arith.constant 0 : index
      %get3A_336 = tpu.vector_load %arg9[%get3A_334, %get3A_335] {strides = array<i32>} : memref<640x16xf32, #tpu.memory_space<vmem>>, vector<1x16xf32>,
      %get3A_337 = vector.shape_cast %get3A_336 : vector<1x16xf32> to vector<16xf32>
      %slice3A_338 = vector.extract_strided_slice %mul3A_283 {offsets = [3], sizes = [1], strides = [1]} : vector<16xf32> to vector<1xf32>
      %squeeze3A_339 = vector.extract %slice3A_338[0] : f32 from vector<1xf32>
      %mul3A_340 = vector.broadcast %squeeze3A_339 : f32 to vector<16xf32>
      %mul3A_341 = arith.mulf %get3A_337, %mul3A_340 : vector<16xf32>
      %add3A_342 = arith.constant 3 : i32
      %add3A_343 = arith.addi %mul3A_242, %add3A_342 : i32
      %swap3A_344 = arith.index_cast %add3A_343 : i32 to index
      %swap3A_345 = arith.constant 0 : index
      %swap3A_346 = tpu.vector_load %arg9[%swap3A_344, %swap3A_345] {strides = array<i32>} : memref<640x16xf32, #tpu.memory_space<vmem>>, vector<1x16xf32>,
      %swap3A_347 = vector.shape_cast %swap3A_346 : vector<1x16xf32> to vector<16xf32>
      %swap3A_348 = vector.shape_cast %mul3A_341 : vector<16xf32> to vector<1x16xf32>
      tpu.vector_store %arg9[%swap3A_344, %swap3A_345], %swap3A_348 {strides = array<i32>} : memref<640x16xf32, #tpu.memory_space<vmem>>, vector<1x16xf32>,
      %add3A_349 = arith.constant 4 : i32
      %add3A_350 = arith.addi %mul3A_242, %add3A_349 : i32
      %get3A_351 = arith.index_cast %add3A_350 : i32 to index
      %get3A_352 = arith.constant 0 : index
      %get3A_353 = tpu.vector_load %arg9[%get3A_351, %get3A_352] {strides = array<i32>} : memref<640x16xf32, #tpu.memory_space<vmem>>, vector<1x16xf32>,
      %get3A_354 = vector.shape_cast %get3A_353 : vector<1x16xf32> to vector<16xf32>
      %slice3A_355 = vector.extract_strided_slice %mul3A_283 {offsets = [4], sizes = [1], strides = [1]} : vector<16xf32> to vector<1xf32>
      %squeeze3A_356 = vector.extract %slice3A_355[0] : f32 from vector<1xf32>
      %mul3A_357 = vector.broadcast %squeeze3A_356 : f32 to vector<16xf32>
      %mul3A_358 = arith.mulf %get3A_354, %mul3A_357 : vector<16xf32>
      %add3A_359 = arith.constant 4 : i32
      %add3A_360 = arith.addi %mul3A_242, %add3A_359 : i32
      %swap3A_361 = arith.index_cast %add3A_360 : i32 to index
      %swap3A_362 = arith.constant 0 : index
      %swap3A_363 = tpu.vector_load %arg9[%swap3A_361, %swap3A_362] {strides = array<i32>} : memref<640x16xf32, #tpu.memory_space<vmem>>, vector<1x16xf32>,
      %swap3A_364 = vector.shape_cast %swap3A_363 : vector<1x16xf32> to vector<16xf32>
      %swap3A_365 = vector.shape_cast %mul3A_358 : vector<16xf32> to vector<1x16xf32>
      tpu.vector_store %arg9[%swap3A_361, %swap3A_362], %swap3A_365 {strides = array<i32>} : memref<640x16xf32, #tpu.memory_space<vmem>>, vector<1x16xf32>,
      %add3A_366 = arith.constant 5 : i32
      %add3A_367 = arith.addi %mul3A_242, %add3A_366 : i32
      %get3A_368 = arith.index_cast %add3A_367 : i32 to index
      %get3A_369 = arith.constant 0 : index
      %get3A_370 = tpu.vector_load %arg9[%get3A_368, %get3A_369] {strides = array<i32>} : memref<640x16xf32, #tpu.memory_space<vmem>>, vector<1x16xf32>,
      %get3A_371 = vector.shape_cast %get3A_370 : vector<1x16xf32> to vector<16xf32>
      %slice3A_372 = vector.extract_strided_slice %mul3A_283 {offsets = [5], sizes = [1], strides = [1]} : vector<16xf32> to vector<1xf32>
      %squeeze3A_373 = vector.extract %slice3A_372[0] : f32 from vector<1xf32>
      %mul3A_374 = vector.broadcast %squeeze3A_373 : f32 to vector<16xf32>
      %mul3A_375 = arith.mulf %get3A_371, %mul3A_374 : vector<16xf32>
      %add3A_376 = arith.constant 5 : i32
      %add3A_377 = arith.addi %mul3A_242, %add3A_376 : i32
      %swap3A_378 = arith.index_cast %add3A_377 : i32 to index
      %swap3A_379 = arith.constant 0 : index
      %swap3A_380 = tpu.vector_load %arg9[%swap3A_378, %swap3A_379] {strides = array<i32>} : memref<640x16xf32, #tpu.memory_space<vmem>>, vector<1x16xf32>,
      %swap3A_381 = vector.shape_cast %swap3A_380 : vector<1x16xf32> to vector<16xf32>
      %swap3A_382 = vector.shape_cast %mul3A_375 : vector<16xf32> to vector<1x16xf32>
      tpu.vector_store %arg9[%swap3A_378, %swap3A_379], %swap3A_382 {strides = array<i32>} : memref<640x16xf32, #tpu.memory_space<vmem>>, vector<1x16xf32>,
      %add3A_383 = arith.constant 6 : i32
      %add3A_384 = arith.addi %mul3A_242, %add3A_383 : i32
      %get3A_385 = arith.index_cast %add3A_384 : i32 to index
      %get3A_386 = arith.constant 0 : index
      %get3A_387 = tpu.vector_load %arg9[%get3A_385, %get3A_386] {strides = array<i32>} : memref<640x16xf32, #tpu.memory_space<vmem>>, vector<1x16xf32>,
      %get3A_388 = vector.shape_cast %get3A_387 : vector<1x16xf32> to vector<16xf32>
      %slice3A_389 = vector.extract_strided_slice %mul3A_283 {offsets = [6], sizes = [1], strides = [1]} : vector<16xf32> to vector<1xf32>
      %squeeze3A_390 = vector.extract %slice3A_389[0] : f32 from vector<1xf32>
      %mul3A_391 = vector.broadcast %squeeze3A_390 : f32 to vector<16xf32>
      %mul3A_392 = arith.mulf %get3A_388, %mul3A_391 : vector<16xf32>
      %add3A_393 = arith.constant 6 : i32
      %add3A_394 = arith.addi %mul3A_242, %add3A_393 : i32
      %swap3A_395 = arith.index_cast %add3A_394 : i32 to index
      %swap3A_396 = arith.constant 0 : index
      %swap3A_397 = tpu.vector_load %arg9[%swap3A_395, %swap3A_396] {strides = array<i32>} : memref<640x16xf32, #tpu.memory_space<vmem>>, vector<1x16xf32>,
      %swap3A_398 = vector.shape_cast %swap3A_397 : vector<1x16xf32> to vector<16xf32>
      %swap3A_399 = vector.shape_cast %mul3A_392 : vector<16xf32> to vector<1x16xf32>
      tpu.vector_store %arg9[%swap3A_395, %swap3A_396], %swap3A_399 {strides = array<i32>} : memref<640x16xf32, #tpu.memory_space<vmem>>, vector<1x16xf32>,
      %add3A_400 = arith.constant 7 : i32
      %add3A_401 = arith.addi %mul3A_242, %add3A_400 : i32
      %get3A_402 = arith.index_cast %add3A_401 : i32 to index
      %get3A_403 = arith.constant 0 : index
      %get3A_404 = tpu.vector_load %arg9[%get3A_402, %get3A_403] {strides = array<i32>} : memref<640x16xf32, #tpu.memory_space<vmem>>, vector<1x16xf32>,
      %get3A_405 = vector.shape_cast %get3A_404 : vector<1x16xf32> to vector<16xf32>
      %slice3A_406 = vector.extract_strided_slice %mul3A_283 {offsets = [7], sizes = [1], strides = [1]} : vector<16xf32> to vector<1xf32>
      %squeeze3A_407 = vector.extract %slice3A_406[0] : f32 from vector<1xf32>
      %mul3A_408 = vector.broadcast %squeeze3A_407 : f32 to vector<16xf32>
      %mul3A_409 = arith.mulf %get3A_405, %mul3A_408 : vector<16xf32>
      %add3A_410 = arith.constant 7 : i32
      %add3A_411 = arith.addi %mul3A_242, %add3A_410 : i32
      %swap3A_412 = arith.index_cast %add3A_411 : i32 to index
      %swap3A_413 = arith.constant 0 : index
      %swap3A_414 = tpu.vector_load %arg9[%swap3A_412, %swap3A_413] {strides = array<i32>} : memref<640x16xf32, #tpu.memory_space<vmem>>, vector<1x16xf32>,
      %swap3A_415 = vector.shape_cast %swap3A_414 : vector<1x16xf32> to vector<16xf32>
      %swap3A_416 = vector.shape_cast %mul3A_409 : vector<16xf32> to vector<1x16xf32>
      tpu.vector_store %arg9[%swap3A_412, %swap3A_413], %swap3A_416 {strides = array<i32>} : memref<640x16xf32, #tpu.memory_space<vmem>>, vector<1x16xf32>,
      %add3A_417 = arith.constant 8 : i32
      %add3A_418 = arith.addi %mul3A_242, %add3A_417 : i32
      %get3A_419 = arith.index_cast %add3A_418 : i32 to index
      %get3A_420 = arith.constant 0 : index
      %get3A_421 = tpu.vector_load %arg9[%get3A_419, %get3A_420] {strides = array<i32>} : memref<640x16xf32, #tpu.memory_space<vmem>>, vector<1x16xf32>,
      %get3A_422 = vector.shape_cast %get3A_421 : vector<1x16xf32> to vector<16xf32>
      %slice3A_423 = vector.extract_strided_slice %mul3A_283 {offsets = [8], sizes = [1], strides = [1]} : vector<16xf32> to vector<1xf32>
      %squeeze3A_424 = vector.extract %slice3A_423[0] : f32 from vector<1xf32>
      %mul3A_425 = vector.broadcast %squeeze3A_424 : f32 to vector<16xf32>
      %mul3A_426 = arith.mulf %get3A_422, %mul3A_425 : vector<16xf32>
      %add3A_427 = arith.constant 8 : i32
      %add3A_428 = arith.addi %mul3A_242, %add3A_427 : i32
      %swap3A_429 = arith.index_cast %add3A_428 : i32 to index
      %swap3A_430 = arith.constant 0 : index
      %swap3A_431 = tpu.vector_load %arg9[%swap3A_429, %swap3A_430] {strides = array<i32>} : memref<640x16xf32, #tpu.memory_space<vmem>>, vector<1x16xf32>,
      %swap3A_432 = vector.shape_cast %swap3A_431 : vector<1x16xf32> to vector<16xf32>
      %swap3A_433 = vector.shape_cast %mul3A_426 : vector<16xf32> to vector<1x16xf32>
      tpu.vector_store %arg9[%swap3A_429, %swap3A_430], %swap3A_433 {strides = array<i32>} : memref<640x16xf32, #tpu.memory_space<vmem>>, vector<1x16xf32>,
      %add3A_434 = arith.constant 9 : i32
      %add3A_435 = arith.addi %mul3A_242, %add3A_434 : i32
      %get3A_436 = arith.index_cast %add3A_435 : i32 to index
      %get3A_437 = arith.constant 0 : index
      %get3A_438 = tpu.vector_load %arg9[%get3A_436, %get3A_437] {strides = array<i32>} : memref<640x16xf32, #tpu.memory_space<vmem>>, vector<1x16xf32>,
      %get3A_439 = vector.shape_cast %get3A_438 : vector<1x16xf32> to vector<16xf32>
      %slice3A_440 = vector.extract_strided_slice %mul3A_283 {offsets = [9], sizes = [1], strides = [1]} : vector<16xf32> to vector<1xf32>
      %squeeze3A_441 = vector.extract %slice3A_440[0] : f32 from vector<1xf32>
      %mul3A_442 = vector.broadcast %squeeze3A_441 : f32 to vector<16xf32>
      %mul3A_443 = arith.mulf %get3A_439, %mul3A_442 : vector<16xf32>
      %add3A_444 = arith.constant 9 : i32
      %add3A_445 = arith.addi %mul3A_242, %add3A_444 : i32
      %swap3A_446 = arith.index_cast %add3A_445 : i32 to index
      %swap3A_447 = arith.constant 0 : index
      %swap3A_448 = tpu.vector_load %arg9[%swap3A_446, %swap3A_447] {strides = array<i32>} : memref<640x16xf32, #tpu.memory_space<vmem>>, vector<1x16xf32>,
      %swap3A_449 = vector.shape_cast %swap3A_448 : vector<1x16xf32> to vector<16xf32>
      %swap3A_450 = vector.shape_cast %mul3A_443 : vector<16xf32> to vector<1x16xf32>
      tpu.vector_store %arg9[%swap3A_446, %swap3A_447], %swap3A_450 {strides = array<i32>} : memref<640x16xf32, #tpu.memory_space<vmem>>, vector<1x16xf32>,
      %add3A_451 = arith.constant 10 : i32
      %add3A_452 = arith.addi %mul3A_242, %add3A_451 : i32
      %get3A_453 = arith.index_cast %add3A_452 : i32 to index
      %get3A_454 = arith.constant 0 : index
      %get3A_455 = tpu.vector_load %arg9[%get3A_453, %get3A_454] {strides = array<i32>} : memref<640x16xf32, #tpu.memory_space<vmem>>, vector<1x16xf32>,
      %get3A_456 = vector.shape_cast %get3A_455 : vector<1x16xf32> to vector<16xf32>
      %slice3A_457 = vector.extract_strided_slice %mul3A_283 {offsets = [10], sizes = [1], strides = [1]} : vector<16xf32> to vector<1xf32>
      %squeeze3A_458 = vector.extract %slice3A_457[0] : f32 from vector<1xf32>
      %mul3A_459 = vector.broadcast %squeeze3A_458 : f32 to vector<16xf32>
      %mul3A_460 = arith.mulf %get3A_456, %mul3A_459 : vector<16xf32>
      %add3A_461 = arith.constant 10 : i32
      %add3A_462 = arith.addi %mul3A_242, %add3A_461 : i32
      %swap3A_463 = arith.index_cast %add3A_462 : i32 to index
      %swap3A_464 = arith.constant 0 : index
      %swap3A_465 = tpu.vector_load %arg9[%swap3A_463, %swap3A_464] {strides = array<i32>} : memref<640x16xf32, #tpu.memory_space<vmem>>, vector<1x16xf32>,
      %swap3A_466 = vector.shape_cast %swap3A_465 : vector<1x16xf32> to vector<16xf32>
      %swap3A_467 = vector.shape_cast %mul3A_460 : vector<16xf32> to vector<1x16xf32>
      tpu.vector_store %arg9[%swap3A_463, %swap3A_464], %swap3A_467 {strides = array<i32>} : memref<640x16xf32, #tpu.memory_space<vmem>>, vector<1x16xf32>,
      %add3A_468 = arith.constant 11 : i32
      %add3A_469 = arith.addi %mul3A_242, %add3A_468 : i32
      %get3A_470 = arith.index_cast %add3A_469 : i32 to index
      %get3A_471 = arith.constant 0 : index
      %get3A_472 = tpu.vector_load %arg9[%get3A_470, %get3A_471] {strides = array<i32>} : memref<640x16xf32, #tpu.memory_space<vmem>>, vector<1x16xf32>,
      %get3A_473 = vector.shape_cast %get3A_472 : vector<1x16xf32> to vector<16xf32>
      %slice3A_474 = vector.extract_strided_slice %mul3A_283 {offsets = [11], sizes = [1], strides = [1]} : vector<16xf32> to vector<1xf32>
      %squeeze3A_475 = vector.extract %slice3A_474[0] : f32 from vector<1xf32>
      %mul3A_476 = vector.broadcast %squeeze3A_475 : f32 to vector<16xf32>
      %mul3A_477 = arith.mulf %get3A_473, %mul3A_476 : vector<16xf32>
      %add3A_478 = arith.constant 11 : i32
      %add3A_479 = arith.addi %mul3A_242, %add3A_478 : i32
      %swap3A_480 = arith.index_cast %add3A_479 : i32 to index
      %swap3A_481 = arith.constant 0 : index
      %swap3A_482 = tpu.vector_load %arg9[%swap3A_480, %swap3A_481] {strides = array<i32>} : memref<640x16xf32, #tpu.memory_space<vmem>>, vector<1x16xf32>,
      %swap3A_483 = vector.shape_cast %swap3A_482 : vector<1x16xf32> to vector<16xf32>
      %swap3A_484 = vector.shape_cast %mul3A_477 : vector<16xf32> to vector<1x16xf32>
      tpu.vector_store %arg9[%swap3A_480, %swap3A_481], %swap3A_484 {strides = array<i32>} : memref<640x16xf32, #tpu.memory_space<vmem>>, vector<1x16xf32>,
      %add3A_485 = arith.constant 12 : i32
      %add3A_486 = arith.addi %mul3A_242, %add3A_485 : i32
      %get3A_487 = arith.index_cast %add3A_486 : i32 to index
      %get3A_488 = arith.constant 0 : index
      %get3A_489 = tpu.vector_load %arg9[%get3A_487, %get3A_488] {strides = array<i32>} : memref<640x16xf32, #tpu.memory_space<vmem>>, vector<1x16xf32>,
      %get3A_490 = vector.shape_cast %get3A_489 : vector<1x16xf32> to vector<16xf32>
      %slice3A_491 = vector.extract_strided_slice %mul3A_283 {offsets = [12], sizes = [1], strides = [1]} : vector<16xf32> to vector<1xf32>
      %squeeze3A_492 = vector.extract %slice3A_491[0] : f32 from vector<1xf32>
      %mul3A_493 = vector.broadcast %squeeze3A_492 : f32 to vector<16xf32>
      %mul3A_494 = arith.mulf %get3A_490, %mul3A_493 : vector<16xf32>
      %add3A_495 = arith.constant 12 : i32
      %add3A_496 = arith.addi %mul3A_242, %add3A_495 : i32
      %swap3A_497 = arith.index_cast %add3A_496 : i32 to index
      %swap3A_498 = arith.constant 0 : index
      %swap3A_499 = tpu.vector_load %arg9[%swap3A_497, %swap3A_498] {strides = array<i32>} : memref<640x16xf32, #tpu.memory_space<vmem>>, vector<1x16xf32>,
      %swap3A_500 = vector.shape_cast %swap3A_499 : vector<1x16xf32> to vector<16xf32>
      %swap3A_501 = vector.shape_cast %mul3A_494 : vector<16xf32> to vector<1x16xf32>
      tpu.vector_store %arg9[%swap3A_497, %swap3A_498], %swap3A_501 {strides = array<i32>} : memref<640x16xf32, #tpu.memory_space<vmem>>, vector<1x16xf32>,
      %add3A_502 = arith.constant 13 : i32
      %add3A_503 = arith.addi %mul3A_242, %add3A_502 : i32
      %get3A_504 = arith.index_cast %add3A_503 : i32 to index
      %get3A_505 = arith.constant 0 : index
      %get3A_506 = tpu.vector_load %arg9[%get3A_504, %get3A_505] {strides = array<i32>} : memref<640x16xf32, #tpu.memory_space<vmem>>, vector<1x16xf32>,
      %get3A_507 = vector.shape_cast %get3A_506 : vector<1x16xf32> to vector<16xf32>
      %slice3A_508 = vector.extract_strided_slice %mul3A_283 {offsets = [13], sizes = [1], strides = [1]} : vector<16xf32> to vector<1xf32>
      %squeeze3A_509 = vector.extract %slice3A_508[0] : f32 from vector<1xf32>
      %mul3A_510 = vector.broadcast %squeeze3A_509 : f32 to vector<16xf32>
      %mul3A_511 = arith.mulf %get3A_507, %mul3A_510 : vector<16xf32>
      %add3A_512 = arith.constant 13 : i32
      %add3A_513 = arith.addi %mul3A_242, %add3A_512 : i32
      %swap3A_514 = arith.index_cast %add3A_513 : i32 to index
      %swap3A_515 = arith.constant 0 : index
      %swap3A_516 = tpu.vector_load %arg9[%swap3A_514, %swap3A_515] {strides = array<i32>} : memref<640x16xf32, #tpu.memory_space<vmem>>, vector<1x16xf32>,
      %swap3A_517 = vector.shape_cast %swap3A_516 : vector<1x16xf32> to vector<16xf32>
      %swap3A_518 = vector.shape_cast %mul3A_511 : vector<16xf32> to vector<1x16xf32>
      tpu.vector_store %arg9[%swap3A_514, %swap3A_515], %swap3A_518 {strides = array<i32>} : memref<640x16xf32, #tpu.memory_space<vmem>>, vector<1x16xf32>,
      %add3A_519 = arith.constant 14 : i32
      %add3A_520 = arith.addi %mul3A_242, %add3A_519 : i32
      %get3A_521 = arith.index_cast %add3A_520 : i32 to index
      %get3A_522 = arith.constant 0 : index
      %get3A_523 = tpu.vector_load %arg9[%get3A_521, %get3A_522] {strides = array<i32>} : memref<640x16xf32, #tpu.memory_space<vmem>>, vector<1x16xf32>,
      %get3A_524 = vector.shape_cast %get3A_523 : vector<1x16xf32> to vector<16xf32>
      %slice3A_525 = vector.extract_strided_slice %mul3A_283 {offsets = [14], sizes = [1], strides = [1]} : vector<16xf32> to vector<1xf32>
      %squeeze3A_526 = vector.extract %slice3A_525[0] : f32 from vector<1xf32>
      %mul3A_527 = vector.broadcast %squeeze3A_526 : f32 to vector<16xf32>
      %mul3A_528 = arith.mulf %get3A_524, %mul3A_527 : vector<16xf32>
      %add3A_529 = arith.constant 14 : i32
      %add3A_530 = arith.addi %mul3A_242, %add3A_529 : i32
      %swap3A_531 = arith.index_cast %add3A_530 : i32 to index
      %swap3A_532 = arith.constant 0 : index
      %swap3A_533 = tpu.vector_load %arg9[%swap3A_531, %swap3A_532] {strides = array<i32>} : memref<640x16xf32, #tpu.memory_space<vmem>>, vector<1x16xf32>,
      %swap3A_534 = vector.shape_cast %swap3A_533 : vector<1x16xf32> to vector<16xf32>
      %swap3A_535 = vector.shape_cast %mul3A_528 : vector<16xf32> to vector<1x16xf32>
      tpu.vector_store %arg9[%swap3A_531, %swap3A_532], %swap3A_535 {strides = array<i32>} : memref<640x16xf32, #tpu.memory_space<vmem>>, vector<1x16xf32>,
      %add3A_536 = arith.constant 15 : i32
      %add3A_537 = arith.addi %mul3A_242, %add3A_536 : i32
      %get3A_538 = arith.index_cast %add3A_537 : i32 to index
      %get3A_539 = arith.constant 0 : index
      %get3A_540 = tpu.vector_load %arg9[%get3A_538, %get3A_539] {strides = array<i32>} : memref<640x16xf32, #tpu.memory_space<vmem>>, vector<1x16xf32>,
      %get3A_541 = vector.shape_cast %get3A_540 : vector<1x16xf32> to vector<16xf32>
      %slice3A_542 = vector.extract_strided_slice %mul3A_283 {offsets = [15], sizes = [1], strides = [1]} : vector<16xf32> to vector<1xf32>
      %squeeze3A_543 = vector.extract %slice3A_542[0] : f32 from vector<1xf32>
      %mul3A_544 = vector.broadcast %squeeze3A_543 : f32 to vector<16xf32>
      %mul3A_545 = arith.mulf %get3A_541, %mul3A_544 : vector<16xf32>
      %add3A_546 = arith.constant 15 : i32
      %add3A_547 = arith.addi %mul3A_242, %add3A_546 : i32
      %swap3A_548 = arith.index_cast %add3A_547 : i32 to index
      %swap3A_549 = arith.constant 0 : index
      %swap3A_550 = tpu.vector_load %arg9[%swap3A_548, %swap3A_549] {strides = array<i32>} : memref<640x16xf32, #tpu.memory_space<vmem>>, vector<1x16xf32>,
      %swap3A_551 = vector.shape_cast %swap3A_550 : vector<1x16xf32> to vector<16xf32>
      %swap3A_552 = vector.shape_cast %mul3A_545 : vector<16xf32> to vector<1x16xf32>
      tpu.vector_store %arg9[%swap3A_548, %swap3A_549], %swap3A_552 {strides = array<i32>} : memref<640x16xf32, #tpu.memory_space<vmem>>, vector<1x16xf32>,
    }
    %scan3A_10 = arith.constant 40 : i32
    "tpu.region"() ({
      %run_scoped3A_240 = tpu.sem_alloc : memref<!tpu.dma_semaphore, #tpu.memory_space<semaphore_mem>>
      %dma_start3A_241 = arith.constant 0 : i32
      %dma_start3A_242 = tpu.memref_slice %arg7[%arg0, %mul3A_0, %dma_start3A_241] : memref<2x10000x16xf32, #tpu.memory_space<hbm>> -> memref<1x640x16xf32, #tpu.memory_space<hbm>>
      %dma_start3A_243 = tpu.memref_squeeze %dma_start3A_242 : memref<1x640x16xf32, #tpu.memory_space<hbm>> -> memref<640x16xf32, #tpu.memory_space<hbm>>
      %dma_start3A_244 = arith.constant 0 : i32
      %dma_start3A_245 = tpu.memref_slice %arg7[%arg0, %mul3A_0, %dma_start3A_244] : memref<2x10000x16xf32, #tpu.memory_space<hbm>> -> memref<1x640x16xf32, #tpu.memory_space<hbm>>
      %dma_start3A_246 = tpu.memref_squeeze %dma_start3A_245 : memref<1x640x16xf32, #tpu.memory_space<hbm>> -> memref<640x16xf32, #tpu.memory_space<hbm>>
      tpu.enqueue_dma source(%arg9 : memref<640x16xf32, #tpu.memory_space<vmem>>) target(%dma_start3A_246 : memref<640x16xf32, #tpu.memory_space<hbm>>) target_semaphore(%run_scoped3A_240 : memref<!tpu.dma_semaphore, #tpu.memory_space<semaphore_mem>>)
      %dma_wait3A_247 = arith.constant 0 : i32
      %dma_wait3A_248 = tpu.memref_slice %arg7[%arg0, %mul3A_0, %dma_wait3A_247] : memref<2x10000x16xf32, #tpu.memory_space<hbm>> -> memref<1x640x16xf32, #tpu.memory_space<hbm>>
      %dma_wait3A_249 = tpu.memref_squeeze %dma_wait3A_248 : memref<1x640x16xf32, #tpu.memory_space<hbm>> -> memref<640x16xf32, #tpu.memory_space<hbm>>
      %dma_wait3A_250 = arith.constant 0 : i32
      %dma_wait3A_251 = tpu.memref_slice %arg7[%arg0, %mul3A_0, %dma_wait3A_250] : memref<2x10000x16xf32, #tpu.memory_space<hbm>> -> memref<1x640x16xf32, #tpu.memory_space<hbm>>
      %dma_wait3A_252 = tpu.memref_squeeze %dma_wait3A_251 : memref<1x640x16xf32, #tpu.memory_space<hbm>> -> memref<640x16xf32, #tpu.memory_space<hbm>>
      tpu.wait_dma2 semaphore(%run_scoped3A_240 : memref<!tpu.dma_semaphore, #tpu.memory_space<semaphore_mem>>) src(%arg9 : memref<640x16xf32, #tpu.memory_space<vmem>>) dst(%dma_wait3A_252 : memref<640x16xf32, #tpu.memory_space<hbm>>)
      tpu.yield
    }) : () -> ()
    %barrier3A = arith.constant 0 : index
    tpu.barrier barrier_id(%barrier3A)
    %dma_start3A = arith.constant 0 : i32
    %dma_start3A_11 = arith.constant 0 : i32
    %dma_start3A_12 = arith.constant 0 : i32
    %dma_start3A_13 = arith.constant 0 : i32
    %dma_start3A_14 = tpu.memref_slice %arg14[%dma_start3A_11, %dma_start3A_12, %dma_start3A_13] : memref<8x125x16xf32, #tpu.memory_space<vmem>> -> memref<1x125x16xf32, #tpu.memory_space<vmem>>
    %dma_start3A_15 = tpu.memref_squeeze %dma_start3A_14 : memref<1x125x16xf32, #tpu.memory_space<vmem>> -> memref<125x16xf32, #tpu.memory_space<vmem>>
    %dma_start3A_16 = arith.constant 0 : i32
    %dma_start3A_17 = tpu.memref_slice %arg12[%dma_start3A, %dma_start3A_16] : memref<80x125xi32, #tpu.memory_space<vmem>> -> memref<1x125xi32, #tpu.memory_space<vmem>>
    %dma_start3A_18 = tpu.memref_squeeze %dma_start3A_17 : memref<1x125xi32, #tpu.memory_space<vmem>> -> memref<125xi32, #tpu.memory_space<vmem>>
    %dma_start3A_19 = arith.constant 0 : i32
    %dma_start3A_20 = arith.constant 0 : i32
    %dma_start3A_21 = tpu.memref_slice %arg7[%arg0, %dma_start3A_19, %dma_start3A_20] : memref<2x10000x16xf32, #tpu.memory_space<hbm>> -> memref<1x10000x16xf32, #tpu.memory_space<hbm>>
    %dma_start3A_22 = tpu.memref_squeeze %dma_start3A_21 : memref<1x10000x16xf32, #tpu.memory_space<hbm>> -> memref<10000x16xf32, #tpu.memory_space<hbm>>
    %dma_start3A_23 = arith.constant 0 : i32
    %dma_start3A_24 = arith.constant 0 : i32
    %dma_start3A_25 = tpu.memref_slice %dma_start3A_22[%dma_start3A_23, %dma_start3A_24] : memref<10000x16xf32, #tpu.memory_space<hbm>> -> memref<10000x16xf32, #tpu.memory_space<hbm>>
    tpu.enqueue_indirect_dma source(%dma_start3A_25 : memref<10000x16xf32, #tpu.memory_space<hbm>>) target(%dma_start3A_15 : memref<125x16xf32, #tpu.memory_space<vmem>>) offsets(%dma_start3A_18 : memref<125xi32, #tpu.memory_space<vmem>>) semaphore(%arg16 : memref<!tpu.dma_semaphore, #tpu.memory_space<semaphore_mem>>)
    %dma_start3A_26 = arith.constant 1 : i32
    %dma_start3A_27 = arith.constant 1 : i32
    %dma_start3A_28 = arith.constant 0 : i32
    %dma_start3A_29 = arith.constant 0 : i32
    %dma_start3A_30 = tpu.memref_slice %arg14[%dma_start3A_27, %dma_start3A_28, %dma_start3A_29] : memref<8x125x16xf32, #tpu.memory_space<vmem>> -> memref<1x125x16xf32, #tpu.memory_space<vmem>>
    %dma_start3A_31 = tpu.memref_squeeze %dma_start3A_30 : memref<1x125x16xf32, #tpu.memory_space<vmem>> -> memref<125x16xf32, #tpu.memory_space<vmem>>
    %dma_start3A_32 = arith.constant 0 : i32
    %dma_start3A_33 = tpu.memref_slice %arg12[%dma_start3A_26, %dma_start3A_32] : memref<80x125xi32, #tpu.memory_space<vmem>> -> memref<1x125xi32, #tpu.memory_space<vmem>>
    %dma_start3A_34 = tpu.memref_squeeze %dma_start3A_33 : memref<1x125xi32, #tpu.memory_space<vmem>> -> memref<125xi32, #tpu.memory_space<vmem>>
    %dma_start3A_35 = arith.constant 0 : i32
    %dma_start3A_36 = arith.constant 0 : i32
    %dma_start3A_37 = tpu.memref_slice %arg7[%arg0, %dma_start3A_35, %dma_start3A_36] : memref<2x10000x16xf32, #tpu.memory_space<hbm>> -> memref<1x10000x16xf32, #tpu.memory_space<hbm>>
    %dma_start3A_38 = tpu.memref_squeeze %dma_start3A_37 : memref<1x10000x16xf32, #tpu.memory_space<hbm>> -> memref<10000x16xf32, #tpu.memory_space<hbm>>
    %dma_start3A_39 = arith.constant 0 : i32
    %dma_start3A_40 = arith.constant 0 : i32
    %dma_start3A_41 = tpu.memref_slice %dma_start3A_38[%dma_start3A_39, %dma_start3A_40] : memref<10000x16xf32, #tpu.memory_space<hbm>> -> memref<10000x16xf32, #tpu.memory_space<hbm>>
    tpu.enqueue_indirect_dma source(%dma_start3A_41 : memref<10000x16xf32, #tpu.memory_space<hbm>>) target(%dma_start3A_31 : memref<125x16xf32, #tpu.memory_space<vmem>>) offsets(%dma_start3A_34 : memref<125xi32, #tpu.memory_space<vmem>>) semaphore(%arg17 : memref<!tpu.dma_semaphore, #tpu.memory_space<semaphore_mem>>)
    %dma_start3A_42 = arith.constant 2 : i32
    %dma_start3A_43 = arith.constant 2 : i32
    %dma_start3A_44 = arith.constant 0 : i32
    %dma_start3A_45 = arith.constant 0 : i32
    %dma_start3A_46 = tpu.memref_slice %arg14[%dma_start3A_43, %dma_start3A_44, %dma_start3A_45] : memref<8x125x16xf32, #tpu.memory_space<vmem>> -> memref<1x125x16xf32, #tpu.memory_space<vmem>>
    %dma_start3A_47 = tpu.memref_squeeze %dma_start3A_46 : memref<1x125x16xf32, #tpu.memory_space<vmem>> -> memref<125x16xf32, #tpu.memory_space<vmem>>
    %dma_start3A_48 = arith.constant 0 : i32
    %dma_start3A_49 = tpu.memref_slice %arg12[%dma_start3A_42, %dma_start3A_48] : memref<80x125xi32, #tpu.memory_space<vmem>> -> memref<1x125xi32, #tpu.memory_space<vmem>>
    %dma_start3A_50 = tpu.memref_squeeze %dma_start3A_49 : memref<1x125xi32, #tpu.memory_space<vmem>> -> memref<125xi32, #tpu.memory_space<vmem>>
    %dma_start3A_51 = arith.constant 0 : i32
    %dma_start3A_52 = arith.constant 0 : i32
    %dma_start3A_53 = tpu.memref_slice %arg7[%arg0, %dma_start3A_51, %dma_start3A_52] : memref<2x10000x16xf32, #tpu.memory_space<hbm>> -> memref<1x10000x16xf32, #tpu.memory_space<hbm>>
    %dma_start3A_54 = tpu.memref_squeeze %dma_start3A_53 : memref<1x10000x16xf32, #tpu.memory_space<hbm>> -> memref<10000x16xf32, #tpu.memory_space<hbm>>
    %dma_start3A_55 = arith.constant 0 : i32
    %dma_start3A_56 = arith.constant 0 : i32
    %dma_start3A_57 = tpu.memref_slice %dma_start3A_54[%dma_start3A_55, %dma_start3A_56] : memref<10000x16xf32, #tpu.memory_space<hbm>> -> memref<10000x16xf32, #tpu.memory_space<hbm>>
    tpu.enqueue_indirect_dma source(%dma_start3A_57 : memref<10000x16xf32, #tpu.memory_space<hbm>>) target(%dma_start3A_47 : memref<125x16xf32, #tpu.memory_space<vmem>>) offsets(%dma_start3A_50 : memref<125xi32, #tpu.memory_space<vmem>>) semaphore(%arg18 : memref<!tpu.dma_semaphore, #tpu.memory_space<semaphore_mem>>)
    %dma_start3A_58 = arith.constant 3 : i32
    %dma_start3A_59 = arith.constant 3 : i32
    %dma_start3A_60 = arith.constant 0 : i32
    %dma_start3A_61 = arith.constant 0 : i32
    %dma_start3A_62 = tpu.memref_slice %arg14[%dma_start3A_59, %dma_start3A_60, %dma_start3A_61] : memref<8x125x16xf32, #tpu.memory_space<vmem>> -> memref<1x125x16xf32, #tpu.memory_space<vmem>>
    %dma_start3A_63 = tpu.memref_squeeze %dma_start3A_62 : memref<1x125x16xf32, #tpu.memory_space<vmem>> -> memref<125x16xf32, #tpu.memory_space<vmem>>
    %dma_start3A_64 = arith.constant 0 : i32
    %dma_start3A_65 = tpu.memref_slice %arg12[%dma_start3A_58, %dma_start3A_64] : memref<80x125xi32, #tpu.memory_space<vmem>> -> memref<1x125xi32, #tpu.memory_space<vmem>>
    %dma_start3A_66 = tpu.memref_squeeze %dma_start3A_65 : memref<1x125xi32, #tpu.memory_space<vmem>> -> memref<125xi32, #tpu.memory_space<vmem>>
    %dma_start3A_67 = arith.constant 0 : i32
    %dma_start3A_68 = arith.constant 0 : i32
    %dma_start3A_69 = tpu.memref_slice %arg7[%arg0, %dma_start3A_67, %dma_start3A_68] : memref<2x10000x16xf32, #tpu.memory_space<hbm>> -> memref<1x10000x16xf32, #tpu.memory_space<hbm>>
    %dma_start3A_70 = tpu.memref_squeeze %dma_start3A_69 : memref<1x10000x16xf32, #tpu.memory_space<hbm>> -> memref<10000x16xf32, #tpu.memory_space<hbm>>
    %dma_start3A_71 = arith.constant 0 : i32
    %dma_start3A_72 = arith.constant 0 : i32
    %dma_start3A_73 = tpu.memref_slice %dma_start3A_70[%dma_start3A_71, %dma_start3A_72] : memref<10000x16xf32, #tpu.memory_space<hbm>> -> memref<10000x16xf32, #tpu.memory_space<hbm>>
    tpu.enqueue_indirect_dma source(%dma_start3A_73 : memref<10000x16xf32, #tpu.memory_space<hbm>>) target(%dma_start3A_63 : memref<125x16xf32, #tpu.memory_space<vmem>>) offsets(%dma_start3A_66 : memref<125xi32, #tpu.memory_space<vmem>>) semaphore(%arg19 : memref<!tpu.dma_semaphore, #tpu.memory_space<semaphore_mem>>)
    %dma_start3A_74 = arith.constant 4 : i32
    %dma_start3A_75 = arith.constant 4 : i32
    %dma_start3A_76 = arith.constant 0 : i32
    %dma_start3A_77 = arith.constant 0 : i32
    %dma_start3A_78 = tpu.memref_slice %arg14[%dma_start3A_75, %dma_start3A_76, %dma_start3A_77] : memref<8x125x16xf32, #tpu.memory_space<vmem>> -> memref<1x125x16xf32, #tpu.memory_space<vmem>>
    %dma_start3A_79 = tpu.memref_squeeze %dma_start3A_78 : memref<1x125x16xf32, #tpu.memory_space<vmem>> -> memref<125x16xf32, #tpu.memory_space<vmem>>
    %dma_start3A_80 = arith.constant 0 : i32
    %dma_start3A_81 = tpu.memref_slice %arg12[%dma_start3A_74, %dma_start3A_80] : memref<80x125xi32, #tpu.memory_space<vmem>> -> memref<1x125xi32, #tpu.memory_space<vmem>>
    %dma_start3A_82 = tpu.memref_squeeze %dma_start3A_81 : memref<1x125xi32, #tpu.memory_space<vmem>> -> memref<125xi32, #tpu.memory_space<vmem>>
    %dma_start3A_83 = arith.constant 0 : i32
    %dma_start3A_84 = arith.constant 0 : i32
    %dma_start3A_85 = tpu.memref_slice %arg7[%arg0, %dma_start3A_83, %dma_start3A_84] : memref<2x10000x16xf32, #tpu.memory_space<hbm>> -> memref<1x10000x16xf32, #tpu.memory_space<hbm>>
    %dma_start3A_86 = tpu.memref_squeeze %dma_start3A_85 : memref<1x10000x16xf32, #tpu.memory_space<hbm>> -> memref<10000x16xf32, #tpu.memory_space<hbm>>
    %dma_start3A_87 = arith.constant 0 : i32
    %dma_start3A_88 = arith.constant 0 : i32
    %dma_start3A_89 = tpu.memref_slice %dma_start3A_86[%dma_start3A_87, %dma_start3A_88] : memref<10000x16xf32, #tpu.memory_space<hbm>> -> memref<10000x16xf32, #tpu.memory_space<hbm>>
    tpu.enqueue_indirect_dma source(%dma_start3A_89 : memref<10000x16xf32, #tpu.memory_space<hbm>>) target(%dma_start3A_79 : memref<125x16xf32, #tpu.memory_space<vmem>>) offsets(%dma_start3A_82 : memref<125xi32, #tpu.memory_space<vmem>>) semaphore(%arg20 : memref<!tpu.dma_semaphore, #tpu.memory_space<semaphore_mem>>)
    %dma_start3A_90 = arith.constant 5 : i32
    %dma_start3A_91 = arith.constant 5 : i32
    %dma_start3A_92 = arith.constant 0 : i32
    %dma_start3A_93 = arith.constant 0 : i32
    %dma_start3A_94 = tpu.memref_slice %arg14[%dma_start3A_91, %dma_start3A_92, %dma_start3A_93] : memref<8x125x16xf32, #tpu.memory_space<vmem>> -> memref<1x125x16xf32, #tpu.memory_space<vmem>>
    %dma_start3A_95 = tpu.memref_squeeze %dma_start3A_94 : memref<1x125x16xf32, #tpu.memory_space<vmem>> -> memref<125x16xf32, #tpu.memory_space<vmem>>
    %dma_start3A_96 = arith.constant 0 : i32
    %dma_start3A_97 = tpu.memref_slice %arg12[%dma_start3A_90, %dma_start3A_96] : memref<80x125xi32, #tpu.memory_space<vmem>> -> memref<1x125xi32, #tpu.memory_space<vmem>>
    %dma_start3A_98 = tpu.memref_squeeze %dma_start3A_97 : memref<1x125xi32, #tpu.memory_space<vmem>> -> memref<125xi32, #tpu.memory_space<vmem>>
    %dma_start3A_99 = arith.constant 0 : i32
    %dma_start3A_100 = arith.constant 0 : i32
    %dma_start3A_101 = tpu.memref_slice %arg7[%arg0, %dma_start3A_99, %dma_start3A_100] : memref<2x10000x16xf32, #tpu.memory_space<hbm>> -> memref<1x10000x16xf32, #tpu.memory_space<hbm>>
    %dma_start3A_102 = tpu.memref_squeeze %dma_start3A_101 : memref<1x10000x16xf32, #tpu.memory_space<hbm>> -> memref<10000x16xf32, #tpu.memory_space<hbm>>
    %dma_start3A_103 = arith.constant 0 : i32
    %dma_start3A_104 = arith.constant 0 : i32
    %dma_start3A_105 = tpu.memref_slice %dma_start3A_102[%dma_start3A_103, %dma_start3A_104] : memref<10000x16xf32, #tpu.memory_space<hbm>> -> memref<10000x16xf32, #tpu.memory_space<hbm>>
    tpu.enqueue_indirect_dma source(%dma_start3A_105 : memref<10000x16xf32, #tpu.memory_space<hbm>>) target(%dma_start3A_95 : memref<125x16xf32, #tpu.memory_space<vmem>>) offsets(%dma_start3A_98 : memref<125xi32, #tpu.memory_space<vmem>>) semaphore(%arg21 : memref<!tpu.dma_semaphore, #tpu.memory_space<semaphore_mem>>)
    %dma_start3A_106 = arith.constant 6 : i32
    %dma_start3A_107 = arith.constant 6 : i32
    %dma_start3A_108 = arith.constant 0 : i32
    %dma_start3A_109 = arith.constant 0 : i32
    %dma_start3A_110 = tpu.memref_slice %arg14[%dma_start3A_107, %dma_start3A_108, %dma_start3A_109] : memref<8x125x16xf32, #tpu.memory_space<vmem>> -> memref<1x125x16xf32, #tpu.memory_space<vmem>>
    %dma_start3A_111 = tpu.memref_squeeze %dma_start3A_110 : memref<1x125x16xf32, #tpu.memory_space<vmem>> -> memref<125x16xf32, #tpu.memory_space<vmem>>
    %dma_start3A_112 = arith.constant 0 : i32
    %dma_start3A_113 = tpu.memref_slice %arg12[%dma_start3A_106, %dma_start3A_112] : memref<80x125xi32, #tpu.memory_space<vmem>> -> memref<1x125xi32, #tpu.memory_space<vmem>>
    %dma_start3A_114 = tpu.memref_squeeze %dma_start3A_113 : memref<1x125xi32, #tpu.memory_space<vmem>> -> memref<125xi32, #tpu.memory_space<vmem>>
    %dma_start3A_115 = arith.constant 0 : i32
    %dma_start3A_116 = arith.constant 0 : i32
    %dma_start3A_117 = tpu.memref_slice %arg7[%arg0, %dma_start3A_115, %dma_start3A_116] : memref<2x10000x16xf32, #tpu.memory_space<hbm>> -> memref<1x10000x16xf32, #tpu.memory_space<hbm>>
    %dma_start3A_118 = tpu.memref_squeeze %dma_start3A_117 : memref<1x10000x16xf32, #tpu.memory_space<hbm>> -> memref<10000x16xf32, #tpu.memory_space<hbm>>
    %dma_start3A_119 = arith.constant 0 : i32
    %dma_start3A_120 = arith.constant 0 : i32
    %dma_start3A_121 = tpu.memref_slice %dma_start3A_118[%dma_start3A_119, %dma_start3A_120] : memref<10000x16xf32, #tpu.memory_space<hbm>> -> memref<10000x16xf32, #tpu.memory_space<hbm>>
    tpu.enqueue_indirect_dma source(%dma_start3A_121 : memref<10000x16xf32, #tpu.memory_space<hbm>>) target(%dma_start3A_111 : memref<125x16xf32, #tpu.memory_space<vmem>>) offsets(%dma_start3A_114 : memref<125xi32, #tpu.memory_space<vmem>>) semaphore(%arg22 : memref<!tpu.dma_semaphore, #tpu.memory_space<semaphore_mem>>)
    %dma_start3A_122 = arith.constant 7 : i32
    %dma_start3A_123 = arith.constant 7 : i32
    %dma_start3A_124 = arith.constant 0 : i32
    %dma_start3A_125 = arith.constant 0 : i32
    %dma_start3A_126 = tpu.memref_slice %arg14[%dma_start3A_123, %dma_start3A_124, %dma_start3A_125] : memref<8x125x16xf32, #tpu.memory_space<vmem>> -> memref<1x125x16xf32, #tpu.memory_space<vmem>>
    %dma_start3A_127 = tpu.memref_squeeze %dma_start3A_126 : memref<1x125x16xf32, #tpu.memory_space<vmem>> -> memref<125x16xf32, #tpu.memory_space<vmem>>
    %dma_start3A_128 = arith.constant 0 : i32
    %dma_start3A_129 = tpu.memref_slice %arg12[%dma_start3A_122, %dma_start3A_128] : memref<80x125xi32, #tpu.memory_space<vmem>> -> memref<1x125xi32, #tpu.memory_space<vmem>>
    %dma_start3A_130 = tpu.memref_squeeze %dma_start3A_129 : memref<1x125xi32, #tpu.memory_space<vmem>> -> memref<125xi32, #tpu.memory_space<vmem>>
    %dma_start3A_131 = arith.constant 0 : i32
    %dma_start3A_132 = arith.constant 0 : i32
    %dma_start3A_133 = tpu.memref_slice %arg7[%arg0, %dma_start3A_131, %dma_start3A_132] : memref<2x10000x16xf32, #tpu.memory_space<hbm>> -> memref<1x10000x16xf32, #tpu.memory_space<hbm>>
    %dma_start3A_134 = tpu.memref_squeeze %dma_start3A_133 : memref<1x10000x16xf32, #tpu.memory_space<hbm>> -> memref<10000x16xf32, #tpu.memory_space<hbm>>
    %dma_start3A_135 = arith.constant 0 : i32
    %dma_start3A_136 = arith.constant 0 : i32
    %dma_start3A_137 = tpu.memref_slice %dma_start3A_134[%dma_start3A_135, %dma_start3A_136] : memref<10000x16xf32, #tpu.memory_space<hbm>> -> memref<10000x16xf32, #tpu.memory_space<hbm>>
    tpu.enqueue_indirect_dma source(%dma_start3A_137 : memref<10000x16xf32, #tpu.memory_space<hbm>>) target(%dma_start3A_127 : memref<125x16xf32, #tpu.memory_space<vmem>>) offsets(%dma_start3A_130 : memref<125xi32, #tpu.memory_space<vmem>>) semaphore(%arg23 : memref<!tpu.dma_semaphore, #tpu.memory_space<semaphore_mem>>)
    %scan3A_138 = arith.constant 0 : i32
    %scan3A_139 = arith.constant 0 : i32
    %scan3A_140 = arith.constant 10 : i32
    %scan3A_141 = arith.addi %scan3A_139, %scan3A_140 : i32
    %scan3A_142 = arith.constant 1 : i32
    scf.for %scan3A_240 = %scan3A_139 to %scan3A_141 step %scan3A_142  : i32 {
      %mul3A_241 = arith.constant 8 : i32
      %mul3A_242 = arith.muli %scan3A_240, %mul3A_241 : i32
      %add3A_243 = arith.constant 0 : i32
      %add3A_244 = arith.addi %mul3A_242, %add3A_243 : i32
      %dma_wait3A_245 = arith.constant 0 : i32
      %dma_wait3A_246 = arith.constant 0 : i32
      %dma_wait3A_247 = arith.constant 0 : i32
      %dma_wait3A_248 = tpu.memref_slice %arg14[%dma_wait3A_245, %dma_wait3A_246, %dma_wait3A_247] : memref<8x125x16xf32, #tpu.memory_space<vmem>> -> memref<1x125x16xf32, #tpu.memory_space<vmem>>
      %dma_wait3A_249 = tpu.memref_squeeze %dma_wait3A_248 : memref<1x125x16xf32, #tpu.memory_space<vmem>> -> memref<125x16xf32, #tpu.memory_space<vmem>>
      %dma_wait3A_250 = arith.constant 0 : i32
      %dma_wait3A_251 = tpu.memref_slice %arg12[%add3A_244, %dma_wait3A_250] : memref<80x125xi32, #tpu.memory_space<vmem>> -> memref<1x125xi32, #tpu.memory_space<vmem>>
      %dma_wait3A_252 = tpu.memref_squeeze %dma_wait3A_251 : memref<1x125xi32, #tpu.memory_space<vmem>> -> memref<125xi32, #tpu.memory_space<vmem>>
      %dma_wait3A_253 = arith.constant 0 : i32
      %dma_wait3A_254 = arith.constant 0 : i32
      %dma_wait3A_255 = tpu.memref_slice %arg7[%arg0, %dma_wait3A_253, %dma_wait3A_254] : memref<2x10000x16xf32, #tpu.memory_space<hbm>> -> memref<1x10000x16xf32, #tpu.memory_space<hbm>>
      %dma_wait3A_256 = tpu.memref_squeeze %dma_wait3A_255 : memref<1x10000x16xf32, #tpu.memory_space<hbm>> -> memref<10000x16xf32, #tpu.memory_space<hbm>>
      %dma_wait3A_257 = arith.constant 0 : i32
      %dma_wait3A_258 = arith.constant 0 : i32
      %dma_wait3A_259 = tpu.memref_slice %dma_wait3A_256[%dma_wait3A_257, %dma_wait3A_258] : memref<10000x16xf32, #tpu.memory_space<hbm>> -> memref<10000x16xf32, #tpu.memory_space<hbm>>
      tpu.wait_indirect_dma semaphore(%arg16 : memref<!tpu.dma_semaphore, #tpu.memory_space<semaphore_mem>>) src(%dma_wait3A_259 : memref<10000x16xf32, #tpu.memory_space<hbm>>) dst(%dma_wait3A_249 : memref<125x16xf32, #tpu.memory_space<vmem>>)
      %dma_start3A_260 = arith.constant 0 : i32
      %dma_start3A_261 = arith.constant 0 : i32
      %dma_start3A_262 = arith.constant 0 : i32
      %dma_start3A_263 = tpu.memref_slice %arg14[%dma_start3A_260, %dma_start3A_261, %dma_start3A_262] : memref<8x125x16xf32, #tpu.memory_space<vmem>> -> memref<1x125x16xf32, #tpu.memory_space<vmem>>
      %dma_start3A_264 = tpu.memref_squeeze %dma_start3A_263 : memref<1x125x16xf32, #tpu.memory_space<vmem>> -> memref<125x16xf32, #tpu.memory_space<vmem>>
      %dma_start3A_265 = arith.constant 0 : i32
      %dma_start3A_266 = tpu.memref_slice %arg13[%add3A_244, %dma_start3A_265] : memref<80x125xi32, #tpu.memory_space<vmem>> -> memref<1x125xi32, #tpu.memory_space<vmem>>
      %dma_start3A_267 = tpu.memref_squeeze %dma_start3A_266 : memref<1x125xi32, #tpu.memory_space<vmem>> -> memref<125xi32, #tpu.memory_space<vmem>>
      %dma_start3A_268 = arith.constant 0 : i32
      %dma_start3A_269 = arith.constant 0 : i32
      %dma_start3A_270 = tpu.memref_slice %arg15[%dma_start3A_268, %dma_start3A_269] : memref<10000x16xf32, #tpu.memory_space<vmem_shared>> -> memref<10000x16xf32, #tpu.memory_space<vmem_shared>>
      tpu.enqueue_indirect_dma source(%dma_start3A_264 : memref<125x16xf32, #tpu.memory_space<vmem>>) target(%dma_start3A_270 : memref<10000x16xf32, #tpu.memory_space<vmem_shared>>) offsets(%dma_start3A_267 : memref<125xi32, #tpu.memory_space<vmem>>) semaphore(%arg24 : memref<!tpu.dma_semaphore, #tpu.memory_space<semaphore_mem>>) {add = true}
      %lt3A = arith.constant 9 : i32
      %lt3A_271 = arith.cmpi slt, %scan3A_240, %lt3A : i32
      %convert_element_type3A = arith.extui %lt3A_271 : i1 to i32
      %cond3A = arith.constant 0 : i32
      %cond3A_272 = arith.cmpi ne, %convert_element_type3A, %cond3A : i32
      scf.if %cond3A_272 {
        %dma_wait3A_518 = arith.constant 0 : i32
        %dma_wait3A_519 = arith.constant 0 : i32
        %dma_wait3A_520 = arith.constant 0 : i32
        %dma_wait3A_521 = tpu.memref_slice %arg14[%dma_wait3A_518, %dma_wait3A_519, %dma_wait3A_520] : memref<8x125x16xf32, #tpu.memory_space<vmem>> -> memref<1x125x16xf32, #tpu.memory_space<vmem>>
        %dma_wait3A_522 = tpu.memref_squeeze %dma_wait3A_521 : memref<1x125x16xf32, #tpu.memory_space<vmem>> -> memref<125x16xf32, #tpu.memory_space<vmem>>
        %dma_wait3A_523 = arith.constant 0 : i32
        %dma_wait3A_524 = tpu.memref_slice %arg13[%add3A_244, %dma_wait3A_523] : memref<80x125xi32, #tpu.memory_space<vmem>> -> memref<1x125xi32, #tpu.memory_space<vmem>>
        %dma_wait3A_525 = tpu.memref_squeeze %dma_wait3A_524 : memref<1x125xi32, #tpu.memory_space<vmem>> -> memref<125xi32, #tpu.memory_space<vmem>>
        %dma_wait3A_526 = arith.constant 0 : i32
        %dma_wait3A_527 = arith.constant 0 : i32
        %dma_wait3A_528 = tpu.memref_slice %arg15[%dma_wait3A_526, %dma_wait3A_527] : memref<10000x16xf32, #tpu.memory_space<vmem_shared>> -> memref<10000x16xf32, #tpu.memory_space<vmem_shared>>
        tpu.wait_indirect_dma semaphore(%arg24 : memref<!tpu.dma_semaphore, #tpu.memory_space<semaphore_mem>>) src(%dma_wait3A_522 : memref<125x16xf32, #tpu.memory_space<vmem>>) dst(%dma_wait3A_528 : memref<10000x16xf32, #tpu.memory_space<vmem_shared>>)
        %add3A_529 = arith.constant 8 : i32
        %add3A_530 = arith.addi %add3A_244, %add3A_529 : i32
        %dma_start3A_531 = arith.constant 0 : i32
        %dma_start3A_532 = arith.constant 0 : i32
        %dma_start3A_533 = arith.constant 0 : i32
        %dma_start3A_534 = tpu.memref_slice %arg14[%dma_start3A_531, %dma_start3A_532, %dma_start3A_533] : memref<8x125x16xf32, #tpu.memory_space<vmem>> -> memref<1x125x16xf32, #tpu.memory_space<vmem>>
        %dma_start3A_535 = tpu.memref_squeeze %dma_start3A_534 : memref<1x125x16xf32, #tpu.memory_space<vmem>> -> memref<125x16xf32, #tpu.memory_space<vmem>>
        %dma_start3A_536 = arith.constant 0 : i32
        %dma_start3A_537 = tpu.memref_slice %arg12[%add3A_530, %dma_start3A_536] : memref<80x125xi32, #tpu.memory_space<vmem>> -> memref<1x125xi32, #tpu.memory_space<vmem>>
        %dma_start3A_538 = tpu.memref_squeeze %dma_start3A_537 : memref<1x125xi32, #tpu.memory_space<vmem>> -> memref<125xi32, #tpu.memory_space<vmem>>
        %dma_start3A_539 = arith.constant 0 : i32
        %dma_start3A_540 = arith.constant 0 : i32
        %dma_start3A_541 = tpu.memref_slice %arg7[%arg0, %dma_start3A_539, %dma_start3A_540] : memref<2x10000x16xf32, #tpu.memory_space<hbm>> -> memref<1x10000x16xf32, #tpu.memory_space<hbm>>
        %dma_start3A_542 = tpu.memref_squeeze %dma_start3A_541 : memref<1x10000x16xf32, #tpu.memory_space<hbm>> -> memref<10000x16xf32, #tpu.memory_space<hbm>>
        %dma_start3A_543 = arith.constant 0 : i32
        %dma_start3A_544 = arith.constant 0 : i32
        %dma_start3A_545 = tpu.memref_slice %dma_start3A_542[%dma_start3A_543, %dma_start3A_544] : memref<10000x16xf32, #tpu.memory_space<hbm>> -> memref<10000x16xf32, #tpu.memory_space<hbm>>
        tpu.enqueue_indirect_dma source(%dma_start3A_545 : memref<10000x16xf32, #tpu.memory_space<hbm>>) target(%dma_start3A_535 : memref<125x16xf32, #tpu.memory_space<vmem>>) offsets(%dma_start3A_538 : memref<125xi32, #tpu.memory_space<vmem>>) semaphore(%arg16 : memref<!tpu.dma_semaphore, #tpu.memory_space<semaphore_mem>>)
      } else {
      }
      %mul3A_273 = arith.constant 8 : i32
      %mul3A_274 = arith.muli %scan3A_240, %mul3A_273 : i32
      %add3A_275 = arith.constant 1 : i32
      %add3A_276 = arith.addi %mul3A_274, %add3A_275 : i32
      %dma_wait3A_277 = arith.constant 1 : i32
      %dma_wait3A_278 = arith.constant 0 : i32
      %dma_wait3A_279 = arith.constant 0 : i32
      %dma_wait3A_280 = tpu.memref_slice %arg14[%dma_wait3A_277, %dma_wait3A_278, %dma_wait3A_279] : memref<8x125x16xf32, #tpu.memory_space<vmem>> -> memref<1x125x16xf32, #tpu.memory_space<vmem>>
      %dma_wait3A_281 = tpu.memref_squeeze %dma_wait3A_280 : memref<1x125x16xf32, #tpu.memory_space<vmem>> -> memref<125x16xf32, #tpu.memory_space<vmem>>
      %dma_wait3A_282 = arith.constant 0 : i32
      %dma_wait3A_283 = tpu.memref_slice %arg12[%add3A_276, %dma_wait3A_282] : memref<80x125xi32, #tpu.memory_space<vmem>> -> memref<1x125xi32, #tpu.memory_space<vmem>>
      %dma_wait3A_284 = tpu.memref_squeeze %dma_wait3A_283 : memref<1x125xi32, #tpu.memory_space<vmem>> -> memref<125xi32, #tpu.memory_space<vmem>>
      %dma_wait3A_285 = arith.constant 0 : i32
      %dma_wait3A_286 = arith.constant 0 : i32
      %dma_wait3A_287 = tpu.memref_slice %arg7[%arg0, %dma_wait3A_285, %dma_wait3A_286] : memref<2x10000x16xf32, #tpu.memory_space<hbm>> -> memref<1x10000x16xf32, #tpu.memory_space<hbm>>
      %dma_wait3A_288 = tpu.memref_squeeze %dma_wait3A_287 : memref<1x10000x16xf32, #tpu.memory_space<hbm>> -> memref<10000x16xf32, #tpu.memory_space<hbm>>
      %dma_wait3A_289 = arith.constant 0 : i32
      %dma_wait3A_290 = arith.constant 0 : i32
      %dma_wait3A_291 = tpu.memref_slice %dma_wait3A_288[%dma_wait3A_289, %dma_wait3A_290] : memref<10000x16xf32, #tpu.memory_space<hbm>> -> memref<10000x16xf32, #tpu.memory_space<hbm>>
      tpu.wait_indirect_dma semaphore(%arg17 : memref<!tpu.dma_semaphore, #tpu.memory_space<semaphore_mem>>) src(%dma_wait3A_291 : memref<10000x16xf32, #tpu.memory_space<hbm>>) dst(%dma_wait3A_281 : memref<125x16xf32, #tpu.memory_space<vmem>>)
      %dma_start3A_292 = arith.constant 1 : i32
      %dma_start3A_293 = arith.constant 0 : i32
      %dma_start3A_294 = arith.constant 0 : i32
      %dma_start3A_295 = tpu.memref_slice %arg14[%dma_start3A_292, %dma_start3A_293, %dma_start3A_294] : memref<8x125x16xf32, #tpu.memory_space<vmem>> -> memref<1x125x16xf32, #tpu.memory_space<vmem>>
      %dma_start3A_296 = tpu.memref_squeeze %dma_start3A_295 : memref<1x125x16xf32, #tpu.memory_space<vmem>> -> memref<125x16xf32, #tpu.memory_space<vmem>>
      %dma_start3A_297 = arith.constant 0 : i32
      %dma_start3A_298 = tpu.memref_slice %arg13[%add3A_276, %dma_start3A_297] : memref<80x125xi32, #tpu.memory_space<vmem>> -> memref<1x125xi32, #tpu.memory_space<vmem>>
      %dma_start3A_299 = tpu.memref_squeeze %dma_start3A_298 : memref<1x125xi32, #tpu.memory_space<vmem>> -> memref<125xi32, #tpu.memory_space<vmem>>
      %dma_start3A_300 = arith.constant 0 : i32
      %dma_start3A_301 = arith.constant 0 : i32
      %dma_start3A_302 = tpu.memref_slice %arg15[%dma_start3A_300, %dma_start3A_301] : memref<10000x16xf32, #tpu.memory_space<vmem_shared>> -> memref<10000x16xf32, #tpu.memory_space<vmem_shared>>
      tpu.enqueue_indirect_dma source(%dma_start3A_296 : memref<125x16xf32, #tpu.memory_space<vmem>>) target(%dma_start3A_302 : memref<10000x16xf32, #tpu.memory_space<vmem_shared>>) offsets(%dma_start3A_299 : memref<125xi32, #tpu.memory_space<vmem>>) semaphore(%arg25 : memref<!tpu.dma_semaphore, #tpu.memory_space<semaphore_mem>>) {add = true}
      %lt3A_303 = arith.constant 9 : i32
      %lt3A_304 = arith.cmpi slt, %scan3A_240, %lt3A_303 : i32
      %convert_element_type3A_305 = arith.extui %lt3A_304 : i1 to i32
      %cond3A_306 = arith.constant 0 : i32
      %cond3A_307 = arith.cmpi ne, %convert_element_type3A_305, %cond3A_306 : i32
      scf.if %cond3A_307 {
        %dma_wait3A_518 = arith.constant 1 : i32
        %dma_wait3A_519 = arith.constant 0 : i32
        %dma_wait3A_520 = arith.constant 0 : i32
        %dma_wait3A_521 = tpu.memref_slice %arg14[%dma_wait3A_518, %dma_wait3A_519, %dma_wait3A_520] : memref<8x125x16xf32, #tpu.memory_space<vmem>> -> memref<1x125x16xf32, #tpu.memory_space<vmem>>
        %dma_wait3A_522 = tpu.memref_squeeze %dma_wait3A_521 : memref<1x125x16xf32, #tpu.memory_space<vmem>> -> memref<125x16xf32, #tpu.memory_space<vmem>>
        %dma_wait3A_523 = arith.constant 0 : i32
        %dma_wait3A_524 = tpu.memref_slice %arg13[%add3A_276, %dma_wait3A_523] : memref<80x125xi32, #tpu.memory_space<vmem>> -> memref<1x125xi32, #tpu.memory_space<vmem>>
        %dma_wait3A_525 = tpu.memref_squeeze %dma_wait3A_524 : memref<1x125xi32, #tpu.memory_space<vmem>> -> memref<125xi32, #tpu.memory_space<vmem>>
        %dma_wait3A_526 = arith.constant 0 : i32
        %dma_wait3A_527 = arith.constant 0 : i32
        %dma_wait3A_528 = tpu.memref_slice %arg15[%dma_wait3A_526, %dma_wait3A_527] : memref<10000x16xf32, #tpu.memory_space<vmem_shared>> -> memref<10000x16xf32, #tpu.memory_space<vmem_shared>>
        tpu.wait_indirect_dma semaphore(%arg25 : memref<!tpu.dma_semaphore, #tpu.memory_space<semaphore_mem>>) src(%dma_wait3A_522 : memref<125x16xf32, #tpu.memory_space<vmem>>) dst(%dma_wait3A_528 : memref<10000x16xf32, #tpu.memory_space<vmem_shared>>)
        %add3A_529 = arith.constant 8 : i32
        %add3A_530 = arith.addi %add3A_276, %add3A_529 : i32
        %dma_start3A_531 = arith.constant 1 : i32
        %dma_start3A_532 = arith.constant 0 : i32
        %dma_start3A_533 = arith.constant 0 : i32
        %dma_start3A_534 = tpu.memref_slice %arg14[%dma_start3A_531, %dma_start3A_532, %dma_start3A_533] : memref<8x125x16xf32, #tpu.memory_space<vmem>> -> memref<1x125x16xf32, #tpu.memory_space<vmem>>
        %dma_start3A_535 = tpu.memref_squeeze %dma_start3A_534 : memref<1x125x16xf32, #tpu.memory_space<vmem>> -> memref<125x16xf32, #tpu.memory_space<vmem>>
        %dma_start3A_536 = arith.constant 0 : i32
        %dma_start3A_537 = tpu.memref_slice %arg12[%add3A_530, %dma_start3A_536] : memref<80x125xi32, #tpu.memory_space<vmem>> -> memref<1x125xi32, #tpu.memory_space<vmem>>
        %dma_start3A_538 = tpu.memref_squeeze %dma_start3A_537 : memref<1x125xi32, #tpu.memory_space<vmem>> -> memref<125xi32, #tpu.memory_space<vmem>>
        %dma_start3A_539 = arith.constant 0 : i32
        %dma_start3A_540 = arith.constant 0 : i32
        %dma_start3A_541 = tpu.memref_slice %arg7[%arg0, %dma_start3A_539, %dma_start3A_540] : memref<2x10000x16xf32, #tpu.memory_space<hbm>> -> memref<1x10000x16xf32, #tpu.memory_space<hbm>>
        %dma_start3A_542 = tpu.memref_squeeze %dma_start3A_541 : memref<1x10000x16xf32, #tpu.memory_space<hbm>> -> memref<10000x16xf32, #tpu.memory_space<hbm>>
        %dma_start3A_543 = arith.constant 0 : i32
        %dma_start3A_544 = arith.constant 0 : i32
        %dma_start3A_545 = tpu.memref_slice %dma_start3A_542[%dma_start3A_543, %dma_start3A_544] : memref<10000x16xf32, #tpu.memory_space<hbm>> -> memref<10000x16xf32, #tpu.memory_space<hbm>>
        tpu.enqueue_indirect_dma source(%dma_start3A_545 : memref<10000x16xf32, #tpu.memory_space<hbm>>) target(%dma_start3A_535 : memref<125x16xf32, #tpu.memory_space<vmem>>) offsets(%dma_start3A_538 : memref<125xi32, #tpu.memory_space<vmem>>) semaphore(%arg17 : memref<!tpu.dma_semaphore, #tpu.memory_space<semaphore_mem>>)
      } else {
      }
      %mul3A_308 = arith.constant 8 : i32
      %mul3A_309 = arith.muli %scan3A_240, %mul3A_308 : i32
      %add3A_310 = arith.constant 2 : i32
      %add3A_311 = arith.addi %mul3A_309, %add3A_310 : i32
      %dma_wait3A_312 = arith.constant 2 : i32
      %dma_wait3A_313 = arith.constant 0 : i32
      %dma_wait3A_314 = arith.constant 0 : i32
      %dma_wait3A_315 = tpu.memref_slice %arg14[%dma_wait3A_312, %dma_wait3A_313, %dma_wait3A_314] : memref<8x125x16xf32, #tpu.memory_space<vmem>> -> memref<1x125x16xf32, #tpu.memory_space<vmem>>
      %dma_wait3A_316 = tpu.memref_squeeze %dma_wait3A_315 : memref<1x125x16xf32, #tpu.memory_space<vmem>> -> memref<125x16xf32, #tpu.memory_space<vmem>>
      %dma_wait3A_317 = arith.constant 0 : i32
      %dma_wait3A_318 = tpu.memref_slice %arg12[%add3A_311, %dma_wait3A_317] : memref<80x125xi32, #tpu.memory_space<vmem>> -> memref<1x125xi32, #tpu.memory_space<vmem>>
      %dma_wait3A_319 = tpu.memref_squeeze %dma_wait3A_318 : memref<1x125xi32, #tpu.memory_space<vmem>> -> memref<125xi32, #tpu.memory_space<vmem>>
      %dma_wait3A_320 = arith.constant 0 : i32
      %dma_wait3A_321 = arith.constant 0 : i32
      %dma_wait3A_322 = tpu.memref_slice %arg7[%arg0, %dma_wait3A_320, %dma_wait3A_321] : memref<2x10000x16xf32, #tpu.memory_space<hbm>> -> memref<1x10000x16xf32, #tpu.memory_space<hbm>>
      %dma_wait3A_323 = tpu.memref_squeeze %dma_wait3A_322 : memref<1x10000x16xf32, #tpu.memory_space<hbm>> -> memref<10000x16xf32, #tpu.memory_space<hbm>>
      %dma_wait3A_324 = arith.constant 0 : i32
      %dma_wait3A_325 = arith.constant 0 : i32
      %dma_wait3A_326 = tpu.memref_slice %dma_wait3A_323[%dma_wait3A_324, %dma_wait3A_325] : memref<10000x16xf32, #tpu.memory_space<hbm>> -> memref<10000x16xf32, #tpu.memory_space<hbm>>
      tpu.wait_indirect_dma semaphore(%arg18 : memref<!tpu.dma_semaphore, #tpu.memory_space<semaphore_mem>>) src(%dma_wait3A_326 : memref<10000x16xf32, #tpu.memory_space<hbm>>) dst(%dma_wait3A_316 : memref<125x16xf32, #tpu.memory_space<vmem>>)
      %dma_start3A_327 = arith.constant 2 : i32
      %dma_start3A_328 = arith.constant 0 : i32
      %dma_start3A_329 = arith.constant 0 : i32
      %dma_start3A_330 = tpu.memref_slice %arg14[%dma_start3A_327, %dma_start3A_328, %dma_start3A_329] : memref<8x125x16xf32, #tpu.memory_space<vmem>> -> memref<1x125x16xf32, #tpu.memory_space<vmem>>
      %dma_start3A_331 = tpu.memref_squeeze %dma_start3A_330 : memref<1x125x16xf32, #tpu.memory_space<vmem>> -> memref<125x16xf32, #tpu.memory_space<vmem>>
      %dma_start3A_332 = arith.constant 0 : i32
      %dma_start3A_333 = tpu.memref_slice %arg13[%add3A_311, %dma_start3A_332] : memref<80x125xi32, #tpu.memory_space<vmem>> -> memref<1x125xi32, #tpu.memory_space<vmem>>
      %dma_start3A_334 = tpu.memref_squeeze %dma_start3A_333 : memref<1x125xi32, #tpu.memory_space<vmem>> -> memref<125xi32, #tpu.memory_space<vmem>>
      %dma_start3A_335 = arith.constant 0 : i32
      %dma_start3A_336 = arith.constant 0 : i32
      %dma_start3A_337 = tpu.memref_slice %arg15[%dma_start3A_335, %dma_start3A_336] : memref<10000x16xf32, #tpu.memory_space<vmem_shared>> -> memref<10000x16xf32, #tpu.memory_space<vmem_shared>>
      tpu.enqueue_indirect_dma source(%dma_start3A_331 : memref<125x16xf32, #tpu.memory_space<vmem>>) target(%dma_start3A_337 : memref<10000x16xf32, #tpu.memory_space<vmem_shared>>) offsets(%dma_start3A_334 : memref<125xi32, #tpu.memory_space<vmem>>) semaphore(%arg26 : memref<!tpu.dma_semaphore, #tpu.memory_space<semaphore_mem>>) {add = true}
      %lt3A_338 = arith.constant 9 : i32
      %lt3A_339 = arith.cmpi slt, %scan3A_240, %lt3A_338 : i32
      %convert_element_type3A_340 = arith.extui %lt3A_339 : i1 to i32
      %cond3A_341 = arith.constant 0 : i32
      %cond3A_342 = arith.cmpi ne, %convert_element_type3A_340, %cond3A_341 : i32
      scf.if %cond3A_342 {
        %dma_wait3A_518 = arith.constant 2 : i32
        %dma_wait3A_519 = arith.constant 0 : i32
        %dma_wait3A_520 = arith.constant 0 : i32
        %dma_wait3A_521 = tpu.memref_slice %arg14[%dma_wait3A_518, %dma_wait3A_519, %dma_wait3A_520] : memref<8x125x16xf32, #tpu.memory_space<vmem>> -> memref<1x125x16xf32, #tpu.memory_space<vmem>>
        %dma_wait3A_522 = tpu.memref_squeeze %dma_wait3A_521 : memref<1x125x16xf32, #tpu.memory_space<vmem>> -> memref<125x16xf32, #tpu.memory_space<vmem>>
        %dma_wait3A_523 = arith.constant 0 : i32
        %dma_wait3A_524 = tpu.memref_slice %arg13[%add3A_311, %dma_wait3A_523] : memref<80x125xi32, #tpu.memory_space<vmem>> -> memref<1x125xi32, #tpu.memory_space<vmem>>
        %dma_wait3A_525 = tpu.memref_squeeze %dma_wait3A_524 : memref<1x125xi32, #tpu.memory_space<vmem>> -> memref<125xi32, #tpu.memory_space<vmem>>
        %dma_wait3A_526 = arith.constant 0 : i32
        %dma_wait3A_527 = arith.constant 0 : i32
        %dma_wait3A_528 = tpu.memref_slice %arg15[%dma_wait3A_526, %dma_wait3A_527] : memref<10000x16xf32, #tpu.memory_space<vmem_shared>> -> memref<10000x16xf32, #tpu.memory_space<vmem_shared>>
        tpu.wait_indirect_dma semaphore(%arg26 : memref<!tpu.dma_semaphore, #tpu.memory_space<semaphore_mem>>) src(%dma_wait3A_522 : memref<125x16xf32, #tpu.memory_space<vmem>>) dst(%dma_wait3A_528 : memref<10000x16xf32, #tpu.memory_space<vmem_shared>>)
        %add3A_529 = arith.constant 8 : i32
        %add3A_530 = arith.addi %add3A_311, %add3A_529 : i32
        %dma_start3A_531 = arith.constant 2 : i32
        %dma_start3A_532 = arith.constant 0 : i32
        %dma_start3A_533 = arith.constant 0 : i32
        %dma_start3A_534 = tpu.memref_slice %arg14[%dma_start3A_531, %dma_start3A_532, %dma_start3A_533] : memref<8x125x16xf32, #tpu.memory_space<vmem>> -> memref<1x125x16xf32, #tpu.memory_space<vmem>>
        %dma_start3A_535 = tpu.memref_squeeze %dma_start3A_534 : memref<1x125x16xf32, #tpu.memory_space<vmem>> -> memref<125x16xf32, #tpu.memory_space<vmem>>
        %dma_start3A_536 = arith.constant 0 : i32
        %dma_start3A_537 = tpu.memref_slice %arg12[%add3A_530, %dma_start3A_536] : memref<80x125xi32, #tpu.memory_space<vmem>> -> memref<1x125xi32, #tpu.memory_space<vmem>>
        %dma_start3A_538 = tpu.memref_squeeze %dma_start3A_537 : memref<1x125xi32, #tpu.memory_space<vmem>> -> memref<125xi32, #tpu.memory_space<vmem>>
        %dma_start3A_539 = arith.constant 0 : i32
        %dma_start3A_540 = arith.constant 0 : i32
        %dma_start3A_541 = tpu.memref_slice %arg7[%arg0, %dma_start3A_539, %dma_start3A_540] : memref<2x10000x16xf32, #tpu.memory_space<hbm>> -> memref<1x10000x16xf32, #tpu.memory_space<hbm>>
        %dma_start3A_542 = tpu.memref_squeeze %dma_start3A_541 : memref<1x10000x16xf32, #tpu.memory_space<hbm>> -> memref<10000x16xf32, #tpu.memory_space<hbm>>
        %dma_start3A_543 = arith.constant 0 : i32
        %dma_start3A_544 = arith.constant 0 : i32
        %dma_start3A_545 = tpu.memref_slice %dma_start3A_542[%dma_start3A_543, %dma_start3A_544] : memref<10000x16xf32, #tpu.memory_space<hbm>> -> memref<10000x16xf32, #tpu.memory_space<hbm>>
        tpu.enqueue_indirect_dma source(%dma_start3A_545 : memref<10000x16xf32, #tpu.memory_space<hbm>>) target(%dma_start3A_535 : memref<125x16xf32, #tpu.memory_space<vmem>>) offsets(%dma_start3A_538 : memref<125xi32, #tpu.memory_space<vmem>>) semaphore(%arg18 : memref<!tpu.dma_semaphore, #tpu.memory_space<semaphore_mem>>)
      } else {
      }
      %mul3A_343 = arith.constant 8 : i32
      %mul3A_344 = arith.muli %scan3A_240, %mul3A_343 : i32
      %add3A_345 = arith.constant 3 : i32
      %add3A_346 = arith.addi %mul3A_344, %add3A_345 : i32
      %dma_wait3A_347 = arith.constant 3 : i32
      %dma_wait3A_348 = arith.constant 0 : i32
      %dma_wait3A_349 = arith.constant 0 : i32
      %dma_wait3A_350 = tpu.memref_slice %arg14[%dma_wait3A_347, %dma_wait3A_348, %dma_wait3A_349] : memref<8x125x16xf32, #tpu.memory_space<vmem>> -> memref<1x125x16xf32, #tpu.memory_space<vmem>>
      %dma_wait3A_351 = tpu.memref_squeeze %dma_wait3A_350 : memref<1x125x16xf32, #tpu.memory_space<vmem>> -> memref<125x16xf32, #tpu.memory_space<vmem>>
      %dma_wait3A_352 = arith.constant 0 : i32
      %dma_wait3A_353 = tpu.memref_slice %arg12[%add3A_346, %dma_wait3A_352] : memref<80x125xi32, #tpu.memory_space<vmem>> -> memref<1x125xi32, #tpu.memory_space<vmem>>
      %dma_wait3A_354 = tpu.memref_squeeze %dma_wait3A_353 : memref<1x125xi32, #tpu.memory_space<vmem>> -> memref<125xi32, #tpu.memory_space<vmem>>
      %dma_wait3A_355 = arith.constant 0 : i32
      %dma_wait3A_356 = arith.constant 0 : i32
      %dma_wait3A_357 = tpu.memref_slice %arg7[%arg0, %dma_wait3A_355, %dma_wait3A_356] : memref<2x10000x16xf32, #tpu.memory_space<hbm>> -> memref<1x10000x16xf32, #tpu.memory_space<hbm>>
      %dma_wait3A_358 = tpu.memref_squeeze %dma_wait3A_357 : memref<1x10000x16xf32, #tpu.memory_space<hbm>> -> memref<10000x16xf32, #tpu.memory_space<hbm>>
      %dma_wait3A_359 = arith.constant 0 : i32
      %dma_wait3A_360 = arith.constant 0 : i32
      %dma_wait3A_361 = tpu.memref_slice %dma_wait3A_358[%dma_wait3A_359, %dma_wait3A_360] : memref<10000x16xf32, #tpu.memory_space<hbm>> -> memref<10000x16xf32, #tpu.memory_space<hbm>>
      tpu.wait_indirect_dma semaphore(%arg19 : memref<!tpu.dma_semaphore, #tpu.memory_space<semaphore_mem>>) src(%dma_wait3A_361 : memref<10000x16xf32, #tpu.memory_space<hbm>>) dst(%dma_wait3A_351 : memref<125x16xf32, #tpu.memory_space<vmem>>)
      %dma_start3A_362 = arith.constant 3 : i32
      %dma_start3A_363 = arith.constant 0 : i32
      %dma_start3A_364 = arith.constant 0 : i32
      %dma_start3A_365 = tpu.memref_slice %arg14[%dma_start3A_362, %dma_start3A_363, %dma_start3A_364] : memref<8x125x16xf32, #tpu.memory_space<vmem>> -> memref<1x125x16xf32, #tpu.memory_space<vmem>>
      %dma_start3A_366 = tpu.memref_squeeze %dma_start3A_365 : memref<1x125x16xf32, #tpu.memory_space<vmem>> -> memref<125x16xf32, #tpu.memory_space<vmem>>
      %dma_start3A_367 = arith.constant 0 : i32
      %dma_start3A_368 = tpu.memref_slice %arg13[%add3A_346, %dma_start3A_367] : memref<80x125xi32, #tpu.memory_space<vmem>> -> memref<1x125xi32, #tpu.memory_space<vmem>>
      %dma_start3A_369 = tpu.memref_squeeze %dma_start3A_368 : memref<1x125xi32, #tpu.memory_space<vmem>> -> memref<125xi32, #tpu.memory_space<vmem>>
      %dma_start3A_370 = arith.constant 0 : i32
      %dma_start3A_371 = arith.constant 0 : i32
      %dma_start3A_372 = tpu.memref_slice %arg15[%dma_start3A_370, %dma_start3A_371] : memref<10000x16xf32, #tpu.memory_space<vmem_shared>> -> memref<10000x16xf32, #tpu.memory_space<vmem_shared>>
      tpu.enqueue_indirect_dma source(%dma_start3A_366 : memref<125x16xf32, #tpu.memory_space<vmem>>) target(%dma_start3A_372 : memref<10000x16xf32, #tpu.memory_space<vmem_shared>>) offsets(%dma_start3A_369 : memref<125xi32, #tpu.memory_space<vmem>>) semaphore(%arg27 : memref<!tpu.dma_semaphore, #tpu.memory_space<semaphore_mem>>) {add = true}
      %lt3A_373 = arith.constant 9 : i32
      %lt3A_374 = arith.cmpi slt, %scan3A_240, %lt3A_373 : i32
      %convert_element_type3A_375 = arith.extui %lt3A_374 : i1 to i32
      %cond3A_376 = arith.constant 0 : i32
      %cond3A_377 = arith.cmpi ne, %convert_element_type3A_375, %cond3A_376 : i32
      scf.if %cond3A_377 {
        %dma_wait3A_518 = arith.constant 3 : i32
        %dma_wait3A_519 = arith.constant 0 : i32
        %dma_wait3A_520 = arith.constant 0 : i32
        %dma_wait3A_521 = tpu.memref_slice %arg14[%dma_wait3A_518, %dma_wait3A_519, %dma_wait3A_520] : memref<8x125x16xf32, #tpu.memory_space<vmem>> -> memref<1x125x16xf32, #tpu.memory_space<vmem>>
        %dma_wait3A_522 = tpu.memref_squeeze %dma_wait3A_521 : memref<1x125x16xf32, #tpu.memory_space<vmem>> -> memref<125x16xf32, #tpu.memory_space<vmem>>
        %dma_wait3A_523 = arith.constant 0 : i32
        %dma_wait3A_524 = tpu.memref_slice %arg13[%add3A_346, %dma_wait3A_523] : memref<80x125xi32, #tpu.memory_space<vmem>> -> memref<1x125xi32, #tpu.memory_space<vmem>>
        %dma_wait3A_525 = tpu.memref_squeeze %dma_wait3A_524 : memref<1x125xi32, #tpu.memory_space<vmem>> -> memref<125xi32, #tpu.memory_space<vmem>>
        %dma_wait3A_526 = arith.constant 0 : i32
        %dma_wait3A_527 = arith.constant 0 : i32
        %dma_wait3A_528 = tpu.memref_slice %arg15[%dma_wait3A_526, %dma_wait3A_527] : memref<10000x16xf32, #tpu.memory_space<vmem_shared>> -> memref<10000x16xf32, #tpu.memory_space<vmem_shared>>
        tpu.wait_indirect_dma semaphore(%arg27 : memref<!tpu.dma_semaphore, #tpu.memory_space<semaphore_mem>>) src(%dma_wait3A_522 : memref<125x16xf32, #tpu.memory_space<vmem>>) dst(%dma_wait3A_528 : memref<10000x16xf32, #tpu.memory_space<vmem_shared>>)
        %add3A_529 = arith.constant 8 : i32
        %add3A_530 = arith.addi %add3A_346, %add3A_529 : i32
        %dma_start3A_531 = arith.constant 3 : i32
        %dma_start3A_532 = arith.constant 0 : i32
        %dma_start3A_533 = arith.constant 0 : i32
        %dma_start3A_534 = tpu.memref_slice %arg14[%dma_start3A_531, %dma_start3A_532, %dma_start3A_533] : memref<8x125x16xf32, #tpu.memory_space<vmem>> -> memref<1x125x16xf32, #tpu.memory_space<vmem>>
        %dma_start3A_535 = tpu.memref_squeeze %dma_start3A_534 : memref<1x125x16xf32, #tpu.memory_space<vmem>> -> memref<125x16xf32, #tpu.memory_space<vmem>>
        %dma_start3A_536 = arith.constant 0 : i32
        %dma_start3A_537 = tpu.memref_slice %arg12[%add3A_530, %dma_start3A_536] : memref<80x125xi32, #tpu.memory_space<vmem>> -> memref<1x125xi32, #tpu.memory_space<vmem>>
        %dma_start3A_538 = tpu.memref_squeeze %dma_start3A_537 : memref<1x125xi32, #tpu.memory_space<vmem>> -> memref<125xi32, #tpu.memory_space<vmem>>
        %dma_start3A_539 = arith.constant 0 : i32
        %dma_start3A_540 = arith.constant 0 : i32
        %dma_start3A_541 = tpu.memref_slice %arg7[%arg0, %dma_start3A_539, %dma_start3A_540] : memref<2x10000x16xf32, #tpu.memory_space<hbm>> -> memref<1x10000x16xf32, #tpu.memory_space<hbm>>
        %dma_start3A_542 = tpu.memref_squeeze %dma_start3A_541 : memref<1x10000x16xf32, #tpu.memory_space<hbm>> -> memref<10000x16xf32, #tpu.memory_space<hbm>>
        %dma_start3A_543 = arith.constant 0 : i32
        %dma_start3A_544 = arith.constant 0 : i32
        %dma_start3A_545 = tpu.memref_slice %dma_start3A_542[%dma_start3A_543, %dma_start3A_544] : memref<10000x16xf32, #tpu.memory_space<hbm>> -> memref<10000x16xf32, #tpu.memory_space<hbm>>
        tpu.enqueue_indirect_dma source(%dma_start3A_545 : memref<10000x16xf32, #tpu.memory_space<hbm>>) target(%dma_start3A_535 : memref<125x16xf32, #tpu.memory_space<vmem>>) offsets(%dma_start3A_538 : memref<125xi32, #tpu.memory_space<vmem>>) semaphore(%arg19 : memref<!tpu.dma_semaphore, #tpu.memory_space<semaphore_mem>>)
      } else {
      }
      %mul3A_378 = arith.constant 8 : i32
      %mul3A_379 = arith.muli %scan3A_240, %mul3A_378 : i32
      %add3A_380 = arith.constant 4 : i32
      %add3A_381 = arith.addi %mul3A_379, %add3A_380 : i32
      %dma_wait3A_382 = arith.constant 4 : i32
      %dma_wait3A_383 = arith.constant 0 : i32
      %dma_wait3A_384 = arith.constant 0 : i32
      %dma_wait3A_385 = tpu.memref_slice %arg14[%dma_wait3A_382, %dma_wait3A_383, %dma_wait3A_384] : memref<8x125x16xf32, #tpu.memory_space<vmem>> -> memref<1x125x16xf32, #tpu.memory_space<vmem>>
      %dma_wait3A_386 = tpu.memref_squeeze %dma_wait3A_385 : memref<1x125x16xf32, #tpu.memory_space<vmem>> -> memref<125x16xf32, #tpu.memory_space<vmem>>
      %dma_wait3A_387 = arith.constant 0 : i32
      %dma_wait3A_388 = tpu.memref_slice %arg12[%add3A_381, %dma_wait3A_387] : memref<80x125xi32, #tpu.memory_space<vmem>> -> memref<1x125xi32, #tpu.memory_space<vmem>>
      %dma_wait3A_389 = tpu.memref_squeeze %dma_wait3A_388 : memref<1x125xi32, #tpu.memory_space<vmem>> -> memref<125xi32, #tpu.memory_space<vmem>>
      %dma_wait3A_390 = arith.constant 0 : i32
      %dma_wait3A_391 = arith.constant 0 : i32
      %dma_wait3A_392 = tpu.memref_slice %arg7[%arg0, %dma_wait3A_390, %dma_wait3A_391] : memref<2x10000x16xf32, #tpu.memory_space<hbm>> -> memref<1x10000x16xf32, #tpu.memory_space<hbm>>
      %dma_wait3A_393 = tpu.memref_squeeze %dma_wait3A_392 : memref<1x10000x16xf32, #tpu.memory_space<hbm>> -> memref<10000x16xf32, #tpu.memory_space<hbm>>
      %dma_wait3A_394 = arith.constant 0 : i32
      %dma_wait3A_395 = arith.constant 0 : i32
      %dma_wait3A_396 = tpu.memref_slice %dma_wait3A_393[%dma_wait3A_394, %dma_wait3A_395] : memref<10000x16xf32, #tpu.memory_space<hbm>> -> memref<10000x16xf32, #tpu.memory_space<hbm>>
      tpu.wait_indirect_dma semaphore(%arg20 : memref<!tpu.dma_semaphore, #tpu.memory_space<semaphore_mem>>) src(%dma_wait3A_396 : memref<10000x16xf32, #tpu.memory_space<hbm>>) dst(%dma_wait3A_386 : memref<125x16xf32, #tpu.memory_space<vmem>>)
      %dma_start3A_397 = arith.constant 4 : i32
      %dma_start3A_398 = arith.constant 0 : i32
      %dma_start3A_399 = arith.constant 0 : i32
      %dma_start3A_400 = tpu.memref_slice %arg14[%dma_start3A_397, %dma_start3A_398, %dma_start3A_399] : memref<8x125x16xf32, #tpu.memory_space<vmem>> -> memref<1x125x16xf32, #tpu.memory_space<vmem>>
      %dma_start3A_401 = tpu.memref_squeeze %dma_start3A_400 : memref<1x125x16xf32, #tpu.memory_space<vmem>> -> memref<125x16xf32, #tpu.memory_space<vmem>>
      %dma_start3A_402 = arith.constant 0 : i32
      %dma_start3A_403 = tpu.memref_slice %arg13[%add3A_381, %dma_start3A_402] : memref<80x125xi32, #tpu.memory_space<vmem>> -> memref<1x125xi32, #tpu.memory_space<vmem>>
      %dma_start3A_404 = tpu.memref_squeeze %dma_start3A_403 : memref<1x125xi32, #tpu.memory_space<vmem>> -> memref<125xi32, #tpu.memory_space<vmem>>
      %dma_start3A_405 = arith.constant 0 : i32
      %dma_start3A_406 = arith.constant 0 : i32
      %dma_start3A_407 = tpu.memref_slice %arg15[%dma_start3A_405, %dma_start3A_406] : memref<10000x16xf32, #tpu.memory_space<vmem_shared>> -> memref<10000x16xf32, #tpu.memory_space<vmem_shared>>
      tpu.enqueue_indirect_dma source(%dma_start3A_401 : memref<125x16xf32, #tpu.memory_space<vmem>>) target(%dma_start3A_407 : memref<10000x16xf32, #tpu.memory_space<vmem_shared>>) offsets(%dma_start3A_404 : memref<125xi32, #tpu.memory_space<vmem>>) semaphore(%arg28 : memref<!tpu.dma_semaphore, #tpu.memory_space<semaphore_mem>>) {add = true}
      %lt3A_408 = arith.constant 9 : i32
      %lt3A_409 = arith.cmpi slt, %scan3A_240, %lt3A_408 : i32
      %convert_element_type3A_410 = arith.extui %lt3A_409 : i1 to i32
      %cond3A_411 = arith.constant 0 : i32
      %cond3A_412 = arith.cmpi ne, %convert_element_type3A_410, %cond3A_411 : i32
      scf.if %cond3A_412 {
        %dma_wait3A_518 = arith.constant 4 : i32
        %dma_wait3A_519 = arith.constant 0 : i32
        %dma_wait3A_520 = arith.constant 0 : i32
        %dma_wait3A_521 = tpu.memref_slice %arg14[%dma_wait3A_518, %dma_wait3A_519, %dma_wait3A_520] : memref<8x125x16xf32, #tpu.memory_space<vmem>> -> memref<1x125x16xf32, #tpu.memory_space<vmem>>
        %dma_wait3A_522 = tpu.memref_squeeze %dma_wait3A_521 : memref<1x125x16xf32, #tpu.memory_space<vmem>> -> memref<125x16xf32, #tpu.memory_space<vmem>>
        %dma_wait3A_523 = arith.constant 0 : i32
        %dma_wait3A_524 = tpu.memref_slice %arg13[%add3A_381, %dma_wait3A_523] : memref<80x125xi32, #tpu.memory_space<vmem>> -> memref<1x125xi32, #tpu.memory_space<vmem>>
        %dma_wait3A_525 = tpu.memref_squeeze %dma_wait3A_524 : memref<1x125xi32, #tpu.memory_space<vmem>> -> memref<125xi32, #tpu.memory_space<vmem>>
        %dma_wait3A_526 = arith.constant 0 : i32
        %dma_wait3A_527 = arith.constant 0 : i32
        %dma_wait3A_528 = tpu.memref_slice %arg15[%dma_wait3A_526, %dma_wait3A_527] : memref<10000x16xf32, #tpu.memory_space<vmem_shared>> -> memref<10000x16xf32, #tpu.memory_space<vmem_shared>>
        tpu.wait_indirect_dma semaphore(%arg28 : memref<!tpu.dma_semaphore, #tpu.memory_space<semaphore_mem>>) src(%dma_wait3A_522 : memref<125x16xf32, #tpu.memory_space<vmem>>) dst(%dma_wait3A_528 : memref<10000x16xf32, #tpu.memory_space<vmem_shared>>)
        %add3A_529 = arith.constant 8 : i32
        %add3A_530 = arith.addi %add3A_381, %add3A_529 : i32
        %dma_start3A_531 = arith.constant 4 : i32
        %dma_start3A_532 = arith.constant 0 : i32
        %dma_start3A_533 = arith.constant 0 : i32
        %dma_start3A_534 = tpu.memref_slice %arg14[%dma_start3A_531, %dma_start3A_532, %dma_start3A_533] : memref<8x125x16xf32, #tpu.memory_space<vmem>> -> memref<1x125x16xf32, #tpu.memory_space<vmem>>
        %dma_start3A_535 = tpu.memref_squeeze %dma_start3A_534 : memref<1x125x16xf32, #tpu.memory_space<vmem>> -> memref<125x16xf32, #tpu.memory_space<vmem>>
        %dma_start3A_536 = arith.constant 0 : i32
        %dma_start3A_537 = tpu.memref_slice %arg12[%add3A_530, %dma_start3A_536] : memref<80x125xi32, #tpu.memory_space<vmem>> -> memref<1x125xi32, #tpu.memory_space<vmem>>
        %dma_start3A_538 = tpu.memref_squeeze %dma_start3A_537 : memref<1x125xi32, #tpu.memory_space<vmem>> -> memref<125xi32, #tpu.memory_space<vmem>>
        %dma_start3A_539 = arith.constant 0 : i32
        %dma_start3A_540 = arith.constant 0 : i32
        %dma_start3A_541 = tpu.memref_slice %arg7[%arg0, %dma_start3A_539, %dma_start3A_540] : memref<2x10000x16xf32, #tpu.memory_space<hbm>> -> memref<1x10000x16xf32, #tpu.memory_space<hbm>>
        %dma_start3A_542 = tpu.memref_squeeze %dma_start3A_541 : memref<1x10000x16xf32, #tpu.memory_space<hbm>> -> memref<10000x16xf32, #tpu.memory_space<hbm>>
        %dma_start3A_543 = arith.constant 0 : i32
        %dma_start3A_544 = arith.constant 0 : i32
        %dma_start3A_545 = tpu.memref_slice %dma_start3A_542[%dma_start3A_543, %dma_start3A_544] : memref<10000x16xf32, #tpu.memory_space<hbm>> -> memref<10000x16xf32, #tpu.memory_space<hbm>>
        tpu.enqueue_indirect_dma source(%dma_start3A_545 : memref<10000x16xf32, #tpu.memory_space<hbm>>) target(%dma_start3A_535 : memref<125x16xf32, #tpu.memory_space<vmem>>) offsets(%dma_start3A_538 : memref<125xi32, #tpu.memory_space<vmem>>) semaphore(%arg20 : memref<!tpu.dma_semaphore, #tpu.memory_space<semaphore_mem>>)
      } else {
      }
      %mul3A_413 = arith.constant 8 : i32
      %mul3A_414 = arith.muli %scan3A_240, %mul3A_413 : i32
      %add3A_415 = arith.constant 5 : i32
      %add3A_416 = arith.addi %mul3A_414, %add3A_415 : i32
      %dma_wait3A_417 = arith.constant 5 : i32
      %dma_wait3A_418 = arith.constant 0 : i32
      %dma_wait3A_419 = arith.constant 0 : i32
      %dma_wait3A_420 = tpu.memref_slice %arg14[%dma_wait3A_417, %dma_wait3A_418, %dma_wait3A_419] : memref<8x125x16xf32, #tpu.memory_space<vmem>> -> memref<1x125x16xf32, #tpu.memory_space<vmem>>
      %dma_wait3A_421 = tpu.memref_squeeze %dma_wait3A_420 : memref<1x125x16xf32, #tpu.memory_space<vmem>> -> memref<125x16xf32, #tpu.memory_space<vmem>>
      %dma_wait3A_422 = arith.constant 0 : i32
      %dma_wait3A_423 = tpu.memref_slice %arg12[%add3A_416, %dma_wait3A_422] : memref<80x125xi32, #tpu.memory_space<vmem>> -> memref<1x125xi32, #tpu.memory_space<vmem>>
      %dma_wait3A_424 = tpu.memref_squeeze %dma_wait3A_423 : memref<1x125xi32, #tpu.memory_space<vmem>> -> memref<125xi32, #tpu.memory_space<vmem>>
      %dma_wait3A_425 = arith.constant 0 : i32
      %dma_wait3A_426 = arith.constant 0 : i32
      %dma_wait3A_427 = tpu.memref_slice %arg7[%arg0, %dma_wait3A_425, %dma_wait3A_426] : memref<2x10000x16xf32, #tpu.memory_space<hbm>> -> memref<1x10000x16xf32, #tpu.memory_space<hbm>>
      %dma_wait3A_428 = tpu.memref_squeeze %dma_wait3A_427 : memref<1x10000x16xf32, #tpu.memory_space<hbm>> -> memref<10000x16xf32, #tpu.memory_space<hbm>>
      %dma_wait3A_429 = arith.constant 0 : i32
      %dma_wait3A_430 = arith.constant 0 : i32
      %dma_wait3A_431 = tpu.memref_slice %dma_wait3A_428[%dma_wait3A_429, %dma_wait3A_430] : memref<10000x16xf32, #tpu.memory_space<hbm>> -> memref<10000x16xf32, #tpu.memory_space<hbm>>
      tpu.wait_indirect_dma semaphore(%arg21 : memref<!tpu.dma_semaphore, #tpu.memory_space<semaphore_mem>>) src(%dma_wait3A_431 : memref<10000x16xf32, #tpu.memory_space<hbm>>) dst(%dma_wait3A_421 : memref<125x16xf32, #tpu.memory_space<vmem>>)
      %dma_start3A_432 = arith.constant 5 : i32
      %dma_start3A_433 = arith.constant 0 : i32
      %dma_start3A_434 = arith.constant 0 : i32
      %dma_start3A_435 = tpu.memref_slice %arg14[%dma_start3A_432, %dma_start3A_433, %dma_start3A_434] : memref<8x125x16xf32, #tpu.memory_space<vmem>> -> memref<1x125x16xf32, #tpu.memory_space<vmem>>
      %dma_start3A_436 = tpu.memref_squeeze %dma_start3A_435 : memref<1x125x16xf32, #tpu.memory_space<vmem>> -> memref<125x16xf32, #tpu.memory_space<vmem>>
      %dma_start3A_437 = arith.constant 0 : i32
      %dma_start3A_438 = tpu.memref_slice %arg13[%add3A_416, %dma_start3A_437] : memref<80x125xi32, #tpu.memory_space<vmem>> -> memref<1x125xi32, #tpu.memory_space<vmem>>
      %dma_start3A_439 = tpu.memref_squeeze %dma_start3A_438 : memref<1x125xi32, #tpu.memory_space<vmem>> -> memref<125xi32, #tpu.memory_space<vmem>>
      %dma_start3A_440 = arith.constant 0 : i32
      %dma_start3A_441 = arith.constant 0 : i32
      %dma_start3A_442 = tpu.memref_slice %arg15[%dma_start3A_440, %dma_start3A_441] : memref<10000x16xf32, #tpu.memory_space<vmem_shared>> -> memref<10000x16xf32, #tpu.memory_space<vmem_shared>>
      tpu.enqueue_indirect_dma source(%dma_start3A_436 : memref<125x16xf32, #tpu.memory_space<vmem>>) target(%dma_start3A_442 : memref<10000x16xf32, #tpu.memory_space<vmem_shared>>) offsets(%dma_start3A_439 : memref<125xi32, #tpu.memory_space<vmem>>) semaphore(%arg29 : memref<!tpu.dma_semaphore, #tpu.memory_space<semaphore_mem>>) {add = true}
      %lt3A_443 = arith.constant 9 : i32
      %lt3A_444 = arith.cmpi slt, %scan3A_240, %lt3A_443 : i32
      %convert_element_type3A_445 = arith.extui %lt3A_444 : i1 to i32
      %cond3A_446 = arith.constant 0 : i32
      %cond3A_447 = arith.cmpi ne, %convert_element_type3A_445, %cond3A_446 : i32
      scf.if %cond3A_447 {
        %dma_wait3A_518 = arith.constant 5 : i32
        %dma_wait3A_519 = arith.constant 0 : i32
        %dma_wait3A_520 = arith.constant 0 : i32
        %dma_wait3A_521 = tpu.memref_slice %arg14[%dma_wait3A_518, %dma_wait3A_519, %dma_wait3A_520] : memref<8x125x16xf32, #tpu.memory_space<vmem>> -> memref<1x125x16xf32, #tpu.memory_space<vmem>>
        %dma_wait3A_522 = tpu.memref_squeeze %dma_wait3A_521 : memref<1x125x16xf32, #tpu.memory_space<vmem>> -> memref<125x16xf32, #tpu.memory_space<vmem>>
        %dma_wait3A_523 = arith.constant 0 : i32
        %dma_wait3A_524 = tpu.memref_slice %arg13[%add3A_416, %dma_wait3A_523] : memref<80x125xi32, #tpu.memory_space<vmem>> -> memref<1x125xi32, #tpu.memory_space<vmem>>
        %dma_wait3A_525 = tpu.memref_squeeze %dma_wait3A_524 : memref<1x125xi32, #tpu.memory_space<vmem>> -> memref<125xi32, #tpu.memory_space<vmem>>
        %dma_wait3A_526 = arith.constant 0 : i32
        %dma_wait3A_527 = arith.constant 0 : i32
        %dma_wait3A_528 = tpu.memref_slice %arg15[%dma_wait3A_526, %dma_wait3A_527] : memref<10000x16xf32, #tpu.memory_space<vmem_shared>> -> memref<10000x16xf32, #tpu.memory_space<vmem_shared>>
        tpu.wait_indirect_dma semaphore(%arg29 : memref<!tpu.dma_semaphore, #tpu.memory_space<semaphore_mem>>) src(%dma_wait3A_522 : memref<125x16xf32, #tpu.memory_space<vmem>>) dst(%dma_wait3A_528 : memref<10000x16xf32, #tpu.memory_space<vmem_shared>>)
        %add3A_529 = arith.constant 8 : i32
        %add3A_530 = arith.addi %add3A_416, %add3A_529 : i32
        %dma_start3A_531 = arith.constant 5 : i32
        %dma_start3A_532 = arith.constant 0 : i32
        %dma_start3A_533 = arith.constant 0 : i32
        %dma_start3A_534 = tpu.memref_slice %arg14[%dma_start3A_531, %dma_start3A_532, %dma_start3A_533] : memref<8x125x16xf32, #tpu.memory_space<vmem>> -> memref<1x125x16xf32, #tpu.memory_space<vmem>>
        %dma_start3A_535 = tpu.memref_squeeze %dma_start3A_534 : memref<1x125x16xf32, #tpu.memory_space<vmem>> -> memref<125x16xf32, #tpu.memory_space<vmem>>
        %dma_start3A_536 = arith.constant 0 : i32
        %dma_start3A_537 = tpu.memref_slice %arg12[%add3A_530, %dma_start3A_536] : memref<80x125xi32, #tpu.memory_space<vmem>> -> memref<1x125xi32, #tpu.memory_space<vmem>>
        %dma_start3A_538 = tpu.memref_squeeze %dma_start3A_537 : memref<1x125xi32, #tpu.memory_space<vmem>> -> memref<125xi32, #tpu.memory_space<vmem>>
        %dma_start3A_539 = arith.constant 0 : i32
        %dma_start3A_540 = arith.constant 0 : i32
        %dma_start3A_541 = tpu.memref_slice %arg7[%arg0, %dma_start3A_539, %dma_start3A_540] : memref<2x10000x16xf32, #tpu.memory_space<hbm>> -> memref<1x10000x16xf32, #tpu.memory_space<hbm>>
        %dma_start3A_542 = tpu.memref_squeeze %dma_start3A_541 : memref<1x10000x16xf32, #tpu.memory_space<hbm>> -> memref<10000x16xf32, #tpu.memory_space<hbm>>
        %dma_start3A_543 = arith.constant 0 : i32
        %dma_start3A_544 = arith.constant 0 : i32
        %dma_start3A_545 = tpu.memref_slice %dma_start3A_542[%dma_start3A_543, %dma_start3A_544] : memref<10000x16xf32, #tpu.memory_space<hbm>> -> memref<10000x16xf32, #tpu.memory_space<hbm>>
        tpu.enqueue_indirect_dma source(%dma_start3A_545 : memref<10000x16xf32, #tpu.memory_space<hbm>>) target(%dma_start3A_535 : memref<125x16xf32, #tpu.memory_space<vmem>>) offsets(%dma_start3A_538 : memref<125xi32, #tpu.memory_space<vmem>>) semaphore(%arg21 : memref<!tpu.dma_semaphore, #tpu.memory_space<semaphore_mem>>)
      } else {
      }
      %mul3A_448 = arith.constant 8 : i32
      %mul3A_449 = arith.muli %scan3A_240, %mul3A_448 : i32
      %add3A_450 = arith.constant 6 : i32
      %add3A_451 = arith.addi %mul3A_449, %add3A_450 : i32
      %dma_wait3A_452 = arith.constant 6 : i32
      %dma_wait3A_453 = arith.constant 0 : i32
      %dma_wait3A_454 = arith.constant 0 : i32
      %dma_wait3A_455 = tpu.memref_slice %arg14[%dma_wait3A_452, %dma_wait3A_453, %dma_wait3A_454] : memref<8x125x16xf32, #tpu.memory_space<vmem>> -> memref<1x125x16xf32, #tpu.memory_space<vmem>>
      %dma_wait3A_456 = tpu.memref_squeeze %dma_wait3A_455 : memref<1x125x16xf32, #tpu.memory_space<vmem>> -> memref<125x16xf32, #tpu.memory_space<vmem>>
      %dma_wait3A_457 = arith.constant 0 : i32
      %dma_wait3A_458 = tpu.memref_slice %arg12[%add3A_451, %dma_wait3A_457] : memref<80x125xi32, #tpu.memory_space<vmem>> -> memref<1x125xi32, #tpu.memory_space<vmem>>
      %dma_wait3A_459 = tpu.memref_squeeze %dma_wait3A_458 : memref<1x125xi32, #tpu.memory_space<vmem>> -> memref<125xi32, #tpu.memory_space<vmem>>
      %dma_wait3A_460 = arith.constant 0 : i32
      %dma_wait3A_461 = arith.constant 0 : i32
      %dma_wait3A_462 = tpu.memref_slice %arg7[%arg0, %dma_wait3A_460, %dma_wait3A_461] : memref<2x10000x16xf32, #tpu.memory_space<hbm>> -> memref<1x10000x16xf32, #tpu.memory_space<hbm>>
      %dma_wait3A_463 = tpu.memref_squeeze %dma_wait3A_462 : memref<1x10000x16xf32, #tpu.memory_space<hbm>> -> memref<10000x16xf32, #tpu.memory_space<hbm>>
      %dma_wait3A_464 = arith.constant 0 : i32
      %dma_wait3A_465 = arith.constant 0 : i32
      %dma_wait3A_466 = tpu.memref_slice %dma_wait3A_463[%dma_wait3A_464, %dma_wait3A_465] : memref<10000x16xf32, #tpu.memory_space<hbm>> -> memref<10000x16xf32, #tpu.memory_space<hbm>>
      tpu.wait_indirect_dma semaphore(%arg22 : memref<!tpu.dma_semaphore, #tpu.memory_space<semaphore_mem>>) src(%dma_wait3A_466 : memref<10000x16xf32, #tpu.memory_space<hbm>>) dst(%dma_wait3A_456 : memref<125x16xf32, #tpu.memory_space<vmem>>)
      %dma_start3A_467 = arith.constant 6 : i32
      %dma_start3A_468 = arith.constant 0 : i32
      %dma_start3A_469 = arith.constant 0 : i32
      %dma_start3A_470 = tpu.memref_slice %arg14[%dma_start3A_467, %dma_start3A_468, %dma_start3A_469] : memref<8x125x16xf32, #tpu.memory_space<vmem>> -> memref<1x125x16xf32, #tpu.memory_space<vmem>>
      %dma_start3A_471 = tpu.memref_squeeze %dma_start3A_470 : memref<1x125x16xf32, #tpu.memory_space<vmem>> -> memref<125x16xf32, #tpu.memory_space<vmem>>
      %dma_start3A_472 = arith.constant 0 : i32
      %dma_start3A_473 = tpu.memref_slice %arg13[%add3A_451, %dma_start3A_472] : memref<80x125xi32, #tpu.memory_space<vmem>> -> memref<1x125xi32, #tpu.memory_space<vmem>>
      %dma_start3A_474 = tpu.memref_squeeze %dma_start3A_473 : memref<1x125xi32, #tpu.memory_space<vmem>> -> memref<125xi32, #tpu.memory_space<vmem>>
      %dma_start3A_475 = arith.constant 0 : i32
      %dma_start3A_476 = arith.constant 0 : i32
      %dma_start3A_477 = tpu.memref_slice %arg15[%dma_start3A_475, %dma_start3A_476] : memref<10000x16xf32, #tpu.memory_space<vmem_shared>> -> memref<10000x16xf32, #tpu.memory_space<vmem_shared>>
      tpu.enqueue_indirect_dma source(%dma_start3A_471 : memref<125x16xf32, #tpu.memory_space<vmem>>) target(%dma_start3A_477 : memref<10000x16xf32, #tpu.memory_space<vmem_shared>>) offsets(%dma_start3A_474 : memref<125xi32, #tpu.memory_space<vmem>>) semaphore(%arg30 : memref<!tpu.dma_semaphore, #tpu.memory_space<semaphore_mem>>) {add = true}
      %lt3A_478 = arith.constant 9 : i32
      %lt3A_479 = arith.cmpi slt, %scan3A_240, %lt3A_478 : i32
      %convert_element_type3A_480 = arith.extui %lt3A_479 : i1 to i32
      %cond3A_481 = arith.constant 0 : i32
      %cond3A_482 = arith.cmpi ne, %convert_element_type3A_480, %cond3A_481 : i32
      scf.if %cond3A_482 {
        %dma_wait3A_518 = arith.constant 6 : i32
        %dma_wait3A_519 = arith.constant 0 : i32
        %dma_wait3A_520 = arith.constant 0 : i32
        %dma_wait3A_521 = tpu.memref_slice %arg14[%dma_wait3A_518, %dma_wait3A_519, %dma_wait3A_520] : memref<8x125x16xf32, #tpu.memory_space<vmem>> -> memref<1x125x16xf32, #tpu.memory_space<vmem>>
        %dma_wait3A_522 = tpu.memref_squeeze %dma_wait3A_521 : memref<1x125x16xf32, #tpu.memory_space<vmem>> -> memref<125x16xf32, #tpu.memory_space<vmem>>
        %dma_wait3A_523 = arith.constant 0 : i32
        %dma_wait3A_524 = tpu.memref_slice %arg13[%add3A_451, %dma_wait3A_523] : memref<80x125xi32, #tpu.memory_space<vmem>> -> memref<1x125xi32, #tpu.memory_space<vmem>>
        %dma_wait3A_525 = tpu.memref_squeeze %dma_wait3A_524 : memref<1x125xi32, #tpu.memory_space<vmem>> -> memref<125xi32, #tpu.memory_space<vmem>>
        %dma_wait3A_526 = arith.constant 0 : i32
        %dma_wait3A_527 = arith.constant 0 : i32
        %dma_wait3A_528 = tpu.memref_slice %arg15[%dma_wait3A_526, %dma_wait3A_527] : memref<10000x16xf32, #tpu.memory_space<vmem_shared>> -> memref<10000x16xf32, #tpu.memory_space<vmem_shared>>
        tpu.wait_indirect_dma semaphore(%arg30 : memref<!tpu.dma_semaphore, #tpu.memory_space<semaphore_mem>>) src(%dma_wait3A_522 : memref<125x16xf32, #tpu.memory_space<vmem>>) dst(%dma_wait3A_528 : memref<10000x16xf32, #tpu.memory_space<vmem_shared>>)
        %add3A_529 = arith.constant 8 : i32
        %add3A_530 = arith.addi %add3A_451, %add3A_529 : i32
        %dma_start3A_531 = arith.constant 6 : i32
        %dma_start3A_532 = arith.constant 0 : i32
        %dma_start3A_533 = arith.constant 0 : i32
        %dma_start3A_534 = tpu.memref_slice %arg14[%dma_start3A_531, %dma_start3A_532, %dma_start3A_533] : memref<8x125x16xf32, #tpu.memory_space<vmem>> -> memref<1x125x16xf32, #tpu.memory_space<vmem>>
        %dma_start3A_535 = tpu.memref_squeeze %dma_start3A_534 : memref<1x125x16xf32, #tpu.memory_space<vmem>> -> memref<125x16xf32, #tpu.memory_space<vmem>>
        %dma_start3A_536 = arith.constant 0 : i32
        %dma_start3A_537 = tpu.memref_slice %arg12[%add3A_530, %dma_start3A_536] : memref<80x125xi32, #tpu.memory_space<vmem>> -> memref<1x125xi32, #tpu.memory_space<vmem>>
        %dma_start3A_538 = tpu.memref_squeeze %dma_start3A_537 : memref<1x125xi32, #tpu.memory_space<vmem>> -> memref<125xi32, #tpu.memory_space<vmem>>
        %dma_start3A_539 = arith.constant 0 : i32
        %dma_start3A_540 = arith.constant 0 : i32
        %dma_start3A_541 = tpu.memref_slice %arg7[%arg0, %dma_start3A_539, %dma_start3A_540] : memref<2x10000x16xf32, #tpu.memory_space<hbm>> -> memref<1x10000x16xf32, #tpu.memory_space<hbm>>
        %dma_start3A_542 = tpu.memref_squeeze %dma_start3A_541 : memref<1x10000x16xf32, #tpu.memory_space<hbm>> -> memref<10000x16xf32, #tpu.memory_space<hbm>>
        %dma_start3A_543 = arith.constant 0 : i32
        %dma_start3A_544 = arith.constant 0 : i32
        %dma_start3A_545 = tpu.memref_slice %dma_start3A_542[%dma_start3A_543, %dma_start3A_544] : memref<10000x16xf32, #tpu.memory_space<hbm>> -> memref<10000x16xf32, #tpu.memory_space<hbm>>
        tpu.enqueue_indirect_dma source(%dma_start3A_545 : memref<10000x16xf32, #tpu.memory_space<hbm>>) target(%dma_start3A_535 : memref<125x16xf32, #tpu.memory_space<vmem>>) offsets(%dma_start3A_538 : memref<125xi32, #tpu.memory_space<vmem>>) semaphore(%arg22 : memref<!tpu.dma_semaphore, #tpu.memory_space<semaphore_mem>>)
      } else {
      }
      %mul3A_483 = arith.constant 8 : i32
      %mul3A_484 = arith.muli %scan3A_240, %mul3A_483 : i32
      %add3A_485 = arith.constant 7 : i32
      %add3A_486 = arith.addi %mul3A_484, %add3A_485 : i32
      %dma_wait3A_487 = arith.constant 7 : i32
      %dma_wait3A_488 = arith.constant 0 : i32
      %dma_wait3A_489 = arith.constant 0 : i32
      %dma_wait3A_490 = tpu.memref_slice %arg14[%dma_wait3A_487, %dma_wait3A_488, %dma_wait3A_489] : memref<8x125x16xf32, #tpu.memory_space<vmem>> -> memref<1x125x16xf32, #tpu.memory_space<vmem>>
      %dma_wait3A_491 = tpu.memref_squeeze %dma_wait3A_490 : memref<1x125x16xf32, #tpu.memory_space<vmem>> -> memref<125x16xf32, #tpu.memory_space<vmem>>
      %dma_wait3A_492 = arith.constant 0 : i32
      %dma_wait3A_493 = tpu.memref_slice %arg12[%add3A_486, %dma_wait3A_492] : memref<80x125xi32, #tpu.memory_space<vmem>> -> memref<1x125xi32, #tpu.memory_space<vmem>>
      %dma_wait3A_494 = tpu.memref_squeeze %dma_wait3A_493 : memref<1x125xi32, #tpu.memory_space<vmem>> -> memref<125xi32, #tpu.memory_space<vmem>>
      %dma_wait3A_495 = arith.constant 0 : i32
      %dma_wait3A_496 = arith.constant 0 : i32
      %dma_wait3A_497 = tpu.memref_slice %arg7[%arg0, %dma_wait3A_495, %dma_wait3A_496] : memref<2x10000x16xf32, #tpu.memory_space<hbm>> -> memref<1x10000x16xf32, #tpu.memory_space<hbm>>
      %dma_wait3A_498 = tpu.memref_squeeze %dma_wait3A_497 : memref<1x10000x16xf32, #tpu.memory_space<hbm>> -> memref<10000x16xf32, #tpu.memory_space<hbm>>
      %dma_wait3A_499 = arith.constant 0 : i32
      %dma_wait3A_500 = arith.constant 0 : i32
      %dma_wait3A_501 = tpu.memref_slice %dma_wait3A_498[%dma_wait3A_499, %dma_wait3A_500] : memref<10000x16xf32, #tpu.memory_space<hbm>> -> memref<10000x16xf32, #tpu.memory_space<hbm>>
      tpu.wait_indirect_dma semaphore(%arg23 : memref<!tpu.dma_semaphore, #tpu.memory_space<semaphore_mem>>) src(%dma_wait3A_501 : memref<10000x16xf32, #tpu.memory_space<hbm>>) dst(%dma_wait3A_491 : memref<125x16xf32, #tpu.memory_space<vmem>>)
      %dma_start3A_502 = arith.constant 7 : i32
      %dma_start3A_503 = arith.constant 0 : i32
      %dma_start3A_504 = arith.constant 0 : i32
      %dma_start3A_505 = tpu.memref_slice %arg14[%dma_start3A_502, %dma_start3A_503, %dma_start3A_504] : memref<8x125x16xf32, #tpu.memory_space<vmem>> -> memref<1x125x16xf32, #tpu.memory_space<vmem>>
      %dma_start3A_506 = tpu.memref_squeeze %dma_start3A_505 : memref<1x125x16xf32, #tpu.memory_space<vmem>> -> memref<125x16xf32, #tpu.memory_space<vmem>>
      %dma_start3A_507 = arith.constant 0 : i32
      %dma_start3A_508 = tpu.memref_slice %arg13[%add3A_486, %dma_start3A_507] : memref<80x125xi32, #tpu.memory_space<vmem>> -> memref<1x125xi32, #tpu.memory_space<vmem>>
      %dma_start3A_509 = tpu.memref_squeeze %dma_start3A_508 : memref<1x125xi32, #tpu.memory_space<vmem>> -> memref<125xi32, #tpu.memory_space<vmem>>
      %dma_start3A_510 = arith.constant 0 : i32
      %dma_start3A_511 = arith.constant 0 : i32
      %dma_start3A_512 = tpu.memref_slice %arg15[%dma_start3A_510, %dma_start3A_511] : memref<10000x16xf32, #tpu.memory_space<vmem_shared>> -> memref<10000x16xf32, #tpu.memory_space<vmem_shared>>
      tpu.enqueue_indirect_dma source(%dma_start3A_506 : memref<125x16xf32, #tpu.memory_space<vmem>>) target(%dma_start3A_512 : memref<10000x16xf32, #tpu.memory_space<vmem_shared>>) offsets(%dma_start3A_509 : memref<125xi32, #tpu.memory_space<vmem>>) semaphore(%arg31 : memref<!tpu.dma_semaphore, #tpu.memory_space<semaphore_mem>>) {add = true}
      %lt3A_513 = arith.constant 9 : i32
      %lt3A_514 = arith.cmpi slt, %scan3A_240, %lt3A_513 : i32
      %convert_element_type3A_515 = arith.extui %lt3A_514 : i1 to i32
      %cond3A_516 = arith.constant 0 : i32
      %cond3A_517 = arith.cmpi ne, %convert_element_type3A_515, %cond3A_516 : i32
      scf.if %cond3A_517 {
        %dma_wait3A_518 = arith.constant 7 : i32
        %dma_wait3A_519 = arith.constant 0 : i32
        %dma_wait3A_520 = arith.constant 0 : i32
        %dma_wait3A_521 = tpu.memref_slice %arg14[%dma_wait3A_518, %dma_wait3A_519, %dma_wait3A_520] : memref<8x125x16xf32, #tpu.memory_space<vmem>> -> memref<1x125x16xf32, #tpu.memory_space<vmem>>
        %dma_wait3A_522 = tpu.memref_squeeze %dma_wait3A_521 : memref<1x125x16xf32, #tpu.memory_space<vmem>> -> memref<125x16xf32, #tpu.memory_space<vmem>>
        %dma_wait3A_523 = arith.constant 0 : i32
        %dma_wait3A_524 = tpu.memref_slice %arg13[%add3A_486, %dma_wait3A_523] : memref<80x125xi32, #tpu.memory_space<vmem>> -> memref<1x125xi32, #tpu.memory_space<vmem>>
        %dma_wait3A_525 = tpu.memref_squeeze %dma_wait3A_524 : memref<1x125xi32, #tpu.memory_space<vmem>> -> memref<125xi32, #tpu.memory_space<vmem>>
        %dma_wait3A_526 = arith.constant 0 : i32
        %dma_wait3A_527 = arith.constant 0 : i32
        %dma_wait3A_528 = tpu.memref_slice %arg15[%dma_wait3A_526, %dma_wait3A_527] : memref<10000x16xf32, #tpu.memory_space<vmem_shared>> -> memref<10000x16xf32, #tpu.memory_space<vmem_shared>>
        tpu.wait_indirect_dma semaphore(%arg31 : memref<!tpu.dma_semaphore, #tpu.memory_space<semaphore_mem>>) src(%dma_wait3A_522 : memref<125x16xf32, #tpu.memory_space<vmem>>) dst(%dma_wait3A_528 : memref<10000x16xf32, #tpu.memory_space<vmem_shared>>)
        %add3A_529 = arith.constant 8 : i32
        %add3A_530 = arith.addi %add3A_486, %add3A_529 : i32
        %dma_start3A_531 = arith.constant 7 : i32
        %dma_start3A_532 = arith.constant 0 : i32
        %dma_start3A_533 = arith.constant 0 : i32
        %dma_start3A_534 = tpu.memref_slice %arg14[%dma_start3A_531, %dma_start3A_532, %dma_start3A_533] : memref<8x125x16xf32, #tpu.memory_space<vmem>> -> memref<1x125x16xf32, #tpu.memory_space<vmem>>
        %dma_start3A_535 = tpu.memref_squeeze %dma_start3A_534 : memref<1x125x16xf32, #tpu.memory_space<vmem>> -> memref<125x16xf32, #tpu.memory_space<vmem>>
        %dma_start3A_536 = arith.constant 0 : i32
        %dma_start3A_537 = tpu.memref_slice %arg12[%add3A_530, %dma_start3A_536] : memref<80x125xi32, #tpu.memory_space<vmem>> -> memref<1x125xi32, #tpu.memory_space<vmem>>
        %dma_start3A_538 = tpu.memref_squeeze %dma_start3A_537 : memref<1x125xi32, #tpu.memory_space<vmem>> -> memref<125xi32, #tpu.memory_space<vmem>>
        %dma_start3A_539 = arith.constant 0 : i32
        %dma_start3A_540 = arith.constant 0 : i32
        %dma_start3A_541 = tpu.memref_slice %arg7[%arg0, %dma_start3A_539, %dma_start3A_540] : memref<2x10000x16xf32, #tpu.memory_space<hbm>> -> memref<1x10000x16xf32, #tpu.memory_space<hbm>>
        %dma_start3A_542 = tpu.memref_squeeze %dma_start3A_541 : memref<1x10000x16xf32, #tpu.memory_space<hbm>> -> memref<10000x16xf32, #tpu.memory_space<hbm>>
        %dma_start3A_543 = arith.constant 0 : i32
        %dma_start3A_544 = arith.constant 0 : i32
        %dma_start3A_545 = tpu.memref_slice %dma_start3A_542[%dma_start3A_543, %dma_start3A_544] : memref<10000x16xf32, #tpu.memory_space<hbm>> -> memref<10000x16xf32, #tpu.memory_space<hbm>>
        tpu.enqueue_indirect_dma source(%dma_start3A_545 : memref<10000x16xf32, #tpu.memory_space<hbm>>) target(%dma_start3A_535 : memref<125x16xf32, #tpu.memory_space<vmem>>) offsets(%dma_start3A_538 : memref<125xi32, #tpu.memory_space<vmem>>) semaphore(%arg23 : memref<!tpu.dma_semaphore, #tpu.memory_space<semaphore_mem>>)
      } else {
      }
    }
    %scan3A_143 = arith.constant 10 : i32
    %dma_wait3A = arith.constant 0 : i32
    %dma_wait3A_144 = arith.constant 72 : i32
    %dma_wait3A_145 = arith.constant 0 : i32
    %dma_wait3A_146 = arith.constant 0 : i32
    %dma_wait3A_147 = tpu.memref_slice %arg14[%dma_wait3A, %dma_wait3A_145, %dma_wait3A_146] : memref<8x125x16xf32, #tpu.memory_space<vmem>> -> memref<1x125x16xf32, #tpu.memory_space<vmem>>
    %dma_wait3A_148 = tpu.memref_squeeze %dma_wait3A_147 : memref<1x125x16xf32, #tpu.memory_space<vmem>> -> memref<125x16xf32, #tpu.memory_space<vmem>>
    %dma_wait3A_149 = arith.constant 0 : i32
    %dma_wait3A_150 = tpu.memref_slice %arg13[%dma_wait3A_144, %dma_wait3A_149] : memref<80x125xi32, #tpu.memory_space<vmem>> -> memref<1x125xi32, #tpu.memory_space<vmem>>
    %dma_wait3A_151 = tpu.memref_squeeze %dma_wait3A_150 : memref<1x125xi32, #tpu.memory_space<vmem>> -> memref<125xi32, #tpu.memory_space<vmem>>
    %dma_wait3A_152 = arith.constant 0 : i32
    %dma_wait3A_153 = arith.constant 0 : i32
    %dma_wait3A_154 = tpu.memref_slice %arg15[%dma_wait3A_152, %dma_wait3A_153] : memref<10000x16xf32, #tpu.memory_space<vmem_shared>> -> memref<10000x16xf32, #tpu.memory_space<vmem_shared>>
    tpu.wait_indirect_dma semaphore(%arg24 : memref<!tpu.dma_semaphore, #tpu.memory_space<semaphore_mem>>) src(%dma_wait3A_148 : memref<125x16xf32, #tpu.memory_space<vmem>>) dst(%dma_wait3A_154 : memref<10000x16xf32, #tpu.memory_space<vmem_shared>>)
    %dma_wait3A_155 = arith.constant 1 : i32
    %dma_wait3A_156 = arith.constant 73 : i32
    %dma_wait3A_157 = arith.constant 0 : i32
    %dma_wait3A_158 = arith.constant 0 : i32
    %dma_wait3A_159 = tpu.memref_slice %arg14[%dma_wait3A_155, %dma_wait3A_157, %dma_wait3A_158] : memref<8x125x16xf32, #tpu.memory_space<vmem>> -> memref<1x125x16xf32, #tpu.memory_space<vmem>>
    %dma_wait3A_160 = tpu.memref_squeeze %dma_wait3A_159 : memref<1x125x16xf32, #tpu.memory_space<vmem>> -> memref<125x16xf32, #tpu.memory_space<vmem>>
    %dma_wait3A_161 = arith.constant 0 : i32
    %dma_wait3A_162 = tpu.memref_slice %arg13[%dma_wait3A_156, %dma_wait3A_161] : memref<80x125xi32, #tpu.memory_space<vmem>> -> memref<1x125xi32, #tpu.memory_space<vmem>>
    %dma_wait3A_163 = tpu.memref_squeeze %dma_wait3A_162 : memref<1x125xi32, #tpu.memory_space<vmem>> -> memref<125xi32, #tpu.memory_space<vmem>>
    %dma_wait3A_164 = arith.constant 0 : i32
    %dma_wait3A_165 = arith.constant 0 : i32
    %dma_wait3A_166 = tpu.memref_slice %arg15[%dma_wait3A_164, %dma_wait3A_165] : memref<10000x16xf32, #tpu.memory_space<vmem_shared>> -> memref<10000x16xf32, #tpu.memory_space<vmem_shared>>
    tpu.wait_indirect_dma semaphore(%arg25 : memref<!tpu.dma_semaphore, #tpu.memory_space<semaphore_mem>>) src(%dma_wait3A_160 : memref<125x16xf32, #tpu.memory_space<vmem>>) dst(%dma_wait3A_166 : memref<10000x16xf32, #tpu.memory_space<vmem_shared>>)
    %dma_wait3A_167 = arith.constant 2 : i32
    %dma_wait3A_168 = arith.constant 74 : i32
    %dma_wait3A_169 = arith.constant 0 : i32
    %dma_wait3A_170 = arith.constant 0 : i32
    %dma_wait3A_171 = tpu.memref_slice %arg14[%dma_wait3A_167, %dma_wait3A_169, %dma_wait3A_170] : memref<8x125x16xf32, #tpu.memory_space<vmem>> -> memref<1x125x16xf32, #tpu.memory_space<vmem>>
    %dma_wait3A_172 = tpu.memref_squeeze %dma_wait3A_171 : memref<1x125x16xf32, #tpu.memory_space<vmem>> -> memref<125x16xf32, #tpu.memory_space<vmem>>
    %dma_wait3A_173 = arith.constant 0 : i32
    %dma_wait3A_174 = tpu.memref_slice %arg13[%dma_wait3A_168, %dma_wait3A_173] : memref<80x125xi32, #tpu.memory_space<vmem>> -> memref<1x125xi32, #tpu.memory_space<vmem>>
    %dma_wait3A_175 = tpu.memref_squeeze %dma_wait3A_174 : memref<1x125xi32, #tpu.memory_space<vmem>> -> memref<125xi32, #tpu.memory_space<vmem>>
    %dma_wait3A_176 = arith.constant 0 : i32
    %dma_wait3A_177 = arith.constant 0 : i32
    %dma_wait3A_178 = tpu.memref_slice %arg15[%dma_wait3A_176, %dma_wait3A_177] : memref<10000x16xf32, #tpu.memory_space<vmem_shared>> -> memref<10000x16xf32, #tpu.memory_space<vmem_shared>>
    tpu.wait_indirect_dma semaphore(%arg26 : memref<!tpu.dma_semaphore, #tpu.memory_space<semaphore_mem>>) src(%dma_wait3A_172 : memref<125x16xf32, #tpu.memory_space<vmem>>) dst(%dma_wait3A_178 : memref<10000x16xf32, #tpu.memory_space<vmem_shared>>)
    %dma_wait3A_179 = arith.constant 3 : i32
    %dma_wait3A_180 = arith.constant 75 : i32
    %dma_wait3A_181 = arith.constant 0 : i32
    %dma_wait3A_182 = arith.constant 0 : i32
    %dma_wait3A_183 = tpu.memref_slice %arg14[%dma_wait3A_179, %dma_wait3A_181, %dma_wait3A_182] : memref<8x125x16xf32, #tpu.memory_space<vmem>> -> memref<1x125x16xf32, #tpu.memory_space<vmem>>
    %dma_wait3A_184 = tpu.memref_squeeze %dma_wait3A_183 : memref<1x125x16xf32, #tpu.memory_space<vmem>> -> memref<125x16xf32, #tpu.memory_space<vmem>>
    %dma_wait3A_185 = arith.constant 0 : i32
    %dma_wait3A_186 = tpu.memref_slice %arg13[%dma_wait3A_180, %dma_wait3A_185] : memref<80x125xi32, #tpu.memory_space<vmem>> -> memref<1x125xi32, #tpu.memory_space<vmem>>
    %dma_wait3A_187 = tpu.memref_squeeze %dma_wait3A_186 : memref<1x125xi32, #tpu.memory_space<vmem>> -> memref<125xi32, #tpu.memory_space<vmem>>
    %dma_wait3A_188 = arith.constant 0 : i32
    %dma_wait3A_189 = arith.constant 0 : i32
    %dma_wait3A_190 = tpu.memref_slice %arg15[%dma_wait3A_188, %dma_wait3A_189] : memref<10000x16xf32, #tpu.memory_space<vmem_shared>> -> memref<10000x16xf32, #tpu.memory_space<vmem_shared>>
    tpu.wait_indirect_dma semaphore(%arg27 : memref<!tpu.dma_semaphore, #tpu.memory_space<semaphore_mem>>) src(%dma_wait3A_184 : memref<125x16xf32, #tpu.memory_space<vmem>>) dst(%dma_wait3A_190 : memref<10000x16xf32, #tpu.memory_space<vmem_shared>>)
    %dma_wait3A_191 = arith.constant 4 : i32
    %dma_wait3A_192 = arith.constant 76 : i32
    %dma_wait3A_193 = arith.constant 0 : i32
    %dma_wait3A_194 = arith.constant 0 : i32
    %dma_wait3A_195 = tpu.memref_slice %arg14[%dma_wait3A_191, %dma_wait3A_193, %dma_wait3A_194] : memref<8x125x16xf32, #tpu.memory_space<vmem>> -> memref<1x125x16xf32, #tpu.memory_space<vmem>>
    %dma_wait3A_196 = tpu.memref_squeeze %dma_wait3A_195 : memref<1x125x16xf32, #tpu.memory_space<vmem>> -> memref<125x16xf32, #tpu.memory_space<vmem>>
    %dma_wait3A_197 = arith.constant 0 : i32
    %dma_wait3A_198 = tpu.memref_slice %arg13[%dma_wait3A_192, %dma_wait3A_197] : memref<80x125xi32, #tpu.memory_space<vmem>> -> memref<1x125xi32, #tpu.memory_space<vmem>>
    %dma_wait3A_199 = tpu.memref_squeeze %dma_wait3A_198 : memref<1x125xi32, #tpu.memory_space<vmem>> -> memref<125xi32, #tpu.memory_space<vmem>>
    %dma_wait3A_200 = arith.constant 0 : i32
    %dma_wait3A_201 = arith.constant 0 : i32
    %dma_wait3A_202 = tpu.memref_slice %arg15[%dma_wait3A_200, %dma_wait3A_201] : memref<10000x16xf32, #tpu.memory_space<vmem_shared>> -> memref<10000x16xf32, #tpu.memory_space<vmem_shared>>
    tpu.wait_indirect_dma semaphore(%arg28 : memref<!tpu.dma_semaphore, #tpu.memory_space<semaphore_mem>>) src(%dma_wait3A_196 : memref<125x16xf32, #tpu.memory_space<vmem>>) dst(%dma_wait3A_202 : memref<10000x16xf32, #tpu.memory_space<vmem_shared>>)
    %dma_wait3A_203 = arith.constant 5 : i32
    %dma_wait3A_204 = arith.constant 77 : i32
    %dma_wait3A_205 = arith.constant 0 : i32
    %dma_wait3A_206 = arith.constant 0 : i32
    %dma_wait3A_207 = tpu.memref_slice %arg14[%dma_wait3A_203, %dma_wait3A_205, %dma_wait3A_206] : memref<8x125x16xf32, #tpu.memory_space<vmem>> -> memref<1x125x16xf32, #tpu.memory_space<vmem>>
    %dma_wait3A_208 = tpu.memref_squeeze %dma_wait3A_207 : memref<1x125x16xf32, #tpu.memory_space<vmem>> -> memref<125x16xf32, #tpu.memory_space<vmem>>
    %dma_wait3A_209 = arith.constant 0 : i32
    %dma_wait3A_210 = tpu.memref_slice %arg13[%dma_wait3A_204, %dma_wait3A_209] : memref<80x125xi32, #tpu.memory_space<vmem>> -> memref<1x125xi32, #tpu.memory_space<vmem>>
    %dma_wait3A_211 = tpu.memref_squeeze %dma_wait3A_210 : memref<1x125xi32, #tpu.memory_space<vmem>> -> memref<125xi32, #tpu.memory_space<vmem>>
    %dma_wait3A_212 = arith.constant 0 : i32
    %dma_wait3A_213 = arith.constant 0 : i32
    %dma_wait3A_214 = tpu.memref_slice %arg15[%dma_wait3A_212, %dma_wait3A_213] : memref<10000x16xf32, #tpu.memory_space<vmem_shared>> -> memref<10000x16xf32, #tpu.memory_space<vmem_shared>>
    tpu.wait_indirect_dma semaphore(%arg29 : memref<!tpu.dma_semaphore, #tpu.memory_space<semaphore_mem>>) src(%dma_wait3A_208 : memref<125x16xf32, #tpu.memory_space<vmem>>) dst(%dma_wait3A_214 : memref<10000x16xf32, #tpu.memory_space<vmem_shared>>)
    %dma_wait3A_215 = arith.constant 6 : i32
    %dma_wait3A_216 = arith.constant 78 : i32
    %dma_wait3A_217 = arith.constant 0 : i32
    %dma_wait3A_218 = arith.constant 0 : i32
    %dma_wait3A_219 = tpu.memref_slice %arg14[%dma_wait3A_215, %dma_wait3A_217, %dma_wait3A_218] : memref<8x125x16xf32, #tpu.memory_space<vmem>> -> memref<1x125x16xf32, #tpu.memory_space<vmem>>
    %dma_wait3A_220 = tpu.memref_squeeze %dma_wait3A_219 : memref<1x125x16xf32, #tpu.memory_space<vmem>> -> memref<125x16xf32, #tpu.memory_space<vmem>>
    %dma_wait3A_221 = arith.constant 0 : i32
    %dma_wait3A_222 = tpu.memref_slice %arg13[%dma_wait3A_216, %dma_wait3A_221] : memref<80x125xi32, #tpu.memory_space<vmem>> -> memref<1x125xi32, #tpu.memory_space<vmem>>
    %dma_wait3A_223 = tpu.memref_squeeze %dma_wait3A_222 : memref<1x125xi32, #tpu.memory_space<vmem>> -> memref<125xi32, #tpu.memory_space<vmem>>
    %dma_wait3A_224 = arith.constant 0 : i32
    %dma_wait3A_225 = arith.constant 0 : i32
    %dma_wait3A_226 = tpu.memref_slice %arg15[%dma_wait3A_224, %dma_wait3A_225] : memref<10000x16xf32, #tpu.memory_space<vmem_shared>> -> memref<10000x16xf32, #tpu.memory_space<vmem_shared>>
    tpu.wait_indirect_dma semaphore(%arg30 : memref<!tpu.dma_semaphore, #tpu.memory_space<semaphore_mem>>) src(%dma_wait3A_220 : memref<125x16xf32, #tpu.memory_space<vmem>>) dst(%dma_wait3A_226 : memref<10000x16xf32, #tpu.memory_space<vmem_shared>>)
    %dma_wait3A_227 = arith.constant 7 : i32
    %dma_wait3A_228 = arith.constant 79 : i32
    %dma_wait3A_229 = arith.constant 0 : i32
    %dma_wait3A_230 = arith.constant 0 : i32
    %dma_wait3A_231 = tpu.memref_slice %arg14[%dma_wait3A_227, %dma_wait3A_229, %dma_wait3A_230] : memref<8x125x16xf32, #tpu.memory_space<vmem>> -> memref<1x125x16xf32, #tpu.memory_space<vmem>>
    %dma_wait3A_232 = tpu.memref_squeeze %dma_wait3A_231 : memref<1x125x16xf32, #tpu.memory_space<vmem>> -> memref<125x16xf32, #tpu.memory_space<vmem>>
    %dma_wait3A_233 = arith.constant 0 : i32
    %dma_wait3A_234 = tpu.memref_slice %arg13[%dma_wait3A_228, %dma_wait3A_233] : memref<80x125xi32, #tpu.memory_space<vmem>> -> memref<1x125xi32, #tpu.memory_space<vmem>>
    %dma_wait3A_235 = tpu.memref_squeeze %dma_wait3A_234 : memref<1x125xi32, #tpu.memory_space<vmem>> -> memref<125xi32, #tpu.memory_space<vmem>>
    %dma_wait3A_236 = arith.constant 0 : i32
    %dma_wait3A_237 = arith.constant 0 : i32
    %dma_wait3A_238 = tpu.memref_slice %arg15[%dma_wait3A_236, %dma_wait3A_237] : memref<10000x16xf32, #tpu.memory_space<vmem_shared>> -> memref<10000x16xf32, #tpu.memory_space<vmem_shared>>
    tpu.wait_indirect_dma semaphore(%arg31 : memref<!tpu.dma_semaphore, #tpu.memory_space<semaphore_mem>>) src(%dma_wait3A_232 : memref<125x16xf32, #tpu.memory_space<vmem>>) dst(%dma_wait3A_238 : memref<10000x16xf32, #tpu.memory_space<vmem_shared>>)
    %barrier3A_239 = arith.constant 0 : index
    tpu.barrier barrier_id(%barrier3A_239)
    "tpu.region"() ({
      %run_scoped3A_240 = tpu.sem_alloc : memref<!tpu.dma_semaphore, #tpu.memory_space<semaphore_mem>>
      %dma_start3A_241 = arith.constant 0 : i32
      %dma_start3A_242 = tpu.memref_slice %arg8[%arg0, %mul3A_0, %dma_start3A_241] : memref<2x10000x16xf32, #tpu.memory_space<hbm>> -> memref<1x640x16xf32, #tpu.memory_space<hbm>>
      %dma_start3A_243 = tpu.memref_squeeze %dma_start3A_242 : memref<1x640x16xf32, #tpu.memory_space<hbm>> -> memref<640x16xf32, #tpu.memory_space<hbm>>
      %dma_start3A_244 = arith.constant 0 : i32
      %dma_start3A_245 = tpu.memref_slice %arg15[%mul3A_0, %dma_start3A_244] : memref<10000x16xf32, #tpu.memory_space<vmem_shared>> -> memref<640x16xf32, #tpu.memory_space<vmem_shared>>
      tpu.enqueue_dma source(%dma_start3A_245 : memref<640x16xf32, #tpu.memory_space<vmem_shared>>) target(%dma_start3A_243 : memref<640x16xf32, #tpu.memory_space<hbm>>) target_semaphore(%run_scoped3A_240 : memref<!tpu.dma_semaphore, #tpu.memory_space<semaphore_mem>>)
      %dma_wait3A_246 = arith.constant 0 : i32
      %dma_wait3A_247 = tpu.memref_slice %arg8[%arg0, %mul3A_0, %dma_wait3A_246] : memref<2x10000x16xf32, #tpu.memory_space<hbm>> -> memref<1x640x16xf32, #tpu.memory_space<hbm>>
      %dma_wait3A_248 = tpu.memref_squeeze %dma_wait3A_247 : memref<1x640x16xf32, #tpu.memory_space<hbm>> -> memref<640x16xf32, #tpu.memory_space<hbm>>
      %dma_wait3A_249 = arith.constant 0 : i32
      %dma_wait3A_250 = tpu.memref_slice %arg15[%mul3A_0, %dma_wait3A_249] : memref<10000x16xf32, #tpu.memory_space<vmem_shared>> -> memref<640x16xf32, #tpu.memory_space<vmem_shared>>
      tpu.wait_dma2 semaphore(%run_scoped3A_240 : memref<!tpu.dma_semaphore, #tpu.memory_space<semaphore_mem>>) src(%dma_wait3A_250 : memref<640x16xf32, #tpu.memory_space<vmem_shared>>) dst(%dma_wait3A_248 : memref<640x16xf32, #tpu.memory_space<hbm>>)
      tpu.yield
    }) : () -> ()
    return
  }
}

#map = affine_map<(d0, d1) -> (0, 0)>
#map1 = affine_map<(d0, d1) -> (0)>
module attributes {stable_mosaic.version = 14 : i64} {
  func.func @_deg_sc(%arg0: i32, %arg1: i32, %arg2: memref<2560x125xi32, #tpu.memory_space<hbm>>, %arg3: memref<10000xf32, #tpu.memory_space<hbm>>, %arg4: memref<2x10000xf32, #tpu.memory_space<hbm>>, %arg5: memref<80x125xi32, #tpu.memory_space<vmem>>, %arg6: memref<128xf32, #tpu.memory_space<vmem>>, %arg7: memref<10000xf32, #tpu.memory_space<vmem_shared>>, %arg8: memref<!tpu.dma_semaphore, #tpu.memory_space<semaphore_mem>>) attributes {dimension_semantics = [#tpu.dimension_semantics<core_parallel>, #tpu.dimension_semantics<subcore_parallel>], iteration_bounds = array<i64: 2, 16>, scalar_prefetch = 0 : i64, scratch_operands = 4 : i64, tpu.core_type = #tpu.core_type<sc_vector_subcore>, window_params = [{transform_indices = #map}, {transform_indices = #map1}, {transform_indices = #map}]} {
    %broadcast_in_dim3A = arith.constant 1.000000e+00 : f32
    %broadcast_in_dim3A_0 = vector.broadcast %broadcast_in_dim3A : f32 to vector<16xf32>
    %swap3A = arith.constant 0 : index
    %swap3A_1 = tpu.vector_load %arg6[%swap3A] {strides = array<i32>} : memref<128xf32, #tpu.memory_space<vmem>>, vector<16xf32>,
    %swap3A_2 = vector.shape_cast %swap3A_1 : vector<16xf32> to vector<16xf32>
    %swap3A_3 = vector.shape_cast %broadcast_in_dim3A_0 : vector<16xf32> to vector<16xf32>
    tpu.vector_store %arg6[%swap3A], %swap3A_3 {strides = array<i32>} : memref<128xf32, #tpu.memory_space<vmem>>, vector<16xf32>,
    %broadcast_in_dim3A_4 = arith.constant 1.000000e+00 : f32
    %broadcast_in_dim3A_5 = vector.broadcast %broadcast_in_dim3A_4 : f32 to vector<16xf32>
    %swap3A_6 = arith.constant 16 : index
    %swap3A_7 = tpu.vector_load %arg6[%swap3A_6] {strides = array<i32>} : memref<128xf32, #tpu.memory_space<vmem>>, vector<16xf32>,
    %swap3A_8 = vector.shape_cast %swap3A_7 : vector<16xf32> to vector<16xf32>
    %swap3A_9 = vector.shape_cast %broadcast_in_dim3A_5 : vector<16xf32> to vector<16xf32>
    tpu.vector_store %arg6[%swap3A_6], %swap3A_9 {strides = array<i32>} : memref<128xf32, #tpu.memory_space<vmem>>, vector<16xf32>,
    %broadcast_in_dim3A_10 = arith.constant 1.000000e+00 : f32
    %broadcast_in_dim3A_11 = vector.broadcast %broadcast_in_dim3A_10 : f32 to vector<16xf32>
    %swap3A_12 = arith.constant 32 : index
    %swap3A_13 = tpu.vector_load %arg6[%swap3A_12] {strides = array<i32>} : memref<128xf32, #tpu.memory_space<vmem>>, vector<16xf32>,
    %swap3A_14 = vector.shape_cast %swap3A_13 : vector<16xf32> to vector<16xf32>
    %swap3A_15 = vector.shape_cast %broadcast_in_dim3A_11 : vector<16xf32> to vector<16xf32>
    tpu.vector_store %arg6[%swap3A_12], %swap3A_15 {strides = array<i32>} : memref<128xf32, #tpu.memory_space<vmem>>, vector<16xf32>,
    %broadcast_in_dim3A_16 = arith.constant 1.000000e+00 : f32
    %broadcast_in_dim3A_17 = vector.broadcast %broadcast_in_dim3A_16 : f32 to vector<16xf32>
    %swap3A_18 = arith.constant 48 : index
    %swap3A_19 = tpu.vector_load %arg6[%swap3A_18] {strides = array<i32>} : memref<128xf32, #tpu.memory_space<vmem>>, vector<16xf32>,
    %swap3A_20 = vector.shape_cast %swap3A_19 : vector<16xf32> to vector<16xf32>
    %swap3A_21 = vector.shape_cast %broadcast_in_dim3A_17 : vector<16xf32> to vector<16xf32>
    tpu.vector_store %arg6[%swap3A_18], %swap3A_21 {strides = array<i32>} : memref<128xf32, #tpu.memory_space<vmem>>, vector<16xf32>,
    %broadcast_in_dim3A_22 = arith.constant 1.000000e+00 : f32
    %broadcast_in_dim3A_23 = vector.broadcast %broadcast_in_dim3A_22 : f32 to vector<16xf32>
    %swap3A_24 = arith.constant 64 : index
    %swap3A_25 = tpu.vector_load %arg6[%swap3A_24] {strides = array<i32>} : memref<128xf32, #tpu.memory_space<vmem>>, vector<16xf32>,
    %swap3A_26 = vector.shape_cast %swap3A_25 : vector<16xf32> to vector<16xf32>
    %swap3A_27 = vector.shape_cast %broadcast_in_dim3A_23 : vector<16xf32> to vector<16xf32>
    tpu.vector_store %arg6[%swap3A_24], %swap3A_27 {strides = array<i32>} : memref<128xf32, #tpu.memory_space<vmem>>, vector<16xf32>,
    %broadcast_in_dim3A_28 = arith.constant 1.000000e+00 : f32
    %broadcast_in_dim3A_29 = vector.broadcast %broadcast_in_dim3A_28 : f32 to vector<16xf32>
    %swap3A_30 = arith.constant 80 : index
    %swap3A_31 = tpu.vector_load %arg6[%swap3A_30] {strides = array<i32>} : memref<128xf32, #tpu.memory_space<vmem>>, vector<16xf32>,
    %swap3A_32 = vector.shape_cast %swap3A_31 : vector<16xf32> to vector<16xf32>
    %swap3A_33 = vector.shape_cast %broadcast_in_dim3A_29 : vector<16xf32> to vector<16xf32>
    tpu.vector_store %arg6[%swap3A_30], %swap3A_33 {strides = array<i32>} : memref<128xf32, #tpu.memory_space<vmem>>, vector<16xf32>,
    %broadcast_in_dim3A_34 = arith.constant 1.000000e+00 : f32
    %broadcast_in_dim3A_35 = vector.broadcast %broadcast_in_dim3A_34 : f32 to vector<16xf32>
    %swap3A_36 = arith.constant 96 : index
    %swap3A_37 = tpu.vector_load %arg6[%swap3A_36] {strides = array<i32>} : memref<128xf32, #tpu.memory_space<vmem>>, vector<16xf32>,
    %swap3A_38 = vector.shape_cast %swap3A_37 : vector<16xf32> to vector<16xf32>
    %swap3A_39 = vector.shape_cast %broadcast_in_dim3A_35 : vector<16xf32> to vector<16xf32>
    tpu.vector_store %arg6[%swap3A_36], %swap3A_39 {strides = array<i32>} : memref<128xf32, #tpu.memory_space<vmem>>, vector<16xf32>,
    %broadcast_in_dim3A_40 = arith.constant 1.000000e+00 : f32
    %broadcast_in_dim3A_41 = vector.broadcast %broadcast_in_dim3A_40 : f32 to vector<16xf32>
    %swap3A_42 = arith.constant 112 : index
    %swap3A_43 = tpu.vector_load %arg6[%swap3A_42] {strides = array<i32>} : memref<128xf32, #tpu.memory_space<vmem>>, vector<16xf32>,
    %swap3A_44 = vector.shape_cast %swap3A_43 : vector<16xf32> to vector<16xf32>
    %swap3A_45 = vector.shape_cast %broadcast_in_dim3A_41 : vector<16xf32> to vector<16xf32>
    tpu.vector_store %arg6[%swap3A_42], %swap3A_45 {strides = array<i32>} : memref<128xf32, #tpu.memory_space<vmem>>, vector<16xf32>,
    %eq3A = arith.constant 0 : i32
    %eq3A_46 = arith.cmpi eq, %arg1, %eq3A : i32
    %convert_element_type3A = arith.extui %eq3A_46 : i1 to i32
    %cond3A = arith.constant 0 : i32
    %cond3A_47 = arith.cmpi ne, %convert_element_type3A, %cond3A : i32
    scf.if %cond3A_47 {
      "tpu.region"() ({
        %run_scoped3A = tpu.sem_alloc : memref<!tpu.dma_semaphore, #tpu.memory_space<semaphore_mem>>
        tpu.enqueue_dma source(%arg3 : memref<10000xf32, #tpu.memory_space<hbm>>) target(%arg7 : memref<10000xf32, #tpu.memory_space<vmem_shared>>) target_semaphore(%run_scoped3A : memref<!tpu.dma_semaphore, #tpu.memory_space<semaphore_mem>>)
        tpu.wait_dma2 semaphore(%run_scoped3A : memref<!tpu.dma_semaphore, #tpu.memory_space<semaphore_mem>>) src(%arg3 : memref<10000xf32, #tpu.memory_space<hbm>>) dst(%arg7 : memref<10000xf32, #tpu.memory_space<vmem_shared>>)
        tpu.yield
      }) : () -> ()
    } else {
    }
    %barrier3A = arith.constant 0 : index
    tpu.barrier barrier_id(%barrier3A)
    %mul3A = arith.constant 16 : i32
    %mul3A_48 = arith.muli %arg0, %mul3A : i32
    %add3A = arith.addi %mul3A_48, %arg1 : i32
    %mul3A_49 = arith.constant 80 : i32
    %mul3A_50 = arith.muli %add3A, %mul3A_49 : i32
    "tpu.region"() ({
      %run_scoped3A = tpu.sem_alloc : memref<!tpu.dma_semaphore, #tpu.memory_space<semaphore_mem>>
      %dma_start3A = arith.constant 0 : i32
      %dma_start3A_125 = tpu.memref_slice %arg2[%mul3A_50, %dma_start3A] : memref<2560x125xi32, #tpu.memory_space<hbm>> -> memref<80x125xi32, #tpu.memory_space<hbm>>
      %dma_start3A_126 = arith.constant 0 : i32
      %dma_start3A_127 = tpu.memref_slice %arg2[%mul3A_50, %dma_start3A_126] : memref<2560x125xi32, #tpu.memory_space<hbm>> -> memref<80x125xi32, #tpu.memory_space<hbm>>
      tpu.enqueue_dma source(%dma_start3A_127 : memref<80x125xi32, #tpu.memory_space<hbm>>) target(%arg5 : memref<80x125xi32, #tpu.memory_space<vmem>>) target_semaphore(%run_scoped3A : memref<!tpu.dma_semaphore, #tpu.memory_space<semaphore_mem>>)
      %dma_wait3A_128 = arith.constant 0 : i32
      %dma_wait3A_129 = tpu.memref_slice %arg2[%mul3A_50, %dma_wait3A_128] : memref<2560x125xi32, #tpu.memory_space<hbm>> -> memref<80x125xi32, #tpu.memory_space<hbm>>
      %dma_wait3A_130 = arith.constant 0 : i32
      %dma_wait3A_131 = tpu.memref_slice %arg2[%mul3A_50, %dma_wait3A_130] : memref<2560x125xi32, #tpu.memory_space<hbm>> -> memref<80x125xi32, #tpu.memory_space<hbm>>
      tpu.wait_dma2 semaphore(%run_scoped3A : memref<!tpu.dma_semaphore, #tpu.memory_space<semaphore_mem>>) src(%dma_wait3A_131 : memref<80x125xi32, #tpu.memory_space<hbm>>) dst(%arg5 : memref<80x125xi32, #tpu.memory_space<vmem>>)
      tpu.yield
    }) : () -> ()
    %scan3A = arith.constant 0 : i32
    %scan3A_51 = arith.constant 0 : i32
    %scan3A_52 = arith.constant 80 : i32
    %scan3A_53 = arith.addi %scan3A_51, %scan3A_52 : i32
    %scan3A_54 = arith.constant 1 : i32
    scf.for %scan3A_125 = %scan3A_51 to %scan3A_53 step %scan3A_54  : i32 {
      %dma_start3A = arith.constant 0 : i32
      %dma_start3A_126 = tpu.memref_slice %arg6[%dma_start3A] : memref<128xf32, #tpu.memory_space<vmem>> -> memref<125xf32, #tpu.memory_space<vmem>>
      %dma_start3A_127 = arith.constant 0 : i32
      %dma_start3A_128 = tpu.memref_slice %arg5[%scan3A_125, %dma_start3A_127] : memref<80x125xi32, #tpu.memory_space<vmem>> -> memref<1x125xi32, #tpu.memory_space<vmem>>
      %dma_start3A_129 = tpu.memref_squeeze %dma_start3A_128 : memref<1x125xi32, #tpu.memory_space<vmem>> -> memref<125xi32, #tpu.memory_space<vmem>>
      %dma_start3A_130 = arith.constant 0 : i32
      %dma_start3A_131 = tpu.memref_slice %arg7[%dma_start3A_130] : memref<10000xf32, #tpu.memory_space<vmem_shared>> -> memref<10000xf32, #tpu.memory_space<vmem_shared>>
      tpu.enqueue_indirect_dma source(%dma_start3A_126 : memref<125xf32, #tpu.memory_space<vmem>>) target(%dma_start3A_131 : memref<10000xf32, #tpu.memory_space<vmem_shared>>) offsets(%dma_start3A_129 : memref<125xi32, #tpu.memory_space<vmem>>) semaphore(%arg8 : memref<!tpu.dma_semaphore, #tpu.memory_space<semaphore_mem>>) {add = true}
      %ge3A = arith.constant 8 : i32
      %ge3A_132 = arith.cmpi sge, %scan3A_125, %ge3A : i32
      %convert_element_type3A_133 = arith.extui %ge3A_132 : i1 to i32
      %cond3A_134 = arith.constant 0 : i32
      %cond3A_135 = arith.cmpi ne, %convert_element_type3A_133, %cond3A_134 : i32
      scf.if %cond3A_135 {
        %dma_wait3A_136 = arith.constant 0 : i32
        %dma_wait3A_137 = tpu.memref_slice %arg6[%dma_wait3A_136] : memref<128xf32, #tpu.memory_space<vmem>> -> memref<125xf32, #tpu.memory_space<vmem>>
        %dma_wait3A_138 = arith.constant 0 : i32
        %dma_wait3A_139 = tpu.memref_slice %arg5[%scan3A_125, %dma_wait3A_138] : memref<80x125xi32, #tpu.memory_space<vmem>> -> memref<1x125xi32, #tpu.memory_space<vmem>>
        %dma_wait3A_140 = tpu.memref_squeeze %dma_wait3A_139 : memref<1x125xi32, #tpu.memory_space<vmem>> -> memref<125xi32, #tpu.memory_space<vmem>>
        %dma_wait3A_141 = arith.constant 0 : i32
        %dma_wait3A_142 = tpu.memref_slice %arg7[%dma_wait3A_141] : memref<10000xf32, #tpu.memory_space<vmem_shared>> -> memref<10000xf32, #tpu.memory_space<vmem_shared>>
        tpu.wait_indirect_dma semaphore(%arg8 : memref<!tpu.dma_semaphore, #tpu.memory_space<semaphore_mem>>) src(%dma_wait3A_137 : memref<125xf32, #tpu.memory_space<vmem>>) dst(%dma_wait3A_142 : memref<10000xf32, #tpu.memory_space<vmem_shared>>)
      } else {
      }
    }
    %scan3A_55 = arith.constant 80 : i32
    %dma_wait3A = arith.constant 0 : i32
    %dma_wait3A_56 = arith.constant 0 : i32
    %dma_wait3A_57 = tpu.memref_slice %arg6[%dma_wait3A_56] : memref<128xf32, #tpu.memory_space<vmem>> -> memref<125xf32, #tpu.memory_space<vmem>>
    %dma_wait3A_58 = arith.constant 0 : i32
    %dma_wait3A_59 = tpu.memref_slice %arg5[%dma_wait3A, %dma_wait3A_58] : memref<80x125xi32, #tpu.memory_space<vmem>> -> memref<1x125xi32, #tpu.memory_space<vmem>>
    %dma_wait3A_60 = tpu.memref_squeeze %dma_wait3A_59 : memref<1x125xi32, #tpu.memory_space<vmem>> -> memref<125xi32, #tpu.memory_space<vmem>>
    %dma_wait3A_61 = arith.constant 0 : i32
    %dma_wait3A_62 = tpu.memref_slice %arg7[%dma_wait3A_61] : memref<10000xf32, #tpu.memory_space<vmem_shared>> -> memref<10000xf32, #tpu.memory_space<vmem_shared>>
    tpu.wait_indirect_dma semaphore(%arg8 : memref<!tpu.dma_semaphore, #tpu.memory_space<semaphore_mem>>) src(%dma_wait3A_57 : memref<125xf32, #tpu.memory_space<vmem>>) dst(%dma_wait3A_62 : memref<10000xf32, #tpu.memory_space<vmem_shared>>)
    %dma_wait3A_63 = arith.constant 0 : i32
    %dma_wait3A_64 = arith.constant 0 : i32
    %dma_wait3A_65 = tpu.memref_slice %arg6[%dma_wait3A_64] : memref<128xf32, #tpu.memory_space<vmem>> -> memref<125xf32, #tpu.memory_space<vmem>>
    %dma_wait3A_66 = arith.constant 0 : i32
    %dma_wait3A_67 = tpu.memref_slice %arg5[%dma_wait3A_63, %dma_wait3A_66] : memref<80x125xi32, #tpu.memory_space<vmem>> -> memref<1x125xi32, #tpu.memory_space<vmem>>
    %dma_wait3A_68 = tpu.memref_squeeze %dma_wait3A_67 : memref<1x125xi32, #tpu.memory_space<vmem>> -> memref<125xi32, #tpu.memory_space<vmem>>
    %dma_wait3A_69 = arith.constant 0 : i32
    %dma_wait3A_70 = tpu.memref_slice %arg7[%dma_wait3A_69] : memref<10000xf32, #tpu.memory_space<vmem_shared>> -> memref<10000xf32, #tpu.memory_space<vmem_shared>>
    tpu.wait_indirect_dma semaphore(%arg8 : memref<!tpu.dma_semaphore, #tpu.memory_space<semaphore_mem>>) src(%dma_wait3A_65 : memref<125xf32, #tpu.memory_space<vmem>>) dst(%dma_wait3A_70 : memref<10000xf32, #tpu.memory_space<vmem_shared>>)
    %dma_wait3A_71 = arith.constant 0 : i32
    %dma_wait3A_72 = arith.constant 0 : i32
    %dma_wait3A_73 = tpu.memref_slice %arg6[%dma_wait3A_72] : memref<128xf32, #tpu.memory_space<vmem>> -> memref<125xf32, #tpu.memory_space<vmem>>
    %dma_wait3A_74 = arith.constant 0 : i32
    %dma_wait3A_75 = tpu.memref_slice %arg5[%dma_wait3A_71, %dma_wait3A_74] : memref<80x125xi32, #tpu.memory_space<vmem>> -> memref<1x125xi32, #tpu.memory_space<vmem>>
    %dma_wait3A_76 = tpu.memref_squeeze %dma_wait3A_75 : memref<1x125xi32, #tpu.memory_space<vmem>> -> memref<125xi32, #tpu.memory_space<vmem>>
    %dma_wait3A_77 = arith.constant 0 : i32
    %dma_wait3A_78 = tpu.memref_slice %arg7[%dma_wait3A_77] : memref<10000xf32, #tpu.memory_space<vmem_shared>> -> memref<10000xf32, #tpu.memory_space<vmem_shared>>
    tpu.wait_indirect_dma semaphore(%arg8 : memref<!tpu.dma_semaphore, #tpu.memory_space<semaphore_mem>>) src(%dma_wait3A_73 : memref<125xf32, #tpu.memory_space<vmem>>) dst(%dma_wait3A_78 : memref<10000xf32, #tpu.memory_space<vmem_shared>>)
    %dma_wait3A_79 = arith.constant 0 : i32
    %dma_wait3A_80 = arith.constant 0 : i32
    %dma_wait3A_81 = tpu.memref_slice %arg6[%dma_wait3A_80] : memref<128xf32, #tpu.memory_space<vmem>> -> memref<125xf32, #tpu.memory_space<vmem>>
    %dma_wait3A_82 = arith.constant 0 : i32
    %dma_wait3A_83 = tpu.memref_slice %arg5[%dma_wait3A_79, %dma_wait3A_82] : memref<80x125xi32, #tpu.memory_space<vmem>> -> memref<1x125xi32, #tpu.memory_space<vmem>>
    %dma_wait3A_84 = tpu.memref_squeeze %dma_wait3A_83 : memref<1x125xi32, #tpu.memory_space<vmem>> -> memref<125xi32, #tpu.memory_space<vmem>>
    %dma_wait3A_85 = arith.constant 0 : i32
    %dma_wait3A_86 = tpu.memref_slice %arg7[%dma_wait3A_85] : memref<10000xf32, #tpu.memory_space<vmem_shared>> -> memref<10000xf32, #tpu.memory_space<vmem_shared>>
    tpu.wait_indirect_dma semaphore(%arg8 : memref<!tpu.dma_semaphore, #tpu.memory_space<semaphore_mem>>) src(%dma_wait3A_81 : memref<125xf32, #tpu.memory_space<vmem>>) dst(%dma_wait3A_86 : memref<10000xf32, #tpu.memory_space<vmem_shared>>)
    %dma_wait3A_87 = arith.constant 0 : i32
    %dma_wait3A_88 = arith.constant 0 : i32
    %dma_wait3A_89 = tpu.memref_slice %arg6[%dma_wait3A_88] : memref<128xf32, #tpu.memory_space<vmem>> -> memref<125xf32, #tpu.memory_space<vmem>>
    %dma_wait3A_90 = arith.constant 0 : i32
    %dma_wait3A_91 = tpu.memref_slice %arg5[%dma_wait3A_87, %dma_wait3A_90] : memref<80x125xi32, #tpu.memory_space<vmem>> -> memref<1x125xi32, #tpu.memory_space<vmem>>
    %dma_wait3A_92 = tpu.memref_squeeze %dma_wait3A_91 : memref<1x125xi32, #tpu.memory_space<vmem>> -> memref<125xi32, #tpu.memory_space<vmem>>
    %dma_wait3A_93 = arith.constant 0 : i32
    %dma_wait3A_94 = tpu.memref_slice %arg7[%dma_wait3A_93] : memref<10000xf32, #tpu.memory_space<vmem_shared>> -> memref<10000xf32, #tpu.memory_space<vmem_shared>>
    tpu.wait_indirect_dma semaphore(%arg8 : memref<!tpu.dma_semaphore, #tpu.memory_space<semaphore_mem>>) src(%dma_wait3A_89 : memref<125xf32, #tpu.memory_space<vmem>>) dst(%dma_wait3A_94 : memref<10000xf32, #tpu.memory_space<vmem_shared>>)
    %dma_wait3A_95 = arith.constant 0 : i32
    %dma_wait3A_96 = arith.constant 0 : i32
    %dma_wait3A_97 = tpu.memref_slice %arg6[%dma_wait3A_96] : memref<128xf32, #tpu.memory_space<vmem>> -> memref<125xf32, #tpu.memory_space<vmem>>
    %dma_wait3A_98 = arith.constant 0 : i32
    %dma_wait3A_99 = tpu.memref_slice %arg5[%dma_wait3A_95, %dma_wait3A_98] : memref<80x125xi32, #tpu.memory_space<vmem>> -> memref<1x125xi32, #tpu.memory_space<vmem>>
    %dma_wait3A_100 = tpu.memref_squeeze %dma_wait3A_99 : memref<1x125xi32, #tpu.memory_space<vmem>> -> memref<125xi32, #tpu.memory_space<vmem>>
    %dma_wait3A_101 = arith.constant 0 : i32
    %dma_wait3A_102 = tpu.memref_slice %arg7[%dma_wait3A_101] : memref<10000xf32, #tpu.memory_space<vmem_shared>> -> memref<10000xf32, #tpu.memory_space<vmem_shared>>
    tpu.wait_indirect_dma semaphore(%arg8 : memref<!tpu.dma_semaphore, #tpu.memory_space<semaphore_mem>>) src(%dma_wait3A_97 : memref<125xf32, #tpu.memory_space<vmem>>) dst(%dma_wait3A_102 : memref<10000xf32, #tpu.memory_space<vmem_shared>>)
    %dma_wait3A_103 = arith.constant 0 : i32
    %dma_wait3A_104 = arith.constant 0 : i32
    %dma_wait3A_105 = tpu.memref_slice %arg6[%dma_wait3A_104] : memref<128xf32, #tpu.memory_space<vmem>> -> memref<125xf32, #tpu.memory_space<vmem>>
    %dma_wait3A_106 = arith.constant 0 : i32
    %dma_wait3A_107 = tpu.memref_slice %arg5[%dma_wait3A_103, %dma_wait3A_106] : memref<80x125xi32, #tpu.memory_space<vmem>> -> memref<1x125xi32, #tpu.memory_space<vmem>>
    %dma_wait3A_108 = tpu.memref_squeeze %dma_wait3A_107 : memref<1x125xi32, #tpu.memory_space<vmem>> -> memref<125xi32, #tpu.memory_space<vmem>>
    %dma_wait3A_109 = arith.constant 0 : i32
    %dma_wait3A_110 = tpu.memref_slice %arg7[%dma_wait3A_109] : memref<10000xf32, #tpu.memory_space<vmem_shared>> -> memref<10000xf32, #tpu.memory_space<vmem_shared>>
    tpu.wait_indirect_dma semaphore(%arg8 : memref<!tpu.dma_semaphore, #tpu.memory_space<semaphore_mem>>) src(%dma_wait3A_105 : memref<125xf32, #tpu.memory_space<vmem>>) dst(%dma_wait3A_110 : memref<10000xf32, #tpu.memory_space<vmem_shared>>)
    %dma_wait3A_111 = arith.constant 0 : i32
    %dma_wait3A_112 = arith.constant 0 : i32
    %dma_wait3A_113 = tpu.memref_slice %arg6[%dma_wait3A_112] : memref<128xf32, #tpu.memory_space<vmem>> -> memref<125xf32, #tpu.memory_space<vmem>>
    %dma_wait3A_114 = arith.constant 0 : i32
    %dma_wait3A_115 = tpu.memref_slice %arg5[%dma_wait3A_111, %dma_wait3A_114] : memref<80x125xi32, #tpu.memory_space<vmem>> -> memref<1x125xi32, #tpu.memory_space<vmem>>
    %dma_wait3A_116 = tpu.memref_squeeze %dma_wait3A_115 : memref<1x125xi32, #tpu.memory_space<vmem>> -> memref<125xi32, #tpu.memory_space<vmem>>
    %dma_wait3A_117 = arith.constant 0 : i32
    %dma_wait3A_118 = tpu.memref_slice %arg7[%dma_wait3A_117] : memref<10000xf32, #tpu.memory_space<vmem_shared>> -> memref<10000xf32, #tpu.memory_space<vmem_shared>>
    tpu.wait_indirect_dma semaphore(%arg8 : memref<!tpu.dma_semaphore, #tpu.memory_space<semaphore_mem>>) src(%dma_wait3A_113 : memref<125xf32, #tpu.memory_space<vmem>>) dst(%dma_wait3A_118 : memref<10000xf32, #tpu.memory_space<vmem_shared>>)
    %barrier3A_119 = arith.constant 0 : index
    tpu.barrier barrier_id(%barrier3A_119)
    %eq3A_120 = arith.constant 0 : i32
    %eq3A_121 = arith.cmpi eq, %arg1, %eq3A_120 : i32
    %convert_element_type3A_122 = arith.extui %eq3A_121 : i1 to i32
    %cond3A_123 = arith.constant 0 : i32
    %cond3A_124 = arith.cmpi ne, %convert_element_type3A_122, %cond3A_123 : i32
    scf.if %cond3A_124 {
      "tpu.region"() ({
        %run_scoped3A = tpu.sem_alloc : memref<!tpu.dma_semaphore, #tpu.memory_space<semaphore_mem>>
        %dma_start3A = arith.constant 0 : i32
        %dma_start3A_125 = tpu.memref_slice %arg4[%arg0, %dma_start3A] : memref<2x10000xf32, #tpu.memory_space<hbm>> -> memref<1x10000xf32, #tpu.memory_space<hbm>>
        %dma_start3A_126 = tpu.memref_squeeze %dma_start3A_125 : memref<1x10000xf32, #tpu.memory_space<hbm>> -> memref<10000xf32, #tpu.memory_space<hbm>>
        tpu.enqueue_dma source(%arg7 : memref<10000xf32, #tpu.memory_space<vmem_shared>>) target(%dma_start3A_126 : memref<10000xf32, #tpu.memory_space<hbm>>) target_semaphore(%run_scoped3A : memref<!tpu.dma_semaphore, #tpu.memory_space<semaphore_mem>>)
        %dma_wait3A_127 = arith.constant 0 : i32
        %dma_wait3A_128 = tpu.memref_slice %arg4[%arg0, %dma_wait3A_127] : memref<2x10000xf32, #tpu.memory_space<hbm>> -> memref<1x10000xf32, #tpu.memory_space<hbm>>
        %dma_wait3A_129 = tpu.memref_squeeze %dma_wait3A_128 : memref<1x10000xf32, #tpu.memory_space<hbm>> -> memref<10000xf32, #tpu.memory_space<hbm>>
        tpu.wait_dma2 semaphore(%run_scoped3A : memref<!tpu.dma_semaphore, #tpu.memory_space<semaphore_mem>>) src(%arg7 : memref<10000xf32, #tpu.memory_space<vmem_shared>>) dst(%dma_wait3A_129 : memref<10000xf32, #tpu.memory_space<hbm>>)
        tpu.yield
      }) : () -> ()
    } else {
    }
    return
  }
}

#map = affine_map<(d0, d1) -> (0, 0, 0)>
#map1 = affine_map<(d0, d1) -> (0, 0)>
#map2 = affine_map<(d0, d1) -> (0)>
module attributes {stable_mosaic.version = 14 : i64} {
  func.func @_agg2_sc(%arg0: i32, %arg1: i32, %arg2: memref<2x10000x16xf32, #tpu.memory_space<hbm>>, %arg3: memref<2x10000x16xf32, #tpu.memory_space<hbm>>, %arg4: memref<2x10000xf32, #tpu.memory_space<hbm>>, %arg5: memref<16xf32, #tpu.memory_space<hbm>>, %arg6: memref<2560x125xi32, #tpu.memory_space<hbm>>, %arg7: memref<2560x125xi32, #tpu.memory_space<hbm>>, %arg8: memref<10000x16xf32, #tpu.memory_space<hbm>>, %arg9: memref<2x10000x16xf32, #tpu.memory_space<hbm>>, %arg10: memref<2x10000x16xf32, #tpu.memory_space<hbm>>, %arg11: memref<640x16xf32, #tpu.memory_space<vmem>>, %arg12: memref<640x16xf32, #tpu.memory_space<vmem>>, %arg13: memref<640x16xf32, #tpu.memory_space<vmem>>, %arg14: memref<640xf32, #tpu.memory_space<vmem>>, %arg15: memref<640xf32, #tpu.memory_space<vmem>>, %arg16: memref<16xf32, #tpu.memory_space<vmem>>, %arg17: memref<80x125xi32, #tpu.memory_space<vmem>>, %arg18: memref<80x125xi32, #tpu.memory_space<vmem>>, %arg19: memref<8x125x16xf32, #tpu.memory_space<vmem>>, %arg20: memref<10000x16xf32, #tpu.memory_space<vmem_shared>>, %arg21: memref<!tpu.dma_semaphore, #tpu.memory_space<semaphore_mem>>, %arg22: memref<!tpu.dma_semaphore, #tpu.memory_space<semaphore_mem>>, %arg23: memref<!tpu.dma_semaphore, #tpu.memory_space<semaphore_mem>>, %arg24: memref<!tpu.dma_semaphore, #tpu.memory_space<semaphore_mem>>, %arg25: memref<!tpu.dma_semaphore, #tpu.memory_space<semaphore_mem>>, %arg26: memref<!tpu.dma_semaphore, #tpu.memory_space<semaphore_mem>>, %arg27: memref<!tpu.dma_semaphore, #tpu.memory_space<semaphore_mem>>, %arg28: memref<!tpu.dma_semaphore, #tpu.memory_space<semaphore_mem>>, %arg29: memref<!tpu.dma_semaphore, #tpu.memory_space<semaphore_mem>>, %arg30: memref<!tpu.dma_semaphore, #tpu.memory_space<semaphore_mem>>, %arg31: memref<!tpu.dma_semaphore, #tpu.memory_space<semaphore_mem>>, %arg32: memref<!tpu.dma_semaphore, #tpu.memory_space<semaphore_mem>>, %arg33: memref<!tpu.dma_semaphore, #tpu.memory_space<semaphore_mem>>, %arg34: memref<!tpu.dma_semaphore, #tpu.memory_space<semaphore_mem>>, %arg35: memref<!tpu.dma_semaphore, #tpu.memory_space<semaphore_mem>>, %arg36: memref<!tpu.dma_semaphore, #tpu.memory_space<semaphore_mem>>) attributes {dimension_semantics = [#tpu.dimension_semantics<core_parallel>, #tpu.dimension_semantics<subcore_parallel>], iteration_bounds = array<i64: 2, 16>, scalar_prefetch = 0 : i64, scratch_operands = 26 : i64, tpu.core_type = #tpu.core_type<sc_vector_subcore>, window_params = [{transform_indices = #map}, {transform_indices = #map}, {transform_indices = #map1}, {transform_indices = #map2}, {transform_indices = #map1}, {transform_indices = #map1}, {transform_indices = #map1}, {transform_indices = #map}, {transform_indices = #map}]} {
    %mul3A = arith.constant 624 : i32
    %mul3A_0 = arith.muli %arg1, %mul3A : i32
    %mul3A_1 = arith.constant 16 : i32
    %mul3A_2 = arith.muli %arg0, %mul3A_1 : i32
    %add3A = arith.addi %mul3A_2, %arg1 : i32
    %mul3A_3 = arith.constant 80 : i32
    %mul3A_4 = arith.muli %add3A, %mul3A_3 : i32
    "tpu.region"() ({
      %run_scoped3A_250 = tpu.sem_alloc : memref<!tpu.dma_semaphore, #tpu.memory_space<semaphore_mem>>
      %dma_start3A_251 = arith.constant 0 : i32
      %dma_start3A_252 = tpu.memref_slice %arg6[%mul3A_4, %dma_start3A_251] : memref<2560x125xi32, #tpu.memory_space<hbm>> -> memref<80x125xi32, #tpu.memory_space<hbm>>
      %dma_start3A_253 = arith.constant 0 : i32
      %dma_start3A_254 = tpu.memref_slice %arg6[%mul3A_4, %dma_start3A_253] : memref<2560x125xi32, #tpu.memory_space<hbm>> -> memref<80x125xi32, #tpu.memory_space<hbm>>
      tpu.enqueue_dma source(%dma_start3A_254 : memref<80x125xi32, #tpu.memory_space<hbm>>) target(%arg17 : memref<80x125xi32, #tpu.memory_space<vmem>>) target_semaphore(%run_scoped3A_250 : memref<!tpu.dma_semaphore, #tpu.memory_space<semaphore_mem>>)
      %dma_wait3A_255 = arith.constant 0 : i32
      %dma_wait3A_256 = tpu.memref_slice %arg6[%mul3A_4, %dma_wait3A_255] : memref<2560x125xi32, #tpu.memory_space<hbm>> -> memref<80x125xi32, #tpu.memory_space<hbm>>
      %dma_wait3A_257 = arith.constant 0 : i32
      %dma_wait3A_258 = tpu.memref_slice %arg6[%mul3A_4, %dma_wait3A_257] : memref<2560x125xi32, #tpu.memory_space<hbm>> -> memref<80x125xi32, #tpu.memory_space<hbm>>
      tpu.wait_dma2 semaphore(%run_scoped3A_250 : memref<!tpu.dma_semaphore, #tpu.memory_space<semaphore_mem>>) src(%dma_wait3A_258 : memref<80x125xi32, #tpu.memory_space<hbm>>) dst(%arg17 : memref<80x125xi32, #tpu.memory_space<vmem>>)
      tpu.yield
    }) : () -> ()
    "tpu.region"() ({
      %run_scoped3A_250 = tpu.sem_alloc : memref<!tpu.dma_semaphore, #tpu.memory_space<semaphore_mem>>
      %dma_start3A_251 = arith.constant 0 : i32
      %dma_start3A_252 = tpu.memref_slice %arg7[%mul3A_4, %dma_start3A_251] : memref<2560x125xi32, #tpu.memory_space<hbm>> -> memref<80x125xi32, #tpu.memory_space<hbm>>
      %dma_start3A_253 = arith.constant 0 : i32
      %dma_start3A_254 = tpu.memref_slice %arg7[%mul3A_4, %dma_start3A_253] : memref<2560x125xi32, #tpu.memory_space<hbm>> -> memref<80x125xi32, #tpu.memory_space<hbm>>
      tpu.enqueue_dma source(%dma_start3A_254 : memref<80x125xi32, #tpu.memory_space<hbm>>) target(%arg18 : memref<80x125xi32, #tpu.memory_space<vmem>>) target_semaphore(%run_scoped3A_250 : memref<!tpu.dma_semaphore, #tpu.memory_space<semaphore_mem>>)
      %dma_wait3A_255 = arith.constant 0 : i32
      %dma_wait3A_256 = tpu.memref_slice %arg7[%mul3A_4, %dma_wait3A_255] : memref<2560x125xi32, #tpu.memory_space<hbm>> -> memref<80x125xi32, #tpu.memory_space<hbm>>
      %dma_wait3A_257 = arith.constant 0 : i32
      %dma_wait3A_258 = tpu.memref_slice %arg7[%mul3A_4, %dma_wait3A_257] : memref<2560x125xi32, #tpu.memory_space<hbm>> -> memref<80x125xi32, #tpu.memory_space<hbm>>
      tpu.wait_dma2 semaphore(%run_scoped3A_250 : memref<!tpu.dma_semaphore, #tpu.memory_space<semaphore_mem>>) src(%dma_wait3A_258 : memref<80x125xi32, #tpu.memory_space<hbm>>) dst(%arg18 : memref<80x125xi32, #tpu.memory_space<vmem>>)
      tpu.yield
    }) : () -> ()
    "tpu.region"() ({
      %run_scoped3A_250 = tpu.sem_alloc : memref<!tpu.dma_semaphore, #tpu.memory_space<semaphore_mem>>
      %dma_start3A_251 = arith.constant 0 : i32
      %dma_start3A_252 = tpu.memref_slice %arg20[%mul3A_0, %dma_start3A_251] : memref<10000x16xf32, #tpu.memory_space<vmem_shared>> -> memref<640x16xf32, #tpu.memory_space<vmem_shared>>
      %dma_start3A_253 = arith.constant 0 : i32
      %dma_start3A_254 = tpu.memref_slice %arg8[%mul3A_0, %dma_start3A_253] : memref<10000x16xf32, #tpu.memory_space<hbm>> -> memref<640x16xf32, #tpu.memory_space<hbm>>
      tpu.enqueue_dma source(%dma_start3A_254 : memref<640x16xf32, #tpu.memory_space<hbm>>) target(%dma_start3A_252 : memref<640x16xf32, #tpu.memory_space<vmem_shared>>) target_semaphore(%run_scoped3A_250 : memref<!tpu.dma_semaphore, #tpu.memory_space<semaphore_mem>>)
      %dma_wait3A_255 = arith.constant 0 : i32
      %dma_wait3A_256 = tpu.memref_slice %arg20[%mul3A_0, %dma_wait3A_255] : memref<10000x16xf32, #tpu.memory_space<vmem_shared>> -> memref<640x16xf32, #tpu.memory_space<vmem_shared>>
      %dma_wait3A_257 = arith.constant 0 : i32
      %dma_wait3A_258 = tpu.memref_slice %arg8[%mul3A_0, %dma_wait3A_257] : memref<10000x16xf32, #tpu.memory_space<hbm>> -> memref<640x16xf32, #tpu.memory_space<hbm>>
      tpu.wait_dma2 semaphore(%run_scoped3A_250 : memref<!tpu.dma_semaphore, #tpu.memory_space<semaphore_mem>>) src(%dma_wait3A_258 : memref<640x16xf32, #tpu.memory_space<hbm>>) dst(%dma_wait3A_256 : memref<640x16xf32, #tpu.memory_space<vmem_shared>>)
      tpu.yield
    }) : () -> ()
    %run_scoped3A = arith.constant 0 : i32
    "tpu.region"() ({
      %run_scoped3A_250 = tpu.sem_alloc : memref<!tpu.dma_semaphore, #tpu.memory_space<semaphore_mem>>
      %dma_start3A_251 = arith.constant 0 : i32
      %dma_start3A_252 = tpu.memref_slice %arg2[%run_scoped3A, %mul3A_0, %dma_start3A_251] : memref<2x10000x16xf32, #tpu.memory_space<hbm>> -> memref<1x640x16xf32, #tpu.memory_space<hbm>>
      %dma_start3A_253 = tpu.memref_squeeze %dma_start3A_252 : memref<1x640x16xf32, #tpu.memory_space<hbm>> -> memref<640x16xf32, #tpu.memory_space<hbm>>
      %dma_start3A_254 = arith.constant 0 : i32
      %dma_start3A_255 = tpu.memref_slice %arg2[%run_scoped3A, %mul3A_0, %dma_start3A_254] : memref<2x10000x16xf32, #tpu.memory_space<hbm>> -> memref<1x640x16xf32, #tpu.memory_space<hbm>>
      %dma_start3A_256 = tpu.memref_squeeze %dma_start3A_255 : memref<1x640x16xf32, #tpu.memory_space<hbm>> -> memref<640x16xf32, #tpu.memory_space<hbm>>
      tpu.enqueue_dma source(%dma_start3A_256 : memref<640x16xf32, #tpu.memory_space<hbm>>) target(%arg11 : memref<640x16xf32, #tpu.memory_space<vmem>>) target_semaphore(%run_scoped3A_250 : memref<!tpu.dma_semaphore, #tpu.memory_space<semaphore_mem>>)
      %dma_wait3A_257 = arith.constant 0 : i32
      %dma_wait3A_258 = tpu.memref_slice %arg2[%run_scoped3A, %mul3A_0, %dma_wait3A_257] : memref<2x10000x16xf32, #tpu.memory_space<hbm>> -> memref<1x640x16xf32, #tpu.memory_space<hbm>>
      %dma_wait3A_259 = tpu.memref_squeeze %dma_wait3A_258 : memref<1x640x16xf32, #tpu.memory_space<hbm>> -> memref<640x16xf32, #tpu.memory_space<hbm>>
      %dma_wait3A_260 = arith.constant 0 : i32
      %dma_wait3A_261 = tpu.memref_slice %arg2[%run_scoped3A, %mul3A_0, %dma_wait3A_260] : memref<2x10000x16xf32, #tpu.memory_space<hbm>> -> memref<1x640x16xf32, #tpu.memory_space<hbm>>
      %dma_wait3A_262 = tpu.memref_squeeze %dma_wait3A_261 : memref<1x640x16xf32, #tpu.memory_space<hbm>> -> memref<640x16xf32, #tpu.memory_space<hbm>>
      tpu.wait_dma2 semaphore(%run_scoped3A_250 : memref<!tpu.dma_semaphore, #tpu.memory_space<semaphore_mem>>) src(%dma_wait3A_262 : memref<640x16xf32, #tpu.memory_space<hbm>>) dst(%arg11 : memref<640x16xf32, #tpu.memory_space<vmem>>)
      tpu.yield
    }) : () -> ()
    %run_scoped3A_5 = arith.constant 1 : i32
    "tpu.region"() ({
      %run_scoped3A_250 = tpu.sem_alloc : memref<!tpu.dma_semaphore, #tpu.memory_space<semaphore_mem>>
      %dma_start3A_251 = arith.constant 0 : i32
      %dma_start3A_252 = tpu.memref_slice %arg2[%run_scoped3A_5, %mul3A_0, %dma_start3A_251] : memref<2x10000x16xf32, #tpu.memory_space<hbm>> -> memref<1x640x16xf32, #tpu.memory_space<hbm>>
      %dma_start3A_253 = tpu.memref_squeeze %dma_start3A_252 : memref<1x640x16xf32, #tpu.memory_space<hbm>> -> memref<640x16xf32, #tpu.memory_space<hbm>>
      %dma_start3A_254 = arith.constant 0 : i32
      %dma_start3A_255 = tpu.memref_slice %arg2[%run_scoped3A_5, %mul3A_0, %dma_start3A_254] : memref<2x10000x16xf32, #tpu.memory_space<hbm>> -> memref<1x640x16xf32, #tpu.memory_space<hbm>>
      %dma_start3A_256 = tpu.memref_squeeze %dma_start3A_255 : memref<1x640x16xf32, #tpu.memory_space<hbm>> -> memref<640x16xf32, #tpu.memory_space<hbm>>
      tpu.enqueue_dma source(%dma_start3A_256 : memref<640x16xf32, #tpu.memory_space<hbm>>) target(%arg12 : memref<640x16xf32, #tpu.memory_space<vmem>>) target_semaphore(%run_scoped3A_250 : memref<!tpu.dma_semaphore, #tpu.memory_space<semaphore_mem>>)
      %dma_wait3A_257 = arith.constant 0 : i32
      %dma_wait3A_258 = tpu.memref_slice %arg2[%run_scoped3A_5, %mul3A_0, %dma_wait3A_257] : memref<2x10000x16xf32, #tpu.memory_space<hbm>> -> memref<1x640x16xf32, #tpu.memory_space<hbm>>
      %dma_wait3A_259 = tpu.memref_squeeze %dma_wait3A_258 : memref<1x640x16xf32, #tpu.memory_space<hbm>> -> memref<640x16xf32, #tpu.memory_space<hbm>>
      %dma_wait3A_260 = arith.constant 0 : i32
      %dma_wait3A_261 = tpu.memref_slice %arg2[%run_scoped3A_5, %mul3A_0, %dma_wait3A_260] : memref<2x10000x16xf32, #tpu.memory_space<hbm>> -> memref<1x640x16xf32, #tpu.memory_space<hbm>>
      %dma_wait3A_262 = tpu.memref_squeeze %dma_wait3A_261 : memref<1x640x16xf32, #tpu.memory_space<hbm>> -> memref<640x16xf32, #tpu.memory_space<hbm>>
      tpu.wait_dma2 semaphore(%run_scoped3A_250 : memref<!tpu.dma_semaphore, #tpu.memory_space<semaphore_mem>>) src(%dma_wait3A_262 : memref<640x16xf32, #tpu.memory_space<hbm>>) dst(%arg12 : memref<640x16xf32, #tpu.memory_space<vmem>>)
      tpu.yield
    }) : () -> ()
    "tpu.region"() ({
      %run_scoped3A_250 = tpu.sem_alloc : memref<!tpu.dma_semaphore, #tpu.memory_space<semaphore_mem>>
      %dma_start3A_251 = arith.constant 0 : i32
      %dma_start3A_252 = tpu.memref_slice %arg3[%arg0, %mul3A_0, %dma_start3A_251] : memref<2x10000x16xf32, #tpu.memory_space<hbm>> -> memref<1x640x16xf32, #tpu.memory_space<hbm>>
      %dma_start3A_253 = tpu.memref_squeeze %dma_start3A_252 : memref<1x640x16xf32, #tpu.memory_space<hbm>> -> memref<640x16xf32, #tpu.memory_space<hbm>>
      %dma_start3A_254 = arith.constant 0 : i32
      %dma_start3A_255 = tpu.memref_slice %arg3[%arg0, %mul3A_0, %dma_start3A_254] : memref<2x10000x16xf32, #tpu.memory_space<hbm>> -> memref<1x640x16xf32, #tpu.memory_space<hbm>>
      %dma_start3A_256 = tpu.memref_squeeze %dma_start3A_255 : memref<1x640x16xf32, #tpu.memory_space<hbm>> -> memref<640x16xf32, #tpu.memory_space<hbm>>
      tpu.enqueue_dma source(%dma_start3A_256 : memref<640x16xf32, #tpu.memory_space<hbm>>) target(%arg13 : memref<640x16xf32, #tpu.memory_space<vmem>>) target_semaphore(%run_scoped3A_250 : memref<!tpu.dma_semaphore, #tpu.memory_space<semaphore_mem>>)
      %dma_wait3A_257 = arith.constant 0 : i32
      %dma_wait3A_258 = tpu.memref_slice %arg3[%arg0, %mul3A_0, %dma_wait3A_257] : memref<2x10000x16xf32, #tpu.memory_space<hbm>> -> memref<1x640x16xf32, #tpu.memory_space<hbm>>
      %dma_wait3A_259 = tpu.memref_squeeze %dma_wait3A_258 : memref<1x640x16xf32, #tpu.memory_space<hbm>> -> memref<640x16xf32, #tpu.memory_space<hbm>>
      %dma_wait3A_260 = arith.constant 0 : i32
      %dma_wait3A_261 = tpu.memref_slice %arg3[%arg0, %mul3A_0, %dma_wait3A_260] : memref<2x10000x16xf32, #tpu.memory_space<hbm>> -> memref<1x640x16xf32, #tpu.memory_space<hbm>>
      %dma_wait3A_262 = tpu.memref_squeeze %dma_wait3A_261 : memref<1x640x16xf32, #tpu.memory_space<hbm>> -> memref<640x16xf32, #tpu.memory_space<hbm>>
      tpu.wait_dma2 semaphore(%run_scoped3A_250 : memref<!tpu.dma_semaphore, #tpu.memory_space<semaphore_mem>>) src(%dma_wait3A_262 : memref<640x16xf32, #tpu.memory_space<hbm>>) dst(%arg13 : memref<640x16xf32, #tpu.memory_space<vmem>>)
      tpu.yield
    }) : () -> ()
    %run_scoped3A_6 = arith.constant 0 : i32
    "tpu.region"() ({
      %run_scoped3A_250 = tpu.sem_alloc : memref<!tpu.dma_semaphore, #tpu.memory_space<semaphore_mem>>
      %dma_start3A_251 = tpu.memref_slice %arg4[%run_scoped3A_6, %mul3A_0] : memref<2x10000xf32, #tpu.memory_space<hbm>> -> memref<1x640xf32, #tpu.memory_space<hbm>>
      %dma_start3A_252 = tpu.memref_squeeze %dma_start3A_251 : memref<1x640xf32, #tpu.memory_space<hbm>> -> memref<640xf32, #tpu.memory_space<hbm>>
      %dma_start3A_253 = tpu.memref_slice %arg4[%run_scoped3A_6, %mul3A_0] : memref<2x10000xf32, #tpu.memory_space<hbm>> -> memref<1x640xf32, #tpu.memory_space<hbm>>
      %dma_start3A_254 = tpu.memref_squeeze %dma_start3A_253 : memref<1x640xf32, #tpu.memory_space<hbm>> -> memref<640xf32, #tpu.memory_space<hbm>>
      tpu.enqueue_dma source(%dma_start3A_254 : memref<640xf32, #tpu.memory_space<hbm>>) target(%arg14 : memref<640xf32, #tpu.memory_space<vmem>>) target_semaphore(%run_scoped3A_250 : memref<!tpu.dma_semaphore, #tpu.memory_space<semaphore_mem>>)
      %dma_wait3A_255 = tpu.memref_slice %arg4[%run_scoped3A_6, %mul3A_0] : memref<2x10000xf32, #tpu.memory_space<hbm>> -> memref<1x640xf32, #tpu.memory_space<hbm>>
      %dma_wait3A_256 = tpu.memref_squeeze %dma_wait3A_255 : memref<1x640xf32, #tpu.memory_space<hbm>> -> memref<640xf32, #tpu.memory_space<hbm>>
      %dma_wait3A_257 = tpu.memref_slice %arg4[%run_scoped3A_6, %mul3A_0] : memref<2x10000xf32, #tpu.memory_space<hbm>> -> memref<1x640xf32, #tpu.memory_space<hbm>>
      %dma_wait3A_258 = tpu.memref_squeeze %dma_wait3A_257 : memref<1x640xf32, #tpu.memory_space<hbm>> -> memref<640xf32, #tpu.memory_space<hbm>>
      tpu.wait_dma2 semaphore(%run_scoped3A_250 : memref<!tpu.dma_semaphore, #tpu.memory_space<semaphore_mem>>) src(%dma_wait3A_258 : memref<640xf32, #tpu.memory_space<hbm>>) dst(%arg14 : memref<640xf32, #tpu.memory_space<vmem>>)
      tpu.yield
    }) : () -> ()
    %run_scoped3A_7 = arith.constant 1 : i32
    "tpu.region"() ({
      %run_scoped3A_250 = tpu.sem_alloc : memref<!tpu.dma_semaphore, #tpu.memory_space<semaphore_mem>>
      %dma_start3A_251 = tpu.memref_slice %arg4[%run_scoped3A_7, %mul3A_0] : memref<2x10000xf32, #tpu.memory_space<hbm>> -> memref<1x640xf32, #tpu.memory_space<hbm>>
      %dma_start3A_252 = tpu.memref_squeeze %dma_start3A_251 : memref<1x640xf32, #tpu.memory_space<hbm>> -> memref<640xf32, #tpu.memory_space<hbm>>
      %dma_start3A_253 = tpu.memref_slice %arg4[%run_scoped3A_7, %mul3A_0] : memref<2x10000xf32, #tpu.memory_space<hbm>> -> memref<1x640xf32, #tpu.memory_space<hbm>>
      %dma_start3A_254 = tpu.memref_squeeze %dma_start3A_253 : memref<1x640xf32, #tpu.memory_space<hbm>> -> memref<640xf32, #tpu.memory_space<hbm>>
      tpu.enqueue_dma source(%dma_start3A_254 : memref<640xf32, #tpu.memory_space<hbm>>) target(%arg15 : memref<640xf32, #tpu.memory_space<vmem>>) target_semaphore(%run_scoped3A_250 : memref<!tpu.dma_semaphore, #tpu.memory_space<semaphore_mem>>)
      %dma_wait3A_255 = tpu.memref_slice %arg4[%run_scoped3A_7, %mul3A_0] : memref<2x10000xf32, #tpu.memory_space<hbm>> -> memref<1x640xf32, #tpu.memory_space<hbm>>
      %dma_wait3A_256 = tpu.memref_squeeze %dma_wait3A_255 : memref<1x640xf32, #tpu.memory_space<hbm>> -> memref<640xf32, #tpu.memory_space<hbm>>
      %dma_wait3A_257 = tpu.memref_slice %arg4[%run_scoped3A_7, %mul3A_0] : memref<2x10000xf32, #tpu.memory_space<hbm>> -> memref<1x640xf32, #tpu.memory_space<hbm>>
      %dma_wait3A_258 = tpu.memref_squeeze %dma_wait3A_257 : memref<1x640xf32, #tpu.memory_space<hbm>> -> memref<640xf32, #tpu.memory_space<hbm>>
      tpu.wait_dma2 semaphore(%run_scoped3A_250 : memref<!tpu.dma_semaphore, #tpu.memory_space<semaphore_mem>>) src(%dma_wait3A_258 : memref<640xf32, #tpu.memory_space<hbm>>) dst(%arg15 : memref<640xf32, #tpu.memory_space<vmem>>)
      tpu.yield
    }) : () -> ()
    "tpu.region"() ({
      %run_scoped3A_250 = tpu.sem_alloc : memref<!tpu.dma_semaphore, #tpu.memory_space<semaphore_mem>>
      tpu.enqueue_dma source(%arg5 : memref<16xf32, #tpu.memory_space<hbm>>) target(%arg16 : memref<16xf32, #tpu.memory_space<vmem>>) target_semaphore(%run_scoped3A_250 : memref<!tpu.dma_semaphore, #tpu.memory_space<semaphore_mem>>)
      tpu.wait_dma2 semaphore(%run_scoped3A_250 : memref<!tpu.dma_semaphore, #tpu.memory_space<semaphore_mem>>) src(%arg5 : memref<16xf32, #tpu.memory_space<hbm>>) dst(%arg16 : memref<16xf32, #tpu.memory_space<vmem>>)
      tpu.yield
    }) : () -> ()
    %get3A = arith.constant 0 : index
    %get3A_8 = tpu.vector_load %arg16[%get3A] {strides = array<i32>} : memref<16xf32, #tpu.memory_space<vmem>>, vector<16xf32>,
    %get3A_9 = vector.shape_cast %get3A_8 : vector<16xf32> to vector<16xf32>
    %scan3A = arith.constant 0 : i32
    %scan3A_10 = arith.constant 0 : i32
    %scan3A_11 = arith.constant 40 : i32
    %scan3A_12 = arith.addi %scan3A_10, %scan3A_11 : i32
    %scan3A_13 = arith.constant 1 : i32
    scf.for %scan3A_250 = %scan3A_10 to %scan3A_12 step %scan3A_13  : i32 {
      %mul3A_251 = arith.constant 16 : i32
      %mul3A_252 = arith.muli %scan3A_250, %mul3A_251 : i32
      %get3A_253 = arith.index_cast %mul3A_252 : i32 to index
      %get3A_254 = tpu.vector_load %arg14[%get3A_253] {strides = array<i32>} : memref<640xf32, #tpu.memory_space<vmem>>, vector<16xf32>,
      %get3A_255 = vector.shape_cast %get3A_254 : vector<16xf32> to vector<16xf32>
      %get3A_256 = arith.index_cast %mul3A_252 : i32 to index
      %get3A_257 = tpu.vector_load %arg15[%get3A_256] {strides = array<i32>} : memref<640xf32, #tpu.memory_space<vmem>>, vector<16xf32>,
      %get3A_258 = vector.shape_cast %get3A_257 : vector<16xf32> to vector<16xf32>
      %add3A_259 = arith.addf %get3A_255, %get3A_258 : vector<16xf32>
      %add3A_260 = arith.constant 1.000000e+00 : f32
      %add3A_261 = vector.broadcast %add3A_260 : f32 to vector<16xf32>
      %add3A_262 = arith.addf %add3A_259, %add3A_261 : vector<16xf32>
      %bitcast_convert_type3A = tpu.bitcast %add3A_262 : vector<16xf32> -> vector<16xi32>
      %shift_right_arithmetic3A = arith.constant 1 : i32
      %shift_right_arithmetic3A_263 = vector.broadcast %shift_right_arithmetic3A : i32 to vector<16xi32>
      %shift_right_arithmetic3A_264 = arith.shrsi %bitcast_convert_type3A, %shift_right_arithmetic3A_263 : vector<16xi32>
      %sub3A = arith.constant 1597463007 : i32
      %sub3A_265 = vector.broadcast %sub3A : i32 to vector<16xi32>
      %sub3A_266 = arith.subi %sub3A_265, %shift_right_arithmetic3A_264 : vector<16xi32>
      %bitcast_convert_type3A_267 = tpu.bitcast %sub3A_266 : vector<16xi32> -> vector<16xf32>
      %mul3A_268 = arith.constant 5.000000e-01 : f32
      %mul3A_269 = vector.broadcast %mul3A_268 : f32 to vector<16xf32>
      %mul3A_270 = arith.mulf %mul3A_269, %add3A_262 : vector<16xf32>
      %mul3A_271 = arith.mulf %mul3A_270, %bitcast_convert_type3A_267 : vector<16xf32>
      %mul3A_272 = arith.mulf %mul3A_271, %bitcast_convert_type3A_267 : vector<16xf32>
      %sub3A_273 = arith.constant 1.500000e+00 : f32
      %sub3A_274 = vector.broadcast %sub3A_273 : f32 to vector<16xf32>
      %sub3A_275 = arith.subf %sub3A_274, %mul3A_272 : vector<16xf32>
      %mul3A_276 = arith.mulf %bitcast_convert_type3A_267, %sub3A_275 : vector<16xf32>
      %mul3A_277 = arith.constant 5.000000e-01 : f32
      %mul3A_278 = vector.broadcast %mul3A_277 : f32 to vector<16xf32>
      %mul3A_279 = arith.mulf %mul3A_278, %add3A_262 : vector<16xf32>
      %mul3A_280 = arith.mulf %mul3A_279, %mul3A_276 : vector<16xf32>
      %mul3A_281 = arith.mulf %mul3A_280, %mul3A_276 : vector<16xf32>
      %sub3A_282 = arith.constant 1.500000e+00 : f32
      %sub3A_283 = vector.broadcast %sub3A_282 : f32 to vector<16xf32>
      %sub3A_284 = arith.subf %sub3A_283, %mul3A_281 : vector<16xf32>
      %mul3A_285 = arith.mulf %mul3A_276, %sub3A_284 : vector<16xf32>
      %mul3A_286 = arith.constant 5.000000e-01 : f32
      %mul3A_287 = vector.broadcast %mul3A_286 : f32 to vector<16xf32>
      %mul3A_288 = arith.mulf %mul3A_287, %add3A_262 : vector<16xf32>
      %mul3A_289 = arith.mulf %mul3A_288, %mul3A_285 : vector<16xf32>
      %mul3A_290 = arith.mulf %mul3A_289, %mul3A_285 : vector<16xf32>
      %sub3A_291 = arith.constant 1.500000e+00 : f32
      %sub3A_292 = vector.broadcast %sub3A_291 : f32 to vector<16xf32>
      %sub3A_293 = arith.subf %sub3A_292, %mul3A_290 : vector<16xf32>
      %mul3A_294 = arith.mulf %mul3A_285, %sub3A_293 : vector<16xf32>
      %add3A_295 = arith.constant 0 : i32
      %add3A_296 = arith.addi %mul3A_252, %add3A_295 : i32
      %get3A_297 = arith.index_cast %add3A_296 : i32 to index
      %get3A_298 = arith.constant 0 : index
      %get3A_299 = tpu.vector_load %arg11[%get3A_297, %get3A_298] {strides = array<i32>} : memref<640x16xf32, #tpu.memory_space<vmem>>, vector<1x16xf32>,
      %get3A_300 = vector.shape_cast %get3A_299 : vector<1x16xf32> to vector<16xf32>
      %get3A_301 = arith.index_cast %add3A_296 : i32 to index
      %get3A_302 = arith.constant 0 : index
      %get3A_303 = tpu.vector_load %arg12[%get3A_301, %get3A_302] {strides = array<i32>} : memref<640x16xf32, #tpu.memory_space<vmem>>, vector<1x16xf32>,
      %get3A_304 = vector.shape_cast %get3A_303 : vector<1x16xf32> to vector<16xf32>
      %add3A_305 = arith.addf %get3A_300, %get3A_304 : vector<16xf32>
      %get3A_306 = arith.index_cast %add3A_296 : i32 to index
      %get3A_307 = arith.constant 0 : index
      %get3A_308 = tpu.vector_load %arg13[%get3A_306, %get3A_307] {strides = array<i32>} : memref<640x16xf32, #tpu.memory_space<vmem>>, vector<1x16xf32>,
      %get3A_309 = vector.shape_cast %get3A_308 : vector<1x16xf32> to vector<16xf32>
      %add3A_310 = arith.addf %add3A_305, %get3A_309 : vector<16xf32>
      %slice3A = vector.extract_strided_slice %mul3A_294 {offsets = [0], sizes = [1], strides = [1]} : vector<16xf32> to vector<1xf32>
      %squeeze3A = vector.extract %slice3A[0] : f32 from vector<1xf32>
      %mul3A_311 = vector.broadcast %squeeze3A : f32 to vector<16xf32>
      %mul3A_312 = arith.mulf %add3A_310, %mul3A_311 : vector<16xf32>
      %add3A_313 = arith.addf %mul3A_312, %get3A_9 : vector<16xf32>
      %max3A = arith.constant 0.000000e+00 : f32
      %max3A_314 = vector.broadcast %max3A : f32 to vector<16xf32>
      %max3A_315 = arith.maximumf %add3A_313, %max3A_314 : vector<16xf32>
      %slice3A_316 = vector.extract_strided_slice %mul3A_294 {offsets = [0], sizes = [1], strides = [1]} : vector<16xf32> to vector<1xf32>
      %squeeze3A_317 = vector.extract %slice3A_316[0] : f32 from vector<1xf32>
      %mul3A_318 = vector.broadcast %squeeze3A_317 : f32 to vector<16xf32>
      %mul3A_319 = arith.mulf %max3A_315, %mul3A_318 : vector<16xf32>
      %swap3A = arith.index_cast %add3A_296 : i32 to index
      %swap3A_320 = arith.constant 0 : index
      %swap3A_321 = tpu.vector_load %arg11[%swap3A, %swap3A_320] {strides = array<i32>} : memref<640x16xf32, #tpu.memory_space<vmem>>, vector<1x16xf32>,
      %swap3A_322 = vector.shape_cast %swap3A_321 : vector<1x16xf32> to vector<16xf32>
      %swap3A_323 = vector.shape_cast %mul3A_319 : vector<16xf32> to vector<1x16xf32>
      tpu.vector_store %arg11[%swap3A, %swap3A_320], %swap3A_323 {strides = array<i32>} : memref<640x16xf32, #tpu.memory_space<vmem>>, vector<1x16xf32>,
      %add3A_324 = arith.constant 1 : i32
      %add3A_325 = arith.addi %mul3A_252, %add3A_324 : i32
      %get3A_326 = arith.index_cast %add3A_325 : i32 to index
      %get3A_327 = arith.constant 0 : index
      %get3A_328 = tpu.vector_load %arg11[%get3A_326, %get3A_327] {strides = array<i32>} : memref<640x16xf32, #tpu.memory_space<vmem>>, vector<1x16xf32>,
      %get3A_329 = vector.shape_cast %get3A_328 : vector<1x16xf32> to vector<16xf32>
      %get3A_330 = arith.index_cast %add3A_325 : i32 to index
      %get3A_331 = arith.constant 0 : index
      %get3A_332 = tpu.vector_load %arg12[%get3A_330, %get3A_331] {strides = array<i32>} : memref<640x16xf32, #tpu.memory_space<vmem>>, vector<1x16xf32>,
      %get3A_333 = vector.shape_cast %get3A_332 : vector<1x16xf32> to vector<16xf32>
      %add3A_334 = arith.addf %get3A_329, %get3A_333 : vector<16xf32>
      %get3A_335 = arith.index_cast %add3A_325 : i32 to index
      %get3A_336 = arith.constant 0 : index
      %get3A_337 = tpu.vector_load %arg13[%get3A_335, %get3A_336] {strides = array<i32>} : memref<640x16xf32, #tpu.memory_space<vmem>>, vector<1x16xf32>,
      %get3A_338 = vector.shape_cast %get3A_337 : vector<1x16xf32> to vector<16xf32>
      %add3A_339 = arith.addf %add3A_334, %get3A_338 : vector<16xf32>
      %slice3A_340 = vector.extract_strided_slice %mul3A_294 {offsets = [1], sizes = [1], strides = [1]} : vector<16xf32> to vector<1xf32>
      %squeeze3A_341 = vector.extract %slice3A_340[0] : f32 from vector<1xf32>
      %mul3A_342 = vector.broadcast %squeeze3A_341 : f32 to vector<16xf32>
      %mul3A_343 = arith.mulf %add3A_339, %mul3A_342 : vector<16xf32>
      %add3A_344 = arith.addf %mul3A_343, %get3A_9 : vector<16xf32>
      %max3A_345 = arith.constant 0.000000e+00 : f32
      %max3A_346 = vector.broadcast %max3A_345 : f32 to vector<16xf32>
      %max3A_347 = arith.maximumf %add3A_344, %max3A_346 : vector<16xf32>
      %slice3A_348 = vector.extract_strided_slice %mul3A_294 {offsets = [1], sizes = [1], strides = [1]} : vector<16xf32> to vector<1xf32>
      %squeeze3A_349 = vector.extract %slice3A_348[0] : f32 from vector<1xf32>
      %mul3A_350 = vector.broadcast %squeeze3A_349 : f32 to vector<16xf32>
      %mul3A_351 = arith.mulf %max3A_347, %mul3A_350 : vector<16xf32>
      %swap3A_352 = arith.index_cast %add3A_325 : i32 to index
      %swap3A_353 = arith.constant 0 : index
      %swap3A_354 = tpu.vector_load %arg11[%swap3A_352, %swap3A_353] {strides = array<i32>} : memref<640x16xf32, #tpu.memory_space<vmem>>, vector<1x16xf32>,
      %swap3A_355 = vector.shape_cast %swap3A_354 : vector<1x16xf32> to vector<16xf32>
      %swap3A_356 = vector.shape_cast %mul3A_351 : vector<16xf32> to vector<1x16xf32>
      tpu.vector_store %arg11[%swap3A_352, %swap3A_353], %swap3A_356 {strides = array<i32>} : memref<640x16xf32, #tpu.memory_space<vmem>>, vector<1x16xf32>,
      %add3A_357 = arith.constant 2 : i32
      %add3A_358 = arith.addi %mul3A_252, %add3A_357 : i32
      %get3A_359 = arith.index_cast %add3A_358 : i32 to index
      %get3A_360 = arith.constant 0 : index
      %get3A_361 = tpu.vector_load %arg11[%get3A_359, %get3A_360] {strides = array<i32>} : memref<640x16xf32, #tpu.memory_space<vmem>>, vector<1x16xf32>,
      %get3A_362 = vector.shape_cast %get3A_361 : vector<1x16xf32> to vector<16xf32>
      %get3A_363 = arith.index_cast %add3A_358 : i32 to index
      %get3A_364 = arith.constant 0 : index
      %get3A_365 = tpu.vector_load %arg12[%get3A_363, %get3A_364] {strides = array<i32>} : memref<640x16xf32, #tpu.memory_space<vmem>>, vector<1x16xf32>,
      %get3A_366 = vector.shape_cast %get3A_365 : vector<1x16xf32> to vector<16xf32>
      %add3A_367 = arith.addf %get3A_362, %get3A_366 : vector<16xf32>
      %get3A_368 = arith.index_cast %add3A_358 : i32 to index
      %get3A_369 = arith.constant 0 : index
      %get3A_370 = tpu.vector_load %arg13[%get3A_368, %get3A_369] {strides = array<i32>} : memref<640x16xf32, #tpu.memory_space<vmem>>, vector<1x16xf32>,
      %get3A_371 = vector.shape_cast %get3A_370 : vector<1x16xf32> to vector<16xf32>
      %add3A_372 = arith.addf %add3A_367, %get3A_371 : vector<16xf32>
      %slice3A_373 = vector.extract_strided_slice %mul3A_294 {offsets = [2], sizes = [1], strides = [1]} : vector<16xf32> to vector<1xf32>
      %squeeze3A_374 = vector.extract %slice3A_373[0] : f32 from vector<1xf32>
      %mul3A_375 = vector.broadcast %squeeze3A_374 : f32 to vector<16xf32>
      %mul3A_376 = arith.mulf %add3A_372, %mul3A_375 : vector<16xf32>
      %add3A_377 = arith.addf %mul3A_376, %get3A_9 : vector<16xf32>
      %max3A_378 = arith.constant 0.000000e+00 : f32
      %max3A_379 = vector.broadcast %max3A_378 : f32 to vector<16xf32>
      %max3A_380 = arith.maximumf %add3A_377, %max3A_379 : vector<16xf32>
      %slice3A_381 = vector.extract_strided_slice %mul3A_294 {offsets = [2], sizes = [1], strides = [1]} : vector<16xf32> to vector<1xf32>
      %squeeze3A_382 = vector.extract %slice3A_381[0] : f32 from vector<1xf32>
      %mul3A_383 = vector.broadcast %squeeze3A_382 : f32 to vector<16xf32>
      %mul3A_384 = arith.mulf %max3A_380, %mul3A_383 : vector<16xf32>
      %swap3A_385 = arith.index_cast %add3A_358 : i32 to index
      %swap3A_386 = arith.constant 0 : index
      %swap3A_387 = tpu.vector_load %arg11[%swap3A_385, %swap3A_386] {strides = array<i32>} : memref<640x16xf32, #tpu.memory_space<vmem>>, vector<1x16xf32>,
      %swap3A_388 = vector.shape_cast %swap3A_387 : vector<1x16xf32> to vector<16xf32>
      %swap3A_389 = vector.shape_cast %mul3A_384 : vector<16xf32> to vector<1x16xf32>
      tpu.vector_store %arg11[%swap3A_385, %swap3A_386], %swap3A_389 {strides = array<i32>} : memref<640x16xf32, #tpu.memory_space<vmem>>, vector<1x16xf32>,
      %add3A_390 = arith.constant 3 : i32
      %add3A_391 = arith.addi %mul3A_252, %add3A_390 : i32
      %get3A_392 = arith.index_cast %add3A_391 : i32 to index
      %get3A_393 = arith.constant 0 : index
      %get3A_394 = tpu.vector_load %arg11[%get3A_392, %get3A_393] {strides = array<i32>} : memref<640x16xf32, #tpu.memory_space<vmem>>, vector<1x16xf32>,
      %get3A_395 = vector.shape_cast %get3A_394 : vector<1x16xf32> to vector<16xf32>
      %get3A_396 = arith.index_cast %add3A_391 : i32 to index
      %get3A_397 = arith.constant 0 : index
      %get3A_398 = tpu.vector_load %arg12[%get3A_396, %get3A_397] {strides = array<i32>} : memref<640x16xf32, #tpu.memory_space<vmem>>, vector<1x16xf32>,
      %get3A_399 = vector.shape_cast %get3A_398 : vector<1x16xf32> to vector<16xf32>
      %add3A_400 = arith.addf %get3A_395, %get3A_399 : vector<16xf32>
      %get3A_401 = arith.index_cast %add3A_391 : i32 to index
      %get3A_402 = arith.constant 0 : index
      %get3A_403 = tpu.vector_load %arg13[%get3A_401, %get3A_402] {strides = array<i32>} : memref<640x16xf32, #tpu.memory_space<vmem>>, vector<1x16xf32>,
      %get3A_404 = vector.shape_cast %get3A_403 : vector<1x16xf32> to vector<16xf32>
      %add3A_405 = arith.addf %add3A_400, %get3A_404 : vector<16xf32>
      %slice3A_406 = vector.extract_strided_slice %mul3A_294 {offsets = [3], sizes = [1], strides = [1]} : vector<16xf32> to vector<1xf32>
      %squeeze3A_407 = vector.extract %slice3A_406[0] : f32 from vector<1xf32>
      %mul3A_408 = vector.broadcast %squeeze3A_407 : f32 to vector<16xf32>
      %mul3A_409 = arith.mulf %add3A_405, %mul3A_408 : vector<16xf32>
      %add3A_410 = arith.addf %mul3A_409, %get3A_9 : vector<16xf32>
      %max3A_411 = arith.constant 0.000000e+00 : f32
      %max3A_412 = vector.broadcast %max3A_411 : f32 to vector<16xf32>
      %max3A_413 = arith.maximumf %add3A_410, %max3A_412 : vector<16xf32>
      %slice3A_414 = vector.extract_strided_slice %mul3A_294 {offsets = [3], sizes = [1], strides = [1]} : vector<16xf32> to vector<1xf32>
      %squeeze3A_415 = vector.extract %slice3A_414[0] : f32 from vector<1xf32>
      %mul3A_416 = vector.broadcast %squeeze3A_415 : f32 to vector<16xf32>
      %mul3A_417 = arith.mulf %max3A_413, %mul3A_416 : vector<16xf32>
      %swap3A_418 = arith.index_cast %add3A_391 : i32 to index
      %swap3A_419 = arith.constant 0 : index
      %swap3A_420 = tpu.vector_load %arg11[%swap3A_418, %swap3A_419] {strides = array<i32>} : memref<640x16xf32, #tpu.memory_space<vmem>>, vector<1x16xf32>,
      %swap3A_421 = vector.shape_cast %swap3A_420 : vector<1x16xf32> to vector<16xf32>
      %swap3A_422 = vector.shape_cast %mul3A_417 : vector<16xf32> to vector<1x16xf32>
      tpu.vector_store %arg11[%swap3A_418, %swap3A_419], %swap3A_422 {strides = array<i32>} : memref<640x16xf32, #tpu.memory_space<vmem>>, vector<1x16xf32>,
      %add3A_423 = arith.constant 4 : i32
      %add3A_424 = arith.addi %mul3A_252, %add3A_423 : i32
      %get3A_425 = arith.index_cast %add3A_424 : i32 to index
      %get3A_426 = arith.constant 0 : index
      %get3A_427 = tpu.vector_load %arg11[%get3A_425, %get3A_426] {strides = array<i32>} : memref<640x16xf32, #tpu.memory_space<vmem>>, vector<1x16xf32>,
      %get3A_428 = vector.shape_cast %get3A_427 : vector<1x16xf32> to vector<16xf32>
      %get3A_429 = arith.index_cast %add3A_424 : i32 to index
      %get3A_430 = arith.constant 0 : index
      %get3A_431 = tpu.vector_load %arg12[%get3A_429, %get3A_430] {strides = array<i32>} : memref<640x16xf32, #tpu.memory_space<vmem>>, vector<1x16xf32>,
      %get3A_432 = vector.shape_cast %get3A_431 : vector<1x16xf32> to vector<16xf32>
      %add3A_433 = arith.addf %get3A_428, %get3A_432 : vector<16xf32>
      %get3A_434 = arith.index_cast %add3A_424 : i32 to index
      %get3A_435 = arith.constant 0 : index
      %get3A_436 = tpu.vector_load %arg13[%get3A_434, %get3A_435] {strides = array<i32>} : memref<640x16xf32, #tpu.memory_space<vmem>>, vector<1x16xf32>,
      %get3A_437 = vector.shape_cast %get3A_436 : vector<1x16xf32> to vector<16xf32>
      %add3A_438 = arith.addf %add3A_433, %get3A_437 : vector<16xf32>
      %slice3A_439 = vector.extract_strided_slice %mul3A_294 {offsets = [4], sizes = [1], strides = [1]} : vector<16xf32> to vector<1xf32>
      %squeeze3A_440 = vector.extract %slice3A_439[0] : f32 from vector<1xf32>
      %mul3A_441 = vector.broadcast %squeeze3A_440 : f32 to vector<16xf32>
      %mul3A_442 = arith.mulf %add3A_438, %mul3A_441 : vector<16xf32>
      %add3A_443 = arith.addf %mul3A_442, %get3A_9 : vector<16xf32>
      %max3A_444 = arith.constant 0.000000e+00 : f32
      %max3A_445 = vector.broadcast %max3A_444 : f32 to vector<16xf32>
      %max3A_446 = arith.maximumf %add3A_443, %max3A_445 : vector<16xf32>
      %slice3A_447 = vector.extract_strided_slice %mul3A_294 {offsets = [4], sizes = [1], strides = [1]} : vector<16xf32> to vector<1xf32>
      %squeeze3A_448 = vector.extract %slice3A_447[0] : f32 from vector<1xf32>
      %mul3A_449 = vector.broadcast %squeeze3A_448 : f32 to vector<16xf32>
      %mul3A_450 = arith.mulf %max3A_446, %mul3A_449 : vector<16xf32>
      %swap3A_451 = arith.index_cast %add3A_424 : i32 to index
      %swap3A_452 = arith.constant 0 : index
      %swap3A_453 = tpu.vector_load %arg11[%swap3A_451, %swap3A_452] {strides = array<i32>} : memref<640x16xf32, #tpu.memory_space<vmem>>, vector<1x16xf32>,
      %swap3A_454 = vector.shape_cast %swap3A_453 : vector<1x16xf32> to vector<16xf32>
      %swap3A_455 = vector.shape_cast %mul3A_450 : vector<16xf32> to vector<1x16xf32>
      tpu.vector_store %arg11[%swap3A_451, %swap3A_452], %swap3A_455 {strides = array<i32>} : memref<640x16xf32, #tpu.memory_space<vmem>>, vector<1x16xf32>,
      %add3A_456 = arith.constant 5 : i32
      %add3A_457 = arith.addi %mul3A_252, %add3A_456 : i32
      %get3A_458 = arith.index_cast %add3A_457 : i32 to index
      %get3A_459 = arith.constant 0 : index
      %get3A_460 = tpu.vector_load %arg11[%get3A_458, %get3A_459] {strides = array<i32>} : memref<640x16xf32, #tpu.memory_space<vmem>>, vector<1x16xf32>,
      %get3A_461 = vector.shape_cast %get3A_460 : vector<1x16xf32> to vector<16xf32>
      %get3A_462 = arith.index_cast %add3A_457 : i32 to index
      %get3A_463 = arith.constant 0 : index
      %get3A_464 = tpu.vector_load %arg12[%get3A_462, %get3A_463] {strides = array<i32>} : memref<640x16xf32, #tpu.memory_space<vmem>>, vector<1x16xf32>,
      %get3A_465 = vector.shape_cast %get3A_464 : vector<1x16xf32> to vector<16xf32>
      %add3A_466 = arith.addf %get3A_461, %get3A_465 : vector<16xf32>
      %get3A_467 = arith.index_cast %add3A_457 : i32 to index
      %get3A_468 = arith.constant 0 : index
      %get3A_469 = tpu.vector_load %arg13[%get3A_467, %get3A_468] {strides = array<i32>} : memref<640x16xf32, #tpu.memory_space<vmem>>, vector<1x16xf32>,
      %get3A_470 = vector.shape_cast %get3A_469 : vector<1x16xf32> to vector<16xf32>
      %add3A_471 = arith.addf %add3A_466, %get3A_470 : vector<16xf32>
      %slice3A_472 = vector.extract_strided_slice %mul3A_294 {offsets = [5], sizes = [1], strides = [1]} : vector<16xf32> to vector<1xf32>
      %squeeze3A_473 = vector.extract %slice3A_472[0] : f32 from vector<1xf32>
      %mul3A_474 = vector.broadcast %squeeze3A_473 : f32 to vector<16xf32>
      %mul3A_475 = arith.mulf %add3A_471, %mul3A_474 : vector<16xf32>
      %add3A_476 = arith.addf %mul3A_475, %get3A_9 : vector<16xf32>
      %max3A_477 = arith.constant 0.000000e+00 : f32
      %max3A_478 = vector.broadcast %max3A_477 : f32 to vector<16xf32>
      %max3A_479 = arith.maximumf %add3A_476, %max3A_478 : vector<16xf32>
      %slice3A_480 = vector.extract_strided_slice %mul3A_294 {offsets = [5], sizes = [1], strides = [1]} : vector<16xf32> to vector<1xf32>
      %squeeze3A_481 = vector.extract %slice3A_480[0] : f32 from vector<1xf32>
      %mul3A_482 = vector.broadcast %squeeze3A_481 : f32 to vector<16xf32>
      %mul3A_483 = arith.mulf %max3A_479, %mul3A_482 : vector<16xf32>
      %swap3A_484 = arith.index_cast %add3A_457 : i32 to index
      %swap3A_485 = arith.constant 0 : index
      %swap3A_486 = tpu.vector_load %arg11[%swap3A_484, %swap3A_485] {strides = array<i32>} : memref<640x16xf32, #tpu.memory_space<vmem>>, vector<1x16xf32>,
      %swap3A_487 = vector.shape_cast %swap3A_486 : vector<1x16xf32> to vector<16xf32>
      %swap3A_488 = vector.shape_cast %mul3A_483 : vector<16xf32> to vector<1x16xf32>
      tpu.vector_store %arg11[%swap3A_484, %swap3A_485], %swap3A_488 {strides = array<i32>} : memref<640x16xf32, #tpu.memory_space<vmem>>, vector<1x16xf32>,
      %add3A_489 = arith.constant 6 : i32
      %add3A_490 = arith.addi %mul3A_252, %add3A_489 : i32
      %get3A_491 = arith.index_cast %add3A_490 : i32 to index
      %get3A_492 = arith.constant 0 : index
      %get3A_493 = tpu.vector_load %arg11[%get3A_491, %get3A_492] {strides = array<i32>} : memref<640x16xf32, #tpu.memory_space<vmem>>, vector<1x16xf32>,
      %get3A_494 = vector.shape_cast %get3A_493 : vector<1x16xf32> to vector<16xf32>
      %get3A_495 = arith.index_cast %add3A_490 : i32 to index
      %get3A_496 = arith.constant 0 : index
      %get3A_497 = tpu.vector_load %arg12[%get3A_495, %get3A_496] {strides = array<i32>} : memref<640x16xf32, #tpu.memory_space<vmem>>, vector<1x16xf32>,
      %get3A_498 = vector.shape_cast %get3A_497 : vector<1x16xf32> to vector<16xf32>
      %add3A_499 = arith.addf %get3A_494, %get3A_498 : vector<16xf32>
      %get3A_500 = arith.index_cast %add3A_490 : i32 to index
      %get3A_501 = arith.constant 0 : index
      %get3A_502 = tpu.vector_load %arg13[%get3A_500, %get3A_501] {strides = array<i32>} : memref<640x16xf32, #tpu.memory_space<vmem>>, vector<1x16xf32>,
      %get3A_503 = vector.shape_cast %get3A_502 : vector<1x16xf32> to vector<16xf32>
      %add3A_504 = arith.addf %add3A_499, %get3A_503 : vector<16xf32>
      %slice3A_505 = vector.extract_strided_slice %mul3A_294 {offsets = [6], sizes = [1], strides = [1]} : vector<16xf32> to vector<1xf32>
      %squeeze3A_506 = vector.extract %slice3A_505[0] : f32 from vector<1xf32>
      %mul3A_507 = vector.broadcast %squeeze3A_506 : f32 to vector<16xf32>
      %mul3A_508 = arith.mulf %add3A_504, %mul3A_507 : vector<16xf32>
      %add3A_509 = arith.addf %mul3A_508, %get3A_9 : vector<16xf32>
      %max3A_510 = arith.constant 0.000000e+00 : f32
      %max3A_511 = vector.broadcast %max3A_510 : f32 to vector<16xf32>
      %max3A_512 = arith.maximumf %add3A_509, %max3A_511 : vector<16xf32>
      %slice3A_513 = vector.extract_strided_slice %mul3A_294 {offsets = [6], sizes = [1], strides = [1]} : vector<16xf32> to vector<1xf32>
      %squeeze3A_514 = vector.extract %slice3A_513[0] : f32 from vector<1xf32>
      %mul3A_515 = vector.broadcast %squeeze3A_514 : f32 to vector<16xf32>
      %mul3A_516 = arith.mulf %max3A_512, %mul3A_515 : vector<16xf32>
      %swap3A_517 = arith.index_cast %add3A_490 : i32 to index
      %swap3A_518 = arith.constant 0 : index
      %swap3A_519 = tpu.vector_load %arg11[%swap3A_517, %swap3A_518] {strides = array<i32>} : memref<640x16xf32, #tpu.memory_space<vmem>>, vector<1x16xf32>,
      %swap3A_520 = vector.shape_cast %swap3A_519 : vector<1x16xf32> to vector<16xf32>
      %swap3A_521 = vector.shape_cast %mul3A_516 : vector<16xf32> to vector<1x16xf32>
      tpu.vector_store %arg11[%swap3A_517, %swap3A_518], %swap3A_521 {strides = array<i32>} : memref<640x16xf32, #tpu.memory_space<vmem>>, vector<1x16xf32>,
      %add3A_522 = arith.constant 7 : i32
      %add3A_523 = arith.addi %mul3A_252, %add3A_522 : i32
      %get3A_524 = arith.index_cast %add3A_523 : i32 to index
      %get3A_525 = arith.constant 0 : index
      %get3A_526 = tpu.vector_load %arg11[%get3A_524, %get3A_525] {strides = array<i32>} : memref<640x16xf32, #tpu.memory_space<vmem>>, vector<1x16xf32>,
      %get3A_527 = vector.shape_cast %get3A_526 : vector<1x16xf32> to vector<16xf32>
      %get3A_528 = arith.index_cast %add3A_523 : i32 to index
      %get3A_529 = arith.constant 0 : index
      %get3A_530 = tpu.vector_load %arg12[%get3A_528, %get3A_529] {strides = array<i32>} : memref<640x16xf32, #tpu.memory_space<vmem>>, vector<1x16xf32>,
      %get3A_531 = vector.shape_cast %get3A_530 : vector<1x16xf32> to vector<16xf32>
      %add3A_532 = arith.addf %get3A_527, %get3A_531 : vector<16xf32>
      %get3A_533 = arith.index_cast %add3A_523 : i32 to index
      %get3A_534 = arith.constant 0 : index
      %get3A_535 = tpu.vector_load %arg13[%get3A_533, %get3A_534] {strides = array<i32>} : memref<640x16xf32, #tpu.memory_space<vmem>>, vector<1x16xf32>,
      %get3A_536 = vector.shape_cast %get3A_535 : vector<1x16xf32> to vector<16xf32>
      %add3A_537 = arith.addf %add3A_532, %get3A_536 : vector<16xf32>
      %slice3A_538 = vector.extract_strided_slice %mul3A_294 {offsets = [7], sizes = [1], strides = [1]} : vector<16xf32> to vector<1xf32>
      %squeeze3A_539 = vector.extract %slice3A_538[0] : f32 from vector<1xf32>
      %mul3A_540 = vector.broadcast %squeeze3A_539 : f32 to vector<16xf32>
      %mul3A_541 = arith.mulf %add3A_537, %mul3A_540 : vector<16xf32>
      %add3A_542 = arith.addf %mul3A_541, %get3A_9 : vector<16xf32>
      %max3A_543 = arith.constant 0.000000e+00 : f32
      %max3A_544 = vector.broadcast %max3A_543 : f32 to vector<16xf32>
      %max3A_545 = arith.maximumf %add3A_542, %max3A_544 : vector<16xf32>
      %slice3A_546 = vector.extract_strided_slice %mul3A_294 {offsets = [7], sizes = [1], strides = [1]} : vector<16xf32> to vector<1xf32>
      %squeeze3A_547 = vector.extract %slice3A_546[0] : f32 from vector<1xf32>
      %mul3A_548 = vector.broadcast %squeeze3A_547 : f32 to vector<16xf32>
      %mul3A_549 = arith.mulf %max3A_545, %mul3A_548 : vector<16xf32>
      %swap3A_550 = arith.index_cast %add3A_523 : i32 to index
      %swap3A_551 = arith.constant 0 : index
      %swap3A_552 = tpu.vector_load %arg11[%swap3A_550, %swap3A_551] {strides = array<i32>} : memref<640x16xf32, #tpu.memory_space<vmem>>, vector<1x16xf32>,
      %swap3A_553 = vector.shape_cast %swap3A_552 : vector<1x16xf32> to vector<16xf32>
      %swap3A_554 = vector.shape_cast %mul3A_549 : vector<16xf32> to vector<1x16xf32>
      tpu.vector_store %arg11[%swap3A_550, %swap3A_551], %swap3A_554 {strides = array<i32>} : memref<640x16xf32, #tpu.memory_space<vmem>>, vector<1x16xf32>,
      %add3A_555 = arith.constant 8 : i32
      %add3A_556 = arith.addi %mul3A_252, %add3A_555 : i32
      %get3A_557 = arith.index_cast %add3A_556 : i32 to index
      %get3A_558 = arith.constant 0 : index
      %get3A_559 = tpu.vector_load %arg11[%get3A_557, %get3A_558] {strides = array<i32>} : memref<640x16xf32, #tpu.memory_space<vmem>>, vector<1x16xf32>,
      %get3A_560 = vector.shape_cast %get3A_559 : vector<1x16xf32> to vector<16xf32>
      %get3A_561 = arith.index_cast %add3A_556 : i32 to index
      %get3A_562 = arith.constant 0 : index
      %get3A_563 = tpu.vector_load %arg12[%get3A_561, %get3A_562] {strides = array<i32>} : memref<640x16xf32, #tpu.memory_space<vmem>>, vector<1x16xf32>,
      %get3A_564 = vector.shape_cast %get3A_563 : vector<1x16xf32> to vector<16xf32>
      %add3A_565 = arith.addf %get3A_560, %get3A_564 : vector<16xf32>
      %get3A_566 = arith.index_cast %add3A_556 : i32 to index
      %get3A_567 = arith.constant 0 : index
      %get3A_568 = tpu.vector_load %arg13[%get3A_566, %get3A_567] {strides = array<i32>} : memref<640x16xf32, #tpu.memory_space<vmem>>, vector<1x16xf32>,
      %get3A_569 = vector.shape_cast %get3A_568 : vector<1x16xf32> to vector<16xf32>
      %add3A_570 = arith.addf %add3A_565, %get3A_569 : vector<16xf32>
      %slice3A_571 = vector.extract_strided_slice %mul3A_294 {offsets = [8], sizes = [1], strides = [1]} : vector<16xf32> to vector<1xf32>
      %squeeze3A_572 = vector.extract %slice3A_571[0] : f32 from vector<1xf32>
      %mul3A_573 = vector.broadcast %squeeze3A_572 : f32 to vector<16xf32>
      %mul3A_574 = arith.mulf %add3A_570, %mul3A_573 : vector<16xf32>
      %add3A_575 = arith.addf %mul3A_574, %get3A_9 : vector<16xf32>
      %max3A_576 = arith.constant 0.000000e+00 : f32
      %max3A_577 = vector.broadcast %max3A_576 : f32 to vector<16xf32>
      %max3A_578 = arith.maximumf %add3A_575, %max3A_577 : vector<16xf32>
      %slice3A_579 = vector.extract_strided_slice %mul3A_294 {offsets = [8], sizes = [1], strides = [1]} : vector<16xf32> to vector<1xf32>
      %squeeze3A_580 = vector.extract %slice3A_579[0] : f32 from vector<1xf32>
      %mul3A_581 = vector.broadcast %squeeze3A_580 : f32 to vector<16xf32>
      %mul3A_582 = arith.mulf %max3A_578, %mul3A_581 : vector<16xf32>
      %swap3A_583 = arith.index_cast %add3A_556 : i32 to index
      %swap3A_584 = arith.constant 0 : index
      %swap3A_585 = tpu.vector_load %arg11[%swap3A_583, %swap3A_584] {strides = array<i32>} : memref<640x16xf32, #tpu.memory_space<vmem>>, vector<1x16xf32>,
      %swap3A_586 = vector.shape_cast %swap3A_585 : vector<1x16xf32> to vector<16xf32>
      %swap3A_587 = vector.shape_cast %mul3A_582 : vector<16xf32> to vector<1x16xf32>
      tpu.vector_store %arg11[%swap3A_583, %swap3A_584], %swap3A_587 {strides = array<i32>} : memref<640x16xf32, #tpu.memory_space<vmem>>, vector<1x16xf32>,
      %add3A_588 = arith.constant 9 : i32
      %add3A_589 = arith.addi %mul3A_252, %add3A_588 : i32
      %get3A_590 = arith.index_cast %add3A_589 : i32 to index
      %get3A_591 = arith.constant 0 : index
      %get3A_592 = tpu.vector_load %arg11[%get3A_590, %get3A_591] {strides = array<i32>} : memref<640x16xf32, #tpu.memory_space<vmem>>, vector<1x16xf32>,
      %get3A_593 = vector.shape_cast %get3A_592 : vector<1x16xf32> to vector<16xf32>
      %get3A_594 = arith.index_cast %add3A_589 : i32 to index
      %get3A_595 = arith.constant 0 : index
      %get3A_596 = tpu.vector_load %arg12[%get3A_594, %get3A_595] {strides = array<i32>} : memref<640x16xf32, #tpu.memory_space<vmem>>, vector<1x16xf32>,
      %get3A_597 = vector.shape_cast %get3A_596 : vector<1x16xf32> to vector<16xf32>
      %add3A_598 = arith.addf %get3A_593, %get3A_597 : vector<16xf32>
      %get3A_599 = arith.index_cast %add3A_589 : i32 to index
      %get3A_600 = arith.constant 0 : index
      %get3A_601 = tpu.vector_load %arg13[%get3A_599, %get3A_600] {strides = array<i32>} : memref<640x16xf32, #tpu.memory_space<vmem>>, vector<1x16xf32>,
      %get3A_602 = vector.shape_cast %get3A_601 : vector<1x16xf32> to vector<16xf32>
      %add3A_603 = arith.addf %add3A_598, %get3A_602 : vector<16xf32>
      %slice3A_604 = vector.extract_strided_slice %mul3A_294 {offsets = [9], sizes = [1], strides = [1]} : vector<16xf32> to vector<1xf32>
      %squeeze3A_605 = vector.extract %slice3A_604[0] : f32 from vector<1xf32>
      %mul3A_606 = vector.broadcast %squeeze3A_605 : f32 to vector<16xf32>
      %mul3A_607 = arith.mulf %add3A_603, %mul3A_606 : vector<16xf32>
      %add3A_608 = arith.addf %mul3A_607, %get3A_9 : vector<16xf32>
      %max3A_609 = arith.constant 0.000000e+00 : f32
      %max3A_610 = vector.broadcast %max3A_609 : f32 to vector<16xf32>
      %max3A_611 = arith.maximumf %add3A_608, %max3A_610 : vector<16xf32>
      %slice3A_612 = vector.extract_strided_slice %mul3A_294 {offsets = [9], sizes = [1], strides = [1]} : vector<16xf32> to vector<1xf32>
      %squeeze3A_613 = vector.extract %slice3A_612[0] : f32 from vector<1xf32>
      %mul3A_614 = vector.broadcast %squeeze3A_613 : f32 to vector<16xf32>
      %mul3A_615 = arith.mulf %max3A_611, %mul3A_614 : vector<16xf32>
      %swap3A_616 = arith.index_cast %add3A_589 : i32 to index
      %swap3A_617 = arith.constant 0 : index
      %swap3A_618 = tpu.vector_load %arg11[%swap3A_616, %swap3A_617] {strides = array<i32>} : memref<640x16xf32, #tpu.memory_space<vmem>>, vector<1x16xf32>,
      %swap3A_619 = vector.shape_cast %swap3A_618 : vector<1x16xf32> to vector<16xf32>
      %swap3A_620 = vector.shape_cast %mul3A_615 : vector<16xf32> to vector<1x16xf32>
      tpu.vector_store %arg11[%swap3A_616, %swap3A_617], %swap3A_620 {strides = array<i32>} : memref<640x16xf32, #tpu.memory_space<vmem>>, vector<1x16xf32>,
      %add3A_621 = arith.constant 10 : i32
      %add3A_622 = arith.addi %mul3A_252, %add3A_621 : i32
      %get3A_623 = arith.index_cast %add3A_622 : i32 to index
      %get3A_624 = arith.constant 0 : index
      %get3A_625 = tpu.vector_load %arg11[%get3A_623, %get3A_624] {strides = array<i32>} : memref<640x16xf32, #tpu.memory_space<vmem>>, vector<1x16xf32>,
      %get3A_626 = vector.shape_cast %get3A_625 : vector<1x16xf32> to vector<16xf32>
      %get3A_627 = arith.index_cast %add3A_622 : i32 to index
      %get3A_628 = arith.constant 0 : index
      %get3A_629 = tpu.vector_load %arg12[%get3A_627, %get3A_628] {strides = array<i32>} : memref<640x16xf32, #tpu.memory_space<vmem>>, vector<1x16xf32>,
      %get3A_630 = vector.shape_cast %get3A_629 : vector<1x16xf32> to vector<16xf32>
      %add3A_631 = arith.addf %get3A_626, %get3A_630 : vector<16xf32>
      %get3A_632 = arith.index_cast %add3A_622 : i32 to index
      %get3A_633 = arith.constant 0 : index
      %get3A_634 = tpu.vector_load %arg13[%get3A_632, %get3A_633] {strides = array<i32>} : memref<640x16xf32, #tpu.memory_space<vmem>>, vector<1x16xf32>,
      %get3A_635 = vector.shape_cast %get3A_634 : vector<1x16xf32> to vector<16xf32>
      %add3A_636 = arith.addf %add3A_631, %get3A_635 : vector<16xf32>
      %slice3A_637 = vector.extract_strided_slice %mul3A_294 {offsets = [10], sizes = [1], strides = [1]} : vector<16xf32> to vector<1xf32>
      %squeeze3A_638 = vector.extract %slice3A_637[0] : f32 from vector<1xf32>
      %mul3A_639 = vector.broadcast %squeeze3A_638 : f32 to vector<16xf32>
      %mul3A_640 = arith.mulf %add3A_636, %mul3A_639 : vector<16xf32>
      %add3A_641 = arith.addf %mul3A_640, %get3A_9 : vector<16xf32>
      %max3A_642 = arith.constant 0.000000e+00 : f32
      %max3A_643 = vector.broadcast %max3A_642 : f32 to vector<16xf32>
      %max3A_644 = arith.maximumf %add3A_641, %max3A_643 : vector<16xf32>
      %slice3A_645 = vector.extract_strided_slice %mul3A_294 {offsets = [10], sizes = [1], strides = [1]} : vector<16xf32> to vector<1xf32>
      %squeeze3A_646 = vector.extract %slice3A_645[0] : f32 from vector<1xf32>
      %mul3A_647 = vector.broadcast %squeeze3A_646 : f32 to vector<16xf32>
      %mul3A_648 = arith.mulf %max3A_644, %mul3A_647 : vector<16xf32>
      %swap3A_649 = arith.index_cast %add3A_622 : i32 to index
      %swap3A_650 = arith.constant 0 : index
      %swap3A_651 = tpu.vector_load %arg11[%swap3A_649, %swap3A_650] {strides = array<i32>} : memref<640x16xf32, #tpu.memory_space<vmem>>, vector<1x16xf32>,
      %swap3A_652 = vector.shape_cast %swap3A_651 : vector<1x16xf32> to vector<16xf32>
      %swap3A_653 = vector.shape_cast %mul3A_648 : vector<16xf32> to vector<1x16xf32>
      tpu.vector_store %arg11[%swap3A_649, %swap3A_650], %swap3A_653 {strides = array<i32>} : memref<640x16xf32, #tpu.memory_space<vmem>>, vector<1x16xf32>,
      %add3A_654 = arith.constant 11 : i32
      %add3A_655 = arith.addi %mul3A_252, %add3A_654 : i32
      %get3A_656 = arith.index_cast %add3A_655 : i32 to index
      %get3A_657 = arith.constant 0 : index
      %get3A_658 = tpu.vector_load %arg11[%get3A_656, %get3A_657] {strides = array<i32>} : memref<640x16xf32, #tpu.memory_space<vmem>>, vector<1x16xf32>,
      %get3A_659 = vector.shape_cast %get3A_658 : vector<1x16xf32> to vector<16xf32>
      %get3A_660 = arith.index_cast %add3A_655 : i32 to index
      %get3A_661 = arith.constant 0 : index
      %get3A_662 = tpu.vector_load %arg12[%get3A_660, %get3A_661] {strides = array<i32>} : memref<640x16xf32, #tpu.memory_space<vmem>>, vector<1x16xf32>,
      %get3A_663 = vector.shape_cast %get3A_662 : vector<1x16xf32> to vector<16xf32>
      %add3A_664 = arith.addf %get3A_659, %get3A_663 : vector<16xf32>
      %get3A_665 = arith.index_cast %add3A_655 : i32 to index
      %get3A_666 = arith.constant 0 : index
      %get3A_667 = tpu.vector_load %arg13[%get3A_665, %get3A_666] {strides = array<i32>} : memref<640x16xf32, #tpu.memory_space<vmem>>, vector<1x16xf32>,
      %get3A_668 = vector.shape_cast %get3A_667 : vector<1x16xf32> to vector<16xf32>
      %add3A_669 = arith.addf %add3A_664, %get3A_668 : vector<16xf32>
      %slice3A_670 = vector.extract_strided_slice %mul3A_294 {offsets = [11], sizes = [1], strides = [1]} : vector<16xf32> to vector<1xf32>
      %squeeze3A_671 = vector.extract %slice3A_670[0] : f32 from vector<1xf32>
      %mul3A_672 = vector.broadcast %squeeze3A_671 : f32 to vector<16xf32>
      %mul3A_673 = arith.mulf %add3A_669, %mul3A_672 : vector<16xf32>
      %add3A_674 = arith.addf %mul3A_673, %get3A_9 : vector<16xf32>
      %max3A_675 = arith.constant 0.000000e+00 : f32
      %max3A_676 = vector.broadcast %max3A_675 : f32 to vector<16xf32>
      %max3A_677 = arith.maximumf %add3A_674, %max3A_676 : vector<16xf32>
      %slice3A_678 = vector.extract_strided_slice %mul3A_294 {offsets = [11], sizes = [1], strides = [1]} : vector<16xf32> to vector<1xf32>
      %squeeze3A_679 = vector.extract %slice3A_678[0] : f32 from vector<1xf32>
      %mul3A_680 = vector.broadcast %squeeze3A_679 : f32 to vector<16xf32>
      %mul3A_681 = arith.mulf %max3A_677, %mul3A_680 : vector<16xf32>
      %swap3A_682 = arith.index_cast %add3A_655 : i32 to index
      %swap3A_683 = arith.constant 0 : index
      %swap3A_684 = tpu.vector_load %arg11[%swap3A_682, %swap3A_683] {strides = array<i32>} : memref<640x16xf32, #tpu.memory_space<vmem>>, vector<1x16xf32>,
      %swap3A_685 = vector.shape_cast %swap3A_684 : vector<1x16xf32> to vector<16xf32>
      %swap3A_686 = vector.shape_cast %mul3A_681 : vector<16xf32> to vector<1x16xf32>
      tpu.vector_store %arg11[%swap3A_682, %swap3A_683], %swap3A_686 {strides = array<i32>} : memref<640x16xf32, #tpu.memory_space<vmem>>, vector<1x16xf32>,
      %add3A_687 = arith.constant 12 : i32
      %add3A_688 = arith.addi %mul3A_252, %add3A_687 : i32
      %get3A_689 = arith.index_cast %add3A_688 : i32 to index
      %get3A_690 = arith.constant 0 : index
      %get3A_691 = tpu.vector_load %arg11[%get3A_689, %get3A_690] {strides = array<i32>} : memref<640x16xf32, #tpu.memory_space<vmem>>, vector<1x16xf32>,
      %get3A_692 = vector.shape_cast %get3A_691 : vector<1x16xf32> to vector<16xf32>
      %get3A_693 = arith.index_cast %add3A_688 : i32 to index
      %get3A_694 = arith.constant 0 : index
      %get3A_695 = tpu.vector_load %arg12[%get3A_693, %get3A_694] {strides = array<i32>} : memref<640x16xf32, #tpu.memory_space<vmem>>, vector<1x16xf32>,
      %get3A_696 = vector.shape_cast %get3A_695 : vector<1x16xf32> to vector<16xf32>
      %add3A_697 = arith.addf %get3A_692, %get3A_696 : vector<16xf32>
      %get3A_698 = arith.index_cast %add3A_688 : i32 to index
      %get3A_699 = arith.constant 0 : index
      %get3A_700 = tpu.vector_load %arg13[%get3A_698, %get3A_699] {strides = array<i32>} : memref<640x16xf32, #tpu.memory_space<vmem>>, vector<1x16xf32>,
      %get3A_701 = vector.shape_cast %get3A_700 : vector<1x16xf32> to vector<16xf32>
      %add3A_702 = arith.addf %add3A_697, %get3A_701 : vector<16xf32>
      %slice3A_703 = vector.extract_strided_slice %mul3A_294 {offsets = [12], sizes = [1], strides = [1]} : vector<16xf32> to vector<1xf32>
      %squeeze3A_704 = vector.extract %slice3A_703[0] : f32 from vector<1xf32>
      %mul3A_705 = vector.broadcast %squeeze3A_704 : f32 to vector<16xf32>
      %mul3A_706 = arith.mulf %add3A_702, %mul3A_705 : vector<16xf32>
      %add3A_707 = arith.addf %mul3A_706, %get3A_9 : vector<16xf32>
      %max3A_708 = arith.constant 0.000000e+00 : f32
      %max3A_709 = vector.broadcast %max3A_708 : f32 to vector<16xf32>
      %max3A_710 = arith.maximumf %add3A_707, %max3A_709 : vector<16xf32>
      %slice3A_711 = vector.extract_strided_slice %mul3A_294 {offsets = [12], sizes = [1], strides = [1]} : vector<16xf32> to vector<1xf32>
      %squeeze3A_712 = vector.extract %slice3A_711[0] : f32 from vector<1xf32>
      %mul3A_713 = vector.broadcast %squeeze3A_712 : f32 to vector<16xf32>
      %mul3A_714 = arith.mulf %max3A_710, %mul3A_713 : vector<16xf32>
      %swap3A_715 = arith.index_cast %add3A_688 : i32 to index
      %swap3A_716 = arith.constant 0 : index
      %swap3A_717 = tpu.vector_load %arg11[%swap3A_715, %swap3A_716] {strides = array<i32>} : memref<640x16xf32, #tpu.memory_space<vmem>>, vector<1x16xf32>,
      %swap3A_718 = vector.shape_cast %swap3A_717 : vector<1x16xf32> to vector<16xf32>
      %swap3A_719 = vector.shape_cast %mul3A_714 : vector<16xf32> to vector<1x16xf32>
      tpu.vector_store %arg11[%swap3A_715, %swap3A_716], %swap3A_719 {strides = array<i32>} : memref<640x16xf32, #tpu.memory_space<vmem>>, vector<1x16xf32>,
      %add3A_720 = arith.constant 13 : i32
      %add3A_721 = arith.addi %mul3A_252, %add3A_720 : i32
      %get3A_722 = arith.index_cast %add3A_721 : i32 to index
      %get3A_723 = arith.constant 0 : index
      %get3A_724 = tpu.vector_load %arg11[%get3A_722, %get3A_723] {strides = array<i32>} : memref<640x16xf32, #tpu.memory_space<vmem>>, vector<1x16xf32>,
      %get3A_725 = vector.shape_cast %get3A_724 : vector<1x16xf32> to vector<16xf32>
      %get3A_726 = arith.index_cast %add3A_721 : i32 to index
      %get3A_727 = arith.constant 0 : index
      %get3A_728 = tpu.vector_load %arg12[%get3A_726, %get3A_727] {strides = array<i32>} : memref<640x16xf32, #tpu.memory_space<vmem>>, vector<1x16xf32>,
      %get3A_729 = vector.shape_cast %get3A_728 : vector<1x16xf32> to vector<16xf32>
      %add3A_730 = arith.addf %get3A_725, %get3A_729 : vector<16xf32>
      %get3A_731 = arith.index_cast %add3A_721 : i32 to index
      %get3A_732 = arith.constant 0 : index
      %get3A_733 = tpu.vector_load %arg13[%get3A_731, %get3A_732] {strides = array<i32>} : memref<640x16xf32, #tpu.memory_space<vmem>>, vector<1x16xf32>,
      %get3A_734 = vector.shape_cast %get3A_733 : vector<1x16xf32> to vector<16xf32>
      %add3A_735 = arith.addf %add3A_730, %get3A_734 : vector<16xf32>
      %slice3A_736 = vector.extract_strided_slice %mul3A_294 {offsets = [13], sizes = [1], strides = [1]} : vector<16xf32> to vector<1xf32>
      %squeeze3A_737 = vector.extract %slice3A_736[0] : f32 from vector<1xf32>
      %mul3A_738 = vector.broadcast %squeeze3A_737 : f32 to vector<16xf32>
      %mul3A_739 = arith.mulf %add3A_735, %mul3A_738 : vector<16xf32>
      %add3A_740 = arith.addf %mul3A_739, %get3A_9 : vector<16xf32>
      %max3A_741 = arith.constant 0.000000e+00 : f32
      %max3A_742 = vector.broadcast %max3A_741 : f32 to vector<16xf32>
      %max3A_743 = arith.maximumf %add3A_740, %max3A_742 : vector<16xf32>
      %slice3A_744 = vector.extract_strided_slice %mul3A_294 {offsets = [13], sizes = [1], strides = [1]} : vector<16xf32> to vector<1xf32>
      %squeeze3A_745 = vector.extract %slice3A_744[0] : f32 from vector<1xf32>
      %mul3A_746 = vector.broadcast %squeeze3A_745 : f32 to vector<16xf32>
      %mul3A_747 = arith.mulf %max3A_743, %mul3A_746 : vector<16xf32>
      %swap3A_748 = arith.index_cast %add3A_721 : i32 to index
      %swap3A_749 = arith.constant 0 : index
      %swap3A_750 = tpu.vector_load %arg11[%swap3A_748, %swap3A_749] {strides = array<i32>} : memref<640x16xf32, #tpu.memory_space<vmem>>, vector<1x16xf32>,
      %swap3A_751 = vector.shape_cast %swap3A_750 : vector<1x16xf32> to vector<16xf32>
      %swap3A_752 = vector.shape_cast %mul3A_747 : vector<16xf32> to vector<1x16xf32>
      tpu.vector_store %arg11[%swap3A_748, %swap3A_749], %swap3A_752 {strides = array<i32>} : memref<640x16xf32, #tpu.memory_space<vmem>>, vector<1x16xf32>,
      %add3A_753 = arith.constant 14 : i32
      %add3A_754 = arith.addi %mul3A_252, %add3A_753 : i32
      %get3A_755 = arith.index_cast %add3A_754 : i32 to index
      %get3A_756 = arith.constant 0 : index
      %get3A_757 = tpu.vector_load %arg11[%get3A_755, %get3A_756] {strides = array<i32>} : memref<640x16xf32, #tpu.memory_space<vmem>>, vector<1x16xf32>,
      %get3A_758 = vector.shape_cast %get3A_757 : vector<1x16xf32> to vector<16xf32>
      %get3A_759 = arith.index_cast %add3A_754 : i32 to index
      %get3A_760 = arith.constant 0 : index
      %get3A_761 = tpu.vector_load %arg12[%get3A_759, %get3A_760] {strides = array<i32>} : memref<640x16xf32, #tpu.memory_space<vmem>>, vector<1x16xf32>,
      %get3A_762 = vector.shape_cast %get3A_761 : vector<1x16xf32> to vector<16xf32>
      %add3A_763 = arith.addf %get3A_758, %get3A_762 : vector<16xf32>
      %get3A_764 = arith.index_cast %add3A_754 : i32 to index
      %get3A_765 = arith.constant 0 : index
      %get3A_766 = tpu.vector_load %arg13[%get3A_764, %get3A_765] {strides = array<i32>} : memref<640x16xf32, #tpu.memory_space<vmem>>, vector<1x16xf32>,
      %get3A_767 = vector.shape_cast %get3A_766 : vector<1x16xf32> to vector<16xf32>
      %add3A_768 = arith.addf %add3A_763, %get3A_767 : vector<16xf32>
      %slice3A_769 = vector.extract_strided_slice %mul3A_294 {offsets = [14], sizes = [1], strides = [1]} : vector<16xf32> to vector<1xf32>
      %squeeze3A_770 = vector.extract %slice3A_769[0] : f32 from vector<1xf32>
      %mul3A_771 = vector.broadcast %squeeze3A_770 : f32 to vector<16xf32>
      %mul3A_772 = arith.mulf %add3A_768, %mul3A_771 : vector<16xf32>
      %add3A_773 = arith.addf %mul3A_772, %get3A_9 : vector<16xf32>
      %max3A_774 = arith.constant 0.000000e+00 : f32
      %max3A_775 = vector.broadcast %max3A_774 : f32 to vector<16xf32>
      %max3A_776 = arith.maximumf %add3A_773, %max3A_775 : vector<16xf32>
      %slice3A_777 = vector.extract_strided_slice %mul3A_294 {offsets = [14], sizes = [1], strides = [1]} : vector<16xf32> to vector<1xf32>
      %squeeze3A_778 = vector.extract %slice3A_777[0] : f32 from vector<1xf32>
      %mul3A_779 = vector.broadcast %squeeze3A_778 : f32 to vector<16xf32>
      %mul3A_780 = arith.mulf %max3A_776, %mul3A_779 : vector<16xf32>
      %swap3A_781 = arith.index_cast %add3A_754 : i32 to index
      %swap3A_782 = arith.constant 0 : index
      %swap3A_783 = tpu.vector_load %arg11[%swap3A_781, %swap3A_782] {strides = array<i32>} : memref<640x16xf32, #tpu.memory_space<vmem>>, vector<1x16xf32>,
      %swap3A_784 = vector.shape_cast %swap3A_783 : vector<1x16xf32> to vector<16xf32>
      %swap3A_785 = vector.shape_cast %mul3A_780 : vector<16xf32> to vector<1x16xf32>
      tpu.vector_store %arg11[%swap3A_781, %swap3A_782], %swap3A_785 {strides = array<i32>} : memref<640x16xf32, #tpu.memory_space<vmem>>, vector<1x16xf32>,
      %add3A_786 = arith.constant 15 : i32
      %add3A_787 = arith.addi %mul3A_252, %add3A_786 : i32
      %get3A_788 = arith.index_cast %add3A_787 : i32 to index
      %get3A_789 = arith.constant 0 : index
      %get3A_790 = tpu.vector_load %arg11[%get3A_788, %get3A_789] {strides = array<i32>} : memref<640x16xf32, #tpu.memory_space<vmem>>, vector<1x16xf32>,
      %get3A_791 = vector.shape_cast %get3A_790 : vector<1x16xf32> to vector<16xf32>
      %get3A_792 = arith.index_cast %add3A_787 : i32 to index
      %get3A_793 = arith.constant 0 : index
      %get3A_794 = tpu.vector_load %arg12[%get3A_792, %get3A_793] {strides = array<i32>} : memref<640x16xf32, #tpu.memory_space<vmem>>, vector<1x16xf32>,
      %get3A_795 = vector.shape_cast %get3A_794 : vector<1x16xf32> to vector<16xf32>
      %add3A_796 = arith.addf %get3A_791, %get3A_795 : vector<16xf32>
      %get3A_797 = arith.index_cast %add3A_787 : i32 to index
      %get3A_798 = arith.constant 0 : index
      %get3A_799 = tpu.vector_load %arg13[%get3A_797, %get3A_798] {strides = array<i32>} : memref<640x16xf32, #tpu.memory_space<vmem>>, vector<1x16xf32>,
      %get3A_800 = vector.shape_cast %get3A_799 : vector<1x16xf32> to vector<16xf32>
      %add3A_801 = arith.addf %add3A_796, %get3A_800 : vector<16xf32>
      %slice3A_802 = vector.extract_strided_slice %mul3A_294 {offsets = [15], sizes = [1], strides = [1]} : vector<16xf32> to vector<1xf32>
      %squeeze3A_803 = vector.extract %slice3A_802[0] : f32 from vector<1xf32>
      %mul3A_804 = vector.broadcast %squeeze3A_803 : f32 to vector<16xf32>
      %mul3A_805 = arith.mulf %add3A_801, %mul3A_804 : vector<16xf32>
      %add3A_806 = arith.addf %mul3A_805, %get3A_9 : vector<16xf32>
      %max3A_807 = arith.constant 0.000000e+00 : f32
      %max3A_808 = vector.broadcast %max3A_807 : f32 to vector<16xf32>
      %max3A_809 = arith.maximumf %add3A_806, %max3A_808 : vector<16xf32>
      %slice3A_810 = vector.extract_strided_slice %mul3A_294 {offsets = [15], sizes = [1], strides = [1]} : vector<16xf32> to vector<1xf32>
      %squeeze3A_811 = vector.extract %slice3A_810[0] : f32 from vector<1xf32>
      %mul3A_812 = vector.broadcast %squeeze3A_811 : f32 to vector<16xf32>
      %mul3A_813 = arith.mulf %max3A_809, %mul3A_812 : vector<16xf32>
      %swap3A_814 = arith.index_cast %add3A_787 : i32 to index
      %swap3A_815 = arith.constant 0 : index
      %swap3A_816 = tpu.vector_load %arg11[%swap3A_814, %swap3A_815] {strides = array<i32>} : memref<640x16xf32, #tpu.memory_space<vmem>>, vector<1x16xf32>,
      %swap3A_817 = vector.shape_cast %swap3A_816 : vector<1x16xf32> to vector<16xf32>
      %swap3A_818 = vector.shape_cast %mul3A_813 : vector<16xf32> to vector<1x16xf32>
      tpu.vector_store %arg11[%swap3A_814, %swap3A_815], %swap3A_818 {strides = array<i32>} : memref<640x16xf32, #tpu.memory_space<vmem>>, vector<1x16xf32>,
    }
    %scan3A_14 = arith.constant 40 : i32
    "tpu.region"() ({
      %run_scoped3A_250 = tpu.sem_alloc : memref<!tpu.dma_semaphore, #tpu.memory_space<semaphore_mem>>
      %dma_start3A_251 = arith.constant 0 : i32
      %dma_start3A_252 = tpu.memref_slice %arg10[%arg0, %mul3A_0, %dma_start3A_251] : memref<2x10000x16xf32, #tpu.memory_space<hbm>> -> memref<1x640x16xf32, #tpu.memory_space<hbm>>
      %dma_start3A_253 = tpu.memref_squeeze %dma_start3A_252 : memref<1x640x16xf32, #tpu.memory_space<hbm>> -> memref<640x16xf32, #tpu.memory_space<hbm>>
      %dma_start3A_254 = arith.constant 0 : i32
      %dma_start3A_255 = tpu.memref_slice %arg10[%arg0, %mul3A_0, %dma_start3A_254] : memref<2x10000x16xf32, #tpu.memory_space<hbm>> -> memref<1x640x16xf32, #tpu.memory_space<hbm>>
      %dma_start3A_256 = tpu.memref_squeeze %dma_start3A_255 : memref<1x640x16xf32, #tpu.memory_space<hbm>> -> memref<640x16xf32, #tpu.memory_space<hbm>>
      tpu.enqueue_dma source(%arg11 : memref<640x16xf32, #tpu.memory_space<vmem>>) target(%dma_start3A_256 : memref<640x16xf32, #tpu.memory_space<hbm>>) target_semaphore(%run_scoped3A_250 : memref<!tpu.dma_semaphore, #tpu.memory_space<semaphore_mem>>)
      %dma_wait3A_257 = arith.constant 0 : i32
      %dma_wait3A_258 = tpu.memref_slice %arg10[%arg0, %mul3A_0, %dma_wait3A_257] : memref<2x10000x16xf32, #tpu.memory_space<hbm>> -> memref<1x640x16xf32, #tpu.memory_space<hbm>>
      %dma_wait3A_259 = tpu.memref_squeeze %dma_wait3A_258 : memref<1x640x16xf32, #tpu.memory_space<hbm>> -> memref<640x16xf32, #tpu.memory_space<hbm>>
      %dma_wait3A_260 = arith.constant 0 : i32
      %dma_wait3A_261 = tpu.memref_slice %arg10[%arg0, %mul3A_0, %dma_wait3A_260] : memref<2x10000x16xf32, #tpu.memory_space<hbm>> -> memref<1x640x16xf32, #tpu.memory_space<hbm>>
      %dma_wait3A_262 = tpu.memref_squeeze %dma_wait3A_261 : memref<1x640x16xf32, #tpu.memory_space<hbm>> -> memref<640x16xf32, #tpu.memory_space<hbm>>
      tpu.wait_dma2 semaphore(%run_scoped3A_250 : memref<!tpu.dma_semaphore, #tpu.memory_space<semaphore_mem>>) src(%arg11 : memref<640x16xf32, #tpu.memory_space<vmem>>) dst(%dma_wait3A_262 : memref<640x16xf32, #tpu.memory_space<hbm>>)
      tpu.yield
    }) : () -> ()
    %barrier3A = arith.constant 0 : index
    tpu.barrier barrier_id(%barrier3A)
    %dma_start3A = arith.constant 0 : i32
    %dma_start3A_15 = arith.constant 0 : i32
    %dma_start3A_16 = arith.constant 0 : i32
    %dma_start3A_17 = arith.constant 0 : i32
    %dma_start3A_18 = tpu.memref_slice %arg19[%dma_start3A_15, %dma_start3A_16, %dma_start3A_17] : memref<8x125x16xf32, #tpu.memory_space<vmem>> -> memref<1x125x16xf32, #tpu.memory_space<vmem>>
    %dma_start3A_19 = tpu.memref_squeeze %dma_start3A_18 : memref<1x125x16xf32, #tpu.memory_space<vmem>> -> memref<125x16xf32, #tpu.memory_space<vmem>>
    %dma_start3A_20 = arith.constant 0 : i32
    %dma_start3A_21 = tpu.memref_slice %arg17[%dma_start3A, %dma_start3A_20] : memref<80x125xi32, #tpu.memory_space<vmem>> -> memref<1x125xi32, #tpu.memory_space<vmem>>
    %dma_start3A_22 = tpu.memref_squeeze %dma_start3A_21 : memref<1x125xi32, #tpu.memory_space<vmem>> -> memref<125xi32, #tpu.memory_space<vmem>>
    %dma_start3A_23 = arith.constant 0 : i32
    %dma_start3A_24 = arith.constant 0 : i32
    %dma_start3A_25 = tpu.memref_slice %arg10[%arg0, %dma_start3A_23, %dma_start3A_24] : memref<2x10000x16xf32, #tpu.memory_space<hbm>> -> memref<1x10000x16xf32, #tpu.memory_space<hbm>>
    %dma_start3A_26 = tpu.memref_squeeze %dma_start3A_25 : memref<1x10000x16xf32, #tpu.memory_space<hbm>> -> memref<10000x16xf32, #tpu.memory_space<hbm>>
    %dma_start3A_27 = arith.constant 0 : i32
    %dma_start3A_28 = arith.constant 0 : i32
    %dma_start3A_29 = tpu.memref_slice %dma_start3A_26[%dma_start3A_27, %dma_start3A_28] : memref<10000x16xf32, #tpu.memory_space<hbm>> -> memref<10000x16xf32, #tpu.memory_space<hbm>>
    tpu.enqueue_indirect_dma source(%dma_start3A_29 : memref<10000x16xf32, #tpu.memory_space<hbm>>) target(%dma_start3A_19 : memref<125x16xf32, #tpu.memory_space<vmem>>) offsets(%dma_start3A_22 : memref<125xi32, #tpu.memory_space<vmem>>) semaphore(%arg21 : memref<!tpu.dma_semaphore, #tpu.memory_space<semaphore_mem>>)
    %dma_start3A_30 = arith.constant 1 : i32
    %dma_start3A_31 = arith.constant 1 : i32
    %dma_start3A_32 = arith.constant 0 : i32
    %dma_start3A_33 = arith.constant 0 : i32
    %dma_start3A_34 = tpu.memref_slice %arg19[%dma_start3A_31, %dma_start3A_32, %dma_start3A_33] : memref<8x125x16xf32, #tpu.memory_space<vmem>> -> memref<1x125x16xf32, #tpu.memory_space<vmem>>
    %dma_start3A_35 = tpu.memref_squeeze %dma_start3A_34 : memref<1x125x16xf32, #tpu.memory_space<vmem>> -> memref<125x16xf32, #tpu.memory_space<vmem>>
    %dma_start3A_36 = arith.constant 0 : i32
    %dma_start3A_37 = tpu.memref_slice %arg17[%dma_start3A_30, %dma_start3A_36] : memref<80x125xi32, #tpu.memory_space<vmem>> -> memref<1x125xi32, #tpu.memory_space<vmem>>
    %dma_start3A_38 = tpu.memref_squeeze %dma_start3A_37 : memref<1x125xi32, #tpu.memory_space<vmem>> -> memref<125xi32, #tpu.memory_space<vmem>>
    %dma_start3A_39 = arith.constant 0 : i32
    %dma_start3A_40 = arith.constant 0 : i32
    %dma_start3A_41 = tpu.memref_slice %arg10[%arg0, %dma_start3A_39, %dma_start3A_40] : memref<2x10000x16xf32, #tpu.memory_space<hbm>> -> memref<1x10000x16xf32, #tpu.memory_space<hbm>>
    %dma_start3A_42 = tpu.memref_squeeze %dma_start3A_41 : memref<1x10000x16xf32, #tpu.memory_space<hbm>> -> memref<10000x16xf32, #tpu.memory_space<hbm>>
    %dma_start3A_43 = arith.constant 0 : i32
    %dma_start3A_44 = arith.constant 0 : i32
    %dma_start3A_45 = tpu.memref_slice %dma_start3A_42[%dma_start3A_43, %dma_start3A_44] : memref<10000x16xf32, #tpu.memory_space<hbm>> -> memref<10000x16xf32, #tpu.memory_space<hbm>>
    tpu.enqueue_indirect_dma source(%dma_start3A_45 : memref<10000x16xf32, #tpu.memory_space<hbm>>) target(%dma_start3A_35 : memref<125x16xf32, #tpu.memory_space<vmem>>) offsets(%dma_start3A_38 : memref<125xi32, #tpu.memory_space<vmem>>) semaphore(%arg22 : memref<!tpu.dma_semaphore, #tpu.memory_space<semaphore_mem>>)
    %dma_start3A_46 = arith.constant 2 : i32
    %dma_start3A_47 = arith.constant 2 : i32
    %dma_start3A_48 = arith.constant 0 : i32
    %dma_start3A_49 = arith.constant 0 : i32
    %dma_start3A_50 = tpu.memref_slice %arg19[%dma_start3A_47, %dma_start3A_48, %dma_start3A_49] : memref<8x125x16xf32, #tpu.memory_space<vmem>> -> memref<1x125x16xf32, #tpu.memory_space<vmem>>
    %dma_start3A_51 = tpu.memref_squeeze %dma_start3A_50 : memref<1x125x16xf32, #tpu.memory_space<vmem>> -> memref<125x16xf32, #tpu.memory_space<vmem>>
    %dma_start3A_52 = arith.constant 0 : i32
    %dma_start3A_53 = tpu.memref_slice %arg17[%dma_start3A_46, %dma_start3A_52] : memref<80x125xi32, #tpu.memory_space<vmem>> -> memref<1x125xi32, #tpu.memory_space<vmem>>
    %dma_start3A_54 = tpu.memref_squeeze %dma_start3A_53 : memref<1x125xi32, #tpu.memory_space<vmem>> -> memref<125xi32, #tpu.memory_space<vmem>>
    %dma_start3A_55 = arith.constant 0 : i32
    %dma_start3A_56 = arith.constant 0 : i32
    %dma_start3A_57 = tpu.memref_slice %arg10[%arg0, %dma_start3A_55, %dma_start3A_56] : memref<2x10000x16xf32, #tpu.memory_space<hbm>> -> memref<1x10000x16xf32, #tpu.memory_space<hbm>>
    %dma_start3A_58 = tpu.memref_squeeze %dma_start3A_57 : memref<1x10000x16xf32, #tpu.memory_space<hbm>> -> memref<10000x16xf32, #tpu.memory_space<hbm>>
    %dma_start3A_59 = arith.constant 0 : i32
    %dma_start3A_60 = arith.constant 0 : i32
    %dma_start3A_61 = tpu.memref_slice %dma_start3A_58[%dma_start3A_59, %dma_start3A_60] : memref<10000x16xf32, #tpu.memory_space<hbm>> -> memref<10000x16xf32, #tpu.memory_space<hbm>>
    tpu.enqueue_indirect_dma source(%dma_start3A_61 : memref<10000x16xf32, #tpu.memory_space<hbm>>) target(%dma_start3A_51 : memref<125x16xf32, #tpu.memory_space<vmem>>) offsets(%dma_start3A_54 : memref<125xi32, #tpu.memory_space<vmem>>) semaphore(%arg23 : memref<!tpu.dma_semaphore, #tpu.memory_space<semaphore_mem>>)
    %dma_start3A_62 = arith.constant 3 : i32
    %dma_start3A_63 = arith.constant 3 : i32
    %dma_start3A_64 = arith.constant 0 : i32
    %dma_start3A_65 = arith.constant 0 : i32
    %dma_start3A_66 = tpu.memref_slice %arg19[%dma_start3A_63, %dma_start3A_64, %dma_start3A_65] : memref<8x125x16xf32, #tpu.memory_space<vmem>> -> memref<1x125x16xf32, #tpu.memory_space<vmem>>
    %dma_start3A_67 = tpu.memref_squeeze %dma_start3A_66 : memref<1x125x16xf32, #tpu.memory_space<vmem>> -> memref<125x16xf32, #tpu.memory_space<vmem>>
    %dma_start3A_68 = arith.constant 0 : i32
    %dma_start3A_69 = tpu.memref_slice %arg17[%dma_start3A_62, %dma_start3A_68] : memref<80x125xi32, #tpu.memory_space<vmem>> -> memref<1x125xi32, #tpu.memory_space<vmem>>
    %dma_start3A_70 = tpu.memref_squeeze %dma_start3A_69 : memref<1x125xi32, #tpu.memory_space<vmem>> -> memref<125xi32, #tpu.memory_space<vmem>>
    %dma_start3A_71 = arith.constant 0 : i32
    %dma_start3A_72 = arith.constant 0 : i32
    %dma_start3A_73 = tpu.memref_slice %arg10[%arg0, %dma_start3A_71, %dma_start3A_72] : memref<2x10000x16xf32, #tpu.memory_space<hbm>> -> memref<1x10000x16xf32, #tpu.memory_space<hbm>>
    %dma_start3A_74 = tpu.memref_squeeze %dma_start3A_73 : memref<1x10000x16xf32, #tpu.memory_space<hbm>> -> memref<10000x16xf32, #tpu.memory_space<hbm>>
    %dma_start3A_75 = arith.constant 0 : i32
    %dma_start3A_76 = arith.constant 0 : i32
    %dma_start3A_77 = tpu.memref_slice %dma_start3A_74[%dma_start3A_75, %dma_start3A_76] : memref<10000x16xf32, #tpu.memory_space<hbm>> -> memref<10000x16xf32, #tpu.memory_space<hbm>>
    tpu.enqueue_indirect_dma source(%dma_start3A_77 : memref<10000x16xf32, #tpu.memory_space<hbm>>) target(%dma_start3A_67 : memref<125x16xf32, #tpu.memory_space<vmem>>) offsets(%dma_start3A_70 : memref<125xi32, #tpu.memory_space<vmem>>) semaphore(%arg24 : memref<!tpu.dma_semaphore, #tpu.memory_space<semaphore_mem>>)
    %dma_start3A_78 = arith.constant 4 : i32
    %dma_start3A_79 = arith.constant 4 : i32
    %dma_start3A_80 = arith.constant 0 : i32
    %dma_start3A_81 = arith.constant 0 : i32
    %dma_start3A_82 = tpu.memref_slice %arg19[%dma_start3A_79, %dma_start3A_80, %dma_start3A_81] : memref<8x125x16xf32, #tpu.memory_space<vmem>> -> memref<1x125x16xf32, #tpu.memory_space<vmem>>
    %dma_start3A_83 = tpu.memref_squeeze %dma_start3A_82 : memref<1x125x16xf32, #tpu.memory_space<vmem>> -> memref<125x16xf32, #tpu.memory_space<vmem>>
    %dma_start3A_84 = arith.constant 0 : i32
    %dma_start3A_85 = tpu.memref_slice %arg17[%dma_start3A_78, %dma_start3A_84] : memref<80x125xi32, #tpu.memory_space<vmem>> -> memref<1x125xi32, #tpu.memory_space<vmem>>
    %dma_start3A_86 = tpu.memref_squeeze %dma_start3A_85 : memref<1x125xi32, #tpu.memory_space<vmem>> -> memref<125xi32, #tpu.memory_space<vmem>>
    %dma_start3A_87 = arith.constant 0 : i32
    %dma_start3A_88 = arith.constant 0 : i32
    %dma_start3A_89 = tpu.memref_slice %arg10[%arg0, %dma_start3A_87, %dma_start3A_88] : memref<2x10000x16xf32, #tpu.memory_space<hbm>> -> memref<1x10000x16xf32, #tpu.memory_space<hbm>>
    %dma_start3A_90 = tpu.memref_squeeze %dma_start3A_89 : memref<1x10000x16xf32, #tpu.memory_space<hbm>> -> memref<10000x16xf32, #tpu.memory_space<hbm>>
    %dma_start3A_91 = arith.constant 0 : i32
    %dma_start3A_92 = arith.constant 0 : i32
    %dma_start3A_93 = tpu.memref_slice %dma_start3A_90[%dma_start3A_91, %dma_start3A_92] : memref<10000x16xf32, #tpu.memory_space<hbm>> -> memref<10000x16xf32, #tpu.memory_space<hbm>>
    tpu.enqueue_indirect_dma source(%dma_start3A_93 : memref<10000x16xf32, #tpu.memory_space<hbm>>) target(%dma_start3A_83 : memref<125x16xf32, #tpu.memory_space<vmem>>) offsets(%dma_start3A_86 : memref<125xi32, #tpu.memory_space<vmem>>) semaphore(%arg25 : memref<!tpu.dma_semaphore, #tpu.memory_space<semaphore_mem>>)
    %dma_start3A_94 = arith.constant 5 : i32
    %dma_start3A_95 = arith.constant 5 : i32
    %dma_start3A_96 = arith.constant 0 : i32
    %dma_start3A_97 = arith.constant 0 : i32
    %dma_start3A_98 = tpu.memref_slice %arg19[%dma_start3A_95, %dma_start3A_96, %dma_start3A_97] : memref<8x125x16xf32, #tpu.memory_space<vmem>> -> memref<1x125x16xf32, #tpu.memory_space<vmem>>
    %dma_start3A_99 = tpu.memref_squeeze %dma_start3A_98 : memref<1x125x16xf32, #tpu.memory_space<vmem>> -> memref<125x16xf32, #tpu.memory_space<vmem>>
    %dma_start3A_100 = arith.constant 0 : i32
    %dma_start3A_101 = tpu.memref_slice %arg17[%dma_start3A_94, %dma_start3A_100] : memref<80x125xi32, #tpu.memory_space<vmem>> -> memref<1x125xi32, #tpu.memory_space<vmem>>
    %dma_start3A_102 = tpu.memref_squeeze %dma_start3A_101 : memref<1x125xi32, #tpu.memory_space<vmem>> -> memref<125xi32, #tpu.memory_space<vmem>>
    %dma_start3A_103 = arith.constant 0 : i32
    %dma_start3A_104 = arith.constant 0 : i32
    %dma_start3A_105 = tpu.memref_slice %arg10[%arg0, %dma_start3A_103, %dma_start3A_104] : memref<2x10000x16xf32, #tpu.memory_space<hbm>> -> memref<1x10000x16xf32, #tpu.memory_space<hbm>>
    %dma_start3A_106 = tpu.memref_squeeze %dma_start3A_105 : memref<1x10000x16xf32, #tpu.memory_space<hbm>> -> memref<10000x16xf32, #tpu.memory_space<hbm>>
    %dma_start3A_107 = arith.constant 0 : i32
    %dma_start3A_108 = arith.constant 0 : i32
    %dma_start3A_109 = tpu.memref_slice %dma_start3A_106[%dma_start3A_107, %dma_start3A_108] : memref<10000x16xf32, #tpu.memory_space<hbm>> -> memref<10000x16xf32, #tpu.memory_space<hbm>>
    tpu.enqueue_indirect_dma source(%dma_start3A_109 : memref<10000x16xf32, #tpu.memory_space<hbm>>) target(%dma_start3A_99 : memref<125x16xf32, #tpu.memory_space<vmem>>) offsets(%dma_start3A_102 : memref<125xi32, #tpu.memory_space<vmem>>) semaphore(%arg26 : memref<!tpu.dma_semaphore, #tpu.memory_space<semaphore_mem>>)
    %dma_start3A_110 = arith.constant 6 : i32
    %dma_start3A_111 = arith.constant 6 : i32
    %dma_start3A_112 = arith.constant 0 : i32
    %dma_start3A_113 = arith.constant 0 : i32
    %dma_start3A_114 = tpu.memref_slice %arg19[%dma_start3A_111, %dma_start3A_112, %dma_start3A_113] : memref<8x125x16xf32, #tpu.memory_space<vmem>> -> memref<1x125x16xf32, #tpu.memory_space<vmem>>
    %dma_start3A_115 = tpu.memref_squeeze %dma_start3A_114 : memref<1x125x16xf32, #tpu.memory_space<vmem>> -> memref<125x16xf32, #tpu.memory_space<vmem>>
    %dma_start3A_116 = arith.constant 0 : i32
    %dma_start3A_117 = tpu.memref_slice %arg17[%dma_start3A_110, %dma_start3A_116] : memref<80x125xi32, #tpu.memory_space<vmem>> -> memref<1x125xi32, #tpu.memory_space<vmem>>
    %dma_start3A_118 = tpu.memref_squeeze %dma_start3A_117 : memref<1x125xi32, #tpu.memory_space<vmem>> -> memref<125xi32, #tpu.memory_space<vmem>>
    %dma_start3A_119 = arith.constant 0 : i32
    %dma_start3A_120 = arith.constant 0 : i32
    %dma_start3A_121 = tpu.memref_slice %arg10[%arg0, %dma_start3A_119, %dma_start3A_120] : memref<2x10000x16xf32, #tpu.memory_space<hbm>> -> memref<1x10000x16xf32, #tpu.memory_space<hbm>>
    %dma_start3A_122 = tpu.memref_squeeze %dma_start3A_121 : memref<1x10000x16xf32, #tpu.memory_space<hbm>> -> memref<10000x16xf32, #tpu.memory_space<hbm>>
    %dma_start3A_123 = arith.constant 0 : i32
    %dma_start3A_124 = arith.constant 0 : i32
    %dma_start3A_125 = tpu.memref_slice %dma_start3A_122[%dma_start3A_123, %dma_start3A_124] : memref<10000x16xf32, #tpu.memory_space<hbm>> -> memref<10000x16xf32, #tpu.memory_space<hbm>>
    tpu.enqueue_indirect_dma source(%dma_start3A_125 : memref<10000x16xf32, #tpu.memory_space<hbm>>) target(%dma_start3A_115 : memref<125x16xf32, #tpu.memory_space<vmem>>) offsets(%dma_start3A_118 : memref<125xi32, #tpu.memory_space<vmem>>) semaphore(%arg27 : memref<!tpu.dma_semaphore, #tpu.memory_space<semaphore_mem>>)
    %dma_start3A_126 = arith.constant 7 : i32
    %dma_start3A_127 = arith.constant 7 : i32
    %dma_start3A_128 = arith.constant 0 : i32
    %dma_start3A_129 = arith.constant 0 : i32
    %dma_start3A_130 = tpu.memref_slice %arg19[%dma_start3A_127, %dma_start3A_128, %dma_start3A_129] : memref<8x125x16xf32, #tpu.memory_space<vmem>> -> memref<1x125x16xf32, #tpu.memory_space<vmem>>
    %dma_start3A_131 = tpu.memref_squeeze %dma_start3A_130 : memref<1x125x16xf32, #tpu.memory_space<vmem>> -> memref<125x16xf32, #tpu.memory_space<vmem>>
    %dma_start3A_132 = arith.constant 0 : i32
    %dma_start3A_133 = tpu.memref_slice %arg17[%dma_start3A_126, %dma_start3A_132] : memref<80x125xi32, #tpu.memory_space<vmem>> -> memref<1x125xi32, #tpu.memory_space<vmem>>
    %dma_start3A_134 = tpu.memref_squeeze %dma_start3A_133 : memref<1x125xi32, #tpu.memory_space<vmem>> -> memref<125xi32, #tpu.memory_space<vmem>>
    %dma_start3A_135 = arith.constant 0 : i32
    %dma_start3A_136 = arith.constant 0 : i32
    %dma_start3A_137 = tpu.memref_slice %arg10[%arg0, %dma_start3A_135, %dma_start3A_136] : memref<2x10000x16xf32, #tpu.memory_space<hbm>> -> memref<1x10000x16xf32, #tpu.memory_space<hbm>>
    %dma_start3A_138 = tpu.memref_squeeze %dma_start3A_137 : memref<1x10000x16xf32, #tpu.memory_space<hbm>> -> memref<10000x16xf32, #tpu.memory_space<hbm>>
    %dma_start3A_139 = arith.constant 0 : i32
    %dma_start3A_140 = arith.constant 0 : i32
    %dma_start3A_141 = tpu.memref_slice %dma_start3A_138[%dma_start3A_139, %dma_start3A_140] : memref<10000x16xf32, #tpu.memory_space<hbm>> -> memref<10000x16xf32, #tpu.memory_space<hbm>>
    tpu.enqueue_indirect_dma source(%dma_start3A_141 : memref<10000x16xf32, #tpu.memory_space<hbm>>) target(%dma_start3A_131 : memref<125x16xf32, #tpu.memory_space<vmem>>) offsets(%dma_start3A_134 : memref<125xi32, #tpu.memory_space<vmem>>) semaphore(%arg28 : memref<!tpu.dma_semaphore, #tpu.memory_space<semaphore_mem>>)
    %scan3A_142 = arith.constant 0 : i32
    %scan3A_143 = arith.constant 0 : i32
    %scan3A_144 = arith.constant 10 : i32
    %scan3A_145 = arith.addi %scan3A_143, %scan3A_144 : i32
    %scan3A_146 = arith.constant 1 : i32
    scf.for %scan3A_250 = %scan3A_143 to %scan3A_145 step %scan3A_146  : i32 {
      %mul3A_251 = arith.constant 8 : i32
      %mul3A_252 = arith.muli %scan3A_250, %mul3A_251 : i32
      %add3A_253 = arith.constant 0 : i32
      %add3A_254 = arith.addi %mul3A_252, %add3A_253 : i32
      %dma_wait3A_255 = arith.constant 0 : i32
      %dma_wait3A_256 = arith.constant 0 : i32
      %dma_wait3A_257 = arith.constant 0 : i32
      %dma_wait3A_258 = tpu.memref_slice %arg19[%dma_wait3A_255, %dma_wait3A_256, %dma_wait3A_257] : memref<8x125x16xf32, #tpu.memory_space<vmem>> -> memref<1x125x16xf32, #tpu.memory_space<vmem>>
      %dma_wait3A_259 = tpu.memref_squeeze %dma_wait3A_258 : memref<1x125x16xf32, #tpu.memory_space<vmem>> -> memref<125x16xf32, #tpu.memory_space<vmem>>
      %dma_wait3A_260 = arith.constant 0 : i32
      %dma_wait3A_261 = tpu.memref_slice %arg17[%add3A_254, %dma_wait3A_260] : memref<80x125xi32, #tpu.memory_space<vmem>> -> memref<1x125xi32, #tpu.memory_space<vmem>>
      %dma_wait3A_262 = tpu.memref_squeeze %dma_wait3A_261 : memref<1x125xi32, #tpu.memory_space<vmem>> -> memref<125xi32, #tpu.memory_space<vmem>>
      %dma_wait3A_263 = arith.constant 0 : i32
      %dma_wait3A_264 = arith.constant 0 : i32
      %dma_wait3A_265 = tpu.memref_slice %arg10[%arg0, %dma_wait3A_263, %dma_wait3A_264] : memref<2x10000x16xf32, #tpu.memory_space<hbm>> -> memref<1x10000x16xf32, #tpu.memory_space<hbm>>
      %dma_wait3A_266 = tpu.memref_squeeze %dma_wait3A_265 : memref<1x10000x16xf32, #tpu.memory_space<hbm>> -> memref<10000x16xf32, #tpu.memory_space<hbm>>
      %dma_wait3A_267 = arith.constant 0 : i32
      %dma_wait3A_268 = arith.constant 0 : i32
      %dma_wait3A_269 = tpu.memref_slice %dma_wait3A_266[%dma_wait3A_267, %dma_wait3A_268] : memref<10000x16xf32, #tpu.memory_space<hbm>> -> memref<10000x16xf32, #tpu.memory_space<hbm>>
      tpu.wait_indirect_dma semaphore(%arg21 : memref<!tpu.dma_semaphore, #tpu.memory_space<semaphore_mem>>) src(%dma_wait3A_269 : memref<10000x16xf32, #tpu.memory_space<hbm>>) dst(%dma_wait3A_259 : memref<125x16xf32, #tpu.memory_space<vmem>>)
      %dma_start3A_270 = arith.constant 0 : i32
      %dma_start3A_271 = arith.constant 0 : i32
      %dma_start3A_272 = arith.constant 0 : i32
      %dma_start3A_273 = tpu.memref_slice %arg19[%dma_start3A_270, %dma_start3A_271, %dma_start3A_272] : memref<8x125x16xf32, #tpu.memory_space<vmem>> -> memref<1x125x16xf32, #tpu.memory_space<vmem>>
      %dma_start3A_274 = tpu.memref_squeeze %dma_start3A_273 : memref<1x125x16xf32, #tpu.memory_space<vmem>> -> memref<125x16xf32, #tpu.memory_space<vmem>>
      %dma_start3A_275 = arith.constant 0 : i32
      %dma_start3A_276 = tpu.memref_slice %arg18[%add3A_254, %dma_start3A_275] : memref<80x125xi32, #tpu.memory_space<vmem>> -> memref<1x125xi32, #tpu.memory_space<vmem>>
      %dma_start3A_277 = tpu.memref_squeeze %dma_start3A_276 : memref<1x125xi32, #tpu.memory_space<vmem>> -> memref<125xi32, #tpu.memory_space<vmem>>
      %dma_start3A_278 = arith.constant 0 : i32
      %dma_start3A_279 = arith.constant 0 : i32
      %dma_start3A_280 = tpu.memref_slice %arg20[%dma_start3A_278, %dma_start3A_279] : memref<10000x16xf32, #tpu.memory_space<vmem_shared>> -> memref<10000x16xf32, #tpu.memory_space<vmem_shared>>
      tpu.enqueue_indirect_dma source(%dma_start3A_274 : memref<125x16xf32, #tpu.memory_space<vmem>>) target(%dma_start3A_280 : memref<10000x16xf32, #tpu.memory_space<vmem_shared>>) offsets(%dma_start3A_277 : memref<125xi32, #tpu.memory_space<vmem>>) semaphore(%arg29 : memref<!tpu.dma_semaphore, #tpu.memory_space<semaphore_mem>>) {add = true}
      %lt3A = arith.constant 9 : i32
      %lt3A_281 = arith.cmpi slt, %scan3A_250, %lt3A : i32
      %convert_element_type3A = arith.extui %lt3A_281 : i1 to i32
      %cond3A = arith.constant 0 : i32
      %cond3A_282 = arith.cmpi ne, %convert_element_type3A, %cond3A : i32
      scf.if %cond3A_282 {
        %dma_wait3A_528 = arith.constant 0 : i32
        %dma_wait3A_529 = arith.constant 0 : i32
        %dma_wait3A_530 = arith.constant 0 : i32
        %dma_wait3A_531 = tpu.memref_slice %arg19[%dma_wait3A_528, %dma_wait3A_529, %dma_wait3A_530] : memref<8x125x16xf32, #tpu.memory_space<vmem>> -> memref<1x125x16xf32, #tpu.memory_space<vmem>>
        %dma_wait3A_532 = tpu.memref_squeeze %dma_wait3A_531 : memref<1x125x16xf32, #tpu.memory_space<vmem>> -> memref<125x16xf32, #tpu.memory_space<vmem>>
        %dma_wait3A_533 = arith.constant 0 : i32
        %dma_wait3A_534 = tpu.memref_slice %arg18[%add3A_254, %dma_wait3A_533] : memref<80x125xi32, #tpu.memory_space<vmem>> -> memref<1x125xi32, #tpu.memory_space<vmem>>
        %dma_wait3A_535 = tpu.memref_squeeze %dma_wait3A_534 : memref<1x125xi32, #tpu.memory_space<vmem>> -> memref<125xi32, #tpu.memory_space<vmem>>
        %dma_wait3A_536 = arith.constant 0 : i32
        %dma_wait3A_537 = arith.constant 0 : i32
        %dma_wait3A_538 = tpu.memref_slice %arg20[%dma_wait3A_536, %dma_wait3A_537] : memref<10000x16xf32, #tpu.memory_space<vmem_shared>> -> memref<10000x16xf32, #tpu.memory_space<vmem_shared>>
        tpu.wait_indirect_dma semaphore(%arg29 : memref<!tpu.dma_semaphore, #tpu.memory_space<semaphore_mem>>) src(%dma_wait3A_532 : memref<125x16xf32, #tpu.memory_space<vmem>>) dst(%dma_wait3A_538 : memref<10000x16xf32, #tpu.memory_space<vmem_shared>>)
        %add3A_539 = arith.constant 8 : i32
        %add3A_540 = arith.addi %add3A_254, %add3A_539 : i32
        %dma_start3A_541 = arith.constant 0 : i32
        %dma_start3A_542 = arith.constant 0 : i32
        %dma_start3A_543 = arith.constant 0 : i32
        %dma_start3A_544 = tpu.memref_slice %arg19[%dma_start3A_541, %dma_start3A_542, %dma_start3A_543] : memref<8x125x16xf32, #tpu.memory_space<vmem>> -> memref<1x125x16xf32, #tpu.memory_space<vmem>>
        %dma_start3A_545 = tpu.memref_squeeze %dma_start3A_544 : memref<1x125x16xf32, #tpu.memory_space<vmem>> -> memref<125x16xf32, #tpu.memory_space<vmem>>
        %dma_start3A_546 = arith.constant 0 : i32
        %dma_start3A_547 = tpu.memref_slice %arg17[%add3A_540, %dma_start3A_546] : memref<80x125xi32, #tpu.memory_space<vmem>> -> memref<1x125xi32, #tpu.memory_space<vmem>>
        %dma_start3A_548 = tpu.memref_squeeze %dma_start3A_547 : memref<1x125xi32, #tpu.memory_space<vmem>> -> memref<125xi32, #tpu.memory_space<vmem>>
        %dma_start3A_549 = arith.constant 0 : i32
        %dma_start3A_550 = arith.constant 0 : i32
        %dma_start3A_551 = tpu.memref_slice %arg10[%arg0, %dma_start3A_549, %dma_start3A_550] : memref<2x10000x16xf32, #tpu.memory_space<hbm>> -> memref<1x10000x16xf32, #tpu.memory_space<hbm>>
        %dma_start3A_552 = tpu.memref_squeeze %dma_start3A_551 : memref<1x10000x16xf32, #tpu.memory_space<hbm>> -> memref<10000x16xf32, #tpu.memory_space<hbm>>
        %dma_start3A_553 = arith.constant 0 : i32
        %dma_start3A_554 = arith.constant 0 : i32
        %dma_start3A_555 = tpu.memref_slice %dma_start3A_552[%dma_start3A_553, %dma_start3A_554] : memref<10000x16xf32, #tpu.memory_space<hbm>> -> memref<10000x16xf32, #tpu.memory_space<hbm>>
        tpu.enqueue_indirect_dma source(%dma_start3A_555 : memref<10000x16xf32, #tpu.memory_space<hbm>>) target(%dma_start3A_545 : memref<125x16xf32, #tpu.memory_space<vmem>>) offsets(%dma_start3A_548 : memref<125xi32, #tpu.memory_space<vmem>>) semaphore(%arg21 : memref<!tpu.dma_semaphore, #tpu.memory_space<semaphore_mem>>)
      } else {
      }
      %mul3A_283 = arith.constant 8 : i32
      %mul3A_284 = arith.muli %scan3A_250, %mul3A_283 : i32
      %add3A_285 = arith.constant 1 : i32
      %add3A_286 = arith.addi %mul3A_284, %add3A_285 : i32
      %dma_wait3A_287 = arith.constant 1 : i32
      %dma_wait3A_288 = arith.constant 0 : i32
      %dma_wait3A_289 = arith.constant 0 : i32
      %dma_wait3A_290 = tpu.memref_slice %arg19[%dma_wait3A_287, %dma_wait3A_288, %dma_wait3A_289] : memref<8x125x16xf32, #tpu.memory_space<vmem>> -> memref<1x125x16xf32, #tpu.memory_space<vmem>>
      %dma_wait3A_291 = tpu.memref_squeeze %dma_wait3A_290 : memref<1x125x16xf32, #tpu.memory_space<vmem>> -> memref<125x16xf32, #tpu.memory_space<vmem>>
      %dma_wait3A_292 = arith.constant 0 : i32
      %dma_wait3A_293 = tpu.memref_slice %arg17[%add3A_286, %dma_wait3A_292] : memref<80x125xi32, #tpu.memory_space<vmem>> -> memref<1x125xi32, #tpu.memory_space<vmem>>
      %dma_wait3A_294 = tpu.memref_squeeze %dma_wait3A_293 : memref<1x125xi32, #tpu.memory_space<vmem>> -> memref<125xi32, #tpu.memory_space<vmem>>
      %dma_wait3A_295 = arith.constant 0 : i32
      %dma_wait3A_296 = arith.constant 0 : i32
      %dma_wait3A_297 = tpu.memref_slice %arg10[%arg0, %dma_wait3A_295, %dma_wait3A_296] : memref<2x10000x16xf32, #tpu.memory_space<hbm>> -> memref<1x10000x16xf32, #tpu.memory_space<hbm>>
      %dma_wait3A_298 = tpu.memref_squeeze %dma_wait3A_297 : memref<1x10000x16xf32, #tpu.memory_space<hbm>> -> memref<10000x16xf32, #tpu.memory_space<hbm>>
      %dma_wait3A_299 = arith.constant 0 : i32
      %dma_wait3A_300 = arith.constant 0 : i32
      %dma_wait3A_301 = tpu.memref_slice %dma_wait3A_298[%dma_wait3A_299, %dma_wait3A_300] : memref<10000x16xf32, #tpu.memory_space<hbm>> -> memref<10000x16xf32, #tpu.memory_space<hbm>>
      tpu.wait_indirect_dma semaphore(%arg22 : memref<!tpu.dma_semaphore, #tpu.memory_space<semaphore_mem>>) src(%dma_wait3A_301 : memref<10000x16xf32, #tpu.memory_space<hbm>>) dst(%dma_wait3A_291 : memref<125x16xf32, #tpu.memory_space<vmem>>)
      %dma_start3A_302 = arith.constant 1 : i32
      %dma_start3A_303 = arith.constant 0 : i32
      %dma_start3A_304 = arith.constant 0 : i32
      %dma_start3A_305 = tpu.memref_slice %arg19[%dma_start3A_302, %dma_start3A_303, %dma_start3A_304] : memref<8x125x16xf32, #tpu.memory_space<vmem>> -> memref<1x125x16xf32, #tpu.memory_space<vmem>>
      %dma_start3A_306 = tpu.memref_squeeze %dma_start3A_305 : memref<1x125x16xf32, #tpu.memory_space<vmem>> -> memref<125x16xf32, #tpu.memory_space<vmem>>
      %dma_start3A_307 = arith.constant 0 : i32
      %dma_start3A_308 = tpu.memref_slice %arg18[%add3A_286, %dma_start3A_307] : memref<80x125xi32, #tpu.memory_space<vmem>> -> memref<1x125xi32, #tpu.memory_space<vmem>>
      %dma_start3A_309 = tpu.memref_squeeze %dma_start3A_308 : memref<1x125xi32, #tpu.memory_space<vmem>> -> memref<125xi32, #tpu.memory_space<vmem>>
      %dma_start3A_310 = arith.constant 0 : i32
      %dma_start3A_311 = arith.constant 0 : i32
      %dma_start3A_312 = tpu.memref_slice %arg20[%dma_start3A_310, %dma_start3A_311] : memref<10000x16xf32, #tpu.memory_space<vmem_shared>> -> memref<10000x16xf32, #tpu.memory_space<vmem_shared>>
      tpu.enqueue_indirect_dma source(%dma_start3A_306 : memref<125x16xf32, #tpu.memory_space<vmem>>) target(%dma_start3A_312 : memref<10000x16xf32, #tpu.memory_space<vmem_shared>>) offsets(%dma_start3A_309 : memref<125xi32, #tpu.memory_space<vmem>>) semaphore(%arg30 : memref<!tpu.dma_semaphore, #tpu.memory_space<semaphore_mem>>) {add = true}
      %lt3A_313 = arith.constant 9 : i32
      %lt3A_314 = arith.cmpi slt, %scan3A_250, %lt3A_313 : i32
      %convert_element_type3A_315 = arith.extui %lt3A_314 : i1 to i32
      %cond3A_316 = arith.constant 0 : i32
      %cond3A_317 = arith.cmpi ne, %convert_element_type3A_315, %cond3A_316 : i32
      scf.if %cond3A_317 {
        %dma_wait3A_528 = arith.constant 1 : i32
        %dma_wait3A_529 = arith.constant 0 : i32
        %dma_wait3A_530 = arith.constant 0 : i32
        %dma_wait3A_531 = tpu.memref_slice %arg19[%dma_wait3A_528, %dma_wait3A_529, %dma_wait3A_530] : memref<8x125x16xf32, #tpu.memory_space<vmem>> -> memref<1x125x16xf32, #tpu.memory_space<vmem>>
        %dma_wait3A_532 = tpu.memref_squeeze %dma_wait3A_531 : memref<1x125x16xf32, #tpu.memory_space<vmem>> -> memref<125x16xf32, #tpu.memory_space<vmem>>
        %dma_wait3A_533 = arith.constant 0 : i32
        %dma_wait3A_534 = tpu.memref_slice %arg18[%add3A_286, %dma_wait3A_533] : memref<80x125xi32, #tpu.memory_space<vmem>> -> memref<1x125xi32, #tpu.memory_space<vmem>>
        %dma_wait3A_535 = tpu.memref_squeeze %dma_wait3A_534 : memref<1x125xi32, #tpu.memory_space<vmem>> -> memref<125xi32, #tpu.memory_space<vmem>>
        %dma_wait3A_536 = arith.constant 0 : i32
        %dma_wait3A_537 = arith.constant 0 : i32
        %dma_wait3A_538 = tpu.memref_slice %arg20[%dma_wait3A_536, %dma_wait3A_537] : memref<10000x16xf32, #tpu.memory_space<vmem_shared>> -> memref<10000x16xf32, #tpu.memory_space<vmem_shared>>
        tpu.wait_indirect_dma semaphore(%arg30 : memref<!tpu.dma_semaphore, #tpu.memory_space<semaphore_mem>>) src(%dma_wait3A_532 : memref<125x16xf32, #tpu.memory_space<vmem>>) dst(%dma_wait3A_538 : memref<10000x16xf32, #tpu.memory_space<vmem_shared>>)
        %add3A_539 = arith.constant 8 : i32
        %add3A_540 = arith.addi %add3A_286, %add3A_539 : i32
        %dma_start3A_541 = arith.constant 1 : i32
        %dma_start3A_542 = arith.constant 0 : i32
        %dma_start3A_543 = arith.constant 0 : i32
        %dma_start3A_544 = tpu.memref_slice %arg19[%dma_start3A_541, %dma_start3A_542, %dma_start3A_543] : memref<8x125x16xf32, #tpu.memory_space<vmem>> -> memref<1x125x16xf32, #tpu.memory_space<vmem>>
        %dma_start3A_545 = tpu.memref_squeeze %dma_start3A_544 : memref<1x125x16xf32, #tpu.memory_space<vmem>> -> memref<125x16xf32, #tpu.memory_space<vmem>>
        %dma_start3A_546 = arith.constant 0 : i32
        %dma_start3A_547 = tpu.memref_slice %arg17[%add3A_540, %dma_start3A_546] : memref<80x125xi32, #tpu.memory_space<vmem>> -> memref<1x125xi32, #tpu.memory_space<vmem>>
        %dma_start3A_548 = tpu.memref_squeeze %dma_start3A_547 : memref<1x125xi32, #tpu.memory_space<vmem>> -> memref<125xi32, #tpu.memory_space<vmem>>
        %dma_start3A_549 = arith.constant 0 : i32
        %dma_start3A_550 = arith.constant 0 : i32
        %dma_start3A_551 = tpu.memref_slice %arg10[%arg0, %dma_start3A_549, %dma_start3A_550] : memref<2x10000x16xf32, #tpu.memory_space<hbm>> -> memref<1x10000x16xf32, #tpu.memory_space<hbm>>
        %dma_start3A_552 = tpu.memref_squeeze %dma_start3A_551 : memref<1x10000x16xf32, #tpu.memory_space<hbm>> -> memref<10000x16xf32, #tpu.memory_space<hbm>>
        %dma_start3A_553 = arith.constant 0 : i32
        %dma_start3A_554 = arith.constant 0 : i32
        %dma_start3A_555 = tpu.memref_slice %dma_start3A_552[%dma_start3A_553, %dma_start3A_554] : memref<10000x16xf32, #tpu.memory_space<hbm>> -> memref<10000x16xf32, #tpu.memory_space<hbm>>
        tpu.enqueue_indirect_dma source(%dma_start3A_555 : memref<10000x16xf32, #tpu.memory_space<hbm>>) target(%dma_start3A_545 : memref<125x16xf32, #tpu.memory_space<vmem>>) offsets(%dma_start3A_548 : memref<125xi32, #tpu.memory_space<vmem>>) semaphore(%arg22 : memref<!tpu.dma_semaphore, #tpu.memory_space<semaphore_mem>>)
      } else {
      }
      %mul3A_318 = arith.constant 8 : i32
      %mul3A_319 = arith.muli %scan3A_250, %mul3A_318 : i32
      %add3A_320 = arith.constant 2 : i32
      %add3A_321 = arith.addi %mul3A_319, %add3A_320 : i32
      %dma_wait3A_322 = arith.constant 2 : i32
      %dma_wait3A_323 = arith.constant 0 : i32
      %dma_wait3A_324 = arith.constant 0 : i32
      %dma_wait3A_325 = tpu.memref_slice %arg19[%dma_wait3A_322, %dma_wait3A_323, %dma_wait3A_324] : memref<8x125x16xf32, #tpu.memory_space<vmem>> -> memref<1x125x16xf32, #tpu.memory_space<vmem>>
      %dma_wait3A_326 = tpu.memref_squeeze %dma_wait3A_325 : memref<1x125x16xf32, #tpu.memory_space<vmem>> -> memref<125x16xf32, #tpu.memory_space<vmem>>
      %dma_wait3A_327 = arith.constant 0 : i32
      %dma_wait3A_328 = tpu.memref_slice %arg17[%add3A_321, %dma_wait3A_327] : memref<80x125xi32, #tpu.memory_space<vmem>> -> memref<1x125xi32, #tpu.memory_space<vmem>>
      %dma_wait3A_329 = tpu.memref_squeeze %dma_wait3A_328 : memref<1x125xi32, #tpu.memory_space<vmem>> -> memref<125xi32, #tpu.memory_space<vmem>>
      %dma_wait3A_330 = arith.constant 0 : i32
      %dma_wait3A_331 = arith.constant 0 : i32
      %dma_wait3A_332 = tpu.memref_slice %arg10[%arg0, %dma_wait3A_330, %dma_wait3A_331] : memref<2x10000x16xf32, #tpu.memory_space<hbm>> -> memref<1x10000x16xf32, #tpu.memory_space<hbm>>
      %dma_wait3A_333 = tpu.memref_squeeze %dma_wait3A_332 : memref<1x10000x16xf32, #tpu.memory_space<hbm>> -> memref<10000x16xf32, #tpu.memory_space<hbm>>
      %dma_wait3A_334 = arith.constant 0 : i32
      %dma_wait3A_335 = arith.constant 0 : i32
      %dma_wait3A_336 = tpu.memref_slice %dma_wait3A_333[%dma_wait3A_334, %dma_wait3A_335] : memref<10000x16xf32, #tpu.memory_space<hbm>> -> memref<10000x16xf32, #tpu.memory_space<hbm>>
      tpu.wait_indirect_dma semaphore(%arg23 : memref<!tpu.dma_semaphore, #tpu.memory_space<semaphore_mem>>) src(%dma_wait3A_336 : memref<10000x16xf32, #tpu.memory_space<hbm>>) dst(%dma_wait3A_326 : memref<125x16xf32, #tpu.memory_space<vmem>>)
      %dma_start3A_337 = arith.constant 2 : i32
      %dma_start3A_338 = arith.constant 0 : i32
      %dma_start3A_339 = arith.constant 0 : i32
      %dma_start3A_340 = tpu.memref_slice %arg19[%dma_start3A_337, %dma_start3A_338, %dma_start3A_339] : memref<8x125x16xf32, #tpu.memory_space<vmem>> -> memref<1x125x16xf32, #tpu.memory_space<vmem>>
      %dma_start3A_341 = tpu.memref_squeeze %dma_start3A_340 : memref<1x125x16xf32, #tpu.memory_space<vmem>> -> memref<125x16xf32, #tpu.memory_space<vmem>>
      %dma_start3A_342 = arith.constant 0 : i32
      %dma_start3A_343 = tpu.memref_slice %arg18[%add3A_321, %dma_start3A_342] : memref<80x125xi32, #tpu.memory_space<vmem>> -> memref<1x125xi32, #tpu.memory_space<vmem>>
      %dma_start3A_344 = tpu.memref_squeeze %dma_start3A_343 : memref<1x125xi32, #tpu.memory_space<vmem>> -> memref<125xi32, #tpu.memory_space<vmem>>
      %dma_start3A_345 = arith.constant 0 : i32
      %dma_start3A_346 = arith.constant 0 : i32
      %dma_start3A_347 = tpu.memref_slice %arg20[%dma_start3A_345, %dma_start3A_346] : memref<10000x16xf32, #tpu.memory_space<vmem_shared>> -> memref<10000x16xf32, #tpu.memory_space<vmem_shared>>
      tpu.enqueue_indirect_dma source(%dma_start3A_341 : memref<125x16xf32, #tpu.memory_space<vmem>>) target(%dma_start3A_347 : memref<10000x16xf32, #tpu.memory_space<vmem_shared>>) offsets(%dma_start3A_344 : memref<125xi32, #tpu.memory_space<vmem>>) semaphore(%arg31 : memref<!tpu.dma_semaphore, #tpu.memory_space<semaphore_mem>>) {add = true}
      %lt3A_348 = arith.constant 9 : i32
      %lt3A_349 = arith.cmpi slt, %scan3A_250, %lt3A_348 : i32
      %convert_element_type3A_350 = arith.extui %lt3A_349 : i1 to i32
      %cond3A_351 = arith.constant 0 : i32
      %cond3A_352 = arith.cmpi ne, %convert_element_type3A_350, %cond3A_351 : i32
      scf.if %cond3A_352 {
        %dma_wait3A_528 = arith.constant 2 : i32
        %dma_wait3A_529 = arith.constant 0 : i32
        %dma_wait3A_530 = arith.constant 0 : i32
        %dma_wait3A_531 = tpu.memref_slice %arg19[%dma_wait3A_528, %dma_wait3A_529, %dma_wait3A_530] : memref<8x125x16xf32, #tpu.memory_space<vmem>> -> memref<1x125x16xf32, #tpu.memory_space<vmem>>
        %dma_wait3A_532 = tpu.memref_squeeze %dma_wait3A_531 : memref<1x125x16xf32, #tpu.memory_space<vmem>> -> memref<125x16xf32, #tpu.memory_space<vmem>>
        %dma_wait3A_533 = arith.constant 0 : i32
        %dma_wait3A_534 = tpu.memref_slice %arg18[%add3A_321, %dma_wait3A_533] : memref<80x125xi32, #tpu.memory_space<vmem>> -> memref<1x125xi32, #tpu.memory_space<vmem>>
        %dma_wait3A_535 = tpu.memref_squeeze %dma_wait3A_534 : memref<1x125xi32, #tpu.memory_space<vmem>> -> memref<125xi32, #tpu.memory_space<vmem>>
        %dma_wait3A_536 = arith.constant 0 : i32
        %dma_wait3A_537 = arith.constant 0 : i32
        %dma_wait3A_538 = tpu.memref_slice %arg20[%dma_wait3A_536, %dma_wait3A_537] : memref<10000x16xf32, #tpu.memory_space<vmem_shared>> -> memref<10000x16xf32, #tpu.memory_space<vmem_shared>>
        tpu.wait_indirect_dma semaphore(%arg31 : memref<!tpu.dma_semaphore, #tpu.memory_space<semaphore_mem>>) src(%dma_wait3A_532 : memref<125x16xf32, #tpu.memory_space<vmem>>) dst(%dma_wait3A_538 : memref<10000x16xf32, #tpu.memory_space<vmem_shared>>)
        %add3A_539 = arith.constant 8 : i32
        %add3A_540 = arith.addi %add3A_321, %add3A_539 : i32
        %dma_start3A_541 = arith.constant 2 : i32
        %dma_start3A_542 = arith.constant 0 : i32
        %dma_start3A_543 = arith.constant 0 : i32
        %dma_start3A_544 = tpu.memref_slice %arg19[%dma_start3A_541, %dma_start3A_542, %dma_start3A_543] : memref<8x125x16xf32, #tpu.memory_space<vmem>> -> memref<1x125x16xf32, #tpu.memory_space<vmem>>
        %dma_start3A_545 = tpu.memref_squeeze %dma_start3A_544 : memref<1x125x16xf32, #tpu.memory_space<vmem>> -> memref<125x16xf32, #tpu.memory_space<vmem>>
        %dma_start3A_546 = arith.constant 0 : i32
        %dma_start3A_547 = tpu.memref_slice %arg17[%add3A_540, %dma_start3A_546] : memref<80x125xi32, #tpu.memory_space<vmem>> -> memref<1x125xi32, #tpu.memory_space<vmem>>
        %dma_start3A_548 = tpu.memref_squeeze %dma_start3A_547 : memref<1x125xi32, #tpu.memory_space<vmem>> -> memref<125xi32, #tpu.memory_space<vmem>>
        %dma_start3A_549 = arith.constant 0 : i32
        %dma_start3A_550 = arith.constant 0 : i32
        %dma_start3A_551 = tpu.memref_slice %arg10[%arg0, %dma_start3A_549, %dma_start3A_550] : memref<2x10000x16xf32, #tpu.memory_space<hbm>> -> memref<1x10000x16xf32, #tpu.memory_space<hbm>>
        %dma_start3A_552 = tpu.memref_squeeze %dma_start3A_551 : memref<1x10000x16xf32, #tpu.memory_space<hbm>> -> memref<10000x16xf32, #tpu.memory_space<hbm>>
        %dma_start3A_553 = arith.constant 0 : i32
        %dma_start3A_554 = arith.constant 0 : i32
        %dma_start3A_555 = tpu.memref_slice %dma_start3A_552[%dma_start3A_553, %dma_start3A_554] : memref<10000x16xf32, #tpu.memory_space<hbm>> -> memref<10000x16xf32, #tpu.memory_space<hbm>>
        tpu.enqueue_indirect_dma source(%dma_start3A_555 : memref<10000x16xf32, #tpu.memory_space<hbm>>) target(%dma_start3A_545 : memref<125x16xf32, #tpu.memory_space<vmem>>) offsets(%dma_start3A_548 : memref<125xi32, #tpu.memory_space<vmem>>) semaphore(%arg23 : memref<!tpu.dma_semaphore, #tpu.memory_space<semaphore_mem>>)
      } else {
      }
      %mul3A_353 = arith.constant 8 : i32
      %mul3A_354 = arith.muli %scan3A_250, %mul3A_353 : i32
      %add3A_355 = arith.constant 3 : i32
      %add3A_356 = arith.addi %mul3A_354, %add3A_355 : i32
      %dma_wait3A_357 = arith.constant 3 : i32
      %dma_wait3A_358 = arith.constant 0 : i32
      %dma_wait3A_359 = arith.constant 0 : i32
      %dma_wait3A_360 = tpu.memref_slice %arg19[%dma_wait3A_357, %dma_wait3A_358, %dma_wait3A_359] : memref<8x125x16xf32, #tpu.memory_space<vmem>> -> memref<1x125x16xf32, #tpu.memory_space<vmem>>
      %dma_wait3A_361 = tpu.memref_squeeze %dma_wait3A_360 : memref<1x125x16xf32, #tpu.memory_space<vmem>> -> memref<125x16xf32, #tpu.memory_space<vmem>>
      %dma_wait3A_362 = arith.constant 0 : i32
      %dma_wait3A_363 = tpu.memref_slice %arg17[%add3A_356, %dma_wait3A_362] : memref<80x125xi32, #tpu.memory_space<vmem>> -> memref<1x125xi32, #tpu.memory_space<vmem>>
      %dma_wait3A_364 = tpu.memref_squeeze %dma_wait3A_363 : memref<1x125xi32, #tpu.memory_space<vmem>> -> memref<125xi32, #tpu.memory_space<vmem>>
      %dma_wait3A_365 = arith.constant 0 : i32
      %dma_wait3A_366 = arith.constant 0 : i32
      %dma_wait3A_367 = tpu.memref_slice %arg10[%arg0, %dma_wait3A_365, %dma_wait3A_366] : memref<2x10000x16xf32, #tpu.memory_space<hbm>> -> memref<1x10000x16xf32, #tpu.memory_space<hbm>>
      %dma_wait3A_368 = tpu.memref_squeeze %dma_wait3A_367 : memref<1x10000x16xf32, #tpu.memory_space<hbm>> -> memref<10000x16xf32, #tpu.memory_space<hbm>>
      %dma_wait3A_369 = arith.constant 0 : i32
      %dma_wait3A_370 = arith.constant 0 : i32
      %dma_wait3A_371 = tpu.memref_slice %dma_wait3A_368[%dma_wait3A_369, %dma_wait3A_370] : memref<10000x16xf32, #tpu.memory_space<hbm>> -> memref<10000x16xf32, #tpu.memory_space<hbm>>
      tpu.wait_indirect_dma semaphore(%arg24 : memref<!tpu.dma_semaphore, #tpu.memory_space<semaphore_mem>>) src(%dma_wait3A_371 : memref<10000x16xf32, #tpu.memory_space<hbm>>) dst(%dma_wait3A_361 : memref<125x16xf32, #tpu.memory_space<vmem>>)
      %dma_start3A_372 = arith.constant 3 : i32
      %dma_start3A_373 = arith.constant 0 : i32
      %dma_start3A_374 = arith.constant 0 : i32
      %dma_start3A_375 = tpu.memref_slice %arg19[%dma_start3A_372, %dma_start3A_373, %dma_start3A_374] : memref<8x125x16xf32, #tpu.memory_space<vmem>> -> memref<1x125x16xf32, #tpu.memory_space<vmem>>
      %dma_start3A_376 = tpu.memref_squeeze %dma_start3A_375 : memref<1x125x16xf32, #tpu.memory_space<vmem>> -> memref<125x16xf32, #tpu.memory_space<vmem>>
      %dma_start3A_377 = arith.constant 0 : i32
      %dma_start3A_378 = tpu.memref_slice %arg18[%add3A_356, %dma_start3A_377] : memref<80x125xi32, #tpu.memory_space<vmem>> -> memref<1x125xi32, #tpu.memory_space<vmem>>
      %dma_start3A_379 = tpu.memref_squeeze %dma_start3A_378 : memref<1x125xi32, #tpu.memory_space<vmem>> -> memref<125xi32, #tpu.memory_space<vmem>>
      %dma_start3A_380 = arith.constant 0 : i32
      %dma_start3A_381 = arith.constant 0 : i32
      %dma_start3A_382 = tpu.memref_slice %arg20[%dma_start3A_380, %dma_start3A_381] : memref<10000x16xf32, #tpu.memory_space<vmem_shared>> -> memref<10000x16xf32, #tpu.memory_space<vmem_shared>>
      tpu.enqueue_indirect_dma source(%dma_start3A_376 : memref<125x16xf32, #tpu.memory_space<vmem>>) target(%dma_start3A_382 : memref<10000x16xf32, #tpu.memory_space<vmem_shared>>) offsets(%dma_start3A_379 : memref<125xi32, #tpu.memory_space<vmem>>) semaphore(%arg32 : memref<!tpu.dma_semaphore, #tpu.memory_space<semaphore_mem>>) {add = true}
      %lt3A_383 = arith.constant 9 : i32
      %lt3A_384 = arith.cmpi slt, %scan3A_250, %lt3A_383 : i32
      %convert_element_type3A_385 = arith.extui %lt3A_384 : i1 to i32
      %cond3A_386 = arith.constant 0 : i32
      %cond3A_387 = arith.cmpi ne, %convert_element_type3A_385, %cond3A_386 : i32
      scf.if %cond3A_387 {
        %dma_wait3A_528 = arith.constant 3 : i32
        %dma_wait3A_529 = arith.constant 0 : i32
        %dma_wait3A_530 = arith.constant 0 : i32
        %dma_wait3A_531 = tpu.memref_slice %arg19[%dma_wait3A_528, %dma_wait3A_529, %dma_wait3A_530] : memref<8x125x16xf32, #tpu.memory_space<vmem>> -> memref<1x125x16xf32, #tpu.memory_space<vmem>>
        %dma_wait3A_532 = tpu.memref_squeeze %dma_wait3A_531 : memref<1x125x16xf32, #tpu.memory_space<vmem>> -> memref<125x16xf32, #tpu.memory_space<vmem>>
        %dma_wait3A_533 = arith.constant 0 : i32
        %dma_wait3A_534 = tpu.memref_slice %arg18[%add3A_356, %dma_wait3A_533] : memref<80x125xi32, #tpu.memory_space<vmem>> -> memref<1x125xi32, #tpu.memory_space<vmem>>
        %dma_wait3A_535 = tpu.memref_squeeze %dma_wait3A_534 : memref<1x125xi32, #tpu.memory_space<vmem>> -> memref<125xi32, #tpu.memory_space<vmem>>
        %dma_wait3A_536 = arith.constant 0 : i32
        %dma_wait3A_537 = arith.constant 0 : i32
        %dma_wait3A_538 = tpu.memref_slice %arg20[%dma_wait3A_536, %dma_wait3A_537] : memref<10000x16xf32, #tpu.memory_space<vmem_shared>> -> memref<10000x16xf32, #tpu.memory_space<vmem_shared>>
        tpu.wait_indirect_dma semaphore(%arg32 : memref<!tpu.dma_semaphore, #tpu.memory_space<semaphore_mem>>) src(%dma_wait3A_532 : memref<125x16xf32, #tpu.memory_space<vmem>>) dst(%dma_wait3A_538 : memref<10000x16xf32, #tpu.memory_space<vmem_shared>>)
        %add3A_539 = arith.constant 8 : i32
        %add3A_540 = arith.addi %add3A_356, %add3A_539 : i32
        %dma_start3A_541 = arith.constant 3 : i32
        %dma_start3A_542 = arith.constant 0 : i32
        %dma_start3A_543 = arith.constant 0 : i32
        %dma_start3A_544 = tpu.memref_slice %arg19[%dma_start3A_541, %dma_start3A_542, %dma_start3A_543] : memref<8x125x16xf32, #tpu.memory_space<vmem>> -> memref<1x125x16xf32, #tpu.memory_space<vmem>>
        %dma_start3A_545 = tpu.memref_squeeze %dma_start3A_544 : memref<1x125x16xf32, #tpu.memory_space<vmem>> -> memref<125x16xf32, #tpu.memory_space<vmem>>
        %dma_start3A_546 = arith.constant 0 : i32
        %dma_start3A_547 = tpu.memref_slice %arg17[%add3A_540, %dma_start3A_546] : memref<80x125xi32, #tpu.memory_space<vmem>> -> memref<1x125xi32, #tpu.memory_space<vmem>>
        %dma_start3A_548 = tpu.memref_squeeze %dma_start3A_547 : memref<1x125xi32, #tpu.memory_space<vmem>> -> memref<125xi32, #tpu.memory_space<vmem>>
        %dma_start3A_549 = arith.constant 0 : i32
        %dma_start3A_550 = arith.constant 0 : i32
        %dma_start3A_551 = tpu.memref_slice %arg10[%arg0, %dma_start3A_549, %dma_start3A_550] : memref<2x10000x16xf32, #tpu.memory_space<hbm>> -> memref<1x10000x16xf32, #tpu.memory_space<hbm>>
        %dma_start3A_552 = tpu.memref_squeeze %dma_start3A_551 : memref<1x10000x16xf32, #tpu.memory_space<hbm>> -> memref<10000x16xf32, #tpu.memory_space<hbm>>
        %dma_start3A_553 = arith.constant 0 : i32
        %dma_start3A_554 = arith.constant 0 : i32
        %dma_start3A_555 = tpu.memref_slice %dma_start3A_552[%dma_start3A_553, %dma_start3A_554] : memref<10000x16xf32, #tpu.memory_space<hbm>> -> memref<10000x16xf32, #tpu.memory_space<hbm>>
        tpu.enqueue_indirect_dma source(%dma_start3A_555 : memref<10000x16xf32, #tpu.memory_space<hbm>>) target(%dma_start3A_545 : memref<125x16xf32, #tpu.memory_space<vmem>>) offsets(%dma_start3A_548 : memref<125xi32, #tpu.memory_space<vmem>>) semaphore(%arg24 : memref<!tpu.dma_semaphore, #tpu.memory_space<semaphore_mem>>)
      } else {
      }
      %mul3A_388 = arith.constant 8 : i32
      %mul3A_389 = arith.muli %scan3A_250, %mul3A_388 : i32
      %add3A_390 = arith.constant 4 : i32
      %add3A_391 = arith.addi %mul3A_389, %add3A_390 : i32
      %dma_wait3A_392 = arith.constant 4 : i32
      %dma_wait3A_393 = arith.constant 0 : i32
      %dma_wait3A_394 = arith.constant 0 : i32
      %dma_wait3A_395 = tpu.memref_slice %arg19[%dma_wait3A_392, %dma_wait3A_393, %dma_wait3A_394] : memref<8x125x16xf32, #tpu.memory_space<vmem>> -> memref<1x125x16xf32, #tpu.memory_space<vmem>>
      %dma_wait3A_396 = tpu.memref_squeeze %dma_wait3A_395 : memref<1x125x16xf32, #tpu.memory_space<vmem>> -> memref<125x16xf32, #tpu.memory_space<vmem>>
      %dma_wait3A_397 = arith.constant 0 : i32
      %dma_wait3A_398 = tpu.memref_slice %arg17[%add3A_391, %dma_wait3A_397] : memref<80x125xi32, #tpu.memory_space<vmem>> -> memref<1x125xi32, #tpu.memory_space<vmem>>
      %dma_wait3A_399 = tpu.memref_squeeze %dma_wait3A_398 : memref<1x125xi32, #tpu.memory_space<vmem>> -> memref<125xi32, #tpu.memory_space<vmem>>
      %dma_wait3A_400 = arith.constant 0 : i32
      %dma_wait3A_401 = arith.constant 0 : i32
      %dma_wait3A_402 = tpu.memref_slice %arg10[%arg0, %dma_wait3A_400, %dma_wait3A_401] : memref<2x10000x16xf32, #tpu.memory_space<hbm>> -> memref<1x10000x16xf32, #tpu.memory_space<hbm>>
      %dma_wait3A_403 = tpu.memref_squeeze %dma_wait3A_402 : memref<1x10000x16xf32, #tpu.memory_space<hbm>> -> memref<10000x16xf32, #tpu.memory_space<hbm>>
      %dma_wait3A_404 = arith.constant 0 : i32
      %dma_wait3A_405 = arith.constant 0 : i32
      %dma_wait3A_406 = tpu.memref_slice %dma_wait3A_403[%dma_wait3A_404, %dma_wait3A_405] : memref<10000x16xf32, #tpu.memory_space<hbm>> -> memref<10000x16xf32, #tpu.memory_space<hbm>>
      tpu.wait_indirect_dma semaphore(%arg25 : memref<!tpu.dma_semaphore, #tpu.memory_space<semaphore_mem>>) src(%dma_wait3A_406 : memref<10000x16xf32, #tpu.memory_space<hbm>>) dst(%dma_wait3A_396 : memref<125x16xf32, #tpu.memory_space<vmem>>)
      %dma_start3A_407 = arith.constant 4 : i32
      %dma_start3A_408 = arith.constant 0 : i32
      %dma_start3A_409 = arith.constant 0 : i32
      %dma_start3A_410 = tpu.memref_slice %arg19[%dma_start3A_407, %dma_start3A_408, %dma_start3A_409] : memref<8x125x16xf32, #tpu.memory_space<vmem>> -> memref<1x125x16xf32, #tpu.memory_space<vmem>>
      %dma_start3A_411 = tpu.memref_squeeze %dma_start3A_410 : memref<1x125x16xf32, #tpu.memory_space<vmem>> -> memref<125x16xf32, #tpu.memory_space<vmem>>
      %dma_start3A_412 = arith.constant 0 : i32
      %dma_start3A_413 = tpu.memref_slice %arg18[%add3A_391, %dma_start3A_412] : memref<80x125xi32, #tpu.memory_space<vmem>> -> memref<1x125xi32, #tpu.memory_space<vmem>>
      %dma_start3A_414 = tpu.memref_squeeze %dma_start3A_413 : memref<1x125xi32, #tpu.memory_space<vmem>> -> memref<125xi32, #tpu.memory_space<vmem>>
      %dma_start3A_415 = arith.constant 0 : i32
      %dma_start3A_416 = arith.constant 0 : i32
      %dma_start3A_417 = tpu.memref_slice %arg20[%dma_start3A_415, %dma_start3A_416] : memref<10000x16xf32, #tpu.memory_space<vmem_shared>> -> memref<10000x16xf32, #tpu.memory_space<vmem_shared>>
      tpu.enqueue_indirect_dma source(%dma_start3A_411 : memref<125x16xf32, #tpu.memory_space<vmem>>) target(%dma_start3A_417 : memref<10000x16xf32, #tpu.memory_space<vmem_shared>>) offsets(%dma_start3A_414 : memref<125xi32, #tpu.memory_space<vmem>>) semaphore(%arg33 : memref<!tpu.dma_semaphore, #tpu.memory_space<semaphore_mem>>) {add = true}
      %lt3A_418 = arith.constant 9 : i32
      %lt3A_419 = arith.cmpi slt, %scan3A_250, %lt3A_418 : i32
      %convert_element_type3A_420 = arith.extui %lt3A_419 : i1 to i32
      %cond3A_421 = arith.constant 0 : i32
      %cond3A_422 = arith.cmpi ne, %convert_element_type3A_420, %cond3A_421 : i32
      scf.if %cond3A_422 {
        %dma_wait3A_528 = arith.constant 4 : i32
        %dma_wait3A_529 = arith.constant 0 : i32
        %dma_wait3A_530 = arith.constant 0 : i32
        %dma_wait3A_531 = tpu.memref_slice %arg19[%dma_wait3A_528, %dma_wait3A_529, %dma_wait3A_530] : memref<8x125x16xf32, #tpu.memory_space<vmem>> -> memref<1x125x16xf32, #tpu.memory_space<vmem>>
        %dma_wait3A_532 = tpu.memref_squeeze %dma_wait3A_531 : memref<1x125x16xf32, #tpu.memory_space<vmem>> -> memref<125x16xf32, #tpu.memory_space<vmem>>
        %dma_wait3A_533 = arith.constant 0 : i32
        %dma_wait3A_534 = tpu.memref_slice %arg18[%add3A_391, %dma_wait3A_533] : memref<80x125xi32, #tpu.memory_space<vmem>> -> memref<1x125xi32, #tpu.memory_space<vmem>>
        %dma_wait3A_535 = tpu.memref_squeeze %dma_wait3A_534 : memref<1x125xi32, #tpu.memory_space<vmem>> -> memref<125xi32, #tpu.memory_space<vmem>>
        %dma_wait3A_536 = arith.constant 0 : i32
        %dma_wait3A_537 = arith.constant 0 : i32
        %dma_wait3A_538 = tpu.memref_slice %arg20[%dma_wait3A_536, %dma_wait3A_537] : memref<10000x16xf32, #tpu.memory_space<vmem_shared>> -> memref<10000x16xf32, #tpu.memory_space<vmem_shared>>
        tpu.wait_indirect_dma semaphore(%arg33 : memref<!tpu.dma_semaphore, #tpu.memory_space<semaphore_mem>>) src(%dma_wait3A_532 : memref<125x16xf32, #tpu.memory_space<vmem>>) dst(%dma_wait3A_538 : memref<10000x16xf32, #tpu.memory_space<vmem_shared>>)
        %add3A_539 = arith.constant 8 : i32
        %add3A_540 = arith.addi %add3A_391, %add3A_539 : i32
        %dma_start3A_541 = arith.constant 4 : i32
        %dma_start3A_542 = arith.constant 0 : i32
        %dma_start3A_543 = arith.constant 0 : i32
        %dma_start3A_544 = tpu.memref_slice %arg19[%dma_start3A_541, %dma_start3A_542, %dma_start3A_543] : memref<8x125x16xf32, #tpu.memory_space<vmem>> -> memref<1x125x16xf32, #tpu.memory_space<vmem>>
        %dma_start3A_545 = tpu.memref_squeeze %dma_start3A_544 : memref<1x125x16xf32, #tpu.memory_space<vmem>> -> memref<125x16xf32, #tpu.memory_space<vmem>>
        %dma_start3A_546 = arith.constant 0 : i32
        %dma_start3A_547 = tpu.memref_slice %arg17[%add3A_540, %dma_start3A_546] : memref<80x125xi32, #tpu.memory_space<vmem>> -> memref<1x125xi32, #tpu.memory_space<vmem>>
        %dma_start3A_548 = tpu.memref_squeeze %dma_start3A_547 : memref<1x125xi32, #tpu.memory_space<vmem>> -> memref<125xi32, #tpu.memory_space<vmem>>
        %dma_start3A_549 = arith.constant 0 : i32
        %dma_start3A_550 = arith.constant 0 : i32
        %dma_start3A_551 = tpu.memref_slice %arg10[%arg0, %dma_start3A_549, %dma_start3A_550] : memref<2x10000x16xf32, #tpu.memory_space<hbm>> -> memref<1x10000x16xf32, #tpu.memory_space<hbm>>
        %dma_start3A_552 = tpu.memref_squeeze %dma_start3A_551 : memref<1x10000x16xf32, #tpu.memory_space<hbm>> -> memref<10000x16xf32, #tpu.memory_space<hbm>>
        %dma_start3A_553 = arith.constant 0 : i32
        %dma_start3A_554 = arith.constant 0 : i32
        %dma_start3A_555 = tpu.memref_slice %dma_start3A_552[%dma_start3A_553, %dma_start3A_554] : memref<10000x16xf32, #tpu.memory_space<hbm>> -> memref<10000x16xf32, #tpu.memory_space<hbm>>
        tpu.enqueue_indirect_dma source(%dma_start3A_555 : memref<10000x16xf32, #tpu.memory_space<hbm>>) target(%dma_start3A_545 : memref<125x16xf32, #tpu.memory_space<vmem>>) offsets(%dma_start3A_548 : memref<125xi32, #tpu.memory_space<vmem>>) semaphore(%arg25 : memref<!tpu.dma_semaphore, #tpu.memory_space<semaphore_mem>>)
      } else {
      }
      %mul3A_423 = arith.constant 8 : i32
      %mul3A_424 = arith.muli %scan3A_250, %mul3A_423 : i32
      %add3A_425 = arith.constant 5 : i32
      %add3A_426 = arith.addi %mul3A_424, %add3A_425 : i32
      %dma_wait3A_427 = arith.constant 5 : i32
      %dma_wait3A_428 = arith.constant 0 : i32
      %dma_wait3A_429 = arith.constant 0 : i32
      %dma_wait3A_430 = tpu.memref_slice %arg19[%dma_wait3A_427, %dma_wait3A_428, %dma_wait3A_429] : memref<8x125x16xf32, #tpu.memory_space<vmem>> -> memref<1x125x16xf32, #tpu.memory_space<vmem>>
      %dma_wait3A_431 = tpu.memref_squeeze %dma_wait3A_430 : memref<1x125x16xf32, #tpu.memory_space<vmem>> -> memref<125x16xf32, #tpu.memory_space<vmem>>
      %dma_wait3A_432 = arith.constant 0 : i32
      %dma_wait3A_433 = tpu.memref_slice %arg17[%add3A_426, %dma_wait3A_432] : memref<80x125xi32, #tpu.memory_space<vmem>> -> memref<1x125xi32, #tpu.memory_space<vmem>>
      %dma_wait3A_434 = tpu.memref_squeeze %dma_wait3A_433 : memref<1x125xi32, #tpu.memory_space<vmem>> -> memref<125xi32, #tpu.memory_space<vmem>>
      %dma_wait3A_435 = arith.constant 0 : i32
      %dma_wait3A_436 = arith.constant 0 : i32
      %dma_wait3A_437 = tpu.memref_slice %arg10[%arg0, %dma_wait3A_435, %dma_wait3A_436] : memref<2x10000x16xf32, #tpu.memory_space<hbm>> -> memref<1x10000x16xf32, #tpu.memory_space<hbm>>
      %dma_wait3A_438 = tpu.memref_squeeze %dma_wait3A_437 : memref<1x10000x16xf32, #tpu.memory_space<hbm>> -> memref<10000x16xf32, #tpu.memory_space<hbm>>
      %dma_wait3A_439 = arith.constant 0 : i32
      %dma_wait3A_440 = arith.constant 0 : i32
      %dma_wait3A_441 = tpu.memref_slice %dma_wait3A_438[%dma_wait3A_439, %dma_wait3A_440] : memref<10000x16xf32, #tpu.memory_space<hbm>> -> memref<10000x16xf32, #tpu.memory_space<hbm>>
      tpu.wait_indirect_dma semaphore(%arg26 : memref<!tpu.dma_semaphore, #tpu.memory_space<semaphore_mem>>) src(%dma_wait3A_441 : memref<10000x16xf32, #tpu.memory_space<hbm>>) dst(%dma_wait3A_431 : memref<125x16xf32, #tpu.memory_space<vmem>>)
      %dma_start3A_442 = arith.constant 5 : i32
      %dma_start3A_443 = arith.constant 0 : i32
      %dma_start3A_444 = arith.constant 0 : i32
      %dma_start3A_445 = tpu.memref_slice %arg19[%dma_start3A_442, %dma_start3A_443, %dma_start3A_444] : memref<8x125x16xf32, #tpu.memory_space<vmem>> -> memref<1x125x16xf32, #tpu.memory_space<vmem>>
      %dma_start3A_446 = tpu.memref_squeeze %dma_start3A_445 : memref<1x125x16xf32, #tpu.memory_space<vmem>> -> memref<125x16xf32, #tpu.memory_space<vmem>>
      %dma_start3A_447 = arith.constant 0 : i32
      %dma_start3A_448 = tpu.memref_slice %arg18[%add3A_426, %dma_start3A_447] : memref<80x125xi32, #tpu.memory_space<vmem>> -> memref<1x125xi32, #tpu.memory_space<vmem>>
      %dma_start3A_449 = tpu.memref_squeeze %dma_start3A_448 : memref<1x125xi32, #tpu.memory_space<vmem>> -> memref<125xi32, #tpu.memory_space<vmem>>
      %dma_start3A_450 = arith.constant 0 : i32
      %dma_start3A_451 = arith.constant 0 : i32
      %dma_start3A_452 = tpu.memref_slice %arg20[%dma_start3A_450, %dma_start3A_451] : memref<10000x16xf32, #tpu.memory_space<vmem_shared>> -> memref<10000x16xf32, #tpu.memory_space<vmem_shared>>
      tpu.enqueue_indirect_dma source(%dma_start3A_446 : memref<125x16xf32, #tpu.memory_space<vmem>>) target(%dma_start3A_452 : memref<10000x16xf32, #tpu.memory_space<vmem_shared>>) offsets(%dma_start3A_449 : memref<125xi32, #tpu.memory_space<vmem>>) semaphore(%arg34 : memref<!tpu.dma_semaphore, #tpu.memory_space<semaphore_mem>>) {add = true}
      %lt3A_453 = arith.constant 9 : i32
      %lt3A_454 = arith.cmpi slt, %scan3A_250, %lt3A_453 : i32
      %convert_element_type3A_455 = arith.extui %lt3A_454 : i1 to i32
      %cond3A_456 = arith.constant 0 : i32
      %cond3A_457 = arith.cmpi ne, %convert_element_type3A_455, %cond3A_456 : i32
      scf.if %cond3A_457 {
        %dma_wait3A_528 = arith.constant 5 : i32
        %dma_wait3A_529 = arith.constant 0 : i32
        %dma_wait3A_530 = arith.constant 0 : i32
        %dma_wait3A_531 = tpu.memref_slice %arg19[%dma_wait3A_528, %dma_wait3A_529, %dma_wait3A_530] : memref<8x125x16xf32, #tpu.memory_space<vmem>> -> memref<1x125x16xf32, #tpu.memory_space<vmem>>
        %dma_wait3A_532 = tpu.memref_squeeze %dma_wait3A_531 : memref<1x125x16xf32, #tpu.memory_space<vmem>> -> memref<125x16xf32, #tpu.memory_space<vmem>>
        %dma_wait3A_533 = arith.constant 0 : i32
        %dma_wait3A_534 = tpu.memref_slice %arg18[%add3A_426, %dma_wait3A_533] : memref<80x125xi32, #tpu.memory_space<vmem>> -> memref<1x125xi32, #tpu.memory_space<vmem>>
        %dma_wait3A_535 = tpu.memref_squeeze %dma_wait3A_534 : memref<1x125xi32, #tpu.memory_space<vmem>> -> memref<125xi32, #tpu.memory_space<vmem>>
        %dma_wait3A_536 = arith.constant 0 : i32
        %dma_wait3A_537 = arith.constant 0 : i32
        %dma_wait3A_538 = tpu.memref_slice %arg20[%dma_wait3A_536, %dma_wait3A_537] : memref<10000x16xf32, #tpu.memory_space<vmem_shared>> -> memref<10000x16xf32, #tpu.memory_space<vmem_shared>>
        tpu.wait_indirect_dma semaphore(%arg34 : memref<!tpu.dma_semaphore, #tpu.memory_space<semaphore_mem>>) src(%dma_wait3A_532 : memref<125x16xf32, #tpu.memory_space<vmem>>) dst(%dma_wait3A_538 : memref<10000x16xf32, #tpu.memory_space<vmem_shared>>)
        %add3A_539 = arith.constant 8 : i32
        %add3A_540 = arith.addi %add3A_426, %add3A_539 : i32
        %dma_start3A_541 = arith.constant 5 : i32
        %dma_start3A_542 = arith.constant 0 : i32
        %dma_start3A_543 = arith.constant 0 : i32
        %dma_start3A_544 = tpu.memref_slice %arg19[%dma_start3A_541, %dma_start3A_542, %dma_start3A_543] : memref<8x125x16xf32, #tpu.memory_space<vmem>> -> memref<1x125x16xf32, #tpu.memory_space<vmem>>
        %dma_start3A_545 = tpu.memref_squeeze %dma_start3A_544 : memref<1x125x16xf32, #tpu.memory_space<vmem>> -> memref<125x16xf32, #tpu.memory_space<vmem>>
        %dma_start3A_546 = arith.constant 0 : i32
        %dma_start3A_547 = tpu.memref_slice %arg17[%add3A_540, %dma_start3A_546] : memref<80x125xi32, #tpu.memory_space<vmem>> -> memref<1x125xi32, #tpu.memory_space<vmem>>
        %dma_start3A_548 = tpu.memref_squeeze %dma_start3A_547 : memref<1x125xi32, #tpu.memory_space<vmem>> -> memref<125xi32, #tpu.memory_space<vmem>>
        %dma_start3A_549 = arith.constant 0 : i32
        %dma_start3A_550 = arith.constant 0 : i32
        %dma_start3A_551 = tpu.memref_slice %arg10[%arg0, %dma_start3A_549, %dma_start3A_550] : memref<2x10000x16xf32, #tpu.memory_space<hbm>> -> memref<1x10000x16xf32, #tpu.memory_space<hbm>>
        %dma_start3A_552 = tpu.memref_squeeze %dma_start3A_551 : memref<1x10000x16xf32, #tpu.memory_space<hbm>> -> memref<10000x16xf32, #tpu.memory_space<hbm>>
        %dma_start3A_553 = arith.constant 0 : i32
        %dma_start3A_554 = arith.constant 0 : i32
        %dma_start3A_555 = tpu.memref_slice %dma_start3A_552[%dma_start3A_553, %dma_start3A_554] : memref<10000x16xf32, #tpu.memory_space<hbm>> -> memref<10000x16xf32, #tpu.memory_space<hbm>>
        tpu.enqueue_indirect_dma source(%dma_start3A_555 : memref<10000x16xf32, #tpu.memory_space<hbm>>) target(%dma_start3A_545 : memref<125x16xf32, #tpu.memory_space<vmem>>) offsets(%dma_start3A_548 : memref<125xi32, #tpu.memory_space<vmem>>) semaphore(%arg26 : memref<!tpu.dma_semaphore, #tpu.memory_space<semaphore_mem>>)
      } else {
      }
      %mul3A_458 = arith.constant 8 : i32
      %mul3A_459 = arith.muli %scan3A_250, %mul3A_458 : i32
      %add3A_460 = arith.constant 6 : i32
      %add3A_461 = arith.addi %mul3A_459, %add3A_460 : i32
      %dma_wait3A_462 = arith.constant 6 : i32
      %dma_wait3A_463 = arith.constant 0 : i32
      %dma_wait3A_464 = arith.constant 0 : i32
      %dma_wait3A_465 = tpu.memref_slice %arg19[%dma_wait3A_462, %dma_wait3A_463, %dma_wait3A_464] : memref<8x125x16xf32, #tpu.memory_space<vmem>> -> memref<1x125x16xf32, #tpu.memory_space<vmem>>
      %dma_wait3A_466 = tpu.memref_squeeze %dma_wait3A_465 : memref<1x125x16xf32, #tpu.memory_space<vmem>> -> memref<125x16xf32, #tpu.memory_space<vmem>>
      %dma_wait3A_467 = arith.constant 0 : i32
      %dma_wait3A_468 = tpu.memref_slice %arg17[%add3A_461, %dma_wait3A_467] : memref<80x125xi32, #tpu.memory_space<vmem>> -> memref<1x125xi32, #tpu.memory_space<vmem>>
      %dma_wait3A_469 = tpu.memref_squeeze %dma_wait3A_468 : memref<1x125xi32, #tpu.memory_space<vmem>> -> memref<125xi32, #tpu.memory_space<vmem>>
      %dma_wait3A_470 = arith.constant 0 : i32
      %dma_wait3A_471 = arith.constant 0 : i32
      %dma_wait3A_472 = tpu.memref_slice %arg10[%arg0, %dma_wait3A_470, %dma_wait3A_471] : memref<2x10000x16xf32, #tpu.memory_space<hbm>> -> memref<1x10000x16xf32, #tpu.memory_space<hbm>>
      %dma_wait3A_473 = tpu.memref_squeeze %dma_wait3A_472 : memref<1x10000x16xf32, #tpu.memory_space<hbm>> -> memref<10000x16xf32, #tpu.memory_space<hbm>>
      %dma_wait3A_474 = arith.constant 0 : i32
      %dma_wait3A_475 = arith.constant 0 : i32
      %dma_wait3A_476 = tpu.memref_slice %dma_wait3A_473[%dma_wait3A_474, %dma_wait3A_475] : memref<10000x16xf32, #tpu.memory_space<hbm>> -> memref<10000x16xf32, #tpu.memory_space<hbm>>
      tpu.wait_indirect_dma semaphore(%arg27 : memref<!tpu.dma_semaphore, #tpu.memory_space<semaphore_mem>>) src(%dma_wait3A_476 : memref<10000x16xf32, #tpu.memory_space<hbm>>) dst(%dma_wait3A_466 : memref<125x16xf32, #tpu.memory_space<vmem>>)
      %dma_start3A_477 = arith.constant 6 : i32
      %dma_start3A_478 = arith.constant 0 : i32
      %dma_start3A_479 = arith.constant 0 : i32
      %dma_start3A_480 = tpu.memref_slice %arg19[%dma_start3A_477, %dma_start3A_478, %dma_start3A_479] : memref<8x125x16xf32, #tpu.memory_space<vmem>> -> memref<1x125x16xf32, #tpu.memory_space<vmem>>
      %dma_start3A_481 = tpu.memref_squeeze %dma_start3A_480 : memref<1x125x16xf32, #tpu.memory_space<vmem>> -> memref<125x16xf32, #tpu.memory_space<vmem>>
      %dma_start3A_482 = arith.constant 0 : i32
      %dma_start3A_483 = tpu.memref_slice %arg18[%add3A_461, %dma_start3A_482] : memref<80x125xi32, #tpu.memory_space<vmem>> -> memref<1x125xi32, #tpu.memory_space<vmem>>
      %dma_start3A_484 = tpu.memref_squeeze %dma_start3A_483 : memref<1x125xi32, #tpu.memory_space<vmem>> -> memref<125xi32, #tpu.memory_space<vmem>>
      %dma_start3A_485 = arith.constant 0 : i32
      %dma_start3A_486 = arith.constant 0 : i32
      %dma_start3A_487 = tpu.memref_slice %arg20[%dma_start3A_485, %dma_start3A_486] : memref<10000x16xf32, #tpu.memory_space<vmem_shared>> -> memref<10000x16xf32, #tpu.memory_space<vmem_shared>>
      tpu.enqueue_indirect_dma source(%dma_start3A_481 : memref<125x16xf32, #tpu.memory_space<vmem>>) target(%dma_start3A_487 : memref<10000x16xf32, #tpu.memory_space<vmem_shared>>) offsets(%dma_start3A_484 : memref<125xi32, #tpu.memory_space<vmem>>) semaphore(%arg35 : memref<!tpu.dma_semaphore, #tpu.memory_space<semaphore_mem>>) {add = true}
      %lt3A_488 = arith.constant 9 : i32
      %lt3A_489 = arith.cmpi slt, %scan3A_250, %lt3A_488 : i32
      %convert_element_type3A_490 = arith.extui %lt3A_489 : i1 to i32
      %cond3A_491 = arith.constant 0 : i32
      %cond3A_492 = arith.cmpi ne, %convert_element_type3A_490, %cond3A_491 : i32
      scf.if %cond3A_492 {
        %dma_wait3A_528 = arith.constant 6 : i32
        %dma_wait3A_529 = arith.constant 0 : i32
        %dma_wait3A_530 = arith.constant 0 : i32
        %dma_wait3A_531 = tpu.memref_slice %arg19[%dma_wait3A_528, %dma_wait3A_529, %dma_wait3A_530] : memref<8x125x16xf32, #tpu.memory_space<vmem>> -> memref<1x125x16xf32, #tpu.memory_space<vmem>>
        %dma_wait3A_532 = tpu.memref_squeeze %dma_wait3A_531 : memref<1x125x16xf32, #tpu.memory_space<vmem>> -> memref<125x16xf32, #tpu.memory_space<vmem>>
        %dma_wait3A_533 = arith.constant 0 : i32
        %dma_wait3A_534 = tpu.memref_slice %arg18[%add3A_461, %dma_wait3A_533] : memref<80x125xi32, #tpu.memory_space<vmem>> -> memref<1x125xi32, #tpu.memory_space<vmem>>
        %dma_wait3A_535 = tpu.memref_squeeze %dma_wait3A_534 : memref<1x125xi32, #tpu.memory_space<vmem>> -> memref<125xi32, #tpu.memory_space<vmem>>
        %dma_wait3A_536 = arith.constant 0 : i32
        %dma_wait3A_537 = arith.constant 0 : i32
        %dma_wait3A_538 = tpu.memref_slice %arg20[%dma_wait3A_536, %dma_wait3A_537] : memref<10000x16xf32, #tpu.memory_space<vmem_shared>> -> memref<10000x16xf32, #tpu.memory_space<vmem_shared>>
        tpu.wait_indirect_dma semaphore(%arg35 : memref<!tpu.dma_semaphore, #tpu.memory_space<semaphore_mem>>) src(%dma_wait3A_532 : memref<125x16xf32, #tpu.memory_space<vmem>>) dst(%dma_wait3A_538 : memref<10000x16xf32, #tpu.memory_space<vmem_shared>>)
        %add3A_539 = arith.constant 8 : i32
        %add3A_540 = arith.addi %add3A_461, %add3A_539 : i32
        %dma_start3A_541 = arith.constant 6 : i32
        %dma_start3A_542 = arith.constant 0 : i32
        %dma_start3A_543 = arith.constant 0 : i32
        %dma_start3A_544 = tpu.memref_slice %arg19[%dma_start3A_541, %dma_start3A_542, %dma_start3A_543] : memref<8x125x16xf32, #tpu.memory_space<vmem>> -> memref<1x125x16xf32, #tpu.memory_space<vmem>>
        %dma_start3A_545 = tpu.memref_squeeze %dma_start3A_544 : memref<1x125x16xf32, #tpu.memory_space<vmem>> -> memref<125x16xf32, #tpu.memory_space<vmem>>
        %dma_start3A_546 = arith.constant 0 : i32
        %dma_start3A_547 = tpu.memref_slice %arg17[%add3A_540, %dma_start3A_546] : memref<80x125xi32, #tpu.memory_space<vmem>> -> memref<1x125xi32, #tpu.memory_space<vmem>>
        %dma_start3A_548 = tpu.memref_squeeze %dma_start3A_547 : memref<1x125xi32, #tpu.memory_space<vmem>> -> memref<125xi32, #tpu.memory_space<vmem>>
        %dma_start3A_549 = arith.constant 0 : i32
        %dma_start3A_550 = arith.constant 0 : i32
        %dma_start3A_551 = tpu.memref_slice %arg10[%arg0, %dma_start3A_549, %dma_start3A_550] : memref<2x10000x16xf32, #tpu.memory_space<hbm>> -> memref<1x10000x16xf32, #tpu.memory_space<hbm>>
        %dma_start3A_552 = tpu.memref_squeeze %dma_start3A_551 : memref<1x10000x16xf32, #tpu.memory_space<hbm>> -> memref<10000x16xf32, #tpu.memory_space<hbm>>
        %dma_start3A_553 = arith.constant 0 : i32
        %dma_start3A_554 = arith.constant 0 : i32
        %dma_start3A_555 = tpu.memref_slice %dma_start3A_552[%dma_start3A_553, %dma_start3A_554] : memref<10000x16xf32, #tpu.memory_space<hbm>> -> memref<10000x16xf32, #tpu.memory_space<hbm>>
        tpu.enqueue_indirect_dma source(%dma_start3A_555 : memref<10000x16xf32, #tpu.memory_space<hbm>>) target(%dma_start3A_545 : memref<125x16xf32, #tpu.memory_space<vmem>>) offsets(%dma_start3A_548 : memref<125xi32, #tpu.memory_space<vmem>>) semaphore(%arg27 : memref<!tpu.dma_semaphore, #tpu.memory_space<semaphore_mem>>)
      } else {
      }
      %mul3A_493 = arith.constant 8 : i32
      %mul3A_494 = arith.muli %scan3A_250, %mul3A_493 : i32
      %add3A_495 = arith.constant 7 : i32
      %add3A_496 = arith.addi %mul3A_494, %add3A_495 : i32
      %dma_wait3A_497 = arith.constant 7 : i32
      %dma_wait3A_498 = arith.constant 0 : i32
      %dma_wait3A_499 = arith.constant 0 : i32
      %dma_wait3A_500 = tpu.memref_slice %arg19[%dma_wait3A_497, %dma_wait3A_498, %dma_wait3A_499] : memref<8x125x16xf32, #tpu.memory_space<vmem>> -> memref<1x125x16xf32, #tpu.memory_space<vmem>>
      %dma_wait3A_501 = tpu.memref_squeeze %dma_wait3A_500 : memref<1x125x16xf32, #tpu.memory_space<vmem>> -> memref<125x16xf32, #tpu.memory_space<vmem>>
      %dma_wait3A_502 = arith.constant 0 : i32
      %dma_wait3A_503 = tpu.memref_slice %arg17[%add3A_496, %dma_wait3A_502] : memref<80x125xi32, #tpu.memory_space<vmem>> -> memref<1x125xi32, #tpu.memory_space<vmem>>
      %dma_wait3A_504 = tpu.memref_squeeze %dma_wait3A_503 : memref<1x125xi32, #tpu.memory_space<vmem>> -> memref<125xi32, #tpu.memory_space<vmem>>
      %dma_wait3A_505 = arith.constant 0 : i32
      %dma_wait3A_506 = arith.constant 0 : i32
      %dma_wait3A_507 = tpu.memref_slice %arg10[%arg0, %dma_wait3A_505, %dma_wait3A_506] : memref<2x10000x16xf32, #tpu.memory_space<hbm>> -> memref<1x10000x16xf32, #tpu.memory_space<hbm>>
      %dma_wait3A_508 = tpu.memref_squeeze %dma_wait3A_507 : memref<1x10000x16xf32, #tpu.memory_space<hbm>> -> memref<10000x16xf32, #tpu.memory_space<hbm>>
      %dma_wait3A_509 = arith.constant 0 : i32
      %dma_wait3A_510 = arith.constant 0 : i32
      %dma_wait3A_511 = tpu.memref_slice %dma_wait3A_508[%dma_wait3A_509, %dma_wait3A_510] : memref<10000x16xf32, #tpu.memory_space<hbm>> -> memref<10000x16xf32, #tpu.memory_space<hbm>>
      tpu.wait_indirect_dma semaphore(%arg28 : memref<!tpu.dma_semaphore, #tpu.memory_space<semaphore_mem>>) src(%dma_wait3A_511 : memref<10000x16xf32, #tpu.memory_space<hbm>>) dst(%dma_wait3A_501 : memref<125x16xf32, #tpu.memory_space<vmem>>)
      %dma_start3A_512 = arith.constant 7 : i32
      %dma_start3A_513 = arith.constant 0 : i32
      %dma_start3A_514 = arith.constant 0 : i32
      %dma_start3A_515 = tpu.memref_slice %arg19[%dma_start3A_512, %dma_start3A_513, %dma_start3A_514] : memref<8x125x16xf32, #tpu.memory_space<vmem>> -> memref<1x125x16xf32, #tpu.memory_space<vmem>>
      %dma_start3A_516 = tpu.memref_squeeze %dma_start3A_515 : memref<1x125x16xf32, #tpu.memory_space<vmem>> -> memref<125x16xf32, #tpu.memory_space<vmem>>
      %dma_start3A_517 = arith.constant 0 : i32
      %dma_start3A_518 = tpu.memref_slice %arg18[%add3A_496, %dma_start3A_517] : memref<80x125xi32, #tpu.memory_space<vmem>> -> memref<1x125xi32, #tpu.memory_space<vmem>>
      %dma_start3A_519 = tpu.memref_squeeze %dma_start3A_518 : memref<1x125xi32, #tpu.memory_space<vmem>> -> memref<125xi32, #tpu.memory_space<vmem>>
      %dma_start3A_520 = arith.constant 0 : i32
      %dma_start3A_521 = arith.constant 0 : i32
      %dma_start3A_522 = tpu.memref_slice %arg20[%dma_start3A_520, %dma_start3A_521] : memref<10000x16xf32, #tpu.memory_space<vmem_shared>> -> memref<10000x16xf32, #tpu.memory_space<vmem_shared>>
      tpu.enqueue_indirect_dma source(%dma_start3A_516 : memref<125x16xf32, #tpu.memory_space<vmem>>) target(%dma_start3A_522 : memref<10000x16xf32, #tpu.memory_space<vmem_shared>>) offsets(%dma_start3A_519 : memref<125xi32, #tpu.memory_space<vmem>>) semaphore(%arg36 : memref<!tpu.dma_semaphore, #tpu.memory_space<semaphore_mem>>) {add = true}
      %lt3A_523 = arith.constant 9 : i32
      %lt3A_524 = arith.cmpi slt, %scan3A_250, %lt3A_523 : i32
      %convert_element_type3A_525 = arith.extui %lt3A_524 : i1 to i32
      %cond3A_526 = arith.constant 0 : i32
      %cond3A_527 = arith.cmpi ne, %convert_element_type3A_525, %cond3A_526 : i32
      scf.if %cond3A_527 {
        %dma_wait3A_528 = arith.constant 7 : i32
        %dma_wait3A_529 = arith.constant 0 : i32
        %dma_wait3A_530 = arith.constant 0 : i32
        %dma_wait3A_531 = tpu.memref_slice %arg19[%dma_wait3A_528, %dma_wait3A_529, %dma_wait3A_530] : memref<8x125x16xf32, #tpu.memory_space<vmem>> -> memref<1x125x16xf32, #tpu.memory_space<vmem>>
        %dma_wait3A_532 = tpu.memref_squeeze %dma_wait3A_531 : memref<1x125x16xf32, #tpu.memory_space<vmem>> -> memref<125x16xf32, #tpu.memory_space<vmem>>
        %dma_wait3A_533 = arith.constant 0 : i32
        %dma_wait3A_534 = tpu.memref_slice %arg18[%add3A_496, %dma_wait3A_533] : memref<80x125xi32, #tpu.memory_space<vmem>> -> memref<1x125xi32, #tpu.memory_space<vmem>>
        %dma_wait3A_535 = tpu.memref_squeeze %dma_wait3A_534 : memref<1x125xi32, #tpu.memory_space<vmem>> -> memref<125xi32, #tpu.memory_space<vmem>>
        %dma_wait3A_536 = arith.constant 0 : i32
        %dma_wait3A_537 = arith.constant 0 : i32
        %dma_wait3A_538 = tpu.memref_slice %arg20[%dma_wait3A_536, %dma_wait3A_537] : memref<10000x16xf32, #tpu.memory_space<vmem_shared>> -> memref<10000x16xf32, #tpu.memory_space<vmem_shared>>
        tpu.wait_indirect_dma semaphore(%arg36 : memref<!tpu.dma_semaphore, #tpu.memory_space<semaphore_mem>>) src(%dma_wait3A_532 : memref<125x16xf32, #tpu.memory_space<vmem>>) dst(%dma_wait3A_538 : memref<10000x16xf32, #tpu.memory_space<vmem_shared>>)
        %add3A_539 = arith.constant 8 : i32
        %add3A_540 = arith.addi %add3A_496, %add3A_539 : i32
        %dma_start3A_541 = arith.constant 7 : i32
        %dma_start3A_542 = arith.constant 0 : i32
        %dma_start3A_543 = arith.constant 0 : i32
        %dma_start3A_544 = tpu.memref_slice %arg19[%dma_start3A_541, %dma_start3A_542, %dma_start3A_543] : memref<8x125x16xf32, #tpu.memory_space<vmem>> -> memref<1x125x16xf32, #tpu.memory_space<vmem>>
        %dma_start3A_545 = tpu.memref_squeeze %dma_start3A_544 : memref<1x125x16xf32, #tpu.memory_space<vmem>> -> memref<125x16xf32, #tpu.memory_space<vmem>>
        %dma_start3A_546 = arith.constant 0 : i32
        %dma_start3A_547 = tpu.memref_slice %arg17[%add3A_540, %dma_start3A_546] : memref<80x125xi32, #tpu.memory_space<vmem>> -> memref<1x125xi32, #tpu.memory_space<vmem>>
        %dma_start3A_548 = tpu.memref_squeeze %dma_start3A_547 : memref<1x125xi32, #tpu.memory_space<vmem>> -> memref<125xi32, #tpu.memory_space<vmem>>
        %dma_start3A_549 = arith.constant 0 : i32
        %dma_start3A_550 = arith.constant 0 : i32
        %dma_start3A_551 = tpu.memref_slice %arg10[%arg0, %dma_start3A_549, %dma_start3A_550] : memref<2x10000x16xf32, #tpu.memory_space<hbm>> -> memref<1x10000x16xf32, #tpu.memory_space<hbm>>
        %dma_start3A_552 = tpu.memref_squeeze %dma_start3A_551 : memref<1x10000x16xf32, #tpu.memory_space<hbm>> -> memref<10000x16xf32, #tpu.memory_space<hbm>>
        %dma_start3A_553 = arith.constant 0 : i32
        %dma_start3A_554 = arith.constant 0 : i32
        %dma_start3A_555 = tpu.memref_slice %dma_start3A_552[%dma_start3A_553, %dma_start3A_554] : memref<10000x16xf32, #tpu.memory_space<hbm>> -> memref<10000x16xf32, #tpu.memory_space<hbm>>
        tpu.enqueue_indirect_dma source(%dma_start3A_555 : memref<10000x16xf32, #tpu.memory_space<hbm>>) target(%dma_start3A_545 : memref<125x16xf32, #tpu.memory_space<vmem>>) offsets(%dma_start3A_548 : memref<125xi32, #tpu.memory_space<vmem>>) semaphore(%arg28 : memref<!tpu.dma_semaphore, #tpu.memory_space<semaphore_mem>>)
      } else {
      }
    }
    %scan3A_147 = arith.constant 10 : i32
    %dma_wait3A = arith.constant 0 : i32
    %dma_wait3A_148 = arith.constant 72 : i32
    %dma_wait3A_149 = arith.constant 0 : i32
    %dma_wait3A_150 = arith.constant 0 : i32
    %dma_wait3A_151 = tpu.memref_slice %arg19[%dma_wait3A, %dma_wait3A_149, %dma_wait3A_150] : memref<8x125x16xf32, #tpu.memory_space<vmem>> -> memref<1x125x16xf32, #tpu.memory_space<vmem>>
    %dma_wait3A_152 = tpu.memref_squeeze %dma_wait3A_151 : memref<1x125x16xf32, #tpu.memory_space<vmem>> -> memref<125x16xf32, #tpu.memory_space<vmem>>
    %dma_wait3A_153 = arith.constant 0 : i32
    %dma_wait3A_154 = tpu.memref_slice %arg18[%dma_wait3A_148, %dma_wait3A_153] : memref<80x125xi32, #tpu.memory_space<vmem>> -> memref<1x125xi32, #tpu.memory_space<vmem>>
    %dma_wait3A_155 = tpu.memref_squeeze %dma_wait3A_154 : memref<1x125xi32, #tpu.memory_space<vmem>> -> memref<125xi32, #tpu.memory_space<vmem>>
    %dma_wait3A_156 = arith.constant 0 : i32
    %dma_wait3A_157 = arith.constant 0 : i32
    %dma_wait3A_158 = tpu.memref_slice %arg20[%dma_wait3A_156, %dma_wait3A_157] : memref<10000x16xf32, #tpu.memory_space<vmem_shared>> -> memref<10000x16xf32, #tpu.memory_space<vmem_shared>>
    tpu.wait_indirect_dma semaphore(%arg29 : memref<!tpu.dma_semaphore, #tpu.memory_space<semaphore_mem>>) src(%dma_wait3A_152 : memref<125x16xf32, #tpu.memory_space<vmem>>) dst(%dma_wait3A_158 : memref<10000x16xf32, #tpu.memory_space<vmem_shared>>)
    %dma_wait3A_159 = arith.constant 1 : i32
    %dma_wait3A_160 = arith.constant 73 : i32
    %dma_wait3A_161 = arith.constant 0 : i32
    %dma_wait3A_162 = arith.constant 0 : i32
    %dma_wait3A_163 = tpu.memref_slice %arg19[%dma_wait3A_159, %dma_wait3A_161, %dma_wait3A_162] : memref<8x125x16xf32, #tpu.memory_space<vmem>> -> memref<1x125x16xf32, #tpu.memory_space<vmem>>
    %dma_wait3A_164 = tpu.memref_squeeze %dma_wait3A_163 : memref<1x125x16xf32, #tpu.memory_space<vmem>> -> memref<125x16xf32, #tpu.memory_space<vmem>>
    %dma_wait3A_165 = arith.constant 0 : i32
    %dma_wait3A_166 = tpu.memref_slice %arg18[%dma_wait3A_160, %dma_wait3A_165] : memref<80x125xi32, #tpu.memory_space<vmem>> -> memref<1x125xi32, #tpu.memory_space<vmem>>
    %dma_wait3A_167 = tpu.memref_squeeze %dma_wait3A_166 : memref<1x125xi32, #tpu.memory_space<vmem>> -> memref<125xi32, #tpu.memory_space<vmem>>
    %dma_wait3A_168 = arith.constant 0 : i32
    %dma_wait3A_169 = arith.constant 0 : i32
    %dma_wait3A_170 = tpu.memref_slice %arg20[%dma_wait3A_168, %dma_wait3A_169] : memref<10000x16xf32, #tpu.memory_space<vmem_shared>> -> memref<10000x16xf32, #tpu.memory_space<vmem_shared>>
    tpu.wait_indirect_dma semaphore(%arg30 : memref<!tpu.dma_semaphore, #tpu.memory_space<semaphore_mem>>) src(%dma_wait3A_164 : memref<125x16xf32, #tpu.memory_space<vmem>>) dst(%dma_wait3A_170 : memref<10000x16xf32, #tpu.memory_space<vmem_shared>>)
    %dma_wait3A_171 = arith.constant 2 : i32
    %dma_wait3A_172 = arith.constant 74 : i32
    %dma_wait3A_173 = arith.constant 0 : i32
    %dma_wait3A_174 = arith.constant 0 : i32
    %dma_wait3A_175 = tpu.memref_slice %arg19[%dma_wait3A_171, %dma_wait3A_173, %dma_wait3A_174] : memref<8x125x16xf32, #tpu.memory_space<vmem>> -> memref<1x125x16xf32, #tpu.memory_space<vmem>>
    %dma_wait3A_176 = tpu.memref_squeeze %dma_wait3A_175 : memref<1x125x16xf32, #tpu.memory_space<vmem>> -> memref<125x16xf32, #tpu.memory_space<vmem>>
    %dma_wait3A_177 = arith.constant 0 : i32
    %dma_wait3A_178 = tpu.memref_slice %arg18[%dma_wait3A_172, %dma_wait3A_177] : memref<80x125xi32, #tpu.memory_space<vmem>> -> memref<1x125xi32, #tpu.memory_space<vmem>>
    %dma_wait3A_179 = tpu.memref_squeeze %dma_wait3A_178 : memref<1x125xi32, #tpu.memory_space<vmem>> -> memref<125xi32, #tpu.memory_space<vmem>>
    %dma_wait3A_180 = arith.constant 0 : i32
    %dma_wait3A_181 = arith.constant 0 : i32
    %dma_wait3A_182 = tpu.memref_slice %arg20[%dma_wait3A_180, %dma_wait3A_181] : memref<10000x16xf32, #tpu.memory_space<vmem_shared>> -> memref<10000x16xf32, #tpu.memory_space<vmem_shared>>
    tpu.wait_indirect_dma semaphore(%arg31 : memref<!tpu.dma_semaphore, #tpu.memory_space<semaphore_mem>>) src(%dma_wait3A_176 : memref<125x16xf32, #tpu.memory_space<vmem>>) dst(%dma_wait3A_182 : memref<10000x16xf32, #tpu.memory_space<vmem_shared>>)
    %dma_wait3A_183 = arith.constant 3 : i32
    %dma_wait3A_184 = arith.constant 75 : i32
    %dma_wait3A_185 = arith.constant 0 : i32
    %dma_wait3A_186 = arith.constant 0 : i32
    %dma_wait3A_187 = tpu.memref_slice %arg19[%dma_wait3A_183, %dma_wait3A_185, %dma_wait3A_186] : memref<8x125x16xf32, #tpu.memory_space<vmem>> -> memref<1x125x16xf32, #tpu.memory_space<vmem>>
    %dma_wait3A_188 = tpu.memref_squeeze %dma_wait3A_187 : memref<1x125x16xf32, #tpu.memory_space<vmem>> -> memref<125x16xf32, #tpu.memory_space<vmem>>
    %dma_wait3A_189 = arith.constant 0 : i32
    %dma_wait3A_190 = tpu.memref_slice %arg18[%dma_wait3A_184, %dma_wait3A_189] : memref<80x125xi32, #tpu.memory_space<vmem>> -> memref<1x125xi32, #tpu.memory_space<vmem>>
    %dma_wait3A_191 = tpu.memref_squeeze %dma_wait3A_190 : memref<1x125xi32, #tpu.memory_space<vmem>> -> memref<125xi32, #tpu.memory_space<vmem>>
    %dma_wait3A_192 = arith.constant 0 : i32
    %dma_wait3A_193 = arith.constant 0 : i32
    %dma_wait3A_194 = tpu.memref_slice %arg20[%dma_wait3A_192, %dma_wait3A_193] : memref<10000x16xf32, #tpu.memory_space<vmem_shared>> -> memref<10000x16xf32, #tpu.memory_space<vmem_shared>>
    tpu.wait_indirect_dma semaphore(%arg32 : memref<!tpu.dma_semaphore, #tpu.memory_space<semaphore_mem>>) src(%dma_wait3A_188 : memref<125x16xf32, #tpu.memory_space<vmem>>) dst(%dma_wait3A_194 : memref<10000x16xf32, #tpu.memory_space<vmem_shared>>)
    %dma_wait3A_195 = arith.constant 4 : i32
    %dma_wait3A_196 = arith.constant 76 : i32
    %dma_wait3A_197 = arith.constant 0 : i32
    %dma_wait3A_198 = arith.constant 0 : i32
    %dma_wait3A_199 = tpu.memref_slice %arg19[%dma_wait3A_195, %dma_wait3A_197, %dma_wait3A_198] : memref<8x125x16xf32, #tpu.memory_space<vmem>> -> memref<1x125x16xf32, #tpu.memory_space<vmem>>
    %dma_wait3A_200 = tpu.memref_squeeze %dma_wait3A_199 : memref<1x125x16xf32, #tpu.memory_space<vmem>> -> memref<125x16xf32, #tpu.memory_space<vmem>>
    %dma_wait3A_201 = arith.constant 0 : i32
    %dma_wait3A_202 = tpu.memref_slice %arg18[%dma_wait3A_196, %dma_wait3A_201] : memref<80x125xi32, #tpu.memory_space<vmem>> -> memref<1x125xi32, #tpu.memory_space<vmem>>
    %dma_wait3A_203 = tpu.memref_squeeze %dma_wait3A_202 : memref<1x125xi32, #tpu.memory_space<vmem>> -> memref<125xi32, #tpu.memory_space<vmem>>
    %dma_wait3A_204 = arith.constant 0 : i32
    %dma_wait3A_205 = arith.constant 0 : i32
    %dma_wait3A_206 = tpu.memref_slice %arg20[%dma_wait3A_204, %dma_wait3A_205] : memref<10000x16xf32, #tpu.memory_space<vmem_shared>> -> memref<10000x16xf32, #tpu.memory_space<vmem_shared>>
    tpu.wait_indirect_dma semaphore(%arg33 : memref<!tpu.dma_semaphore, #tpu.memory_space<semaphore_mem>>) src(%dma_wait3A_200 : memref<125x16xf32, #tpu.memory_space<vmem>>) dst(%dma_wait3A_206 : memref<10000x16xf32, #tpu.memory_space<vmem_shared>>)
    %dma_wait3A_207 = arith.constant 5 : i32
    %dma_wait3A_208 = arith.constant 77 : i32
    %dma_wait3A_209 = arith.constant 0 : i32
    %dma_wait3A_210 = arith.constant 0 : i32
    %dma_wait3A_211 = tpu.memref_slice %arg19[%dma_wait3A_207, %dma_wait3A_209, %dma_wait3A_210] : memref<8x125x16xf32, #tpu.memory_space<vmem>> -> memref<1x125x16xf32, #tpu.memory_space<vmem>>
    %dma_wait3A_212 = tpu.memref_squeeze %dma_wait3A_211 : memref<1x125x16xf32, #tpu.memory_space<vmem>> -> memref<125x16xf32, #tpu.memory_space<vmem>>
    %dma_wait3A_213 = arith.constant 0 : i32
    %dma_wait3A_214 = tpu.memref_slice %arg18[%dma_wait3A_208, %dma_wait3A_213] : memref<80x125xi32, #tpu.memory_space<vmem>> -> memref<1x125xi32, #tpu.memory_space<vmem>>
    %dma_wait3A_215 = tpu.memref_squeeze %dma_wait3A_214 : memref<1x125xi32, #tpu.memory_space<vmem>> -> memref<125xi32, #tpu.memory_space<vmem>>
    %dma_wait3A_216 = arith.constant 0 : i32
    %dma_wait3A_217 = arith.constant 0 : i32
    %dma_wait3A_218 = tpu.memref_slice %arg20[%dma_wait3A_216, %dma_wait3A_217] : memref<10000x16xf32, #tpu.memory_space<vmem_shared>> -> memref<10000x16xf32, #tpu.memory_space<vmem_shared>>
    tpu.wait_indirect_dma semaphore(%arg34 : memref<!tpu.dma_semaphore, #tpu.memory_space<semaphore_mem>>) src(%dma_wait3A_212 : memref<125x16xf32, #tpu.memory_space<vmem>>) dst(%dma_wait3A_218 : memref<10000x16xf32, #tpu.memory_space<vmem_shared>>)
    %dma_wait3A_219 = arith.constant 6 : i32
    %dma_wait3A_220 = arith.constant 78 : i32
    %dma_wait3A_221 = arith.constant 0 : i32
    %dma_wait3A_222 = arith.constant 0 : i32
    %dma_wait3A_223 = tpu.memref_slice %arg19[%dma_wait3A_219, %dma_wait3A_221, %dma_wait3A_222] : memref<8x125x16xf32, #tpu.memory_space<vmem>> -> memref<1x125x16xf32, #tpu.memory_space<vmem>>
    %dma_wait3A_224 = tpu.memref_squeeze %dma_wait3A_223 : memref<1x125x16xf32, #tpu.memory_space<vmem>> -> memref<125x16xf32, #tpu.memory_space<vmem>>
    %dma_wait3A_225 = arith.constant 0 : i32
    %dma_wait3A_226 = tpu.memref_slice %arg18[%dma_wait3A_220, %dma_wait3A_225] : memref<80x125xi32, #tpu.memory_space<vmem>> -> memref<1x125xi32, #tpu.memory_space<vmem>>
    %dma_wait3A_227 = tpu.memref_squeeze %dma_wait3A_226 : memref<1x125xi32, #tpu.memory_space<vmem>> -> memref<125xi32, #tpu.memory_space<vmem>>
    %dma_wait3A_228 = arith.constant 0 : i32
    %dma_wait3A_229 = arith.constant 0 : i32
    %dma_wait3A_230 = tpu.memref_slice %arg20[%dma_wait3A_228, %dma_wait3A_229] : memref<10000x16xf32, #tpu.memory_space<vmem_shared>> -> memref<10000x16xf32, #tpu.memory_space<vmem_shared>>
    tpu.wait_indirect_dma semaphore(%arg35 : memref<!tpu.dma_semaphore, #tpu.memory_space<semaphore_mem>>) src(%dma_wait3A_224 : memref<125x16xf32, #tpu.memory_space<vmem>>) dst(%dma_wait3A_230 : memref<10000x16xf32, #tpu.memory_space<vmem_shared>>)
    %dma_wait3A_231 = arith.constant 7 : i32
    %dma_wait3A_232 = arith.constant 79 : i32
    %dma_wait3A_233 = arith.constant 0 : i32
    %dma_wait3A_234 = arith.constant 0 : i32
    %dma_wait3A_235 = tpu.memref_slice %arg19[%dma_wait3A_231, %dma_wait3A_233, %dma_wait3A_234] : memref<8x125x16xf32, #tpu.memory_space<vmem>> -> memref<1x125x16xf32, #tpu.memory_space<vmem>>
    %dma_wait3A_236 = tpu.memref_squeeze %dma_wait3A_235 : memref<1x125x16xf32, #tpu.memory_space<vmem>> -> memref<125x16xf32, #tpu.memory_space<vmem>>
    %dma_wait3A_237 = arith.constant 0 : i32
    %dma_wait3A_238 = tpu.memref_slice %arg18[%dma_wait3A_232, %dma_wait3A_237] : memref<80x125xi32, #tpu.memory_space<vmem>> -> memref<1x125xi32, #tpu.memory_space<vmem>>
    %dma_wait3A_239 = tpu.memref_squeeze %dma_wait3A_238 : memref<1x125xi32, #tpu.memory_space<vmem>> -> memref<125xi32, #tpu.memory_space<vmem>>
    %dma_wait3A_240 = arith.constant 0 : i32
    %dma_wait3A_241 = arith.constant 0 : i32
    %dma_wait3A_242 = tpu.memref_slice %arg20[%dma_wait3A_240, %dma_wait3A_241] : memref<10000x16xf32, #tpu.memory_space<vmem_shared>> -> memref<10000x16xf32, #tpu.memory_space<vmem_shared>>
    tpu.wait_indirect_dma semaphore(%arg36 : memref<!tpu.dma_semaphore, #tpu.memory_space<semaphore_mem>>) src(%dma_wait3A_236 : memref<125x16xf32, #tpu.memory_space<vmem>>) dst(%dma_wait3A_242 : memref<10000x16xf32, #tpu.memory_space<vmem_shared>>)
    %barrier3A_243 = arith.constant 0 : index
    tpu.barrier barrier_id(%barrier3A_243)
    "tpu.region"() ({
      %run_scoped3A_250 = tpu.sem_alloc : memref<!tpu.dma_semaphore, #tpu.memory_space<semaphore_mem>>
      %dma_start3A_251 = arith.constant 0 : i32
      %dma_start3A_252 = tpu.memref_slice %arg20[%mul3A_0, %dma_start3A_251] : memref<10000x16xf32, #tpu.memory_space<vmem_shared>> -> memref<640x16xf32, #tpu.memory_space<vmem_shared>>
      %dma_start3A_253 = arith.constant 0 : i32
      %dma_start3A_254 = tpu.memref_slice %arg20[%mul3A_0, %dma_start3A_253] : memref<10000x16xf32, #tpu.memory_space<vmem_shared>> -> memref<640x16xf32, #tpu.memory_space<vmem_shared>>
      tpu.enqueue_dma source(%dma_start3A_254 : memref<640x16xf32, #tpu.memory_space<vmem_shared>>) target(%arg13 : memref<640x16xf32, #tpu.memory_space<vmem>>) target_semaphore(%run_scoped3A_250 : memref<!tpu.dma_semaphore, #tpu.memory_space<semaphore_mem>>)
      %dma_wait3A_255 = arith.constant 0 : i32
      %dma_wait3A_256 = tpu.memref_slice %arg20[%mul3A_0, %dma_wait3A_255] : memref<10000x16xf32, #tpu.memory_space<vmem_shared>> -> memref<640x16xf32, #tpu.memory_space<vmem_shared>>
      %dma_wait3A_257 = arith.constant 0 : i32
      %dma_wait3A_258 = tpu.memref_slice %arg20[%mul3A_0, %dma_wait3A_257] : memref<10000x16xf32, #tpu.memory_space<vmem_shared>> -> memref<640x16xf32, #tpu.memory_space<vmem_shared>>
      tpu.wait_dma2 semaphore(%run_scoped3A_250 : memref<!tpu.dma_semaphore, #tpu.memory_space<semaphore_mem>>) src(%dma_wait3A_258 : memref<640x16xf32, #tpu.memory_space<vmem_shared>>) dst(%arg13 : memref<640x16xf32, #tpu.memory_space<vmem>>)
      tpu.yield
    }) : () -> ()
    %scan3A_244 = arith.constant 0 : i32
    %scan3A_245 = arith.constant 0 : i32
    %scan3A_246 = arith.constant 40 : i32
    %scan3A_247 = arith.addi %scan3A_245, %scan3A_246 : i32
    %scan3A_248 = arith.constant 1 : i32
    scf.for %scan3A_250 = %scan3A_245 to %scan3A_247 step %scan3A_248  : i32 {
      %mul3A_251 = arith.constant 16 : i32
      %mul3A_252 = arith.muli %scan3A_250, %mul3A_251 : i32
      %get3A_253 = arith.index_cast %mul3A_252 : i32 to index
      %get3A_254 = tpu.vector_load %arg14[%get3A_253] {strides = array<i32>} : memref<640xf32, #tpu.memory_space<vmem>>, vector<16xf32>,
      %get3A_255 = vector.shape_cast %get3A_254 : vector<16xf32> to vector<16xf32>
      %get3A_256 = arith.index_cast %mul3A_252 : i32 to index
      %get3A_257 = tpu.vector_load %arg15[%get3A_256] {strides = array<i32>} : memref<640xf32, #tpu.memory_space<vmem>>, vector<16xf32>,
      %get3A_258 = vector.shape_cast %get3A_257 : vector<16xf32> to vector<16xf32>
      %add3A_259 = arith.addf %get3A_255, %get3A_258 : vector<16xf32>
      %add3A_260 = arith.constant 1.000000e+00 : f32
      %add3A_261 = vector.broadcast %add3A_260 : f32 to vector<16xf32>
      %add3A_262 = arith.addf %add3A_259, %add3A_261 : vector<16xf32>
      %bitcast_convert_type3A = tpu.bitcast %add3A_262 : vector<16xf32> -> vector<16xi32>
      %shift_right_arithmetic3A = arith.constant 1 : i32
      %shift_right_arithmetic3A_263 = vector.broadcast %shift_right_arithmetic3A : i32 to vector<16xi32>
      %shift_right_arithmetic3A_264 = arith.shrsi %bitcast_convert_type3A, %shift_right_arithmetic3A_263 : vector<16xi32>
      %sub3A = arith.constant 1597463007 : i32
      %sub3A_265 = vector.broadcast %sub3A : i32 to vector<16xi32>
      %sub3A_266 = arith.subi %sub3A_265, %shift_right_arithmetic3A_264 : vector<16xi32>
      %bitcast_convert_type3A_267 = tpu.bitcast %sub3A_266 : vector<16xi32> -> vector<16xf32>
      %mul3A_268 = arith.constant 5.000000e-01 : f32
      %mul3A_269 = vector.broadcast %mul3A_268 : f32 to vector<16xf32>
      %mul3A_270 = arith.mulf %mul3A_269, %add3A_262 : vector<16xf32>
      %mul3A_271 = arith.mulf %mul3A_270, %bitcast_convert_type3A_267 : vector<16xf32>
      %mul3A_272 = arith.mulf %mul3A_271, %bitcast_convert_type3A_267 : vector<16xf32>
      %sub3A_273 = arith.constant 1.500000e+00 : f32
      %sub3A_274 = vector.broadcast %sub3A_273 : f32 to vector<16xf32>
      %sub3A_275 = arith.subf %sub3A_274, %mul3A_272 : vector<16xf32>
      %mul3A_276 = arith.mulf %bitcast_convert_type3A_267, %sub3A_275 : vector<16xf32>
      %mul3A_277 = arith.constant 5.000000e-01 : f32
      %mul3A_278 = vector.broadcast %mul3A_277 : f32 to vector<16xf32>
      %mul3A_279 = arith.mulf %mul3A_278, %add3A_262 : vector<16xf32>
      %mul3A_280 = arith.mulf %mul3A_279, %mul3A_276 : vector<16xf32>
      %mul3A_281 = arith.mulf %mul3A_280, %mul3A_276 : vector<16xf32>
      %sub3A_282 = arith.constant 1.500000e+00 : f32
      %sub3A_283 = vector.broadcast %sub3A_282 : f32 to vector<16xf32>
      %sub3A_284 = arith.subf %sub3A_283, %mul3A_281 : vector<16xf32>
      %mul3A_285 = arith.mulf %mul3A_276, %sub3A_284 : vector<16xf32>
      %mul3A_286 = arith.constant 5.000000e-01 : f32
      %mul3A_287 = vector.broadcast %mul3A_286 : f32 to vector<16xf32>
      %mul3A_288 = arith.mulf %mul3A_287, %add3A_262 : vector<16xf32>
      %mul3A_289 = arith.mulf %mul3A_288, %mul3A_285 : vector<16xf32>
      %mul3A_290 = arith.mulf %mul3A_289, %mul3A_285 : vector<16xf32>
      %sub3A_291 = arith.constant 1.500000e+00 : f32
      %sub3A_292 = vector.broadcast %sub3A_291 : f32 to vector<16xf32>
      %sub3A_293 = arith.subf %sub3A_292, %mul3A_290 : vector<16xf32>
      %mul3A_294 = arith.mulf %mul3A_285, %sub3A_293 : vector<16xf32>
      %add3A_295 = arith.constant 0 : i32
      %add3A_296 = arith.addi %mul3A_252, %add3A_295 : i32
      %get3A_297 = arith.index_cast %add3A_296 : i32 to index
      %get3A_298 = arith.constant 0 : index
      %get3A_299 = tpu.vector_load %arg13[%get3A_297, %get3A_298] {strides = array<i32>} : memref<640x16xf32, #tpu.memory_space<vmem>>, vector<1x16xf32>,
      %get3A_300 = vector.shape_cast %get3A_299 : vector<1x16xf32> to vector<16xf32>
      %get3A_301 = arith.index_cast %add3A_296 : i32 to index
      %get3A_302 = arith.constant 0 : index
      %get3A_303 = tpu.vector_load %arg11[%get3A_301, %get3A_302] {strides = array<i32>} : memref<640x16xf32, #tpu.memory_space<vmem>>, vector<1x16xf32>,
      %get3A_304 = vector.shape_cast %get3A_303 : vector<1x16xf32> to vector<16xf32>
      %mul3A_305 = arith.constant 5.000000e-01 : f32
      %mul3A_306 = vector.broadcast %mul3A_305 : f32 to vector<16xf32>
      %mul3A_307 = arith.mulf %mul3A_306, %get3A_304 : vector<16xf32>
      %add3A_308 = arith.addf %get3A_300, %mul3A_307 : vector<16xf32>
      %slice3A = vector.extract_strided_slice %mul3A_294 {offsets = [0], sizes = [1], strides = [1]} : vector<16xf32> to vector<1xf32>
      %squeeze3A = vector.extract %slice3A[0] : f32 from vector<1xf32>
      %mul3A_309 = vector.broadcast %squeeze3A : f32 to vector<16xf32>
      %mul3A_310 = arith.mulf %add3A_308, %mul3A_309 : vector<16xf32>
      %swap3A = arith.index_cast %add3A_296 : i32 to index
      %swap3A_311 = arith.constant 0 : index
      %swap3A_312 = tpu.vector_load %arg13[%swap3A, %swap3A_311] {strides = array<i32>} : memref<640x16xf32, #tpu.memory_space<vmem>>, vector<1x16xf32>,
      %swap3A_313 = vector.shape_cast %swap3A_312 : vector<1x16xf32> to vector<16xf32>
      %swap3A_314 = vector.shape_cast %mul3A_310 : vector<16xf32> to vector<1x16xf32>
      tpu.vector_store %arg13[%swap3A, %swap3A_311], %swap3A_314 {strides = array<i32>} : memref<640x16xf32, #tpu.memory_space<vmem>>, vector<1x16xf32>,
      %add3A_315 = arith.constant 1 : i32
      %add3A_316 = arith.addi %mul3A_252, %add3A_315 : i32
      %get3A_317 = arith.index_cast %add3A_316 : i32 to index
      %get3A_318 = arith.constant 0 : index
      %get3A_319 = tpu.vector_load %arg13[%get3A_317, %get3A_318] {strides = array<i32>} : memref<640x16xf32, #tpu.memory_space<vmem>>, vector<1x16xf32>,
      %get3A_320 = vector.shape_cast %get3A_319 : vector<1x16xf32> to vector<16xf32>
      %get3A_321 = arith.index_cast %add3A_316 : i32 to index
      %get3A_322 = arith.constant 0 : index
      %get3A_323 = tpu.vector_load %arg11[%get3A_321, %get3A_322] {strides = array<i32>} : memref<640x16xf32, #tpu.memory_space<vmem>>, vector<1x16xf32>,
      %get3A_324 = vector.shape_cast %get3A_323 : vector<1x16xf32> to vector<16xf32>
      %mul3A_325 = arith.constant 5.000000e-01 : f32
      %mul3A_326 = vector.broadcast %mul3A_325 : f32 to vector<16xf32>
      %mul3A_327 = arith.mulf %mul3A_326, %get3A_324 : vector<16xf32>
      %add3A_328 = arith.addf %get3A_320, %mul3A_327 : vector<16xf32>
      %slice3A_329 = vector.extract_strided_slice %mul3A_294 {offsets = [1], sizes = [1], strides = [1]} : vector<16xf32> to vector<1xf32>
      %squeeze3A_330 = vector.extract %slice3A_329[0] : f32 from vector<1xf32>
      %mul3A_331 = vector.broadcast %squeeze3A_330 : f32 to vector<16xf32>
      %mul3A_332 = arith.mulf %add3A_328, %mul3A_331 : vector<16xf32>
      %swap3A_333 = arith.index_cast %add3A_316 : i32 to index
      %swap3A_334 = arith.constant 0 : index
      %swap3A_335 = tpu.vector_load %arg13[%swap3A_333, %swap3A_334] {strides = array<i32>} : memref<640x16xf32, #tpu.memory_space<vmem>>, vector<1x16xf32>,
      %swap3A_336 = vector.shape_cast %swap3A_335 : vector<1x16xf32> to vector<16xf32>
      %swap3A_337 = vector.shape_cast %mul3A_332 : vector<16xf32> to vector<1x16xf32>
      tpu.vector_store %arg13[%swap3A_333, %swap3A_334], %swap3A_337 {strides = array<i32>} : memref<640x16xf32, #tpu.memory_space<vmem>>, vector<1x16xf32>,
      %add3A_338 = arith.constant 2 : i32
      %add3A_339 = arith.addi %mul3A_252, %add3A_338 : i32
      %get3A_340 = arith.index_cast %add3A_339 : i32 to index
      %get3A_341 = arith.constant 0 : index
      %get3A_342 = tpu.vector_load %arg13[%get3A_340, %get3A_341] {strides = array<i32>} : memref<640x16xf32, #tpu.memory_space<vmem>>, vector<1x16xf32>,
      %get3A_343 = vector.shape_cast %get3A_342 : vector<1x16xf32> to vector<16xf32>
      %get3A_344 = arith.index_cast %add3A_339 : i32 to index
      %get3A_345 = arith.constant 0 : index
      %get3A_346 = tpu.vector_load %arg11[%get3A_344, %get3A_345] {strides = array<i32>} : memref<640x16xf32, #tpu.memory_space<vmem>>, vector<1x16xf32>,
      %get3A_347 = vector.shape_cast %get3A_346 : vector<1x16xf32> to vector<16xf32>
      %mul3A_348 = arith.constant 5.000000e-01 : f32
      %mul3A_349 = vector.broadcast %mul3A_348 : f32 to vector<16xf32>
      %mul3A_350 = arith.mulf %mul3A_349, %get3A_347 : vector<16xf32>
      %add3A_351 = arith.addf %get3A_343, %mul3A_350 : vector<16xf32>
      %slice3A_352 = vector.extract_strided_slice %mul3A_294 {offsets = [2], sizes = [1], strides = [1]} : vector<16xf32> to vector<1xf32>
      %squeeze3A_353 = vector.extract %slice3A_352[0] : f32 from vector<1xf32>
      %mul3A_354 = vector.broadcast %squeeze3A_353 : f32 to vector<16xf32>
      %mul3A_355 = arith.mulf %add3A_351, %mul3A_354 : vector<16xf32>
      %swap3A_356 = arith.index_cast %add3A_339 : i32 to index
      %swap3A_357 = arith.constant 0 : index
      %swap3A_358 = tpu.vector_load %arg13[%swap3A_356, %swap3A_357] {strides = array<i32>} : memref<640x16xf32, #tpu.memory_space<vmem>>, vector<1x16xf32>,
      %swap3A_359 = vector.shape_cast %swap3A_358 : vector<1x16xf32> to vector<16xf32>
      %swap3A_360 = vector.shape_cast %mul3A_355 : vector<16xf32> to vector<1x16xf32>
      tpu.vector_store %arg13[%swap3A_356, %swap3A_357], %swap3A_360 {strides = array<i32>} : memref<640x16xf32, #tpu.memory_space<vmem>>, vector<1x16xf32>,
      %add3A_361 = arith.constant 3 : i32
      %add3A_362 = arith.addi %mul3A_252, %add3A_361 : i32
      %get3A_363 = arith.index_cast %add3A_362 : i32 to index
      %get3A_364 = arith.constant 0 : index
      %get3A_365 = tpu.vector_load %arg13[%get3A_363, %get3A_364] {strides = array<i32>} : memref<640x16xf32, #tpu.memory_space<vmem>>, vector<1x16xf32>,
      %get3A_366 = vector.shape_cast %get3A_365 : vector<1x16xf32> to vector<16xf32>
      %get3A_367 = arith.index_cast %add3A_362 : i32 to index
      %get3A_368 = arith.constant 0 : index
      %get3A_369 = tpu.vector_load %arg11[%get3A_367, %get3A_368] {strides = array<i32>} : memref<640x16xf32, #tpu.memory_space<vmem>>, vector<1x16xf32>,
      %get3A_370 = vector.shape_cast %get3A_369 : vector<1x16xf32> to vector<16xf32>
      %mul3A_371 = arith.constant 5.000000e-01 : f32
      %mul3A_372 = vector.broadcast %mul3A_371 : f32 to vector<16xf32>
      %mul3A_373 = arith.mulf %mul3A_372, %get3A_370 : vector<16xf32>
      %add3A_374 = arith.addf %get3A_366, %mul3A_373 : vector<16xf32>
      %slice3A_375 = vector.extract_strided_slice %mul3A_294 {offsets = [3], sizes = [1], strides = [1]} : vector<16xf32> to vector<1xf32>
      %squeeze3A_376 = vector.extract %slice3A_375[0] : f32 from vector<1xf32>
      %mul3A_377 = vector.broadcast %squeeze3A_376 : f32 to vector<16xf32>
      %mul3A_378 = arith.mulf %add3A_374, %mul3A_377 : vector<16xf32>
      %swap3A_379 = arith.index_cast %add3A_362 : i32 to index
      %swap3A_380 = arith.constant 0 : index
      %swap3A_381 = tpu.vector_load %arg13[%swap3A_379, %swap3A_380] {strides = array<i32>} : memref<640x16xf32, #tpu.memory_space<vmem>>, vector<1x16xf32>,
      %swap3A_382 = vector.shape_cast %swap3A_381 : vector<1x16xf32> to vector<16xf32>
      %swap3A_383 = vector.shape_cast %mul3A_378 : vector<16xf32> to vector<1x16xf32>
      tpu.vector_store %arg13[%swap3A_379, %swap3A_380], %swap3A_383 {strides = array<i32>} : memref<640x16xf32, #tpu.memory_space<vmem>>, vector<1x16xf32>,
      %add3A_384 = arith.constant 4 : i32
      %add3A_385 = arith.addi %mul3A_252, %add3A_384 : i32
      %get3A_386 = arith.index_cast %add3A_385 : i32 to index
      %get3A_387 = arith.constant 0 : index
      %get3A_388 = tpu.vector_load %arg13[%get3A_386, %get3A_387] {strides = array<i32>} : memref<640x16xf32, #tpu.memory_space<vmem>>, vector<1x16xf32>,
      %get3A_389 = vector.shape_cast %get3A_388 : vector<1x16xf32> to vector<16xf32>
      %get3A_390 = arith.index_cast %add3A_385 : i32 to index
      %get3A_391 = arith.constant 0 : index
      %get3A_392 = tpu.vector_load %arg11[%get3A_390, %get3A_391] {strides = array<i32>} : memref<640x16xf32, #tpu.memory_space<vmem>>, vector<1x16xf32>,
      %get3A_393 = vector.shape_cast %get3A_392 : vector<1x16xf32> to vector<16xf32>
      %mul3A_394 = arith.constant 5.000000e-01 : f32
      %mul3A_395 = vector.broadcast %mul3A_394 : f32 to vector<16xf32>
      %mul3A_396 = arith.mulf %mul3A_395, %get3A_393 : vector<16xf32>
      %add3A_397 = arith.addf %get3A_389, %mul3A_396 : vector<16xf32>
      %slice3A_398 = vector.extract_strided_slice %mul3A_294 {offsets = [4], sizes = [1], strides = [1]} : vector<16xf32> to vector<1xf32>
      %squeeze3A_399 = vector.extract %slice3A_398[0] : f32 from vector<1xf32>
      %mul3A_400 = vector.broadcast %squeeze3A_399 : f32 to vector<16xf32>
      %mul3A_401 = arith.mulf %add3A_397, %mul3A_400 : vector<16xf32>
      %swap3A_402 = arith.index_cast %add3A_385 : i32 to index
      %swap3A_403 = arith.constant 0 : index
      %swap3A_404 = tpu.vector_load %arg13[%swap3A_402, %swap3A_403] {strides = array<i32>} : memref<640x16xf32, #tpu.memory_space<vmem>>, vector<1x16xf32>,
      %swap3A_405 = vector.shape_cast %swap3A_404 : vector<1x16xf32> to vector<16xf32>
      %swap3A_406 = vector.shape_cast %mul3A_401 : vector<16xf32> to vector<1x16xf32>
      tpu.vector_store %arg13[%swap3A_402, %swap3A_403], %swap3A_406 {strides = array<i32>} : memref<640x16xf32, #tpu.memory_space<vmem>>, vector<1x16xf32>,
      %add3A_407 = arith.constant 5 : i32
      %add3A_408 = arith.addi %mul3A_252, %add3A_407 : i32
      %get3A_409 = arith.index_cast %add3A_408 : i32 to index
      %get3A_410 = arith.constant 0 : index
      %get3A_411 = tpu.vector_load %arg13[%get3A_409, %get3A_410] {strides = array<i32>} : memref<640x16xf32, #tpu.memory_space<vmem>>, vector<1x16xf32>,
      %get3A_412 = vector.shape_cast %get3A_411 : vector<1x16xf32> to vector<16xf32>
      %get3A_413 = arith.index_cast %add3A_408 : i32 to index
      %get3A_414 = arith.constant 0 : index
      %get3A_415 = tpu.vector_load %arg11[%get3A_413, %get3A_414] {strides = array<i32>} : memref<640x16xf32, #tpu.memory_space<vmem>>, vector<1x16xf32>,
      %get3A_416 = vector.shape_cast %get3A_415 : vector<1x16xf32> to vector<16xf32>
      %mul3A_417 = arith.constant 5.000000e-01 : f32
      %mul3A_418 = vector.broadcast %mul3A_417 : f32 to vector<16xf32>
      %mul3A_419 = arith.mulf %mul3A_418, %get3A_416 : vector<16xf32>
      %add3A_420 = arith.addf %get3A_412, %mul3A_419 : vector<16xf32>
      %slice3A_421 = vector.extract_strided_slice %mul3A_294 {offsets = [5], sizes = [1], strides = [1]} : vector<16xf32> to vector<1xf32>
      %squeeze3A_422 = vector.extract %slice3A_421[0] : f32 from vector<1xf32>
      %mul3A_423 = vector.broadcast %squeeze3A_422 : f32 to vector<16xf32>
      %mul3A_424 = arith.mulf %add3A_420, %mul3A_423 : vector<16xf32>
      %swap3A_425 = arith.index_cast %add3A_408 : i32 to index
      %swap3A_426 = arith.constant 0 : index
      %swap3A_427 = tpu.vector_load %arg13[%swap3A_425, %swap3A_426] {strides = array<i32>} : memref<640x16xf32, #tpu.memory_space<vmem>>, vector<1x16xf32>,
      %swap3A_428 = vector.shape_cast %swap3A_427 : vector<1x16xf32> to vector<16xf32>
      %swap3A_429 = vector.shape_cast %mul3A_424 : vector<16xf32> to vector<1x16xf32>
      tpu.vector_store %arg13[%swap3A_425, %swap3A_426], %swap3A_429 {strides = array<i32>} : memref<640x16xf32, #tpu.memory_space<vmem>>, vector<1x16xf32>,
      %add3A_430 = arith.constant 6 : i32
      %add3A_431 = arith.addi %mul3A_252, %add3A_430 : i32
      %get3A_432 = arith.index_cast %add3A_431 : i32 to index
      %get3A_433 = arith.constant 0 : index
      %get3A_434 = tpu.vector_load %arg13[%get3A_432, %get3A_433] {strides = array<i32>} : memref<640x16xf32, #tpu.memory_space<vmem>>, vector<1x16xf32>,
      %get3A_435 = vector.shape_cast %get3A_434 : vector<1x16xf32> to vector<16xf32>
      %get3A_436 = arith.index_cast %add3A_431 : i32 to index
      %get3A_437 = arith.constant 0 : index
      %get3A_438 = tpu.vector_load %arg11[%get3A_436, %get3A_437] {strides = array<i32>} : memref<640x16xf32, #tpu.memory_space<vmem>>, vector<1x16xf32>,
      %get3A_439 = vector.shape_cast %get3A_438 : vector<1x16xf32> to vector<16xf32>
      %mul3A_440 = arith.constant 5.000000e-01 : f32
      %mul3A_441 = vector.broadcast %mul3A_440 : f32 to vector<16xf32>
      %mul3A_442 = arith.mulf %mul3A_441, %get3A_439 : vector<16xf32>
      %add3A_443 = arith.addf %get3A_435, %mul3A_442 : vector<16xf32>
      %slice3A_444 = vector.extract_strided_slice %mul3A_294 {offsets = [6], sizes = [1], strides = [1]} : vector<16xf32> to vector<1xf32>
      %squeeze3A_445 = vector.extract %slice3A_444[0] : f32 from vector<1xf32>
      %mul3A_446 = vector.broadcast %squeeze3A_445 : f32 to vector<16xf32>
      %mul3A_447 = arith.mulf %add3A_443, %mul3A_446 : vector<16xf32>
      %swap3A_448 = arith.index_cast %add3A_431 : i32 to index
      %swap3A_449 = arith.constant 0 : index
      %swap3A_450 = tpu.vector_load %arg13[%swap3A_448, %swap3A_449] {strides = array<i32>} : memref<640x16xf32, #tpu.memory_space<vmem>>, vector<1x16xf32>,
      %swap3A_451 = vector.shape_cast %swap3A_450 : vector<1x16xf32> to vector<16xf32>
      %swap3A_452 = vector.shape_cast %mul3A_447 : vector<16xf32> to vector<1x16xf32>
      tpu.vector_store %arg13[%swap3A_448, %swap3A_449], %swap3A_452 {strides = array<i32>} : memref<640x16xf32, #tpu.memory_space<vmem>>, vector<1x16xf32>,
      %add3A_453 = arith.constant 7 : i32
      %add3A_454 = arith.addi %mul3A_252, %add3A_453 : i32
      %get3A_455 = arith.index_cast %add3A_454 : i32 to index
      %get3A_456 = arith.constant 0 : index
      %get3A_457 = tpu.vector_load %arg13[%get3A_455, %get3A_456] {strides = array<i32>} : memref<640x16xf32, #tpu.memory_space<vmem>>, vector<1x16xf32>,
      %get3A_458 = vector.shape_cast %get3A_457 : vector<1x16xf32> to vector<16xf32>
      %get3A_459 = arith.index_cast %add3A_454 : i32 to index
      %get3A_460 = arith.constant 0 : index
      %get3A_461 = tpu.vector_load %arg11[%get3A_459, %get3A_460] {strides = array<i32>} : memref<640x16xf32, #tpu.memory_space<vmem>>, vector<1x16xf32>,
      %get3A_462 = vector.shape_cast %get3A_461 : vector<1x16xf32> to vector<16xf32>
      %mul3A_463 = arith.constant 5.000000e-01 : f32
      %mul3A_464 = vector.broadcast %mul3A_463 : f32 to vector<16xf32>
      %mul3A_465 = arith.mulf %mul3A_464, %get3A_462 : vector<16xf32>
      %add3A_466 = arith.addf %get3A_458, %mul3A_465 : vector<16xf32>
      %slice3A_467 = vector.extract_strided_slice %mul3A_294 {offsets = [7], sizes = [1], strides = [1]} : vector<16xf32> to vector<1xf32>
      %squeeze3A_468 = vector.extract %slice3A_467[0] : f32 from vector<1xf32>
      %mul3A_469 = vector.broadcast %squeeze3A_468 : f32 to vector<16xf32>
      %mul3A_470 = arith.mulf %add3A_466, %mul3A_469 : vector<16xf32>
      %swap3A_471 = arith.index_cast %add3A_454 : i32 to index
      %swap3A_472 = arith.constant 0 : index
      %swap3A_473 = tpu.vector_load %arg13[%swap3A_471, %swap3A_472] {strides = array<i32>} : memref<640x16xf32, #tpu.memory_space<vmem>>, vector<1x16xf32>,
      %swap3A_474 = vector.shape_cast %swap3A_473 : vector<1x16xf32> to vector<16xf32>
      %swap3A_475 = vector.shape_cast %mul3A_470 : vector<16xf32> to vector<1x16xf32>
      tpu.vector_store %arg13[%swap3A_471, %swap3A_472], %swap3A_475 {strides = array<i32>} : memref<640x16xf32, #tpu.memory_space<vmem>>, vector<1x16xf32>,
      %add3A_476 = arith.constant 8 : i32
      %add3A_477 = arith.addi %mul3A_252, %add3A_476 : i32
      %get3A_478 = arith.index_cast %add3A_477 : i32 to index
      %get3A_479 = arith.constant 0 : index
      %get3A_480 = tpu.vector_load %arg13[%get3A_478, %get3A_479] {strides = array<i32>} : memref<640x16xf32, #tpu.memory_space<vmem>>, vector<1x16xf32>,
      %get3A_481 = vector.shape_cast %get3A_480 : vector<1x16xf32> to vector<16xf32>
      %get3A_482 = arith.index_cast %add3A_477 : i32 to index
      %get3A_483 = arith.constant 0 : index
      %get3A_484 = tpu.vector_load %arg11[%get3A_482, %get3A_483] {strides = array<i32>} : memref<640x16xf32, #tpu.memory_space<vmem>>, vector<1x16xf32>,
      %get3A_485 = vector.shape_cast %get3A_484 : vector<1x16xf32> to vector<16xf32>
      %mul3A_486 = arith.constant 5.000000e-01 : f32
      %mul3A_487 = vector.broadcast %mul3A_486 : f32 to vector<16xf32>
      %mul3A_488 = arith.mulf %mul3A_487, %get3A_485 : vector<16xf32>
      %add3A_489 = arith.addf %get3A_481, %mul3A_488 : vector<16xf32>
      %slice3A_490 = vector.extract_strided_slice %mul3A_294 {offsets = [8], sizes = [1], strides = [1]} : vector<16xf32> to vector<1xf32>
      %squeeze3A_491 = vector.extract %slice3A_490[0] : f32 from vector<1xf32>
      %mul3A_492 = vector.broadcast %squeeze3A_491 : f32 to vector<16xf32>
      %mul3A_493 = arith.mulf %add3A_489, %mul3A_492 : vector<16xf32>
      %swap3A_494 = arith.index_cast %add3A_477 : i32 to index
      %swap3A_495 = arith.constant 0 : index
      %swap3A_496 = tpu.vector_load %arg13[%swap3A_494, %swap3A_495] {strides = array<i32>} : memref<640x16xf32, #tpu.memory_space<vmem>>, vector<1x16xf32>,
      %swap3A_497 = vector.shape_cast %swap3A_496 : vector<1x16xf32> to vector<16xf32>
      %swap3A_498 = vector.shape_cast %mul3A_493 : vector<16xf32> to vector<1x16xf32>
      tpu.vector_store %arg13[%swap3A_494, %swap3A_495], %swap3A_498 {strides = array<i32>} : memref<640x16xf32, #tpu.memory_space<vmem>>, vector<1x16xf32>,
      %add3A_499 = arith.constant 9 : i32
      %add3A_500 = arith.addi %mul3A_252, %add3A_499 : i32
      %get3A_501 = arith.index_cast %add3A_500 : i32 to index
      %get3A_502 = arith.constant 0 : index
      %get3A_503 = tpu.vector_load %arg13[%get3A_501, %get3A_502] {strides = array<i32>} : memref<640x16xf32, #tpu.memory_space<vmem>>, vector<1x16xf32>,
      %get3A_504 = vector.shape_cast %get3A_503 : vector<1x16xf32> to vector<16xf32>
      %get3A_505 = arith.index_cast %add3A_500 : i32 to index
      %get3A_506 = arith.constant 0 : index
      %get3A_507 = tpu.vector_load %arg11[%get3A_505, %get3A_506] {strides = array<i32>} : memref<640x16xf32, #tpu.memory_space<vmem>>, vector<1x16xf32>,
      %get3A_508 = vector.shape_cast %get3A_507 : vector<1x16xf32> to vector<16xf32>
      %mul3A_509 = arith.constant 5.000000e-01 : f32
      %mul3A_510 = vector.broadcast %mul3A_509 : f32 to vector<16xf32>
      %mul3A_511 = arith.mulf %mul3A_510, %get3A_508 : vector<16xf32>
      %add3A_512 = arith.addf %get3A_504, %mul3A_511 : vector<16xf32>
      %slice3A_513 = vector.extract_strided_slice %mul3A_294 {offsets = [9], sizes = [1], strides = [1]} : vector<16xf32> to vector<1xf32>
      %squeeze3A_514 = vector.extract %slice3A_513[0] : f32 from vector<1xf32>
      %mul3A_515 = vector.broadcast %squeeze3A_514 : f32 to vector<16xf32>
      %mul3A_516 = arith.mulf %add3A_512, %mul3A_515 : vector<16xf32>
      %swap3A_517 = arith.index_cast %add3A_500 : i32 to index
      %swap3A_518 = arith.constant 0 : index
      %swap3A_519 = tpu.vector_load %arg13[%swap3A_517, %swap3A_518] {strides = array<i32>} : memref<640x16xf32, #tpu.memory_space<vmem>>, vector<1x16xf32>,
      %swap3A_520 = vector.shape_cast %swap3A_519 : vector<1x16xf32> to vector<16xf32>
      %swap3A_521 = vector.shape_cast %mul3A_516 : vector<16xf32> to vector<1x16xf32>
      tpu.vector_store %arg13[%swap3A_517, %swap3A_518], %swap3A_521 {strides = array<i32>} : memref<640x16xf32, #tpu.memory_space<vmem>>, vector<1x16xf32>,
      %add3A_522 = arith.constant 10 : i32
      %add3A_523 = arith.addi %mul3A_252, %add3A_522 : i32
      %get3A_524 = arith.index_cast %add3A_523 : i32 to index
      %get3A_525 = arith.constant 0 : index
      %get3A_526 = tpu.vector_load %arg13[%get3A_524, %get3A_525] {strides = array<i32>} : memref<640x16xf32, #tpu.memory_space<vmem>>, vector<1x16xf32>,
      %get3A_527 = vector.shape_cast %get3A_526 : vector<1x16xf32> to vector<16xf32>
      %get3A_528 = arith.index_cast %add3A_523 : i32 to index
      %get3A_529 = arith.constant 0 : index
      %get3A_530 = tpu.vector_load %arg11[%get3A_528, %get3A_529] {strides = array<i32>} : memref<640x16xf32, #tpu.memory_space<vmem>>, vector<1x16xf32>,
      %get3A_531 = vector.shape_cast %get3A_530 : vector<1x16xf32> to vector<16xf32>
      %mul3A_532 = arith.constant 5.000000e-01 : f32
      %mul3A_533 = vector.broadcast %mul3A_532 : f32 to vector<16xf32>
      %mul3A_534 = arith.mulf %mul3A_533, %get3A_531 : vector<16xf32>
      %add3A_535 = arith.addf %get3A_527, %mul3A_534 : vector<16xf32>
      %slice3A_536 = vector.extract_strided_slice %mul3A_294 {offsets = [10], sizes = [1], strides = [1]} : vector<16xf32> to vector<1xf32>
      %squeeze3A_537 = vector.extract %slice3A_536[0] : f32 from vector<1xf32>
      %mul3A_538 = vector.broadcast %squeeze3A_537 : f32 to vector<16xf32>
      %mul3A_539 = arith.mulf %add3A_535, %mul3A_538 : vector<16xf32>
      %swap3A_540 = arith.index_cast %add3A_523 : i32 to index
      %swap3A_541 = arith.constant 0 : index
      %swap3A_542 = tpu.vector_load %arg13[%swap3A_540, %swap3A_541] {strides = array<i32>} : memref<640x16xf32, #tpu.memory_space<vmem>>, vector<1x16xf32>,
      %swap3A_543 = vector.shape_cast %swap3A_542 : vector<1x16xf32> to vector<16xf32>
      %swap3A_544 = vector.shape_cast %mul3A_539 : vector<16xf32> to vector<1x16xf32>
      tpu.vector_store %arg13[%swap3A_540, %swap3A_541], %swap3A_544 {strides = array<i32>} : memref<640x16xf32, #tpu.memory_space<vmem>>, vector<1x16xf32>,
      %add3A_545 = arith.constant 11 : i32
      %add3A_546 = arith.addi %mul3A_252, %add3A_545 : i32
      %get3A_547 = arith.index_cast %add3A_546 : i32 to index
      %get3A_548 = arith.constant 0 : index
      %get3A_549 = tpu.vector_load %arg13[%get3A_547, %get3A_548] {strides = array<i32>} : memref<640x16xf32, #tpu.memory_space<vmem>>, vector<1x16xf32>,
      %get3A_550 = vector.shape_cast %get3A_549 : vector<1x16xf32> to vector<16xf32>
      %get3A_551 = arith.index_cast %add3A_546 : i32 to index
      %get3A_552 = arith.constant 0 : index
      %get3A_553 = tpu.vector_load %arg11[%get3A_551, %get3A_552] {strides = array<i32>} : memref<640x16xf32, #tpu.memory_space<vmem>>, vector<1x16xf32>,
      %get3A_554 = vector.shape_cast %get3A_553 : vector<1x16xf32> to vector<16xf32>
      %mul3A_555 = arith.constant 5.000000e-01 : f32
      %mul3A_556 = vector.broadcast %mul3A_555 : f32 to vector<16xf32>
      %mul3A_557 = arith.mulf %mul3A_556, %get3A_554 : vector<16xf32>
      %add3A_558 = arith.addf %get3A_550, %mul3A_557 : vector<16xf32>
      %slice3A_559 = vector.extract_strided_slice %mul3A_294 {offsets = [11], sizes = [1], strides = [1]} : vector<16xf32> to vector<1xf32>
      %squeeze3A_560 = vector.extract %slice3A_559[0] : f32 from vector<1xf32>
      %mul3A_561 = vector.broadcast %squeeze3A_560 : f32 to vector<16xf32>
      %mul3A_562 = arith.mulf %add3A_558, %mul3A_561 : vector<16xf32>
      %swap3A_563 = arith.index_cast %add3A_546 : i32 to index
      %swap3A_564 = arith.constant 0 : index
      %swap3A_565 = tpu.vector_load %arg13[%swap3A_563, %swap3A_564] {strides = array<i32>} : memref<640x16xf32, #tpu.memory_space<vmem>>, vector<1x16xf32>,
      %swap3A_566 = vector.shape_cast %swap3A_565 : vector<1x16xf32> to vector<16xf32>
      %swap3A_567 = vector.shape_cast %mul3A_562 : vector<16xf32> to vector<1x16xf32>
      tpu.vector_store %arg13[%swap3A_563, %swap3A_564], %swap3A_567 {strides = array<i32>} : memref<640x16xf32, #tpu.memory_space<vmem>>, vector<1x16xf32>,
      %add3A_568 = arith.constant 12 : i32
      %add3A_569 = arith.addi %mul3A_252, %add3A_568 : i32
      %get3A_570 = arith.index_cast %add3A_569 : i32 to index
      %get3A_571 = arith.constant 0 : index
      %get3A_572 = tpu.vector_load %arg13[%get3A_570, %get3A_571] {strides = array<i32>} : memref<640x16xf32, #tpu.memory_space<vmem>>, vector<1x16xf32>,
      %get3A_573 = vector.shape_cast %get3A_572 : vector<1x16xf32> to vector<16xf32>
      %get3A_574 = arith.index_cast %add3A_569 : i32 to index
      %get3A_575 = arith.constant 0 : index
      %get3A_576 = tpu.vector_load %arg11[%get3A_574, %get3A_575] {strides = array<i32>} : memref<640x16xf32, #tpu.memory_space<vmem>>, vector<1x16xf32>,
      %get3A_577 = vector.shape_cast %get3A_576 : vector<1x16xf32> to vector<16xf32>
      %mul3A_578 = arith.constant 5.000000e-01 : f32
      %mul3A_579 = vector.broadcast %mul3A_578 : f32 to vector<16xf32>
      %mul3A_580 = arith.mulf %mul3A_579, %get3A_577 : vector<16xf32>
      %add3A_581 = arith.addf %get3A_573, %mul3A_580 : vector<16xf32>
      %slice3A_582 = vector.extract_strided_slice %mul3A_294 {offsets = [12], sizes = [1], strides = [1]} : vector<16xf32> to vector<1xf32>
      %squeeze3A_583 = vector.extract %slice3A_582[0] : f32 from vector<1xf32>
      %mul3A_584 = vector.broadcast %squeeze3A_583 : f32 to vector<16xf32>
      %mul3A_585 = arith.mulf %add3A_581, %mul3A_584 : vector<16xf32>
      %swap3A_586 = arith.index_cast %add3A_569 : i32 to index
      %swap3A_587 = arith.constant 0 : index
      %swap3A_588 = tpu.vector_load %arg13[%swap3A_586, %swap3A_587] {strides = array<i32>} : memref<640x16xf32, #tpu.memory_space<vmem>>, vector<1x16xf32>,
      %swap3A_589 = vector.shape_cast %swap3A_588 : vector<1x16xf32> to vector<16xf32>
      %swap3A_590 = vector.shape_cast %mul3A_585 : vector<16xf32> to vector<1x16xf32>
      tpu.vector_store %arg13[%swap3A_586, %swap3A_587], %swap3A_590 {strides = array<i32>} : memref<640x16xf32, #tpu.memory_space<vmem>>, vector<1x16xf32>,
      %add3A_591 = arith.constant 13 : i32
      %add3A_592 = arith.addi %mul3A_252, %add3A_591 : i32
      %get3A_593 = arith.index_cast %add3A_592 : i32 to index
      %get3A_594 = arith.constant 0 : index
      %get3A_595 = tpu.vector_load %arg13[%get3A_593, %get3A_594] {strides = array<i32>} : memref<640x16xf32, #tpu.memory_space<vmem>>, vector<1x16xf32>,
      %get3A_596 = vector.shape_cast %get3A_595 : vector<1x16xf32> to vector<16xf32>
      %get3A_597 = arith.index_cast %add3A_592 : i32 to index
      %get3A_598 = arith.constant 0 : index
      %get3A_599 = tpu.vector_load %arg11[%get3A_597, %get3A_598] {strides = array<i32>} : memref<640x16xf32, #tpu.memory_space<vmem>>, vector<1x16xf32>,
      %get3A_600 = vector.shape_cast %get3A_599 : vector<1x16xf32> to vector<16xf32>
      %mul3A_601 = arith.constant 5.000000e-01 : f32
      %mul3A_602 = vector.broadcast %mul3A_601 : f32 to vector<16xf32>
      %mul3A_603 = arith.mulf %mul3A_602, %get3A_600 : vector<16xf32>
      %add3A_604 = arith.addf %get3A_596, %mul3A_603 : vector<16xf32>
      %slice3A_605 = vector.extract_strided_slice %mul3A_294 {offsets = [13], sizes = [1], strides = [1]} : vector<16xf32> to vector<1xf32>
      %squeeze3A_606 = vector.extract %slice3A_605[0] : f32 from vector<1xf32>
      %mul3A_607 = vector.broadcast %squeeze3A_606 : f32 to vector<16xf32>
      %mul3A_608 = arith.mulf %add3A_604, %mul3A_607 : vector<16xf32>
      %swap3A_609 = arith.index_cast %add3A_592 : i32 to index
      %swap3A_610 = arith.constant 0 : index
      %swap3A_611 = tpu.vector_load %arg13[%swap3A_609, %swap3A_610] {strides = array<i32>} : memref<640x16xf32, #tpu.memory_space<vmem>>, vector<1x16xf32>,
      %swap3A_612 = vector.shape_cast %swap3A_611 : vector<1x16xf32> to vector<16xf32>
      %swap3A_613 = vector.shape_cast %mul3A_608 : vector<16xf32> to vector<1x16xf32>
      tpu.vector_store %arg13[%swap3A_609, %swap3A_610], %swap3A_613 {strides = array<i32>} : memref<640x16xf32, #tpu.memory_space<vmem>>, vector<1x16xf32>,
      %add3A_614 = arith.constant 14 : i32
      %add3A_615 = arith.addi %mul3A_252, %add3A_614 : i32
      %get3A_616 = arith.index_cast %add3A_615 : i32 to index
      %get3A_617 = arith.constant 0 : index
      %get3A_618 = tpu.vector_load %arg13[%get3A_616, %get3A_617] {strides = array<i32>} : memref<640x16xf32, #tpu.memory_space<vmem>>, vector<1x16xf32>,
      %get3A_619 = vector.shape_cast %get3A_618 : vector<1x16xf32> to vector<16xf32>
      %get3A_620 = arith.index_cast %add3A_615 : i32 to index
      %get3A_621 = arith.constant 0 : index
      %get3A_622 = tpu.vector_load %arg11[%get3A_620, %get3A_621] {strides = array<i32>} : memref<640x16xf32, #tpu.memory_space<vmem>>, vector<1x16xf32>,
      %get3A_623 = vector.shape_cast %get3A_622 : vector<1x16xf32> to vector<16xf32>
      %mul3A_624 = arith.constant 5.000000e-01 : f32
      %mul3A_625 = vector.broadcast %mul3A_624 : f32 to vector<16xf32>
      %mul3A_626 = arith.mulf %mul3A_625, %get3A_623 : vector<16xf32>
      %add3A_627 = arith.addf %get3A_619, %mul3A_626 : vector<16xf32>
      %slice3A_628 = vector.extract_strided_slice %mul3A_294 {offsets = [14], sizes = [1], strides = [1]} : vector<16xf32> to vector<1xf32>
      %squeeze3A_629 = vector.extract %slice3A_628[0] : f32 from vector<1xf32>
      %mul3A_630 = vector.broadcast %squeeze3A_629 : f32 to vector<16xf32>
      %mul3A_631 = arith.mulf %add3A_627, %mul3A_630 : vector<16xf32>
      %swap3A_632 = arith.index_cast %add3A_615 : i32 to index
      %swap3A_633 = arith.constant 0 : index
      %swap3A_634 = tpu.vector_load %arg13[%swap3A_632, %swap3A_633] {strides = array<i32>} : memref<640x16xf32, #tpu.memory_space<vmem>>, vector<1x16xf32>,
      %swap3A_635 = vector.shape_cast %swap3A_634 : vector<1x16xf32> to vector<16xf32>
      %swap3A_636 = vector.shape_cast %mul3A_631 : vector<16xf32> to vector<1x16xf32>
      tpu.vector_store %arg13[%swap3A_632, %swap3A_633], %swap3A_636 {strides = array<i32>} : memref<640x16xf32, #tpu.memory_space<vmem>>, vector<1x16xf32>,
      %add3A_637 = arith.constant 15 : i32
      %add3A_638 = arith.addi %mul3A_252, %add3A_637 : i32
      %get3A_639 = arith.index_cast %add3A_638 : i32 to index
      %get3A_640 = arith.constant 0 : index
      %get3A_641 = tpu.vector_load %arg13[%get3A_639, %get3A_640] {strides = array<i32>} : memref<640x16xf32, #tpu.memory_space<vmem>>, vector<1x16xf32>,
      %get3A_642 = vector.shape_cast %get3A_641 : vector<1x16xf32> to vector<16xf32>
      %get3A_643 = arith.index_cast %add3A_638 : i32 to index
      %get3A_644 = arith.constant 0 : index
      %get3A_645 = tpu.vector_load %arg11[%get3A_643, %get3A_644] {strides = array<i32>} : memref<640x16xf32, #tpu.memory_space<vmem>>, vector<1x16xf32>,
      %get3A_646 = vector.shape_cast %get3A_645 : vector<1x16xf32> to vector<16xf32>
      %mul3A_647 = arith.constant 5.000000e-01 : f32
      %mul3A_648 = vector.broadcast %mul3A_647 : f32 to vector<16xf32>
      %mul3A_649 = arith.mulf %mul3A_648, %get3A_646 : vector<16xf32>
      %add3A_650 = arith.addf %get3A_642, %mul3A_649 : vector<16xf32>
      %slice3A_651 = vector.extract_strided_slice %mul3A_294 {offsets = [15], sizes = [1], strides = [1]} : vector<16xf32> to vector<1xf32>
      %squeeze3A_652 = vector.extract %slice3A_651[0] : f32 from vector<1xf32>
      %mul3A_653 = vector.broadcast %squeeze3A_652 : f32 to vector<16xf32>
      %mul3A_654 = arith.mulf %add3A_650, %mul3A_653 : vector<16xf32>
      %swap3A_655 = arith.index_cast %add3A_638 : i32 to index
      %swap3A_656 = arith.constant 0 : index
      %swap3A_657 = tpu.vector_load %arg13[%swap3A_655, %swap3A_656] {strides = array<i32>} : memref<640x16xf32, #tpu.memory_space<vmem>>, vector<1x16xf32>,
      %swap3A_658 = vector.shape_cast %swap3A_657 : vector<1x16xf32> to vector<16xf32>
      %swap3A_659 = vector.shape_cast %mul3A_654 : vector<16xf32> to vector<1x16xf32>
      tpu.vector_store %arg13[%swap3A_655, %swap3A_656], %swap3A_659 {strides = array<i32>} : memref<640x16xf32, #tpu.memory_space<vmem>>, vector<1x16xf32>,
    }
    %scan3A_249 = arith.constant 40 : i32
    "tpu.region"() ({
      %run_scoped3A_250 = tpu.sem_alloc : memref<!tpu.dma_semaphore, #tpu.memory_space<semaphore_mem>>
      %dma_start3A_251 = arith.constant 0 : i32
      %dma_start3A_252 = tpu.memref_slice %arg9[%arg0, %mul3A_0, %dma_start3A_251] : memref<2x10000x16xf32, #tpu.memory_space<hbm>> -> memref<1x640x16xf32, #tpu.memory_space<hbm>>
      %dma_start3A_253 = tpu.memref_squeeze %dma_start3A_252 : memref<1x640x16xf32, #tpu.memory_space<hbm>> -> memref<640x16xf32, #tpu.memory_space<hbm>>
      %dma_start3A_254 = arith.constant 0 : i32
      %dma_start3A_255 = tpu.memref_slice %arg9[%arg0, %mul3A_0, %dma_start3A_254] : memref<2x10000x16xf32, #tpu.memory_space<hbm>> -> memref<1x640x16xf32, #tpu.memory_space<hbm>>
      %dma_start3A_256 = tpu.memref_squeeze %dma_start3A_255 : memref<1x640x16xf32, #tpu.memory_space<hbm>> -> memref<640x16xf32, #tpu.memory_space<hbm>>
      tpu.enqueue_dma source(%arg13 : memref<640x16xf32, #tpu.memory_space<vmem>>) target(%dma_start3A_256 : memref<640x16xf32, #tpu.memory_space<hbm>>) target_semaphore(%run_scoped3A_250 : memref<!tpu.dma_semaphore, #tpu.memory_space<semaphore_mem>>)
      %dma_wait3A_257 = arith.constant 0 : i32
      %dma_wait3A_258 = tpu.memref_slice %arg9[%arg0, %mul3A_0, %dma_wait3A_257] : memref<2x10000x16xf32, #tpu.memory_space<hbm>> -> memref<1x640x16xf32, #tpu.memory_space<hbm>>
      %dma_wait3A_259 = tpu.memref_squeeze %dma_wait3A_258 : memref<1x640x16xf32, #tpu.memory_space<hbm>> -> memref<640x16xf32, #tpu.memory_space<hbm>>
      %dma_wait3A_260 = arith.constant 0 : i32
      %dma_wait3A_261 = tpu.memref_slice %arg9[%arg0, %mul3A_0, %dma_wait3A_260] : memref<2x10000x16xf32, #tpu.memory_space<hbm>> -> memref<1x640x16xf32, #tpu.memory_space<hbm>>
      %dma_wait3A_262 = tpu.memref_squeeze %dma_wait3A_261 : memref<1x640x16xf32, #tpu.memory_space<hbm>> -> memref<640x16xf32, #tpu.memory_space<hbm>>
      tpu.wait_dma2 semaphore(%run_scoped3A_250 : memref<!tpu.dma_semaphore, #tpu.memory_space<semaphore_mem>>) src(%arg13 : memref<640x16xf32, #tpu.memory_space<vmem>>) dst(%dma_wait3A_262 : memref<640x16xf32, #tpu.memory_space<hbm>>)
      tpu.yield
    }) : () -> ()
    return
  }
}

module attributes {stable_mosaic.version = 14 : i64} {
  func.func @_mm_body(%arg0: memref<10000x128xf32, #tpu.memory_space<vmem>>, %arg1: memref<128x16xf32, #tpu.memory_space<vmem>>, %arg2: memref<10000x16xf32, #tpu.memory_space<vmem>>) attributes {dimension_semantics = [], scalar_prefetch = 0 : i64, scratch_operands = 0 : i64, tpu.core_type = #tpu.core_type<tc>} {
    %get3A = arith.constant 0 : index
    %get3A_0 = arith.constant 0 : index
    %get3A_1 = vector.load %arg0[%get3A, %get3A_0] : memref<10000x128xf32, #tpu.memory_space<vmem>>, vector<10000x128xf32>
    %get3A_2 = arith.constant 0 : index
    %get3A_3 = arith.constant 0 : index
    %get3A_4 = vector.load %arg1[%get3A_2, %get3A_3] : memref<128x16xf32, #tpu.memory_space<vmem>>, vector<128x16xf32>
    %dot_general3A = arith.constant dense<0.000000e+00> : vector<10000x16xf32>
    %dot_general3A_5 = tpu.matmul %get3A_1, %get3A_4, %dot_general3A {dimension_numbers = #tpu.dot_dimension_numbers<[1], [0], [0], [1], [0, 0, 1, 1], [], []>, transpose_lhs_hint = false} : vector<10000x128xf32>, vector<128x16xf32>, vector<10000x16xf32> -> vector<10000x16xf32>
    %swap3A = arith.constant 0 : index
    %swap3A_6 = arith.constant 0 : index
    %swap3A_7 = vector.load %arg2[%swap3A, %swap3A_6] : memref<10000x16xf32, #tpu.memory_space<vmem>>, vector<10000x16xf32>
    tpu.vector_store %arg2[%swap3A, %swap3A_6], %dot_general3A_5 {strides = array<i32>} : memref<10000x16xf32, #tpu.memory_space<vmem>>, vector<10000x16xf32>,
    return
  }
}

module attributes {stable_mosaic.version = 14 : i64} {
  func.func @_out_body(%arg0: memref<2x10000x16xf32, #tpu.memory_space<vmem>>, %arg1: memref<16x64xf32, #tpu.memory_space<vmem>>, %arg2: memref<1x64xf32, #tpu.memory_space<vmem>>, %arg3: memref<10000x64xf32, #tpu.memory_space<vmem>>) attributes {dimension_semantics = [], scalar_prefetch = 0 : i64, scratch_operands = 0 : i64, tpu.core_type = #tpu.core_type<tc>} {
    %get3A = arith.constant 0 : index
    %get3A_0 = arith.constant 0 : index
    %get3A_1 = arith.constant 0 : index
    %get3A_2 = vector.load %arg0[%get3A, %get3A_0, %get3A_1] : memref<2x10000x16xf32, #tpu.memory_space<vmem>>, vector<1x10000x16xf32>
    %get3A_3 = vector.shape_cast %get3A_2 : vector<1x10000x16xf32> to vector<10000x16xf32>
    %get3A_4 = arith.constant 1 : index
    %get3A_5 = arith.constant 0 : index
    %get3A_6 = arith.constant 0 : index
    %get3A_7 = vector.load %arg0[%get3A_4, %get3A_5, %get3A_6] : memref<2x10000x16xf32, #tpu.memory_space<vmem>>, vector<1x10000x16xf32>
    %get3A_8 = vector.shape_cast %get3A_7 : vector<1x10000x16xf32> to vector<10000x16xf32>
    %add3A = arith.addf %get3A_3, %get3A_8 : vector<10000x16xf32>
    %get3A_9 = arith.constant 0 : index
    %get3A_10 = arith.constant 0 : index
    %get3A_11 = vector.load %arg1[%get3A_9, %get3A_10] : memref<16x64xf32, #tpu.memory_space<vmem>>, vector<16x64xf32>
    %dot_general3A = arith.constant dense<0.000000e+00> : vector<10000x64xf32>
    %dot_general3A_12 = tpu.matmul %add3A, %get3A_11, %dot_general3A {dimension_numbers = #tpu.dot_dimension_numbers<[1], [0], [0], [1], [0, 0, 1, 1], [], []>, transpose_lhs_hint = false} : vector<10000x16xf32>, vector<16x64xf32>, vector<10000x64xf32> -> vector<10000x64xf32>
    %get3A_13 = arith.constant 0 : index
    %get3A_14 = arith.constant 0 : index
    %get3A_15 = vector.load %arg2[%get3A_13, %get3A_14] : memref<1x64xf32, #tpu.memory_space<vmem>>, vector<1x64xf32>
    %add3A_16 = vector.broadcast %get3A_15 : vector<1x64xf32> to vector<10000x64xf32>
    %add3A_17 = arith.addf %dot_general3A_12, %add3A_16 : vector<10000x64xf32>
    %reduce_max3A = arith.constant dense<0xFF800000> : vector<10000xf32>
    %reduce_max3A_18 = vector.multi_reduction <maximumf>, %add3A_17, %reduce_max3A [1] : vector<10000x64xf32> to vector<10000xf32>
    %broadcast_in_dim3A = vector.shape_cast %reduce_max3A_18 : vector<10000xf32> to vector<10000x1xf32>
    %sub3A = vector.broadcast %broadcast_in_dim3A : vector<10000x1xf32> to vector<10000x64xf32>
    %sub3A_19 = arith.subf %add3A_17, %sub3A : vector<10000x64xf32>
    %exp3A = math.exp %sub3A_19 : vector<10000x64xf32>
    %reduce_sum3A = arith.constant dense<0.000000e+00> : vector<10000xf32>
    %reduce_sum3A_20 = vector.multi_reduction <add>, %exp3A, %reduce_sum3A [1] : vector<10000x64xf32> to vector<10000xf32>
    %broadcast_in_dim3A_21 = vector.shape_cast %reduce_sum3A_20 : vector<10000xf32> to vector<10000x1xf32>
    %log3A = math.log %broadcast_in_dim3A_21 : vector<10000x1xf32>
    %sub3A_22 = vector.broadcast %broadcast_in_dim3A : vector<10000x1xf32> to vector<10000x64xf32>
    %sub3A_23 = arith.subf %add3A_17, %sub3A_22 : vector<10000x64xf32>
    %sub3A_24 = vector.broadcast %log3A : vector<10000x1xf32> to vector<10000x64xf32>
    %sub3A_25 = arith.subf %sub3A_23, %sub3A_24 : vector<10000x64xf32>
    %swap3A = arith.constant 0 : index
    %swap3A_26 = arith.constant 0 : index
    %swap3A_27 = vector.load %arg3[%swap3A, %swap3A_26] : memref<10000x64xf32, #tpu.memory_space<vmem>>, vector<10000x64xf32>
    tpu.vector_store %arg3[%swap3A, %swap3A_26], %sub3A_25 {strides = array<i32>} : memref<10000x64xf32, #tpu.memory_space<vmem>>, vector<10000x64xf32>,
    return
  }
}

</mosaic_0001>

<sc_bundles>
// kernel: kernel.10.cloned.1.call-start
scs
__scs_entry_jumppad:
0x0: {  	(pc) =	sbr.rel $0x88, $3  }
0x1: {  	(tag) =	ssettag $0x0;
	lr =	simm.s32 $0x1  }
0x2: {  	[smem:$0x3F9B] =	sst lr;
	_ =	strace $0xD0000000  }
0x3: {  	_ = 	snop  }
0x4: {  	_ = 	snop  }
0x5: {  	_ = 	snop  }
0x6: {  	_ = 	snop  }
0x7: {  	_ = 	snop  }
__scs_overlays_trampoline_lowered:
0x8: {  	[smem:$0x3FAA] =	sst s0  }
0x9: {  	[smem:$0x3FAB] =	sst s1  }
0xa: {  	[smem:$0x3FAC] =	sst s2  }
0xb: {  	[smem:$0x3FAD] =	sst s3  }
0xc: {  	[smem:$0x3FAE] =	sst s4  }
0xd: {  	[smem:$0x3FAF] =	sst s5  }
0xe: {  	[smem:$0x3FB0] =	sst s6  }
0xf: {  	[smem:$0x3FB1] =	sst s7  }
0x10: {  	[smem:$0x3FB2] =	sst s8  }
0x11: {  	[smem:$0x3FB3] =	sst s9;
	s0 =	simm.s32 @!p0 $0x0  }
0x12: {  	s1 =	sld [smem:$0x3F99];
	s0 =	simm.s32 @p0 $0x1  }
0x13: {  	[smem:$0x3FB4] =	sst s0;
	s0 =	simm.s32 @!p1 $0x0  }
0x14: {  	s2 =	sld [smem:$0x3F98];
	s0 =	simm.s32 @p1 $0x1  }
0x15: {  	[smem:$0x3FB5] =	sst s0;
	s0 =	simm.s32 @!p2 $0x0  }
0x16: {  	s3 =	sld [smem:$0x3FDB];
	s0 =	simm.s32 @p2 $0x1  }
0x17: {  	s4 =	simm.s32 $0x1BF5;
	[smem:$0x3FB7] =	sst s0  }
0x18: {  	s0 =	sld [smem:$0x3F9A];
	_ =	swait.ge [sflag:s4], $0x0  }
0x19: {  	s7 =	sld [smem:$0x3F9B]  }
0x1a: {  	s8 =	sadd.s32 $0xFFFFE003, lr  }
0x1b: {  	s9 =	sadd.s32 $0xFFFFFEF7, lr;
	s5 =	simm.s32 $0xFFFFFFFF;
	p2 =	slt.u32 s8, $0xFFFFF086  }
0x1c: {  	p1 =	slt.u32 s9, $0xF7A;
	s5 =	simm.s32 @!p2 $0x0  }
0x1d: {  	s5 =	simm.s32 @p1 $0x1;
	p0 =	seq.s32 s7, s2  }
0x1e: {  	s7 =	smul.u32 @!p0 $0xF7A, s2;
	p2 =	seq.s32 @!p0 s5, $0x0  }
0x1f: {  	s9 =	smul.u32 $0xF7A, s1;
	s8 =	simm.s32 @!p0 $0x1BF5;
	p2 =	por !p2, p0  }
0x20: {  	[sflag:s8] =	ssyncset.s32 @!p0 $0xFFFFF086;
	s6 =	sadd.s32 @!p0 s3, s7;
	s7 =	simm.s32 @!p0 $0x108  }
0x21: {  	s3 =	sadd.s32 s3, s9;
	s6 =	sadd.s32 @!p0 $0x88, s6;
	s7 =	simm.s32 @p2 $0x1082  }
0x22: {  	[simem:s7], [sflag:s8] =	dma.local @!p0 [hbm:s6], $0xF7A  }
0x23: {  	s9 =	sor.u32 $0xD0000000, s2;
	s6 =	simm.s32 $0x108;
	_ =	swait.ge @!p0 [sflag:s8], $0x0  }
0x24: {  	s3 =	sadd.s32 $0x88, s3;
	s6 =	simm.s32 @!p1 $0x1082;
	[sflag:s4] =	ssyncset.s32 $0xFFFFF086  }
0x25: {  	[simem:s6], [sflag:s4] =	dma.local [hbm:s3], $0xF7A  }
0x26: {  	[smem:$0x3F9B] =	sst s1;
	(tag) =	ssettag s2;
	_ =	strace s9  }
0x27: {  	s1 =	sld [smem:$0x3FAB]  }
0x28: {  	s2 =	sld [smem:$0x3FAC]  }
0x29: {  	s4 =	sld [smem:$0x3FAE]  }
0x2a: {  	p0 =	seq.s32 s5, $0x0;
	s5 =	sld [smem:$0x3FAF]  }
0x2b: {  	s6 =	sld [smem:$0x3FB0]  }
0x2c: {  	s7 =	sld [smem:$0x3FB1]  }
0x2d: {  	s3 =	simm.s32 $0x108;
	s8 =	sld [smem:$0x3FB2]  }
0x2e: {  	s3 =	simm.s32 @!p0 $0x1082;
	s9 =	sld [smem:$0x3FB3]  }
0x2f: {  	lr =	sadd.s32 s0, s3;
	s0 =	sld [smem:$0x3FAA]  }
0x30: {  	s3 =	sld [smem:$0x3FAD]  }
0x31: {  	[smem:$0x3FB6] =	sst s10  }
0x32: {  	s10 =	sld [smem:$0x3FB4];
	_ =	sdelay $0x3  }
0x33: {  	p0 =	seq.s32 s10, $0x1;
	s10 =	sld [smem:$0x3FB6];
	_ =	sdelay $0x3  }
0x34: {  	[smem:$0x3FB6] =	sst s10  }
0x35: {  	s10 =	sld [smem:$0x3FB5];
	_ =	sdelay $0x3  }
0x36: {  	p1 =	seq.s32 s10, $0x1;
	s10 =	sld [smem:$0x3FB6];
	_ =	sdelay $0x3  }
0x37: {  	[smem:$0x3FB6] =	sst s10  }
0x38: {  	s10 =	sld [smem:$0x3FB7]  }
0x39: {  	_ = 	snop;
	(pc) =	sbr.ind lr, $3  }
0x3a: {  	_ = 	snop  }
0x3b: {  	_ = 	snop  }
0x3c: {  	p2 =	seq.s32 s10, $0x1;
	s10 =	sld [smem:$0x3FB6]  }
0x3d: {  	_ =	shalt  }
0x3e: {  	_ =	shalt  }
0x3f: {  	_ =	shalt  }
0x40: {  	_ =	shalt  }
0x41: {  	_ =	shalt  }
0x42: {  	_ =	shalt  }
0x43: {  	_ =	shalt  }
0x44: {  	_ =	shalt  }
0x45: {  	_ =	shalt  }
0x46: {  	_ =	shalt  }
0x47: {  	_ =	shalt  }
0x48: {  	_ =	shalt  }
0x49: {  	_ =	shalt  }
0x4a: {  	_ =	shalt  }
0x4b: {  	_ =	shalt  }
0x4c: {  	_ =	shalt  }
0x4d: {  	_ =	shalt  }
0x4e: {  	_ =	shalt  }
0x4f: {  	_ =	shalt  }
0x50: {  	_ =	shalt  }
0x51: {  	_ =	shalt  }
0x52: {  	_ =	shalt  }
0x53: {  	_ =	shalt  }
0x54: {  	_ =	shalt  }
0x55: {  	_ =	shalt  }
0x56: {  	_ =	shalt  }
0x57: {  	_ =	shalt  }
0x58: {  	_ =	shalt  }
0x59: {  	_ =	shalt  }
0x5a: {  	_ =	shalt  }
0x5b: {  	_ =	shalt  }
0x5c: {  	_ =	shalt  }
0x5d: {  	_ =	shalt  }
0x5e: {  	_ =	shalt  }
0x5f: {  	_ =	shalt  }
0x60: {  	_ =	shalt  }
0x61: {  	_ =	shalt  }
0x62: {  	_ =	shalt  }
0x63: {  	_ =	shalt  }
0x64: {  	_ =	shalt  }
0x65: {  	_ =	shalt  }
0x66: {  	_ =	shalt  }
0x67: {  	_ =	shalt  }
0x68: {  	_ =	shalt  }
0x69: {  	_ =	shalt  }
0x6a: {  	_ =	shalt  }
0x6b: {  	_ =	shalt  }
0x6c: {  	_ =	shalt  }
0x6d: {  	_ =	shalt  }
0x6e: {  	_ =	shalt  }
0x6f: {  	_ =	shalt  }
0x70: {  	_ =	shalt  }
0x71: {  	_ =	shalt  }
0x72: {  	_ =	shalt  }
0x73: {  	_ =	shalt  }
0x74: {  	_ =	shalt  }
0x75: {  	_ =	shalt  }
0x76: {  	_ =	shalt  }
0x77: {  	_ =	shalt  }
0x78: {  	_ =	shalt  }
0x79: {  	_ =	shalt  }
0x7a: {  	_ =	shalt  }
0x7b: {  	_ =	shalt  }
0x7c: {  	_ =	shalt  }
0x7d: {  	_ =	shalt  }
0x7e: {  	_ =	shalt  }
0x7f: {  	_ =	shalt  }
0x80: {  	_ =	shalt  }
0x81: {  	_ =	shalt  }
0x82: {  	_ =	shalt  }
0x83: {  	_ =	shalt  }
0x84: {  	_ =	shalt  }
0x85: {  	_ =	shalt  }
0x86: {  	_ =	shalt  }
0x87: {  	_ =	shalt  }
.Lfunc_end0:
.L_simem_size_0:
called_computation.1_lowered:
.L_overlay_start_0:
0x88: {  	s2 =	sld [smem:$0x3FD9]  }
0x89: {  	s3 =	sld [smem:$0x3FFE];
	_ =	sdelay $0x1  }
0x8a: {  	s1 =	srdreg.scid  }
0x8b: {  	s0 =	sand.u32 $0x1, s1  }
0x8c: {  	s16 =	sshll.u32 s0, $0xA;
	s2 =	sadd.s32 s3, s2  }
0x8d: {  	s2 =	sadd.s32 s2, s16  }
0x8e: {  	[smem:$0x3FC2] =	sst s2  }
0x8f: {  	_ = 	snop  }
0x90: {  	(tm) =	ssettm $0x1  }
0x91: {  	s17 =	sld [smem:$0x3FFB];
	_ =	sdelay $0x3  }
0x92: {  	_ =	strace s17  }
0x93: {  	s2 =	sld [smem:$0x3FFC];
	_ =	sdelay $0x3  }
0x94: {  	_ =	strace s2  }
0x95: {  	s2 =	sld [smem:$0x3FFD];
	_ =	sdelay $0x3  }
0x96: {  	_ =	strace s2  }
0x97: {  	_ =	strace $0x8FFFFFFF  }
0x98: {  	s18 =	sld [smem:$0x3FDB];
	_ =	sdelay $0x1  }
0x99: {  	s19 =	simm.s32 $_scs_section_size  }
0x9a: {  	s4 =	simm.s32 $_size__tile_overlayer_lowered;
	s5 =	simm.s32 $_tile_overlayer_lowered  }
0x9b: {  	s22 =	simm.s32 $0x1BFF;
	s21 =	sshll.u32 s5, $0x1;
	s2 =	sadd.s32 s19, s18  }
0x9c: {  	s6 =	simm.s32 $0x0;
	s20 =	sshll.u32 s4, $0x1;
	s4 =	sadd.s32 s21, s2  }
0x9d: {  	[timem:s6], [sflag:s22] =	dma.local [hbm:s4], s20  }
0x9e: {  	_ =	swait.ge [sflag:s22], s20  }
0x9f: {  	s3 =	ssub.s32 $0x0, s20;
	[sflag:s22] =	ssyncset.done $0x0  }
0xa0: {  	[sflag:s22] =	ssyncadd.s32 s3;
	_ =	sdelay $0x1  }
0xa1: {  	s23 =	simm.s32 $0x1B8B  }
0xa2: {  	_ =	swait.ge [sflag:s23], $0x1  }
0xa3: {  	[sflag:s23] =	ssyncset.done $0x0  }
0xa4: {  	s25 =	simm.s32 $0x1B8E;
	s24 =	sld [smem:$0x3FFE];
	[sflag:s23] =	ssyncadd.s32 $0xFFFFFFFF  }
0xa5: {  	s26 =	simm.s32 $execute0_lowered;
	[smem:$0x3FD2] =	sst s25  }
0xa6: {  	s4 =	sshll.u32 s26, $0x1;
	_ =	strace $0x80000049;
	[dreg:$0x1] =	wrdreg $0xFFFFFFFF  }
0xa7: {  	s28 =	simm.s32 $_size_execute0_lowered;
	s2 =	sadd.s32 s2, s4;
	[dreg:$0x0] =	wrdreg $0x0  }
0xa8: {  	s4 =	sshll.u32 s28, $0x1;
	[dreg:$0x2] =	wrdreg s2  }
0xa9: {  	[dreg:$0x3] =	wrdreg s4  }
0xaa: {  	[dreg:$0x4] =	wrdreg $0xC0  }
0xab: {  	_ =	task [dreg:s6], $0x5FFFF  }
0xac: {  	[dreg:$0x1] =	wrdreg $0xFFFFFFFF  }
0xad: {  	[dreg:$0x0] =	wrdreg $0x60  }
0xae: {  	[dreg:$0x2] =	wrdreg s24  }
0xaf: {  	[dreg:$0x3] =	wrdreg $0xBB800  }
0xb0: {  	[dreg:$0x4] =	wrdreg $0x9  }
0xb1: {  	_ =	task.clear_ibuf [dreg:s6], $0x5FFFF;
	_ =	strace $0x90000049  }
0xb2: {  	s29 =	simm.s32 $0x9;
	_ =	strace $0x8000004B  }
0xb3: {  	_ =	swait.ge [sflag:s29], $0x1  }
0xb4: {  	[sflag:s29] =	ssyncadd.s32 $0xFFFFFFFF  }
0xb5: {  	_ =	strace $0x9000004B  }
0xb6: {  	_ =	sfence  }
0xb7: {  	s30 =	sld [smem:$0x0];
	_ =	sdelay $0x2  }
0xb8: {  	s31 =	sshll.u32 s1, $0xD;
	s1 =	sshrl.u32 s1, $0x2  }
0xb9: {  	s3 =	sand.u32 $0x4000, s31;
	s1 =	sadd.s32 s1, s30  }
0xba: {  	s0 =	sor.u32 s3, s0;
	s1 =	sshll.u32 s1, $0x11  }
0xbb: {  	s0 =	sor.u32 s1, s0  }
0xbc: {  	s0 =	sadd.s32 $0x8F2B, s0  }
0xbd: {  	[sflag:s0] =	ssyncadd.remote.s32 $0x1  }
0xbe: {  	_ =	sfence.sel $0xFFFF  }
0xbf: {  	[dreg:$0x0] =	wrdreg $0xFFFFFFFF;
	(pc) =	sbr.abs _section_cstart, $3  }
0xc0: {  	[dreg:$0x1] =	wrdreg $0xFFFFFFFF  }
0xc1: {  	_ =	task.clear_ibuf [dreg:s6], $0x2FFFF;
	_ =	strace $0x9FFFFFFF  }
0xc2: {  	(tm) =	ssettm $0x7FFFFFFF  }
0xc3: {  	_ =	shalt  }
tec
execute0_lowered:
.L_overlay_start_1:
0x0: {  	(tag) =	ssettag $0x1  }
0x1: {  	s0 =	rddreg [dreg:$0x0]  }
0x2: {  	s2 =	rddreg [dreg:$0x1]  }
0x3: {  	s12 =	stileid.u32;
	s1 =	srdreg.scid  }
0x4: {  	s3 =	simm.s32 $0x0;
	s15 =	simm.s32 $0x11;
	s31 =	simm.s32 $0x9C40  }
0x5: {  	s28 =	simm.s32 $0x5;
	s29 =	simm.s32 $0x7;
	s30 =	simm.s32 $0x8  }
0x6: {  	s14 =	simm.s32 $0xF;
	s4 =	smul.u32 $0x2700, s12;
	s1 =	sand.u32 $0x1, s1  }
0x7: {  	[smem:$0x7FF] =	sst s3;
	s5 =	smul.u32 $0x270, s12;
	s10 =	sadd.s32 $0x21600, s0  }
0x8: {  	s26 =	sshll.u32 s12, $0x6;
	s6 =	sshll.u32 s1, $0x4;
	_ =	strace $0x8000004A  }
0x9: {  	s7 =	smul.u32 $0x27100, s1;
	s1 =	ssub.s32 $0x2, s1;
	s17 =	sor.u32 $0x1C11, s26  }
0xa: {  	s26 =	simm.s32 $0x8CA0;
	s6 =	sor.u32 s12, s6;
	s8 =	sshrl.u32 s4, $0x3  }
0xb: {  	s5 =	sshrl.u32 s5, $0x3;
	s11 =	sshrl.u32 s1, $0x1;
	s6 =	smul.u32 $0x500, s6  }
0xc: {  	s8 =	sadd.s32 s8, s0;
	s5 =	sadd.s32 s5, s0;
	s9 =	sadd.s32 s4, s7  }
0xd: {  	s1 =	ssub.s32 s1, s11;
	s4 =	sadd.s32 s4, s2;
	s23 =	sshrl.u32 s7, $0x3  }
0xe: {  	s7 =	simm.s32 $0x0;
	s9 =	sshrl.u32 s9, $0x3;
	s20 =	sadd.s32 $0x1C600, s8  }
0xf: {  	s21 =	sadd.s32 $0x16C00, s8;
	s22 =	sadd.s32 $0x1BC00, s5;
	s5 =	sadd.s32 $0x1C0E2, s5  }
0x10: {  	s11 =	sadd.s32 s10, s23;
	s25 =	smax.u32 s1, $0x1;
	[dreg:$0x5] =	wrdreg s20  }
0x11: {  	s1 =	simm.s32 $0x2D00;
	s18 =	sshrl.u32 s4, $0x3;
	[dreg:$0x6] =	wrdreg s21  }
0x12: {  	s23 =	simm.s32 $0xB3B0;
	s4 =	simm.s32 $0xD;
	[dreg:$0x7] =	wrdreg s22  }
0x13: {  	s6 =	sadd.s32 s6, s0;
	s0 =	sadd.s32 s9, s0;
	[dreg:$0x8] =	wrdreg s5  }
0x14: {  	s24 =	sadd.s32 s10, s9;
	[dreg:$0xb] =	wrdreg s25;
	s21 =	simm.s32 $0x7D  }
.Ltmp0:
0x15: {  	s22 =	simm.s32 $0x7D00;
	s25 =	simm.s32 $0x3;
	(pc) =	sbr.rel .LBB2_1-.Ltmp0, $4  }
0x16: {  	s20 =	simm.s32 $0xC;
	s19 =	sadd.s32 $0xCC00, s6;
	[dreg:$0x9] =	wrdreg s24  }
0x17: {  	s5 =	simm.s32 $0xE;
	s6 =	sadd.s32 $0x2C00, s6;
	[dreg:$0x3] =	wrdreg s19  }
0x18: {  	s0 =	sadd.s32 $0x2B400, s0;
	s24 =	simm.s32 $0x1;
	[dreg:$0x4] =	wrdreg s6  }
0x19: {  	[dreg:$0xa] =	wrdreg s0;
	s19 =	simm.s32 $0xABE0;
	s6 =	simm.s32 $0x10  }
.LBB2_6:
0x1a: {  	_ =	swait.ge [sflag:s30], $0x7D0  }
0x1b: {  	[sflag:s30] =	ssyncset.done $0x0  }
0x1c: {  	s9 =	simm.s32 $0x9;
	[sflag:s30] =	ssyncadd.s32 $0xFFFFF830  }
0x1d: {  	[spmem:s2] =	stream.indirect.scatter.add.f32 [tilespmem:s23], [sflag:$0x10], $0x10, s0, s21, $0xb8;
	[tilespmem:$0xE290] =	vst v63  }
0x1e: {  	_ =	swait.ge [sflag:s9], $0x7D0  }
0x1f: {  	[sflag:s9] =	ssyncset.done $0x0  }
0x20: {  	s10 =	simm.s32 $0xA;
	[sflag:s9] =	ssyncadd.s32 $0xFFFFF830  }
0x21: {  	_ =	swait.ge [sflag:s10], $0x7D0  }
0x22: {  	[sflag:s10] =	ssyncset.done $0x0  }
0x23: {  	s12 =	simm.s32 $0xB;
	[sflag:s10] =	ssyncadd.s32 $0xFFFFF830  }
0x24: {  	_ =	swait.ge [sflag:s12], $0x7D0  }
0x25: {  	[sflag:s12] =	ssyncset.done $0x0  }
0x26: {  	[sflag:s12] =	ssyncadd.s32 $0xFFFFF830  }
0x27: {  	_ =	swait.ge [sflag:s20], $0x7D0  }
0x28: {  	[sflag:s20] =	ssyncset.done $0x0  }
0x29: {  	[sflag:s20] =	ssyncadd.s32 $0xFFFFF830  }
0x2a: {  	_ =	swait.ge [sflag:s4], $0x7D0  }
0x2b: {  	[sflag:s4] =	ssyncset.done $0x0  }
0x2c: {  	[sflag:s4] =	ssyncadd.s32 $0xFFFFF830  }
0x2d: {  	_ =	swait.ge [sflag:s5], $0x7D0  }
0x2e: {  	[sflag:s5] =	ssyncset.done $0x0  }
0x2f: {  	[sflag:s5] =	ssyncadd.s32 $0xFFFFF830  }
0x30: {  	_ =	swait.ge [sflag:s14], $0x7D0  }
0x31: {  	[sflag:s14] =	ssyncset.done $0x0  }
0x32: {  	[sflag:s14] =	ssyncadd.s32 $0xFFFFF830  }
0x33: {  	_ =	swait.ge [sflag:s6], $0x7D0  }
0x34: {  	[sflag:s6] =	ssyncset.done $0x0  }
0x35: {  	[sflag:s6] =	ssyncadd.s32 $0xFFFFF830  }
0x36: {  	[bflag:$0x0] =	sbarrier.arrive $0xFFFF  }
0x37: {  	s13 =	rddreg [dreg:$0xa]  }
0x38: {  	[hbm:s13], [sflag:s17] =	dma.local [spmem:s18], $0x500  }
0x39: {  	_ =	swait.ge [sflag:s15], $0x500  }
0x3a: {  	s7 =	sadd.s32 $0x1, s7;
	s16 =	rddreg [dreg:$0xb]  }
0x3b: {  	p0 =	sne.s32 s7, s16  }
.Ltmp1:
0x3c: {  	_ = 	snop;
	(pc) =	sbr.rel @!p0 .LBB2_7-.Ltmp1, $3  }
0x3d: {  	_ =	sdelay $0x1  }
0x3e: {  	[sflag:s15] =	ssyncset.done $0x0  }
0x3f: {  	s1 =	simm.s32 $0x2D00;
	[sflag:s15] =	ssyncadd.s32 $0xFFFFFB00  }
.LBB2_1:
0x40: {  	s0 =	rddreg [dreg:$0x3]  }
0x41: {  	[tilespmem:s1], [sflag:$0x11] =	stream.linear.gather [hbm4b:s0+s3], $0x2800, $0x38;
	[tilespmem:$0xE290] =	vst v63  }
0x42: {  	_ =	swait.ge [sflag:s15], $0x2800  }
0x43: {  	[sflag:s15] =	ssyncset.done $0x0  }
0x44: {  	s8 =	simm.s32 $0x5500;
	s13 =	rddreg [dreg:$0x4];
	[sflag:s15] =	ssyncadd.s32 $0xFFFFD800  }
0x45: {  	[tilespmem:s8], [sflag:$0x11] =	stream.linear.gather [hbm4b:s13+s3], $0x2800, $0x38;
	[tilespmem:$0xE290] =	vst v63  }
0x46: {  	_ =	swait.ge [sflag:s15], $0x2800  }
0x47: {  	[sflag:s15] =	ssyncset.done $0x0  }
0x48: {  	s16 =	rddreg [dreg:$0x5];
	[sflag:s15] =	ssyncadd.s32 $0xFFFFD800  }
0x49: {  	[spmem:s18], [sflag:s17] =	dma.local [hbm:s16], $0x500  }
0x4a: {  	_ =	swait.ge [sflag:s15], $0x500  }
0x4b: {  	[sflag:s15] =	ssyncset.done $0x0  }
0x4c: {  	s8 =	rddreg [dreg:$0x6];
	[sflag:s15] =	ssyncadd.s32 $0xFFFFFB00  }
0x4d: {  	[tilespmem:s3], [sflag:$0x11] =	stream.linear.gather [hbm4b:s8+s3], $0x2800, $0x38;
	[tilespmem:$0xE290] =	vst v63  }
0x4e: {  	_ =	swait.ge [sflag:s15], $0x2800  }
0x4f: {  	[sflag:s15] =	ssyncset.done $0x0  }
0x50: {  	s10 =	simm.s32 $0x2800;
	s9 =	rddreg [dreg:$0x7];
	[sflag:s15] =	ssyncadd.s32 $0xFFFFD800  }
0x51: {  	[tilespmem:s10], [sflag:$0x11] =	stream.linear.gather [hbm4b:s9+s3], $0x280, $0x38;
	[tilespmem:$0xE290] =	vst v63  }
0x52: {  	_ =	swait.ge [sflag:s15], $0x280  }
0x53: {  	[sflag:s15] =	ssyncset.done $0x0  }
0x54: {  	s13 =	simm.s32 $0x2A80;
	s12 =	rddreg [dreg:$0x8];
	[sflag:s15] =	ssyncadd.s32 $0xFFFFFD80  }
0x55: {  	[tilespmem:s13], [sflag:$0x11] =	stream.linear.gather [hbm4b:s12+s3], $0x280, $0x38;
	[tilespmem:$0xE290] =	vst v63  }
0x56: {  	_ =	swait.ge [sflag:s15], $0x280  }
0x57: {  	[sflag:s15] =	ssyncset.done $0x0  }
0x58: {  	s16 =	simm.s32 $0x0;
	[sflag:s15] =	ssyncadd.s32 $0xFFFFFD80  }
0x59: {  	v0 =	vld [tilespmem:s16+$0x2A80]  }
0x5a: {  	v1 =	vld [tilespmem:s16+$0x2800];
	_ =	sdelay $0x4  }
0x5b: {  	v0 =	vadd.f32 v0, v1;
	_ =	sdelay $0x1  }
0x5c: {  	v0 =	vadd.f32 $1.000000000e+00, v0;
	_ =	sdelay $0x1  }
0x5d: {  	v1 =	vshra.s32 v0, $0x1;
	v0 =	vmul.f32 $5.000000000e-01, v0  }
0x5e: {  	v1 =	vsub.s32 $0x5F3759DF, v1  }
0x5f: {  	v2 =	vmul.f32 v1, v0;
	_ =	sdelay $0x1  }
0x60: {  	v2 =	vmul.f32 v1, v2;
	_ =	sdelay $0x1  }
0x61: {  	v2 =	vsub.f32 $1.500000000e+00, v2;
	_ =	sdelay $0x1  }
0x62: {  	v1 =	vmul.f32 v1, v2;
	_ =	sdelay $0x1  }
0x63: {  	v2 =	vmul.f32 v1, v0;
	_ =	sdelay $0x1  }
0x64: {  	v2 =	vmul.f32 v2, v1;
	_ =	sdelay $0x1  }
0x65: {  	v2 =	vsub.f32 $1.500000000e+00, v2;
	_ =	sdelay $0x1  }
0x66: {  	v1 =	vmul.f32 v2, v1;
	_ =	sdelay $0x1  }
0x67: {  	v0 =	vmul.f32 v1, v0;
	_ =	sdelay $0x1  }
0x68: {  	v0 =	vmul.f32 v0, v1;
	_ =	sdelay $0x1  }
0x69: {  	s8 =	simm.s32 $0x80;
	v0 =	vsub.f32 $1.500000000e+00, v0  }
0x6a: {  	v2 =	vld [tilespmem:s8+$0x70]  }
0x6b: {  	v3 =	vld [tilespmem:s8+$0x60];
	v0 =	vmul.f32 v0, v1  }
0x6c: {  	v4 =	vld [tilespmem:s8+$0x40]  }
0x6d: {  	v6 =	vld [tilespmem:s8+$0x30];
	v5 =	vbroadcast v0, $0xF  }
0x6e: {  	v1 =	vld [tilespmem:s8+$0x50];
	v7 =	vbroadcast v0, $0xE  }
0x6f: {  	v8 =	vld [tilespmem:s8+$0x20];
	v10 =	vbroadcast v0, $0xC;
	v2 =	vmul.f32 v2, v5  }
0x70: {  	v46 =	vld [tilespmem:s8+$0x10];
	v48 =	vbroadcast v0, $0xB;
	v3 =	vmul.f32 v3, v7  }
0x71: {  	v47 =	vld [tilespmem:s8+$0x0];
	v9 =	vbroadcast v0, $0xD;
	v4 =	vmul.f32 v4, v10;
	[tilespmem:s8+$0x70] =	vst v2  }
0x72: {  	v54 =	vld [tilespmem:s8+$0xFFFFFFB0];
	v49 =	vbroadcast v0, $0xA;
	v6 =	vmul.f32 v6, v48;
	[tilespmem:s8+$0x60] =	vst v3  }
0x73: {  	v11 =	vbroadcast v0, $0x9;
	v1 =	vmul.f32 v1, v9;
	v2 =	vld [tilespmem:s8+$0xFFFFFFF0];
	[tilespmem:s8+$0x40] =	vst v4  }
0x74: {  	v50 =	vbroadcast v0, $0x8;
	v8 =	vmul.f32 v8, v49;
	v3 =	vld [tilespmem:s8+$0xFFFFFFE0];
	[tilespmem:s8+$0x30] =	vst v6  }
0x75: {  	v61 =	vbroadcast v0, $0x3;
	v5 =	vmul.f32 v11, v46;
	[tilespmem:s8+$0x50] =	vst v1;
	v1 =	vld [tilespmem:s8+$0xFFFFFFD0]  }
0x76: {  	v51 =	vld [tilespmem:s8+$0xFFFFFFC0];
	v52 =	vbroadcast v0, $0x7;
	v53 =	vmul.f32 v50, v47;
	[tilespmem:s8+$0x20] =	vst v8  }
0x77: {  	v56 =	vld [tilespmem:s8+$0xFFFFFFA0];
	v55 =	vbroadcast v0, $0x6;
	v63 =	vmul.f32 v61, v54;
	[tilespmem:s8+$0x10] =	vst v5  }
0x78: {  	v59 =	vld [tilespmem:s8+$0xFFFFFF90];
	v57 =	vbroadcast v0, $0x5;
	[tilespmem:s8+$0x0] =	vst v53;
	v2 =	vmul.f32 v52, v2  }
0x79: {  	v60 =	vld [tilespmem:s8+$0xFFFFFF80];
	v58 =	vbroadcast v0, $0x4;
	[tilespmem:s8+$0xFFFFFFB0] =	vst v63;
	v3 =	vmul.f32 v55, v3  }
0x7a: {  	v62 =	vbroadcast v0, $0x2;
	v1 =	vmul.f32 v57, v1;
	[tilespmem:s8+$0xFFFFFFF0] =	vst v2  }
0x7b: {  	v2 =	vmul.f32 v58, v51;
	[tilespmem:s8+$0xFFFFFFE0] =	vst v3;
	v3 =	vbroadcast v0, $0x1  }
0x7c: {  	v0 =	vbroadcast v0, $0x0;
	[tilespmem:s8+$0xFFFFFFD0] =	vst v1;
	v1 =	vmul.f32 v62, v56  }
0x7d: {  	[tilespmem:s8+$0xFFFFFFC0] =	vst v2;
	v2 =	vmul.f32 v3, v59  }
0x7e: {  	v0 =	vmul.f32 v0, v60;
	[tilespmem:s8+$0xFFFFFFA0] =	vst v1  }
0x7f: {  	[tilespmem:s8+$0xFFFFFF90] =	vst v2  }
0x80: {  	s0 =	simm.s32 $0x10;
	[tilespmem:s8+$0xFFFFFF80] =	vst v0  }
0x81: {  	s9 =	simm.s32 $0x80;
	v0 =	vld [tilespmem:s0+$0x2A80]  }
.LBB2_2:
0x82: {  	p0 =	sne.s32 s9, $0x9C0;
	v1 =	vld [tilespmem:s0+$0x2800];
	_ =	sdelay $0x4  }
0x83: {  	v0 =	vadd.f32 v0, v1;
	_ =	sdelay $0x1  }
0x84: {  	v0 =	vadd.f32 $1.000000000e+00, v0;
	_ =	sdelay $0x1  }
0x85: {  	v1 =	vshra.s32 v0, $0x1;
	v0 =	vmul.f32 $5.000000000e-01, v0  }
0x86: {  	v1 =	vsub.s32 $0x5F3759DF, v1  }
0x87: {  	v2 =	vmul.f32 v1, v0;
	_ =	sdelay $0x1  }
0x88: {  	v2 =	vmul.f32 v1, v2;
	_ =	sdelay $0x1  }
0x89: {  	v2 =	vsub.f32 $1.500000000e+00, v2;
	_ =	sdelay $0x1  }
0x8a: {  	v1 =	vmul.f32 v1, v2;
	_ =	sdelay $0x1  }
0x8b: {  	v2 =	vmul.f32 v1, v0;
	_ =	sdelay $0x1  }
0x8c: {  	v2 =	vmul.f32 v2, v1;
	_ =	sdelay $0x1  }
0x8d: {  	v2 =	vsub.f32 $1.500000000e+00, v2;
	_ =	sdelay $0x1  }
0x8e: {  	v1 =	vmul.f32 v2, v1;
	_ =	sdelay $0x1  }
0x8f: {  	v0 =	vmul.f32 v1, v0;
	_ =	sdelay $0x1  }
0x90: {  	s8 =	sadd.s32 $0x100, s8;
	v0 =	vmul.f32 v0, v1  }
0x91: {  	v2 =	vld [tilespmem:s8+$0x70]  }
0x92: {  	v0 =	vsub.f32 $1.500000000e+00, v0;
	v3 =	vld [tilespmem:s8+$0x60]  }
0x93: {  	v4 =	vld [tilespmem:s8+$0x50]  }
0x94: {  	v0 =	vmul.f32 v0, v1;
	v1 =	vld [tilespmem:s8+$0x40]  }
0x95: {  	v5 =	vld [tilespmem:s8+$0x30]  }
0x96: {  	v6 =	vld [tilespmem:s8+$0x20];
	v7 =	vbroadcast v0, $0xE;
	v8 =	vbroadcast v0, $0xF  }
0x97: {  	v10 =	vbroadcast v0, $0xC;
	v11 =	vbroadcast v0, $0xD;
	v9 =	vld [tilespmem:s8+$0x10]  }
0x98: {  	v12 =	vld [tilespmem:s8+$0x0];
	v3 =	vmul.f32 v3, v7;
	v2 =	vmul.f32 v2, v8  }
0x99: {  	v4 =	vmul.f32 v4, v11;
	v7 =	vld [tilespmem:s8+$0xFFFFFFF0];
	v1 =	vmul.f32 v1, v10  }
0x9a: {  	v11 =	vbroadcast v0, $0xB;
	v10 =	vbroadcast v0, $0xA;
	v8 =	vld [tilespmem:s8+$0xFFFFFFE0];
	[tilespmem:s8+$0x70] =	vst v2  }
0x9b: {  	v13 =	vbroadcast v0, $0x8;
	v14 =	vbroadcast v0, $0x9;
	v2 =	vld [tilespmem:s8+$0xFFFFFFD0];
	[tilespmem:s8+$0x60] =	vst v3  }
0x9c: {  	v5 =	vmul.f32 v5, v11;
	v6 =	vmul.f32 v6, v10;
	v3 =	vld [tilespmem:s8+$0xFFFFFFC0];
	[tilespmem:s8+$0x50] =	vst v4  }
0x9d: {  	v9 =	vmul.f32 v14, v9;
	v4 =	vld [tilespmem:s8+$0xFFFFFF80];
	v10 =	vmul.f32 v13, v12;
	[tilespmem:s8+$0x40] =	vst v1  }
0x9e: {  	v11 =	vbroadcast v0, $0x6;
	v12 =	vbroadcast v0, $0x7;
	v1 =	vld [tilespmem:s8+$0xFFFFFFB0];
	[tilespmem:s8+$0x30] =	vst v5  }
0x9f: {  	v14 =	vbroadcast v0, $0x5;
	v13 =	vbroadcast v0, $0x4;
	v5 =	vld [tilespmem:s8+$0xFFFFFFA0];
	[tilespmem:s8+$0x20] =	vst v6  }
0xa0: {  	v8 =	vmul.f32 v11, v8;
	v7 =	vmul.f32 v12, v7;
	v6 =	vld [tilespmem:s8+$0xFFFFFF90];
	[tilespmem:s8+$0x10] =	vst v9  }
0xa1: {  	v2 =	vmul.f32 v14, v2;
	v3 =	vmul.f32 v13, v3;
	[tilespmem:s8+$0x0] =	vst v10  }
0xa2: {  	v9 =	vbroadcast v0, $0x2;
	v10 =	vbroadcast v0, $0x3;
	[tilespmem:s8+$0xFFFFFFF0] =	vst v7  }
0xa3: {  	v7 =	vbroadcast v0, $0x0;
	v0 =	vbroadcast v0, $0x1;
	[tilespmem:s8+$0xFFFFFFE0] =	vst v8  }
0xa4: {  	v1 =	vmul.f32 v10, v1;
	v5 =	vmul.f32 v9, v5;
	[tilespmem:s8+$0xFFFFFFD0] =	vst v2  }
0xa5: {  	v2 =	vmul.f32 v7, v4;
	v0 =	vmul.f32 v0, v6;
	[tilespmem:s8+$0xFFFFFFC0] =	vst v3  }
.Ltmp2:
0xa6: {  	[tilespmem:s8+$0xFFFFFFB0] =	vst v1;
	(pc) =	sbr.rel @p0 .LBB2_2-.Ltmp2, $4  }
0xa7: {  	[tilespmem:s8+$0xFFFFFFA0] =	vst v5  }
0xa8: {  	[tilespmem:s8+$0xFFFFFF90] =	vst v0  }
0xa9: {  	s0 =	sshra.s32 s9, $0x2;
	[tilespmem:s8+$0xFFFFFF80] =	vst v2  }
0xaa: {  	s9 =	sadd.s32 $0x40, s9;
	v0 =	vld [tilespmem:s0+$0x2A80]  }
0xab: {  	v1 =	vld [tilespmem:s0+$0x2800];
	_ =	sdelay $0x4  }
0xac: {  	v0 =	vadd.f32 v0, v1;
	_ =	sdelay $0x1  }
0xad: {  	v0 =	vadd.f32 $1.000000000e+00, v0;
	_ =	sdelay $0x1  }
0xae: {  	v36 =	vshra.s32 v0, $0x1;
	v0 =	vmul.f32 $5.000000000e-01, v0  }
0xaf: {  	v1 =	vsub.s32 $0x5F3759DF, v36  }
0xb0: {  	v2 =	vmul.f32 v1, v0;
	_ =	sdelay $0x1  }
0xb1: {  	v2 =	vmul.f32 v1, v2;
	_ =	sdelay $0x1  }
0xb2: {  	v2 =	vsub.f32 $1.500000000e+00, v2;
	_ =	sdelay $0x1  }
0xb3: {  	v1 =	vmul.f32 v1, v2;
	_ =	sdelay $0x1  }
0xb4: {  	v2 =	vmul.f32 v1, v0;
	_ =	sdelay $0x1  }
0xb5: {  	v2 =	vmul.f32 v2, v1;
	_ =	sdelay $0x1  }
0xb6: {  	v2 =	vsub.f32 $1.500000000e+00, v2;
	_ =	sdelay $0x1  }
0xb7: {  	v1 =	vmul.f32 v2, v1;
	_ =	sdelay $0x1  }
0xb8: {  	v0 =	vmul.f32 v1, v0;
	_ =	sdelay $0x1  }
0xb9: {  	v0 =	vmul.f32 v0, v1;
	_ =	sdelay $0x1  }
0xba: {  	v0 =	vsub.f32 $1.500000000e+00, v0  }
0xbb: {  	s13 =	sadd.s32 $0x100, s8  }
0xbc: {  	v37 =	vld [tilespmem:s13+$0x70];
	v0 =	vmul.f32 v0, v1  }
0xbd: {  	v3 =	vld [tilespmem:s13+$0x60]  }
0xbe: {  	v38 =	vld [tilespmem:s13+$0x50];
	v5 =	vbroadcast v0, $0xF  }
0xbf: {  	v4 =	vld [tilespmem:s13+$0x40];
	v7 =	vbroadcast v0, $0xE;
	v9 =	vbroadcast v0, $0xD  }
0xc0: {  	v6 =	vld [tilespmem:s13+$0x30];
	v10 =	vbroadcast v0, $0xC;
	v41 =	vbroadcast v0, $0xB  }
0xc1: {  	v8 =	vld [tilespmem:s13+$0x20];
	v43 =	vbroadcast v0, $0xA;
	v2 =	vmul.f32 v37, v5  }
0xc2: {  	v39 =	vld [tilespmem:s13+$0x10];
	v11 =	vbroadcast v0, $0x9;
	v3 =	vmul.f32 v3, v7  }
0xc3: {  	v40 =	vld [tilespmem:s13+$0x0];
	v46 =	vbroadcast v0, $0x8;
	v1 =	vmul.f32 v38, v9;
	[tilespmem:s13+$0x70] =	vst v2  }
0xc4: {  	v47 =	vld [tilespmem:s13+$0xFFFFFFC0];
	v48 =	vbroadcast v0, $0x7;
	v4 =	vmul.f32 v4, v10;
	[tilespmem:s13+$0x60] =	vst v3  }
0xc5: {  	v50 =	vld [tilespmem:s13+$0xFFFFFFB0];
	v51 =	vbroadcast v0, $0x6;
	v6 =	vmul.f32 v6, v41;
	[tilespmem:s13+$0x50] =	vst v1  }
0xc6: {  	v52 =	vld [tilespmem:s13+$0xFFFFFFA0];
	v53 =	vbroadcast v0, $0x5;
	v8 =	vmul.f32 v8, v43;
	[tilespmem:s13+$0x40] =	vst v4  }
0xc7: {  	v55 =	vld [tilespmem:s13+$0xFFFFFF90];
	v54 =	vbroadcast v0, $0x4;
	v5 =	vmul.f32 v11, v39;
	[tilespmem:s13+$0x30] =	vst v6  }
0xc8: {  	v56 =	vld [tilespmem:s13+$0xFFFFFF80];
	v57 =	vbroadcast v0, $0x3;
	v49 =	vmul.f32 v46, v40;
	[tilespmem:s13+$0x20] =	vst v8  }
0xc9: {  	v42 =	vld [tilespmem:s13+$0xFFFFFFF0];
	v59 =	vbroadcast v0, $0x2;
	v58 =	vmul.f32 v54, v47;
	[tilespmem:s13+$0x10] =	vst v5  }
0xca: {  	v44 =	vld [tilespmem:s13+$0xFFFFFFE0];
	v60 =	vbroadcast v0, $0x1;
	v61 =	vmul.f32 v57, v50;
	[tilespmem:s13+$0x0] =	vst v49  }
0xcb: {  	v45 =	vld [tilespmem:s13+$0xFFFFFFD0];
	v0 =	vbroadcast v0, $0x0;
	v62 =	vmul.f32 v59, v52;
	[tilespmem:s13+$0xFFFFFFC0] =	vst v58  }
0xcc: {  	v63 =	vmul.f32 v60, v55;
	[tilespmem:s13+$0xFFFFFFB0] =	vst v61  }
0xcd: {  	v0 =	vmul.f32 v0, v56;
	[tilespmem:s13+$0xFFFFFFA0] =	vst v62  }
0xce: {  	v2 =	vmul.f32 v48, v42;
	[tilespmem:s13+$0xFFFFFF90] =	vst v63  }
0xcf: {  	v3 =	vmul.f32 v51, v44;
	[tilespmem:s13+$0xFFFFFF80] =	vst v0  }
0xd0: {  	v1 =	vmul.f32 v53, v45;
	[tilespmem:s13+$0xFFFFFFF0] =	vst v2  }
0xd1: {  	[tilespmem:s13+$0xFFFFFFE0] =	vst v3  }
0xd2: {  	s8 =	simm.s32 $0x0;
	s16 =	rddreg [dreg:$0x9];
	[tilespmem:s13+$0xFFFFFFD0] =	vst v1  }
0xd3: {  	[hbm4b:s16+s8] =	stream.linear.scatter [tilespmem:s8], [sflag:$0x11], $0x2800, $0x38;
	[tilespmem:$0xE290] =	vst v63  }
0xd4: {  	_ =	swait.ge [sflag:s15], $0x2800  }
0xd5: {  	[sflag:s15] =	ssyncset.done $0x0  }
0xd6: {  	[sflag:s15] =	ssyncadd.s32 $0xFFFFD800  }
0xd7: {  	[bflag:$0x0] =	sbarrier.arrive $0xFFFF  }
0xd8: {  	[tilespmem:s22], [sflag:$0x1] =	stream.indirect.gather [hbm4b:s11+s21], $0x10, s1, s21, $0xb8;
	[tilespmem:$0xE290] =	vst v63  }
0xd9: {  	s9 =	simm.s32 $0x2D80;
	s10 =	simm.s32 $0x84D0  }
0xda: {  	[tilespmem:s10], [sflag:$0x2] =	stream.indirect.gather [hbm4b:s11+s21], $0x10, s9, s21, $0xb8;
	[tilespmem:$0xE290] =	vst v63  }
0xdb: {  	s12 =	simm.s32 $0x2E00  }
0xdc: {  	[tilespmem:s26], [sflag:$0x3] =	stream.indirect.gather [hbm4b:s11+s21], $0x10, s12, s21, $0xb8;
	[tilespmem:$0xE290] =	vst v63  }
0xdd: {  	s13 =	simm.s32 $0x2E80;
	s16 =	simm.s32 $0x9470  }
0xde: {  	[tilespmem:s16], [sflag:$0x4] =	stream.indirect.gather [hbm4b:s11+s21], $0x10, s13, s21, $0xb8;
	[tilespmem:$0xE290] =	vst v63  }
0xdf: {  	s9 =	simm.s32 $0x2F00  }
0xe0: {  	[tilespmem:s31], [sflag:$0x5] =	stream.indirect.gather [hbm4b:s11+s21], $0x10, s9, s21, $0xb8;
	[tilespmem:$0xE290] =	vst v63  }
0xe1: {  	s10 =	simm.s32 $0x2F80;
	s12 =	simm.s32 $0xA410  }
0xe2: {  	[tilespmem:s12], [sflag:$0x6] =	stream.indirect.gather [hbm4b:s11+s21], $0x10, s10, s21, $0xb8;
	[tilespmem:$0xE290] =	vst v63  }
0xe3: {  	s13 =	simm.s32 $0x3000  }
0xe4: {  	[tilespmem:s19], [sflag:$0x7] =	stream.indirect.gather [hbm4b:s11+s21], $0x10, s13, s21, $0xb8;
	[tilespmem:$0xE290] =	vst v63  }
0xe5: {  	s16 =	simm.s32 $0x3080  }
0xe6: {  	[tilespmem:s23], [sflag:$0x8] =	stream.indirect.gather [hbm4b:s11+s21], $0x10, s16, s21, $0xb8;
	[tilespmem:$0xE290] =	vst v63  }
.LBB2_4:
0xe7: {  	_ =	swait.ge [sflag:s24], $0x7D0  }
0xe8: {  	s9 =	sshra.s32 s8, $0x2;
	[sflag:s24] =	ssyncset.done $0x0  }
0xe9: {  	p0 =	seq.s32 s8, $0x9000;
	s0 =	sadd.s32 $0x5500, s9;
	[sflag:s24] =	ssyncadd.s32 $0xFFFFF830  }
0xea: {  	[spmem:s2] =	stream.indirect.scatter.add.f32 [tilespmem:s22], [sflag:$0x9], $0x10, s0, s21, $0xb8;
	[tilespmem:$0xE290] =	vst v63  }
0xeb: {  	s0 =	simm.s32 @p0 $0x2  }
0xec: {  	_ =	swait.ge @p0 [sflag:s0], $0x7D0  }
0xed: {  	s13 =	sshra.s32 @p0 s8, $0x2;
	s12 =	simm.s32 @p0 $0x84D0;
	[sflag:s0] =	ssyncset.done @p0 $0x0  }
0xee: {  	s10 =	sadd.s32 @p0 $0x5580, s13;
	[sflag:s0] =	ssyncadd.s32 @p0 $0xFFFFF830;
	s0 =	simm.s32 @p0 $0x7D  }
0xef: {  	[spmem:s2] =	stream.indirect.scatter.add.f32 @p0 [tilespmem:s12], [sflag:$0xA], $0x10, s10, s0, $0xb8;
	[tilespmem:$0xE290] =	vst v63  }
0xf0: {  	s10 =	simm.s32 @!p0 $0x9  }
0xf1: {  	_ =	swait.ge @!p0 [sflag:s10], $0x7D0  }
0xf2: {  	[sflag:s10] =	ssyncset.done @!p0 $0x0  }
0xf3: {  	[sflag:s10] =	ssyncadd.s32 @!p0 $0xFFFFF830;
	s10 =	sshra.s32 @!p0 s8, $0x2  }
0xf4: {  	s16 =	simm.s32 @!p0 $0x7D00;
	s12 =	simm.s32 @!p0 $0x7D;
	s1 =	sadd.s32 @!p0 $0x3100, s10  }
0xf5: {  	[tilespmem:s16], [sflag:$0x1] =	stream.indirect.gather @!p0 [hbm4b:s11+s12], $0x10, s1, s12, $0xb8;
	[tilespmem:$0xE290] =	vst v63  }
0xf6: {  	s1 =	simm.s32 @!p0 $0x2  }
0xf7: {  	_ =	swait.ge @!p0 [sflag:s1], $0x7D0  }
0xf8: {  	[sflag:s1] =	ssyncset.done @!p0 $0x0  }
0xf9: {  	s16 =	simm.s32 @!p0 $0x84D0;
	[sflag:s1] =	ssyncadd.s32 @!p0 $0xFFFFF830;
	s1 =	sadd.s32 @!p0 $0x5580, s10  }
0xfa: {  	[spmem:s2] =	stream.indirect.scatter.add.f32 @!p0 [tilespmem:s16], [sflag:$0xA], $0x10, s1, s12, $0xb8;
	[tilespmem:$0xE290] =	vst v63  }
0xfb: {  	s1 =	simm.s32 @!p0 $0xA  }
0xfc: {  	_ =	swait.ge @!p0 [sflag:s1], $0x7D0  }
0xfd: {  	[sflag:s1] =	ssyncset.done @!p0 $0x0  }
0xfe: {  	[sflag:s1] =	ssyncadd.s32 @!p0 $0xFFFFF830;
	s1 =	sadd.s32 @!p0 $0x3180, s10  }
0xff: {  	[tilespmem:s16], [sflag:$0x2] =	stream.indirect.gather @!p0 [hbm4b:s11+s12], $0x10, s1, s12, $0xb8;
	[tilespmem:$0xE290] =	vst v63  }
0x100: {  	_ =	swait.ge [sflag:s25], $0x7D0  }
0x101: {  	[sflag:s25] =	ssyncset.done $0x0  }
0x102: {  	s16 =	sadd.s32 $0x5600, s9;
	s1 =	simm.s32 @p0 $0x4;
	[sflag:s25] =	ssyncadd.s32 $0xFFFFF830  }
0x103: {  	[spmem:s2] =	stream.indirect.scatter.add.f32 [tilespmem:s26], [sflag:$0xB], $0x10, s16, s21, $0xb8;
	[tilespmem:$0xE290] =	vst v63  }
0x104: {  	_ =	swait.ge @p0 [sflag:s1], $0x7D0  }
0x105: {  	[sflag:s1] =	ssyncset.done @p0 $0x0  }
0x106: {  	s16 =	simm.s32 @p0 $0x9470;
	[sflag:s1] =	ssyncadd.s32 @p0 $0xFFFFF830;
	s1 =	sadd.s32 @p0 $0x5680, s13  }
0x107: {  	[spmem:s2] =	stream.indirect.scatter.add.f32 @p0 [tilespmem:s16], [sflag:$0xC], $0x10, s1, s0, $0xb8;
	[tilespmem:$0xE290] =	vst v63  }
0x108: {  	s1 =	simm.s32 @!p0 $0xB  }
0x109: {  	_ =	swait.ge @!p0 [sflag:s1], $0x7D0  }
0x10a: {  	[sflag:s1] =	ssyncset.done @!p0 $0x0  }
0x10b: {  	s16 =	simm.s32 @!p0 $0x8CA0;
	[sflag:s1] =	ssyncadd.s32 @!p0 $0xFFFFF830;
	s1 =	sadd.s32 @!p0 $0x3200, s10  }
0x10c: {  	[tilespmem:s16], [sflag:$0x3] =	stream.indirect.gather @!p0 [hbm4b:s11+s12], $0x10, s1, s12, $0xb8;
	[tilespmem:$0xE290] =	vst v63  }
0x10d: {  	s1 =	simm.s32 @!p0 $0x4  }
0x10e: {  	_ =	swait.ge @!p0 [sflag:s1], $0x7D0  }
0x10f: {  	[sflag:s1] =	ssyncset.done @!p0 $0x0  }
0x110: {  	s16 =	simm.s32 @!p0 $0x9470;
	[sflag:s1] =	ssyncadd.s32 @!p0 $0xFFFFF830;
	s1 =	sadd.s32 @!p0 $0x5680, s10  }
0x111: {  	[spmem:s2] =	stream.indirect.scatter.add.f32 @!p0 [tilespmem:s16], [sflag:$0xC], $0x10, s1, s12, $0xb8;
	[tilespmem:$0xE290] =	vst v63  }
0x112: {  	s1 =	simm.s32 @!p0 $0xC  }
0x113: {  	_ =	swait.ge @!p0 [sflag:s1], $0x7D0  }
0x114: {  	[sflag:s1] =	ssyncset.done @!p0 $0x0  }
0x115: {  	[sflag:s1] =	ssyncadd.s32 @!p0 $0xFFFFF830;
	s1 =	sadd.s32 @!p0 $0x3280, s10  }
0x116: {  	[tilespmem:s16], [sflag:$0x4] =	stream.indirect.gather @!p0 [hbm4b:s11+s12], $0x10, s1, s12, $0xb8;
	[tilespmem:$0xE290] =	vst v63  }
0x117: {  	_ =	swait.ge [sflag:s28], $0x7D0  }
0x118: {  	[sflag:s28] =	ssyncset.done $0x0  }
0x119: {  	s16 =	sadd.s32 $0x5700, s9;
	s1 =	simm.s32 @p0 $0x6;
	[sflag:s28] =	ssyncadd.s32 $0xFFFFF830  }
0x11a: {  	[spmem:s2] =	stream.indirect.scatter.add.f32 [tilespmem:s31], [sflag:$0xD], $0x10, s16, s21, $0xb8;
	[tilespmem:$0xE290] =	vst v63  }
0x11b: {  	_ =	swait.ge @p0 [sflag:s1], $0x7D0  }
0x11c: {  	[sflag:s1] =	ssyncset.done @p0 $0x0  }
0x11d: {  	[sflag:s1] =	ssyncadd.s32 @p0 $0xFFFFF830;
	s1 =	sadd.s32 @p0 $0x5780, s13;
	s13 =	simm.s32 @p0 $0xA410  }
0x11e: {  	[spmem:s2] =	stream.indirect.scatter.add.f32 @p0 [tilespmem:s13], [sflag:$0xE], $0x10, s1, s0, $0xb8;
	[tilespmem:$0xE290] =	vst v63  }
0x11f: {  	s0 =	simm.s32 @!p0 $0xD  }
0x120: {  	_ =	swait.ge @!p0 [sflag:s0], $0x7D0  }
0x121: {  	[sflag:s0] =	ssyncset.done @!p0 $0x0  }
0x122: {  	s1 =	simm.s32 @!p0 $0x9C40;
	[sflag:s0] =	ssyncadd.s32 @!p0 $0xFFFFF830;
	s0 =	sadd.s32 @!p0 $0x3300, s10  }
0x123: {  	[tilespmem:s1], [sflag:$0x5] =	stream.indirect.gather @!p0 [hbm4b:s11+s12], $0x10, s0, s12, $0xb8;
	[tilespmem:$0xE290] =	vst v63  }
0x124: {  	s0 =	simm.s32 @!p0 $0x6  }
0x125: {  	_ =	swait.ge @!p0 [sflag:s0], $0x7D0  }
0x126: {  	[sflag:s0] =	ssyncset.done @!p0 $0x0  }
0x127: {  	s1 =	simm.s32 @!p0 $0xA410;
	[sflag:s0] =	ssyncadd.s32 @!p0 $0xFFFFF830;
	s0 =	sadd.s32 @!p0 $0x5780, s10  }
0x128: {  	[spmem:s2] =	stream.indirect.scatter.add.f32 @!p0 [tilespmem:s1], [sflag:$0xE], $0x10, s0, s12, $0xb8;
	[tilespmem:$0xE290] =	vst v63  }
0x129: {  	s0 =	simm.s32 @!p0 $0xE  }
0x12a: {  	_ =	swait.ge @!p0 [sflag:s0], $0x7D0  }
0x12b: {  	[sflag:s0] =	ssyncset.done @!p0 $0x0  }
0x12c: {  	[sflag:s0] =	ssyncadd.s32 @!p0 $0xFFFFF830;
	s0 =	sadd.s32 @!p0 $0x3380, s10  }
0x12d: {  	[tilespmem:s1], [sflag:$0x6] =	stream.indirect.gather @!p0 [hbm4b:s11+s12], $0x10, s0, s12, $0xb8;
	[tilespmem:$0xE290] =	vst v63  }
.Ltmp3:
0x12e: {  	_ = 	snop;
	(pc) =	sbr.rel @p0 .LBB2_6-.Ltmp3, $4  }
0x12f: {  	_ =	swait.ge [sflag:s29], $0x7D0  }
0x130: {  	[sflag:s29] =	ssyncset.done $0x0  }
0x131: {  	s16 =	sadd.s32 $0x5800, s9;
	s0 =	sadd.s32 $0x5880, s9;
	[sflag:s29] =	ssyncadd.s32 $0xFFFFF830  }
0x132: {  	[spmem:s2] =	stream.indirect.scatter.add.f32 [tilespmem:s19], [sflag:$0xF], $0x10, s16, s21, $0xb8;
	[tilespmem:$0xE290] =	vst v63  }
0x133: {  	_ =	swait.ge [sflag:s14], $0x7D0  }
0x134: {  	[sflag:s14] =	ssyncset.done $0x0  }
0x135: {  	s1 =	sadd.s32 $0x3400, s9;
	[sflag:s14] =	ssyncadd.s32 $0xFFFFF830  }
0x136: {  	[tilespmem:s19], [sflag:$0x7] =	stream.indirect.gather [hbm4b:s11+s21], $0x10, s1, s21, $0xb8;
	[tilespmem:$0xE290] =	vst v63  }
0x137: {  	_ =	swait.ge [sflag:s30], $0x7D0  }
0x138: {  	[sflag:s30] =	ssyncset.done $0x0  }
0x139: {  	[sflag:s30] =	ssyncadd.s32 $0xFFFFF830  }
0x13a: {  	[spmem:s2] =	stream.indirect.scatter.add.f32 [tilespmem:s23], [sflag:$0x10], $0x10, s0, s21, $0xb8;
	[tilespmem:$0xE290] =	vst v63  }
.Ltmp4:
0x13b: {  	_ = 	snop;
	(pc) =	sbr.rel .LBB2_4-.Ltmp4, $4  }
0x13c: {  	_ =	swait.ge [sflag:s6], $0x7D0  }
0x13d: {  	[sflag:s6] =	ssyncset.done $0x0  }
0x13e: {  	s16 =	sadd.s32 $0x3480, s9;
	s8 =	sadd.s32 $0x1000, s8;
	[sflag:s6] =	ssyncadd.s32 $0xFFFFF830  }
0x13f: {  	[tilespmem:s23], [sflag:$0x8] =	stream.indirect.gather [hbm4b:s11+s21], $0x10, s16, s21, $0xb8;
	[tilespmem:$0xE290] =	vst v63  }
.LBB2_7:
0x140: {  	_ =	sfence.sel $0x180000  }
0x141: {  	[bflag:$0x0] =	sbarrier.arrive $0xFFFF  }
0x142: {  	_ =	strace $0x9000004A  }
0x143: {  	s0 =	stileid.u32;
	[bflag:$0x2] =	sbarrier.arrive $0xFFFF  }
0x144: {  	p0 =	sne.s32 s0, $0x0;
	s0 =	rddreg [dreg:$0x2]  }
0x145: {  	s0 =	sadd.s32 @!p0 $0x100000, s0  }
0x146: {  	[sflag:s0] =	ssyncadd.tile.s32 @!p0 $0x1;
	_ =	shalt  }
.Lfunc_end2:
_tile_overlayer_lowered:
.L_overlay_start_2:
0x147: {  	(tag) =	ssettag $0x2  }
0x148: {  	s0 =	rddreg [dreg:$0x0];
	s2 =	stileid.u32  }
0x149: {  	s1 =	rddreg [dreg:$0x1];
	p0 =	sne.s32 s2, $0x0  }
0x14a: {  	s3 =	rddreg [dreg:$0x2];
	[bflag:$0x3] =	sbarrier.arrive $0xFFFF;
	s2 =	simm.s32 @!p0 $0x1C11  }
0x14b: {  	[timem:s3], [sflag:s2] =	dma.local @!p0 [hbm:s0], s1  }
0x14c: {  	s0 =	simm.s32 @!p0 $0x11  }
0x14d: {  	_ =	swait.ge @!p0 [sflag:s0], s1  }
0x14e: {  	s1 =	ssub.s32 @!p0 $0x0, s1;
	[sflag:s0] =	ssyncset.done @!p0 $0x0  }
0x14f: {  	[sflag:s0] =	ssyncadd.s32 @!p0 s1  }
0x150: {  	[bflag:$0x3] =	sbarrier.arrive $0xFFFF  }
0x151: {  	_ =	shalt  }

// kernel: kernel.13.cloned.1.call-start
scs
__scs_entry_jumppad:
0x0: {  	(pc) =	sbr.rel $0x88, $3  }
0x1: {  	(tag) =	ssettag $0x0;
	lr =	simm.s32 $0x1  }
0x2: {  	[smem:$0x3F9B] =	sst lr;
	_ =	strace $0xD0000000  }
0x3: {  	_ = 	snop  }
0x4: {  	_ = 	snop  }
0x5: {  	_ = 	snop  }
0x6: {  	_ = 	snop  }
0x7: {  	_ = 	snop  }
__scs_overlays_trampoline_lowered:
0x8: {  	[smem:$0x3FAA] =	sst s0  }
0x9: {  	[smem:$0x3FAB] =	sst s1  }
0xa: {  	[smem:$0x3FAC] =	sst s2  }
0xb: {  	[smem:$0x3FAD] =	sst s3  }
0xc: {  	[smem:$0x3FAE] =	sst s4  }
0xd: {  	[smem:$0x3FAF] =	sst s5  }
0xe: {  	[smem:$0x3FB0] =	sst s6  }
0xf: {  	[smem:$0x3FB1] =	sst s7  }
0x10: {  	[smem:$0x3FB2] =	sst s8  }
0x11: {  	[smem:$0x3FB3] =	sst s9;
	s0 =	simm.s32 @!p0 $0x0  }
0x12: {  	s1 =	sld [smem:$0x3F99];
	s0 =	simm.s32 @p0 $0x1  }
0x13: {  	[smem:$0x3FB4] =	sst s0;
	s0 =	simm.s32 @!p1 $0x0  }
0x14: {  	s2 =	sld [smem:$0x3F98];
	s0 =	simm.s32 @p1 $0x1  }
0x15: {  	[smem:$0x3FB5] =	sst s0;
	s0 =	simm.s32 @!p2 $0x0  }
0x16: {  	s3 =	sld [smem:$0x3FDB];
	s0 =	simm.s32 @p2 $0x1  }
0x17: {  	s4 =	simm.s32 $0x1BF5;
	[smem:$0x3FB7] =	sst s0  }
0x18: {  	s0 =	sld [smem:$0x3F9A];
	_ =	swait.ge [sflag:s4], $0x0  }
0x19: {  	s7 =	sld [smem:$0x3F9B]  }
0x1a: {  	s8 =	sadd.s32 $0xFFFFE003, lr  }
0x1b: {  	s9 =	sadd.s32 $0xFFFFFEF7, lr;
	s5 =	simm.s32 $0xFFFFFFFF;
	p2 =	slt.u32 s8, $0xFFFFF086  }
0x1c: {  	p1 =	slt.u32 s9, $0xF7A;
	s5 =	simm.s32 @!p2 $0x0  }
0x1d: {  	s5 =	simm.s32 @p1 $0x1;
	p0 =	seq.s32 s7, s2  }
0x1e: {  	s7 =	smul.u32 @!p0 $0xF7A, s2;
	p2 =	seq.s32 @!p0 s5, $0x0  }
0x1f: {  	s9 =	smul.u32 $0xF7A, s1;
	s8 =	simm.s32 @!p0 $0x1BF5;
	p2 =	por !p2, p0  }
0x20: {  	[sflag:s8] =	ssyncset.s32 @!p0 $0xFFFFF086;
	s6 =	sadd.s32 @!p0 s3, s7;
	s7 =	simm.s32 @!p0 $0x108  }
0x21: {  	s3 =	sadd.s32 s3, s9;
	s6 =	sadd.s32 @!p0 $0x88, s6;
	s7 =	simm.s32 @p2 $0x1082  }
0x22: {  	[simem:s7], [sflag:s8] =	dma.local @!p0 [hbm:s6], $0xF7A  }
0x23: {  	s9 =	sor.u32 $0xD0000000, s2;
	s6 =	simm.s32 $0x108;
	_ =	swait.ge @!p0 [sflag:s8], $0x0  }
0x24: {  	s3 =	sadd.s32 $0x88, s3;
	s6 =	simm.s32 @!p1 $0x1082;
	[sflag:s4] =	ssyncset.s32 $0xFFFFF086  }
0x25: {  	[simem:s6], [sflag:s4] =	dma.local [hbm:s3], $0xF7A  }
0x26: {  	[smem:$0x3F9B] =	sst s1;
	(tag) =	ssettag s2;
	_ =	strace s9  }
0x27: {  	s1 =	sld [smem:$0x3FAB]  }
0x28: {  	s2 =	sld [smem:$0x3FAC]  }
0x29: {  	s4 =	sld [smem:$0x3FAE]  }
0x2a: {  	p0 =	seq.s32 s5, $0x0;
	s5 =	sld [smem:$0x3FAF]  }
0x2b: {  	s6 =	sld [smem:$0x3FB0]  }
0x2c: {  	s7 =	sld [smem:$0x3FB1]  }
0x2d: {  	s3 =	simm.s32 $0x108;
	s8 =	sld [smem:$0x3FB2]  }
0x2e: {  	s3 =	simm.s32 @!p0 $0x1082;
	s9 =	sld [smem:$0x3FB3]  }
0x2f: {  	lr =	sadd.s32 s0, s3;
	s0 =	sld [smem:$0x3FAA]  }
0x30: {  	s3 =	sld [smem:$0x3FAD]  }
0x31: {  	[smem:$0x3FB6] =	sst s10  }
0x32: {  	s10 =	sld [smem:$0x3FB4];
	_ =	sdelay $0x3  }
0x33: {  	p0 =	seq.s32 s10, $0x1;
	s10 =	sld [smem:$0x3FB6];
	_ =	sdelay $0x3  }
0x34: {  	[smem:$0x3FB6] =	sst s10  }
0x35: {  	s10 =	sld [smem:$0x3FB5];
	_ =	sdelay $0x3  }
0x36: {  	p1 =	seq.s32 s10, $0x1;
	s10 =	sld [smem:$0x3FB6];
	_ =	sdelay $0x3  }
0x37: {  	[smem:$0x3FB6] =	sst s10  }
0x38: {  	s10 =	sld [smem:$0x3FB7]  }
0x39: {  	_ = 	snop;
	(pc) =	sbr.ind lr, $3  }
0x3a: {  	_ = 	snop  }
0x3b: {  	_ = 	snop  }
0x3c: {  	p2 =	seq.s32 s10, $0x1;
	s10 =	sld [smem:$0x3FB6]  }
0x3d: {  	_ =	shalt  }
0x3e: {  	_ =	shalt  }
0x3f: {  	_ =	shalt  }
0x40: {  	_ =	shalt  }
0x41: {  	_ =	shalt  }
0x42: {  	_ =	shalt  }
0x43: {  	_ =	shalt  }
0x44: {  	_ =	shalt  }
0x45: {  	_ =	shalt  }
0x46: {  	_ =	shalt  }
0x47: {  	_ =	shalt  }
0x48: {  	_ =	shalt  }
0x49: {  	_ =	shalt  }
0x4a: {  	_ =	shalt  }
0x4b: {  	_ =	shalt  }
0x4c: {  	_ =	shalt  }
0x4d: {  	_ =	shalt  }
0x4e: {  	_ =	shalt  }
0x4f: {  	_ =	shalt  }
0x50: {  	_ =	shalt  }
0x51: {  	_ =	shalt  }
0x52: {  	_ =	shalt  }
0x53: {  	_ =	shalt  }
0x54: {  	_ =	shalt  }
0x55: {  	_ =	shalt  }
0x56: {  	_ =	shalt  }
0x57: {  	_ =	shalt  }
0x58: {  	_ =	shalt  }
0x59: {  	_ =	shalt  }
0x5a: {  	_ =	shalt  }
0x5b: {  	_ =	shalt  }
0x5c: {  	_ =	shalt  }
0x5d: {  	_ =	shalt  }
0x5e: {  	_ =	shalt  }
0x5f: {  	_ =	shalt  }
0x60: {  	_ =	shalt  }
0x61: {  	_ =	shalt  }
0x62: {  	_ =	shalt  }
0x63: {  	_ =	shalt  }
0x64: {  	_ =	shalt  }
0x65: {  	_ =	shalt  }
0x66: {  	_ =	shalt  }
0x67: {  	_ =	shalt  }
0x68: {  	_ =	shalt  }
0x69: {  	_ =	shalt  }
0x6a: {  	_ =	shalt  }
0x6b: {  	_ =	shalt  }
0x6c: {  	_ =	shalt  }
0x6d: {  	_ =	shalt  }
0x6e: {  	_ =	shalt  }
0x6f: {  	_ =	shalt  }
0x70: {  	_ =	shalt  }
0x71: {  	_ =	shalt  }
0x72: {  	_ =	shalt  }
0x73: {  	_ =	shalt  }
0x74: {  	_ =	shalt  }
0x75: {  	_ =	shalt  }
0x76: {  	_ =	shalt  }
0x77: {  	_ =	shalt  }
0x78: {  	_ =	shalt  }
0x79: {  	_ =	shalt  }
0x7a: {  	_ =	shalt  }
0x7b: {  	_ =	shalt  }
0x7c: {  	_ =	shalt  }
0x7d: {  	_ =	shalt  }
0x7e: {  	_ =	shalt  }
0x7f: {  	_ =	shalt  }
0x80: {  	_ =	shalt  }
0x81: {  	_ =	shalt  }
0x82: {  	_ =	shalt  }
0x83: {  	_ =	shalt  }
0x84: {  	_ =	shalt  }
0x85: {  	_ =	shalt  }
0x86: {  	_ =	shalt  }
0x87: {  	_ =	shalt  }
.Lfunc_end0:
.L_simem_size_0:
called_computation.2_lowered:
.L_overlay_start_0:
0x88: {  	s2 =	sld [smem:$0x3FD9]  }
0x89: {  	s3 =	sld [smem:$0x3FFE];
	_ =	sdelay $0x1  }
0x8a: {  	s1 =	srdreg.scid  }
0x8b: {  	s0 =	sand.u32 $0x1, s1  }
0x8c: {  	s17 =	sshll.u32 s0, $0xA;
	s2 =	sadd.s32 s3, s2  }
0x8d: {  	s2 =	sadd.s32 s2, s17  }
0x8e: {  	[smem:$0x3FC2] =	sst s2  }
0x8f: {  	_ = 	snop  }
0x90: {  	s2 =	sld [smem:$0x3FC6]  }
0x91: {  	s18 =	sld [smem:$0x3FD0];
	(tm) =	ssettm $0x1  }
0x92: {  	s4 =	sld [smem:$0x3FFB];
	_ =	sdelay $0x3  }
0x93: {  	_ =	strace s4  }
0x94: {  	s4 =	sld [smem:$0x3FFC];
	_ =	sdelay $0x3  }
0x95: {  	_ =	strace s4  }
0x96: {  	s4 =	sld [smem:$0x3FFD];
	_ =	sdelay $0x3  }
0x97: {  	_ =	strace s4  }
0x98: {  	_ =	strace $0x8FFFFFFF  }
0x99: {  	s19 =	sld [smem:$0x3FDB];
	_ =	sdelay $0x1  }
0x9a: {  	s5 =	simm.s32 $_scs_section_size  }
0x9b: {  	s6 =	simm.s32 $_size__tile_overlayer_lowered;
	s7 =	simm.s32 $_tile_overlayer_lowered  }
0x9c: {  	s22 =	simm.s32 $0x1BFF;
	s21 =	sshll.u32 s7, $0x1;
	s4 =	sadd.s32 s5, s19  }
0x9d: {  	s8 =	simm.s32 $0x0;
	s20 =	sshll.u32 s6, $0x1;
	s6 =	sadd.s32 s21, s4  }
0x9e: {  	[timem:s8], [sflag:s22] =	dma.local [hbm:s6], s20  }
0x9f: {  	_ =	swait.ge [sflag:s22], s20  }
0xa0: {  	s5 =	ssub.s32 $0x0, s20;
	[sflag:s22] =	ssyncset.done $0x0  }
0xa1: {  	[sflag:s22] =	ssyncadd.s32 s5;
	_ =	sdelay $0x1  }
0xa2: {  	s23 =	simm.s32 $0x1B8B  }
0xa3: {  	_ =	swait.ge [sflag:s23], $0x1  }
0xa4: {  	[sflag:s23] =	ssyncset.done $0x0  }
0xa5: {  	s25 =	simm.s32 $0x1B8E;
	s24 =	sld [smem:$0x3FFE];
	[sflag:s23] =	ssyncadd.s32 $0xFFFFFFFF  }
0xa6: {  	s26 =	simm.s32 $execute0_lowered;
	[smem:$0x3FD2] =	sst s25  }
0xa7: {  	s6 =	sshll.u32 s26, $0x1;
	_ =	strace $0x8000004C;
	[dreg:$0x1] =	wrdreg $0xFFFFFFFF  }
0xa8: {  	s28 =	simm.s32 $_size_execute0_lowered;
	s4 =	sadd.s32 s4, s6;
	[dreg:$0x0] =	wrdreg $0x0  }
0xa9: {  	s6 =	sshll.u32 s28, $0x1;
	[dreg:$0x2] =	wrdreg s4  }
0xaa: {  	[dreg:$0x3] =	wrdreg s6  }
0xab: {  	[dreg:$0x4] =	wrdreg $0xC0  }
0xac: {  	_ =	task [dreg:s8], $0x5FFFF  }
0xad: {  	[dreg:$0x1] =	wrdreg $0xFFFFFFFF  }
0xae: {  	[dreg:$0x0] =	wrdreg $0x60  }
0xaf: {  	[dreg:$0x2] =	wrdreg s24  }
0xb0: {  	[dreg:$0x3] =	wrdreg s2  }
0xb1: {  	[dreg:$0x4] =	wrdreg s18  }
0xb2: {  	[dreg:$0x5] =	wrdreg $0x10B900  }
0xb3: {  	[dreg:$0x6] =	wrdreg $0x9  }
0xb4: {  	_ =	task.clear_ibuf [dreg:s8], $0x7FFFF;
	_ =	strace $0x9000004C  }
0xb5: {  	s29 =	simm.s32 $0x9;
	_ =	strace $0x8000004E  }
0xb6: {  	_ =	swait.ge [sflag:s29], $0x1  }
0xb7: {  	[sflag:s29] =	ssyncadd.s32 $0xFFFFFFFF  }
0xb8: {  	_ =	strace $0x9000004E  }
0xb9: {  	_ =	sfence  }
0xba: {  	s30 =	sld [smem:$0x0];
	_ =	sdelay $0x2  }
0xbb: {  	s31 =	sshll.u32 s1, $0xD;
	s1 =	sshrl.u32 s1, $0x2  }
0xbc: {  	s3 =	sand.u32 $0x4000, s31;
	s1 =	sadd.s32 s1, s30  }
0xbd: {  	s0 =	sor.u32 s3, s0;
	s1 =	sshll.u32 s1, $0x11  }
0xbe: {  	s0 =	sor.u32 s1, s0  }
0xbf: {  	s0 =	sadd.s32 $0x8F2B, s0  }
0xc0: {  	[sflag:s0] =	ssyncadd.remote.s32 $0x1  }
0xc1: {  	_ =	sfence.sel $0xFFFF  }
0xc2: {  	[dreg:$0x0] =	wrdreg $0xFFFFFFFF;
	(pc) =	sbr.abs _section_cstart, $3  }
0xc3: {  	[dreg:$0x1] =	wrdreg $0xFFFFFFFF  }
0xc4: {  	_ =	task.clear_ibuf [dreg:s8], $0x2FFFF;
	_ =	strace $0x9FFFFFFF  }
0xc5: {  	(tm) =	ssettm $0x7FFFFFFF  }
tec
execute0_lowered:
.L_overlay_start_1:
0x0: {  	(tag) =	ssettag $0x1  }
0x1: {  	s0 =	rddreg [dreg:$0x0]  }
0x2: {  	s1 =	rddreg [dreg:$0x2]  }
0x3: {  	s3 =	rddreg [dreg:$0x3];
	s4 =	simm.s32 $0x0  }
0x4: {  	s11 =	stileid.u32;
	s2 =	srdreg.scid;
	s30 =	simm.s32 $0xDCB0  }
0x5: {  	s28 =	simm.s32 $0xFBF0;
	s31 =	simm.s32 $0x103C0;
	s5 =	smul.u32 $0x2700, s11  }
0x6: {  	[smem:$0x7FF] =	sst s4;
	s2 =	sand.u32 $0x1, s2;
	s8 =	smul.u32 $0x270, s11  }
0x7: {  	_ =	strace $0x8000004D;
	s6 =	smul.u32 $0x27100, s2;
	s9 =	sshll.u32 s2, $0x4  }
0x8: {  	s2 =	ssub.s32 $0x2, s2;
	s7 =	sshrl.u32 s5, $0x3;
	s9 =	sor.u32 s11, s9  }
0x9: {  	s12 =	sshrl.u32 s8, $0x3;
	s16 =	sshrl.u32 s2, $0x1;
	s8 =	simm.s32 $0xE  }
0xa: {  	s11 =	simm.s32 $0x0;
	s10 =	sadd.s32 s7, s0;
	s26 =	sadd.s32 s5, s6  }
0xb: {  	s13 =	smul.u32 $0x500, s9;
	s12 =	sadd.s32 s12, s0;
	s2 =	ssub.s32 s2, s16  }
0xc: {  	s25 =	sshrl.u32 s6, $0x3;
	s6 =	simm.s32 $0xD;
	s18 =	sadd.s32 $0x1C600, s10  }
0xd: {  	s9 =	simm.s32 $0xF;
	s19 =	sadd.s32 $0x2B400, s10;
	[dreg:$0x7] =	wrdreg s18  }
0xe: {  	s29 =	sshrl.u32 s26, $0x3;
	s20 =	sadd.s32 $0x30220, s10;
	[dreg:$0x8] =	wrdreg s19  }
0xf: {  	s22 =	sadd.s32 $0x1BC00, s12;
	s23 =	sadd.s32 $0x1C0E2, s12;
	[dreg:$0x9] =	wrdreg s20  }
0x10: {  	s10 =	simm.s32 $0x10;
	s14 =	sadd.s32 s29, s0;
	[dreg:$0xb] =	wrdreg s22  }
0x11: {  	s15 =	sadd.s32 s13, s0;
	s0 =	sadd.s32 $0x35200, s0;
	[dreg:$0xc] =	wrdreg s23  }
0x12: {  	s26 =	sadd.s32 s1, s29;
	s22 =	simm.s32 $0x7D10;
	s19 =	simm.s32 $0x11  }
0x13: {  	s20 =	simm.s32 $0xEC50;
	s1 =	simm.s32 $0x3;
	s23 =	simm.s32 $0x7  }
0x14: {  	s18 =	simm.s32 $0xB;
	s17 =	sadd.s32 $0xCC00, s15;
	[dreg:$0xe] =	wrdreg s26  }
0x15: {  	s7 =	sadd.s32 $0x2C00, s15;
	s21 =	sadd.s32 $0x21600, s14;
	[dreg:$0x5] =	wrdreg s17  }
0x16: {  	s24 =	sadd.s32 s0, s29;
	s15 =	sadd.s32 s0, s25;
	[dreg:$0x6] =	wrdreg s7  }
0x17: {  	s29 =	smax.u32 s2, $0x1;
	s25 =	simm.s32 $0xCD10;
	[dreg:$0xa] =	wrdreg s21  }
0x18: {  	s0 =	simm.s32 $0x1;
	s26 =	simm.s32 $0x8;
	[dreg:$0xd] =	wrdreg s24  }
0x19: {  	s7 =	sadd.s32 s5, s3;
	[dreg:$0xf] =	wrdreg s29;
	s17 =	simm.s32 $0x5000  }
0x1a: {  	s24 =	simm.s32 $0x7D;
	s21 =	simm.s32 $0x5;
	s5 =	simm.s32 $0xC  }
.LBB2_1:
0x1b: {  	s2 =	rddreg [dreg:$0x5]  }
0x1c: {  	[tilespmem:s22], [sflag:$0x11] =	stream.linear.gather [hbm4b:s2+s4], $0x2800, $0x38;
	[tilespmem:$0x132A0] =	vst v63  }
0x1d: {  	_ =	swait.ge [sflag:s19], $0x2800  }
0x1e: {  	s12 =	simm.s32 $0xA510;
	[sflag:s19] =	ssyncset.done $0x0  }
0x1f: {  	s14 =	stileid.u32;
	s13 =	rddreg [dreg:$0x6];
	[sflag:s19] =	ssyncadd.s32 $0xFFFFD800  }
0x20: {  	[tilespmem:s12], [sflag:$0x11] =	stream.linear.gather [hbm4b:s13+s4], $0x2800, $0x38;
	[tilespmem:$0x132A0] =	vst v63  }
0x21: {  	s16 =	sshll.u32 s14, $0x6;
	_ =	swait.ge [sflag:s19], $0x2800  }
0x22: {  	s12 =	sor.u32 $0x1C11, s16;
	[sflag:s19] =	ssyncset.done $0x0  }
0x23: {  	s13 =	sshrl.u32 s7, $0x3;
	s29 =	rddreg [dreg:$0x7];
	[sflag:s19] =	ssyncadd.s32 $0xFFFFD800  }
0x24: {  	[spmem:s13], [sflag:s12] =	dma.local [hbm:s29], $0x500  }
0x25: {  	_ =	swait.ge [sflag:s19], $0x500  }
0x26: {  	[sflag:s19] =	ssyncset.done $0x0  }
0x27: {  	s14 =	rddreg [dreg:$0x8];
	[sflag:s19] =	ssyncadd.s32 $0xFFFFFB00  }
0x28: {  	[tilespmem:s4], [sflag:$0x11] =	stream.linear.gather [hbm4b:s14+s4], $0x2800, $0x38;
	[tilespmem:$0x132A0] =	vst v63  }
0x29: {  	_ =	swait.ge [sflag:s19], $0x2800  }
0x2a: {  	[sflag:s19] =	ssyncset.done $0x0  }
0x2b: {  	s29 =	simm.s32 $0x2800;
	s16 =	rddreg [dreg:$0x9];
	[sflag:s19] =	ssyncadd.s32 $0xFFFFD800  }
0x2c: {  	[tilespmem:s29], [sflag:$0x11] =	stream.linear.gather [hbm4b:s16+s4], $0x2800, $0x38;
	[tilespmem:$0x132A0] =	vst v63  }
0x2d: {  	_ =	swait.ge [sflag:s19], $0x2800  }
0x2e: {  	[sflag:s19] =	ssyncset.done $0x0  }
0x2f: {  	s13 =	rddreg [dreg:$0xa];
	[sflag:s19] =	ssyncadd.s32 $0xFFFFD800  }
0x30: {  	[tilespmem:s17], [sflag:$0x11] =	stream.linear.gather [hbm4b:s13+s4], $0x2800, $0x38;
	[tilespmem:$0x132A0] =	vst v63  }
0x31: {  	_ =	swait.ge [sflag:s19], $0x2800  }
0x32: {  	[sflag:s19] =	ssyncset.done $0x0  }
0x33: {  	s13 =	simm.s32 $0x7800;
	s14 =	rddreg [dreg:$0xb];
	[sflag:s19] =	ssyncadd.s32 $0xFFFFD800  }
0x34: {  	[tilespmem:s13], [sflag:$0x11] =	stream.linear.gather [hbm4b:s14+s4], $0x280, $0x38;
	[tilespmem:$0x132A0] =	vst v63  }
0x35: {  	_ =	swait.ge [sflag:s19], $0x280  }
0x36: {  	[sflag:s19] =	ssyncset.done $0x0  }
0x37: {  	s14 =	simm.s32 $0x7A80;
	s16 =	rddreg [dreg:$0xc];
	[sflag:s19] =	ssyncadd.s32 $0xFFFFFD80  }
0x38: {  	[tilespmem:s14], [sflag:$0x11] =	stream.linear.gather [hbm4b:s16+s4], $0x280, $0x38;
	[tilespmem:$0x132A0] =	vst v63  }
0x39: {  	_ =	swait.ge [sflag:s19], $0x280  }
0x3a: {  	[sflag:s19] =	ssyncset.done $0x0  }
0x3b: {  	[sflag:s19] =	ssyncadd.s32 $0xFFFFFD80  }
0x3c: {  	s29 =	simm.s32 $0x7D00;
	s17 =	rddreg [dreg:$0x1]  }
0x3d: {  	[tilespmem:s29], [sflag:$0x11] =	stream.linear.gather [hbm4b:s17+s4], $0x10, $0x38;
	[tilespmem:$0x132A0] =	vst v63  }
0x3e: {  	_ =	swait.ge [sflag:s19], $0x10  }
0x3f: {  	[sflag:s19] =	ssyncset.done $0x0  }
0x40: {  	[sflag:s19] =	ssyncadd.s32 $0xFFFFFFF0  }
0x41: {  	s12 =	simm.s32 $0x0;
	v0 =	vld [tilespmem:$0x7D00]  }
0x42: {  	v1 =	vld [tilespmem:s12+$0x5030]  }
0x43: {  	v2 =	vld [tilespmem:s12+$0x5050]  }
0x44: {  	v3 =	vld [tilespmem:s12+$0x5060]  }
0x45: {  	v4 =	vld [tilespmem:s12+$0x5070]  }
0x46: {  	v5 =	vld [tilespmem:s12+$0x5080]  }
0x47: {  	v6 =	vld [tilespmem:s12+$0x5090]  }
0x48: {  	v7 =	vld [tilespmem:s12+$0x50A0]  }
0x49: {  	v9 =	vld [tilespmem:s12+$0x50B0]  }
0x4a: {  	v10 =	vld [tilespmem:s12+$0x50C0]  }
0x4b: {  	v11 =	vld [tilespmem:s12+$0x50D0]  }
0x4c: {  	v8 =	vld [tilespmem:s14+$0x0]  }
0x4d: {  	s16 =	simm.s32 $0x400;
	v12 =	vld [tilespmem:s13+$0x0]  }
.LBB2_2:
0x4e: {  	p0 =	sne.s32 s16, $0x9C00;
	v13 =	vld [tilespmem:s12+$0x50E0]  }
0x4f: {  	v14 =	vld [tilespmem:s12+$0x50F0]  }
0x50: {  	v15 =	vld [tilespmem:s12+$0x2800]  }
0x51: {  	v16 =	vld [tilespmem:s12+$0x2830]  }
0x52: {  	v8 =	vadd.f32 v8, v12;
	v12 =	vld [tilespmem:s12+$0x2850]  }
0x53: {  	v17 =	vld [tilespmem:s12+$0x2860]  }
0x54: {  	v8 =	vadd.f32 $1.000000000e+00, v8;
	v18 =	vld [tilespmem:s12+$0x2870]  }
0x55: {  	v19 =	vld [tilespmem:s12+$0x2890]  }
0x56: {  	v20 =	vshra.s32 v8, $0x1;
	v21 =	vmul.f32 $5.000000000e-01, v8;
	v22 =	vld [tilespmem:s12+$0x28A0]  }
0x57: {  	v8 =	vsub.s32 $0x5F3759DF, v20;
	v20 =	vld [tilespmem:s12+$0x28B0]  }
0x58: {  	v23 =	vmul.f32 v8, v21;
	v24 =	vld [tilespmem:s12+$0x28C0]  }
0x59: {  	v25 =	vld [tilespmem:s12+$0x28D0]  }
0x5a: {  	v23 =	vmul.f32 v8, v23;
	v26 =	vld [tilespmem:s12+$0x28E0]  }
0x5b: {  	v27 =	vld [tilespmem:s12+$0x28F0]  }
0x5c: {  	v23 =	vsub.f32 $1.500000000e+00, v23;
	v28 =	vld [tilespmem:s12+$0x0]  }
0x5d: {  	v29 =	vld [tilespmem:s12+$0xF0]  }
0x5e: {  	v23 =	vmul.f32 v8, v23;
	v8 =	vld [tilespmem:s12+$0xE0]  }
0x5f: {  	v30 =	vld [tilespmem:s12+$0xD0]  }
0x60: {  	v31 =	vmul.f32 v23, v21;
	v32 =	vld [tilespmem:s12+$0xC0]  }
0x61: {  	v33 =	vld [tilespmem:s12+$0xB0]  }
0x62: {  	v31 =	vmul.f32 v31, v23;
	v34 =	vld [tilespmem:s12+$0xA0]  }
0x63: {  	v27 =	vadd.f32 v27, v29;
	v35 =	vld [tilespmem:s12+$0x90];
	v26 =	vadd.f32 v26, v8  }
0x64: {  	v29 =	vsub.f32 $1.500000000e+00, v31;
	v31 =	vld [tilespmem:s12+$0x2880];
	v25 =	vadd.f32 v25, v30  }
0x65: {  	v8 =	vadd.f32 v15, v28;
	v14 =	vadd.f32 v14, v27;
	v15 =	vld [tilespmem:s12+$0x80]  }
0x66: {  	v13 =	vadd.f32 v13, v26;
	v23 =	vmul.f32 v29, v23;
	v27 =	vld [tilespmem:s12+$0x70];
	v11 =	vadd.f32 v11, v25  }
0x67: {  	v24 =	vadd.f32 v24, v32;
	v20 =	vadd.f32 v20, v33;
	v25 =	vld [tilespmem:s12+$0x60]  }
0x68: {  	v22 =	vadd.f32 v22, v34;
	v21 =	vmul.f32 v23, v21;
	v26 =	vld [tilespmem:s12+$0x50];
	v19 =	vadd.f32 v19, v35  }
0x69: {  	v10 =	vadd.f32 v10, v24;
	v9 =	vadd.f32 v9, v20;
	v28 =	vld [tilespmem:s12+$0x2840]  }
0x6a: {  	v7 =	vadd.f32 v7, v22;
	v20 =	vmul.f32 v21, v23;
	v21 =	vld [tilespmem:s12+$0x40];
	v6 =	vadd.f32 v6, v19  }
0x6b: {  	v15 =	vadd.f32 v31, v15;
	v19 =	vld [tilespmem:s12+$0x30];
	v18 =	vadd.f32 v18, v27  }
0x6c: {  	v20 =	vsub.f32 $1.500000000e+00, v20;
	v22 =	vld [tilespmem:s12+$0x5040];
	v17 =	vadd.f32 v17, v25  }
0x6d: {  	v5 =	vadd.f32 v5, v15;
	v24 =	vld [tilespmem:s12+$0x2820];
	v12 =	vadd.f32 v12, v26  }
0x6e: {  	v4 =	vadd.f32 v4, v18;
	v15 =	vmul.f32 v20, v23;
	v20 =	vld [tilespmem:s12+$0x20];
	v3 =	vadd.f32 v3, v17  }
0x6f: {  	v17 =	vadd.f32 v28, v21;
	v2 =	vadd.f32 v2, v12  }
0x70: {  	v12 =	vadd.f32 v16, v19;
	v16 =	vbroadcast v15, $0xE;
	v18 =	vbroadcast v15, $0xF  }
0x71: {  	v19 =	vbroadcast v15, $0xC;
	v21 =	vbroadcast v15, $0xD;
	v17 =	vadd.f32 v22, v17  }
0x72: {  	v1 =	vadd.f32 v1, v12;
	v12 =	vmul.f32 v13, v16;
	v13 =	vmul.f32 v14, v18  }
0x73: {  	v10 =	vmul.f32 v10, v19;
	v11 =	vmul.f32 v11, v21;
	v14 =	vadd.f32 v24, v20  }
0x74: {  	v22 =	vbroadcast v15, $0xB;
	v20 =	vld [tilespmem:s12+$0x5020];
	v12 =	vadd.f32 v12, v0;
	v13 =	vadd.f32 v13, v0  }
0x75: {  	v23 =	vbroadcast v15, $0xA;
	v10 =	vadd.f32 v10, v0;
	v11 =	vadd.f32 v11, v0  }
0x76: {  	v9 =	vmul.f32 v9, v22;
	v24 =	vld [tilespmem:s12+$0x2810];
	v12 =	vmax.f32 v12, $0.0e+00;
	v13 =	vmax.f32 v13, $0.0e+00  }
0x77: {  	v11 =	vmax.f32 v11, $0.0e+00;
	v25 =	vld [tilespmem:s12+$0x10];
	v12 =	vmul.f32 v12, v16;
	v13 =	vmul.f32 v13, v18  }
0x78: {  	v9 =	vadd.f32 v9, v0;
	v10 =	vmax.f32 v10, $0.0e+00;
	v11 =	vmul.f32 v11, v21  }
0x79: {  	v7 =	vmul.f32 v7, v23;
	v10 =	vmul.f32 v10, v19;
	v14 =	vadd.f32 v20, v14;
	[tilespmem:s12+$0xF0] =	vst v13  }
0x7a: {  	v16 =	vbroadcast v15, $0x9;
	v9 =	vmax.f32 v9, $0.0e+00;
	v13 =	vbroadcast v15, $0x8;
	[tilespmem:s12+$0xE0] =	vst v12  }
0x7b: {  	v7 =	vadd.f32 v7, v0;
	v9 =	vmul.f32 v9, v22;
	v12 =	vbroadcast v15, $0x7;
	[tilespmem:s12+$0xD0] =	vst v11  }
0x7c: {  	v6 =	vmul.f32 v6, v16;
	v5 =	vmul.f32 v5, v13;
	v11 =	vadd.f32 v24, v25;
	[tilespmem:s12+$0xC0] =	vst v10  }
0x7d: {  	v7 =	vmax.f32 v7, $0.0e+00;
	v10 =	vbroadcast v15, $0x6;
	v4 =	vmul.f32 v4, v12;
	[tilespmem:s12+$0xB0] =	vst v9  }
0x7e: {  	v7 =	vmul.f32 v7, v23;
	v6 =	vadd.f32 v6, v0;
	v5 =	vadd.f32 v5, v0;
	v9 =	vld [tilespmem:s12+$0x5010]  }
0x7f: {  	v18 =	vbroadcast v15, $0x5;
	v3 =	vmul.f32 v3, v10;
	v4 =	vadd.f32 v4, v0  }
0x80: {  	v19 =	vbroadcast v15, $0x4;
	v6 =	vmax.f32 v6, $0.0e+00;
	v5 =	vmax.f32 v5, $0.0e+00;
	[tilespmem:s12+$0xA0] =	vst v7  }
0x81: {  	v6 =	vmul.f32 v6, v16;
	v4 =	vmax.f32 v4, $0.0e+00;
	v5 =	vmul.f32 v5, v13  }
0x82: {  	v2 =	vmul.f32 v2, v18;
	v3 =	vadd.f32 v3, v0;
	v4 =	vmul.f32 v4, v12  }
0x83: {  	v7 =	vadd.f32 v9, v11;
	v9 =	vbroadcast v15, $0x3;
	v11 =	vmul.f32 v17, v19;
	[tilespmem:s12+$0x90] =	vst v6  }
0x84: {  	v2 =	vadd.f32 v2, v0;
	v12 =	vbroadcast v15, $0x2;
	v3 =	vmax.f32 v3, $0.0e+00;
	v6 =	vld [tilespmem:s12+$0x5000];
	[tilespmem:s12+$0x80] =	vst v5  }
0x85: {  	v3 =	vmul.f32 v3, v10;
	v1 =	vmul.f32 v9, v1;
	v5 =	vadd.f32 v11, v0;
	[tilespmem:s12+$0x70] =	vst v4  }
0x86: {  	v2 =	vmax.f32 v2, $0.0e+00;
	v10 =	vbroadcast v15, $0x1;
	v4 =	vmul.f32 v12, v14  }
0x87: {  	v2 =	vmul.f32 v2, v18;
	v11 =	vadd.f32 v1, v0;
	v1 =	vmax.f32 v5, $0.0e+00;
	[tilespmem:s12+$0x60] =	vst v3  }
0x88: {  	s17 =	sshra.s32 s16, $0x2;
	v3 =	vmul.f32 v10, v7;
	v4 =	vadd.f32 v4, v0;
	v5 =	vmul.f32 v1, v19  }
0x89: {  	v1 =	vld [tilespmem:s17+$0x5030];
	v6 =	vadd.f32 v6, v8;
	v8 =	vbroadcast v15, $0x0;
	v7 =	vmax.f32 v11, $0.0e+00;
	[tilespmem:s12+$0x50] =	vst v2  }
0x8a: {  	v11 =	vadd.f32 v3, v0;
	v4 =	vmax.f32 v4, $0.0e+00;
	v2 =	vld [tilespmem:s17+$0x5050];
	v7 =	vmul.f32 v7, v9;
	[tilespmem:s12+$0x40] =	vst v5  }
0x8b: {  	v9 =	vmul.f32 v4, v12;
	v3 =	vld [tilespmem:s17+$0x5060];
	v6 =	vmul.f32 v8, v6  }
0x8c: {  	v11 =	vmax.f32 v11, $0.0e+00;
	v4 =	vld [tilespmem:s17+$0x5070];
	[tilespmem:s12+$0x30] =	vst v7  }
0x8d: {  	v10 =	vmul.f32 v11, v10;
	v5 =	vld [tilespmem:s17+$0x5080];
	v12 =	vadd.f32 v6, v0;
	[tilespmem:s12+$0x20] =	vst v9  }
0x8e: {  	v6 =	vld [tilespmem:s17+$0x5090]  }
0x8f: {  	v7 =	vld [tilespmem:s17+$0x50A0];
	v11 =	vmax.f32 v12, $0.0e+00;
	[tilespmem:s12+$0x10] =	vst v10  }
.Ltmp0:
0x90: {  	v9 =	vld [tilespmem:s17+$0x50B0];
	v8 =	vmul.f32 v11, v8;
	(pc) =	sbr.rel @p0 .LBB2_2-.Ltmp0, $4  }
0x91: {  	v10 =	vld [tilespmem:s17+$0x50C0]  }
0x92: {  	s14 =	sadd.s32 $0x10, s14;
	v11 =	vld [tilespmem:s17+$0x50D0];
	[tilespmem:s12+$0x0] =	vst v8;
	s12 =	smov.u32 s17  }
0x93: {  	s13 =	sadd.s32 $0x10, s13;
	v8 =	vld [tilespmem:s14+$0x0]  }
0x94: {  	s16 =	sadd.s32 $0x400, s16;
	v12 =	vld [tilespmem:s13+$0x0]  }
0x95: {  	_ = 	snop  }
0x96: {  	v15 =	vld [tilespmem:s12+$0x2800]  }
0x97: {  	v16 =	vld [tilespmem:s12+$0x2830]  }
0x98: {  	v52 =	vld [tilespmem:s12+$0x2850]  }
0x99: {  	v17 =	vld [tilespmem:s12+$0x2860];
	v8 =	vadd.f32 v8, v12  }
0x9a: {  	v18 =	vld [tilespmem:s12+$0x2870]  }
0x9b: {  	v19 =	vld [tilespmem:s12+$0x2890];
	v8 =	vadd.f32 $1.000000000e+00, v8  }
0x9c: {  	v21 =	vld [tilespmem:s12+$0x28A0]  }
0x9d: {  	v22 =	vld [tilespmem:s12+$0x28B0];
	v20 =	vshra.s32 v8, $0x1;
	v8 =	vmul.f32 $5.000000000e-01, v8  }
0x9e: {  	v24 =	vld [tilespmem:s12+$0x28C0];
	v20 =	vsub.s32 $0x5F3759DF, v20  }
0x9f: {  	v25 =	vld [tilespmem:s12+$0x28D0];
	v23 =	vmul.f32 v20, v8  }
0xa0: {  	v27 =	vld [tilespmem:s12+$0x28F0]  }
0xa1: {  	v28 =	vld [tilespmem:s12+$0x0];
	v23 =	vmul.f32 v20, v23  }
0xa2: {  	v29 =	vld [tilespmem:s12+$0xF0]  }
0xa3: {  	v30 =	vld [tilespmem:s12+$0xD0];
	v23 =	vsub.f32 $1.500000000e+00, v23  }
0xa4: {  	v32 =	vld [tilespmem:s12+$0xC0]  }
0xa5: {  	v33 =	vld [tilespmem:s12+$0xB0];
	v20 =	vmul.f32 v20, v23  }
0xa6: {  	v34 =	vld [tilespmem:s12+$0xA0]  }
0xa7: {  	v35 =	vld [tilespmem:s12+$0x90];
	v31 =	vmul.f32 v20, v8  }
0xa8: {  	v55 =	vld [tilespmem:s12+$0x2880]  }
0xa9: {  	v56 =	vld [tilespmem:s12+$0x80];
	v31 =	vmul.f32 v31, v20  }
0xaa: {  	v57 =	vld [tilespmem:s12+$0x70]  }
0xab: {  	v58 =	vld [tilespmem:s12+$0x60];
	v54 =	vsub.f32 $1.500000000e+00, v31  }
0xac: {  	v59 =	vld [tilespmem:s12+$0x50]  }
0xad: {  	v60 =	vld [tilespmem:s12+$0x2840];
	v20 =	vmul.f32 v54, v20  }
0xae: {  	v61 =	vld [tilespmem:s12+$0x40];
	v27 =	vadd.f32 v27, v29;
	v25 =	vadd.f32 v25, v30  }
0xaf: {  	v62 =	vld [tilespmem:s12+$0x30];
	v15 =	vadd.f32 v15, v28;
	v22 =	vadd.f32 v22, v33;
	v8 =	vmul.f32 v20, v8  }
0xb0: {  	v14 =	vld [tilespmem:s12+$0x50F0];
	v24 =	vadd.f32 v24, v32;
	v19 =	vadd.f32 v19, v35  }
0xb1: {  	v21 =	vadd.f32 v21, v34;
	v63 =	vadd.f32 v55, v56;
	v8 =	vmul.f32 v8, v20  }
0xb2: {  	v18 =	vadd.f32 v18, v57;
	v17 =	vadd.f32 v17, v58  }
0xb3: {  	v12 =	vadd.f32 v52, v59;
	v8 =	vsub.f32 $1.500000000e+00, v8  }
0xb4: {  	v29 =	vadd.f32 v60, v61;
	v16 =	vadd.f32 v16, v62  }
0xb5: {  	v26 =	vld [tilespmem:s12+$0x28E0];
	v14 =	vadd.f32 v14, v27;
	v11 =	vadd.f32 v11, v25;
	v8 =	vmul.f32 v8, v20  }
0xb6: {  	v53 =	vld [tilespmem:s12+$0xE0];
	v9 =	vadd.f32 v9, v22;
	v10 =	vadd.f32 v10, v24  }
0xb7: {  	v6 =	vadd.f32 v6, v19;
	v30 =	vbroadcast v8, $0xE;
	v31 =	vbroadcast v8, $0xF  }
0xb8: {  	v13 =	vld [tilespmem:s12+$0x50E0];
	v7 =	vadd.f32 v7, v21;
	v32 =	vbroadcast v8, $0xD;
	v20 =	vbroadcast v8, $0xC  }
0xb9: {  	v5 =	vadd.f32 v5, v63;
	v34 =	vbroadcast v8, $0xB;
	v36 =	vbroadcast v8, $0xA  }
0xba: {  	v33 =	vld [tilespmem:s12+$0x2820];
	v3 =	vadd.f32 v3, v17;
	v41 =	vbroadcast v8, $0x9;
	v42 =	vbroadcast v8, $0x8  }
0xbb: {  	v35 =	vld [tilespmem:s12+$0x20];
	v23 =	vadd.f32 v26, v53;
	v43 =	vbroadcast v8, $0x7;
	v45 =	vbroadcast v8, $0x6  }
0xbc: {  	v28 =	vld [tilespmem:s12+$0x5040];
	v4 =	vadd.f32 v4, v18;
	v47 =	vbroadcast v8, $0x5;
	v48 =	vbroadcast v8, $0x4  }
0xbd: {  	v37 =	vld [tilespmem:s12+$0x5020];
	v13 =	vadd.f32 v13, v23;
	v50 =	vbroadcast v8, $0x3;
	v52 =	vbroadcast v8, $0x2  }
0xbe: {  	v2 =	vadd.f32 v2, v12;
	v54 =	vbroadcast v8, $0x1;
	v8 =	vbroadcast v8, $0x0  }
0xbf: {  	v1 =	vadd.f32 v1, v16;
	v13 =	vmul.f32 v13, v30;
	v14 =	vmul.f32 v14, v31  }
0xc0: {  	v16 =	vadd.f32 v33, v35;
	v11 =	vmul.f32 v11, v32;
	v10 =	vmul.f32 v10, v20  }
0xc1: {  	v17 =	vadd.f32 v28, v29;
	v9 =	vmul.f32 v9, v34;
	v7 =	vmul.f32 v7, v36  }
0xc2: {  	v44 =	vadd.f32 v37, v16;
	v6 =	vmul.f32 v6, v41;
	v5 =	vmul.f32 v5, v42  }
0xc3: {  	v4 =	vmul.f32 v4, v43;
	v3 =	vmul.f32 v3, v45;
	v13 =	vadd.f32 v13, v0  }
0xc4: {  	v2 =	vmul.f32 v2, v47;
	v14 =	vadd.f32 v14, v0;
	v11 =	vadd.f32 v11, v0  }
0xc5: {  	v51 =	vmul.f32 v17, v48;
	v10 =	vadd.f32 v10, v0;
	v9 =	vadd.f32 v9, v0  }
0xc6: {  	v1 =	vmul.f32 v50, v1;
	v7 =	vadd.f32 v7, v0;
	v6 =	vadd.f32 v6, v0  }
0xc7: {  	v38 =	vld [tilespmem:s12+$0x2810];
	v5 =	vadd.f32 v5, v0;
	v4 =	vadd.f32 v4, v0;
	v14 =	vmax.f32 v14, $0.0e+00  }
0xc8: {  	v40 =	vld [tilespmem:s12+$0x10];
	v3 =	vadd.f32 v3, v0;
	v13 =	vmax.f32 v13, $0.0e+00;
	v39 =	vmul.f32 v14, v31  }
0xc9: {  	v2 =	vadd.f32 v2, v0;
	v11 =	vmax.f32 v11, $0.0e+00;
	v12 =	vmul.f32 v13, v30  }
0xca: {  	v46 =	vld [tilespmem:s12+$0x5010];
	v53 =	vadd.f32 v51, v0;
	v10 =	vmax.f32 v10, $0.0e+00;
	v11 =	vmul.f32 v11, v32;
	[tilespmem:s12+$0xF0] =	vst v39  }
0xcb: {  	v49 =	vld [tilespmem:s12+$0x5000];
	v1 =	vadd.f32 v1, v0;
	v9 =	vmax.f32 v9, $0.0e+00;
	v10 =	vmul.f32 v10, v20;
	[tilespmem:s12+$0xE0] =	vst v12  }
0xcc: {  	v7 =	vmax.f32 v7, $0.0e+00;
	v6 =	vmax.f32 v6, $0.0e+00;
	v9 =	vmul.f32 v9, v34;
	[tilespmem:s12+$0xD0] =	vst v11  }
0xcd: {  	v5 =	vmax.f32 v5, $0.0e+00;
	v7 =	vmul.f32 v7, v36;
	v14 =	vadd.f32 v38, v40;
	[tilespmem:s12+$0xC0] =	vst v10  }
0xce: {  	v4 =	vmax.f32 v4, $0.0e+00;
	v3 =	vmax.f32 v3, $0.0e+00;
	v6 =	vmul.f32 v6, v41;
	[tilespmem:s12+$0xB0] =	vst v9  }
0xcf: {  	v2 =	vmax.f32 v2, $0.0e+00;
	v5 =	vmul.f32 v5, v42;
	[tilespmem:s12+$0xA0] =	vst v7;
	v10 =	vadd.f32 v46, v14  }
0xd0: {  	v4 =	vmul.f32 v4, v43;
	[tilespmem:s12+$0x90] =	vst v6;
	v11 =	vmul.f32 v52, v44;
	v6 =	vadd.f32 v49, v15  }
0xd1: {  	v55 =	vmax.f32 v53, $0.0e+00;
	v3 =	vmul.f32 v3, v45;
	[tilespmem:s12+$0x80] =	vst v5;
	v56 =	vmul.f32 v54, v10  }
0xd2: {  	v2 =	vmul.f32 v2, v47;
	[tilespmem:s12+$0x70] =	vst v4;
	v57 =	vadd.f32 v11, v0;
	v6 =	vmul.f32 v8, v6  }
0xd3: {  	v1 =	vmax.f32 v1, $0.0e+00;
	v58 =	vmul.f32 v55, v48;
	[tilespmem:s12+$0x60] =	vst v3;
	v59 =	vadd.f32 v56, v0  }
0xd4: {  	v1 =	vmul.f32 v1, v50;
	[tilespmem:s12+$0x50] =	vst v2;
	v60 =	vmax.f32 v57, $0.0e+00;
	v61 =	vadd.f32 v6, v0  }
0xd5: {  	[tilespmem:s12+$0x40] =	vst v58;
	v2 =	vmul.f32 v60, v52;
	v62 =	vmax.f32 v59, $0.0e+00  }
0xd6: {  	[tilespmem:s12+$0x30] =	vst v1;
	v0 =	vmax.f32 v61, $0.0e+00;
	v63 =	vmul.f32 v62, v54  }
0xd7: {  	[tilespmem:s12+$0x20] =	vst v2;
	v0 =	vmul.f32 v0, v8  }
0xd8: {  	[tilespmem:s12+$0x10] =	vst v63  }
0xd9: {  	s2 =	rddreg [dreg:$0xd];
	[tilespmem:s12+$0x0] =	vst v0;
	s12 =	simm.s32 $0x0  }
0xda: {  	[hbm4b:s2+s12] =	stream.linear.scatter [tilespmem:s12], [sflag:$0x11], $0x2800, $0x38;
	[tilespmem:$0x132A0] =	vst v63  }
0xdb: {  	_ =	swait.ge [sflag:s19], $0x2800  }
0xdc: {  	[sflag:s19] =	ssyncset.done $0x0  }
0xdd: {  	[sflag:s19] =	ssyncadd.s32 $0xFFFFD800  }
0xde: {  	[bflag:$0x0] =	sbarrier.arrive $0xFFFF  }
0xdf: {  	[tilespmem:s25], [sflag:$0x1] =	stream.indirect.gather [hbm4b:s15+s24], $0x10, s22, s24, $0xb8;
	[tilespmem:$0x132A0] =	vst v63  }
0xe0: {  	s16 =	simm.s32 $0x7D90;
	s13 =	simm.s32 $0xD4E0  }
0xe1: {  	[tilespmem:s13], [sflag:$0x2] =	stream.indirect.gather [hbm4b:s15+s24], $0x10, s16, s24, $0xb8;
	[tilespmem:$0x132A0] =	vst v63  }
0xe2: {  	s17 =	simm.s32 $0x7E10  }
0xe3: {  	[tilespmem:s30], [sflag:$0x3] =	stream.indirect.gather [hbm4b:s15+s24], $0x10, s17, s24, $0xb8;
	[tilespmem:$0x132A0] =	vst v63  }
0xe4: {  	s29 =	simm.s32 $0xE480;
	s22 =	simm.s32 $0x7E90  }
0xe5: {  	[tilespmem:s29], [sflag:$0x4] =	stream.indirect.gather [hbm4b:s15+s24], $0x10, s22, s24, $0xb8;
	[tilespmem:$0x132A0] =	vst v63  }
0xe6: {  	s14 =	simm.s32 $0x7F10  }
0xe7: {  	[tilespmem:s20], [sflag:$0x5] =	stream.indirect.gather [hbm4b:s15+s24], $0x10, s14, s24, $0xb8;
	[tilespmem:$0x132A0] =	vst v63  }
0xe8: {  	s16 =	simm.s32 $0x7F90;
	s17 =	simm.s32 $0xF420  }
0xe9: {  	[tilespmem:s17], [sflag:$0x6] =	stream.indirect.gather [hbm4b:s15+s24], $0x10, s16, s24, $0xb8;
	[tilespmem:$0x132A0] =	vst v63  }
0xea: {  	s22 =	simm.s32 $0x8010  }
0xeb: {  	[tilespmem:s28], [sflag:$0x7] =	stream.indirect.gather [hbm4b:s15+s24], $0x10, s22, s24, $0xb8;
	[tilespmem:$0x132A0] =	vst v63  }
0xec: {  	s29 =	simm.s32 $0x8090  }
0xed: {  	[tilespmem:s31], [sflag:$0x8] =	stream.indirect.gather [hbm4b:s15+s24], $0x10, s29, s24, $0xb8;
	[tilespmem:$0x132A0] =	vst v63  }
.LBB2_4:
0xee: {  	_ =	swait.ge [sflag:s0], $0x7D0  }
0xef: {  	s13 =	sshra.s32 s12, $0x2;
	[sflag:s0] =	ssyncset.done $0x0  }
0xf0: {  	p0 =	seq.s32 s12, $0x9000;
	s14 =	sadd.s32 $0xA510, s13;
	[sflag:s0] =	ssyncadd.s32 $0xFFFFF830  }
0xf1: {  	[spmem:s3] =	stream.indirect.scatter.add.f32 [tilespmem:s25], [sflag:$0x9], $0x10, s14, s24, $0xb8;
	[tilespmem:$0x132A0] =	vst v63  }
0xf2: {  	s14 =	simm.s32 @p0 $0x2  }
0xf3: {  	_ =	swait.ge @p0 [sflag:s14], $0x7D0  }
0xf4: {  	s17 =	sshra.s32 @p0 s12, $0x2;
	s22 =	simm.s32 @p0 $0x7D;
	[sflag:s14] =	ssyncset.done @p0 $0x0  }
0xf5: {  	s16 =	simm.s32 @p0 $0xD4E0;
	[sflag:s14] =	ssyncadd.s32 @p0 $0xFFFFF830;
	s14 =	sadd.s32 @p0 $0xA590, s17  }
0xf6: {  	[spmem:s3] =	stream.indirect.scatter.add.f32 @p0 [tilespmem:s16], [sflag:$0xA], $0x10, s14, s22, $0xb8;
	[tilespmem:$0x132A0] =	vst v63  }
0xf7: {  	s14 =	simm.s32 @!p0 $0x9  }
0xf8: {  	_ =	swait.ge @!p0 [sflag:s14], $0x7D0  }
0xf9: {  	[sflag:s14] =	ssyncset.done @!p0 $0x0  }
0xfa: {  	[sflag:s14] =	ssyncadd.s32 @!p0 $0xFFFFF830;
	s14 =	sshra.s32 @!p0 s12, $0x2  }
0xfb: {  	s2 =	simm.s32 @!p0 $0xCD10;
	s16 =	simm.s32 @!p0 $0x7D;
	s29 =	sadd.s32 @!p0 $0x8110, s14  }
0xfc: {  	[tilespmem:s2], [sflag:$0x1] =	stream.indirect.gather @!p0 [hbm4b:s15+s16], $0x10, s29, s16, $0xb8;
	[tilespmem:$0x132A0] =	vst v63  }
0xfd: {  	s2 =	simm.s32 @!p0 $0x2  }
0xfe: {  	_ =	swait.ge @!p0 [sflag:s2], $0x7D0  }
0xff: {  	[sflag:s2] =	ssyncset.done @!p0 $0x0  }
0x100: {  	s29 =	simm.s32 @!p0 $0xD4E0;
	[sflag:s2] =	ssyncadd.s32 @!p0 $0xFFFFF830;
	s2 =	sadd.s32 @!p0 $0xA590, s14  }
0x101: {  	[spmem:s3] =	stream.indirect.scatter.add.f32 @!p0 [tilespmem:s29], [sflag:$0xA], $0x10, s2, s16, $0xb8;
	[tilespmem:$0x132A0] =	vst v63  }
0x102: {  	s2 =	simm.s32 @!p0 $0xA  }
0x103: {  	_ =	swait.ge @!p0 [sflag:s2], $0x7D0  }
0x104: {  	[sflag:s2] =	ssyncset.done @!p0 $0x0  }
0x105: {  	[sflag:s2] =	ssyncadd.s32 @!p0 $0xFFFFF830;
	s2 =	sadd.s32 @!p0 $0x8190, s14  }
0x106: {  	[tilespmem:s29], [sflag:$0x2] =	stream.indirect.gather @!p0 [hbm4b:s15+s16], $0x10, s2, s16, $0xb8;
	[tilespmem:$0x132A0] =	vst v63  }
0x107: {  	_ =	swait.ge [sflag:s1], $0x7D0  }
0x108: {  	[sflag:s1] =	ssyncset.done $0x0  }
0x109: {  	s29 =	sadd.s32 $0xA610, s13;
	s2 =	simm.s32 @p0 $0x4;
	[sflag:s1] =	ssyncadd.s32 $0xFFFFF830  }
0x10a: {  	[spmem:s3] =	stream.indirect.scatter.add.f32 [tilespmem:s30], [sflag:$0xB], $0x10, s29, s24, $0xb8;
	[tilespmem:$0x132A0] =	vst v63  }
0x10b: {  	_ =	swait.ge @p0 [sflag:s2], $0x7D0  }
0x10c: {  	[sflag:s2] =	ssyncset.done @p0 $0x0  }
0x10d: {  	s29 =	simm.s32 @p0 $0xE480;
	[sflag:s2] =	ssyncadd.s32 @p0 $0xFFFFF830;
	s2 =	sadd.s32 @p0 $0xA690, s17  }
0x10e: {  	[spmem:s3] =	stream.indirect.scatter.add.f32 @p0 [tilespmem:s29], [sflag:$0xC], $0x10, s2, s22, $0xb8;
	[tilespmem:$0x132A0] =	vst v63  }
0x10f: {  	s2 =	simm.s32 @!p0 $0xB  }
0x110: {  	_ =	swait.ge @!p0 [sflag:s2], $0x7D0  }
0x111: {  	[sflag:s2] =	ssyncset.done @!p0 $0x0  }
0x112: {  	s29 =	simm.s32 @!p0 $0xDCB0;
	[sflag:s2] =	ssyncadd.s32 @!p0 $0xFFFFF830;
	s2 =	sadd.s32 @!p0 $0x8210, s14  }
0x113: {  	[tilespmem:s29], [sflag:$0x3] =	stream.indirect.gather @!p0 [hbm4b:s15+s16], $0x10, s2, s16, $0xb8;
	[tilespmem:$0x132A0] =	vst v63  }
0x114: {  	s2 =	simm.s32 @!p0 $0x4  }
0x115: {  	_ =	swait.ge @!p0 [sflag:s2], $0x7D0  }
0x116: {  	[sflag:s2] =	ssyncset.done @!p0 $0x0  }
0x117: {  	s29 =	simm.s32 @!p0 $0xE480;
	[sflag:s2] =	ssyncadd.s32 @!p0 $0xFFFFF830;
	s2 =	sadd.s32 @!p0 $0xA690, s14  }
0x118: {  	[spmem:s3] =	stream.indirect.scatter.add.f32 @!p0 [tilespmem:s29], [sflag:$0xC], $0x10, s2, s16, $0xb8;
	[tilespmem:$0x132A0] =	vst v63  }
0x119: {  	s2 =	simm.s32 @!p0 $0xC  }
0x11a: {  	_ =	swait.ge @!p0 [sflag:s2], $0x7D0  }
0x11b: {  	[sflag:s2] =	ssyncset.done @!p0 $0x0  }
0x11c: {  	[sflag:s2] =	ssyncadd.s32 @!p0 $0xFFFFF830;
	s2 =	sadd.s32 @!p0 $0x8290, s14  }
0x11d: {  	[tilespmem:s29], [sflag:$0x4] =	stream.indirect.gather @!p0 [hbm4b:s15+s16], $0x10, s2, s16, $0xb8;
	[tilespmem:$0x132A0] =	vst v63  }
0x11e: {  	_ =	swait.ge [sflag:s21], $0x7D0  }
0x11f: {  	[sflag:s21] =	ssyncset.done $0x0  }
0x120: {  	s29 =	sadd.s32 $0xA710, s13;
	s2 =	simm.s32 @p0 $0x6;
	[sflag:s21] =	ssyncadd.s32 $0xFFFFF830  }
0x121: {  	[spmem:s3] =	stream.indirect.scatter.add.f32 [tilespmem:s20], [sflag:$0xD], $0x10, s29, s24, $0xb8;
	[tilespmem:$0x132A0] =	vst v63  }
0x122: {  	_ =	swait.ge @p0 [sflag:s2], $0x7D0  }
0x123: {  	[sflag:s2] =	ssyncset.done @p0 $0x0  }
0x124: {  	[sflag:s2] =	ssyncadd.s32 @p0 $0xFFFFF830;
	s2 =	sadd.s32 @p0 $0xA790, s17;
	s17 =	simm.s32 @p0 $0xF420  }
0x125: {  	[spmem:s3] =	stream.indirect.scatter.add.f32 @p0 [tilespmem:s17], [sflag:$0xE], $0x10, s2, s22, $0xb8;
	[tilespmem:$0x132A0] =	vst v63  }
0x126: {  	s2 =	simm.s32 @!p0 $0xD  }
0x127: {  	_ =	swait.ge @!p0 [sflag:s2], $0x7D0  }
0x128: {  	[sflag:s2] =	ssyncset.done @!p0 $0x0  }
0x129: {  	s17 =	simm.s32 @!p0 $0xEC50;
	[sflag:s2] =	ssyncadd.s32 @!p0 $0xFFFFF830;
	s2 =	sadd.s32 @!p0 $0x8310, s14  }
0x12a: {  	[tilespmem:s17], [sflag:$0x5] =	stream.indirect.gather @!p0 [hbm4b:s15+s16], $0x10, s2, s16, $0xb8;
	[tilespmem:$0x132A0] =	vst v63  }
0x12b: {  	s2 =	simm.s32 @!p0 $0x6  }
0x12c: {  	_ =	swait.ge @!p0 [sflag:s2], $0x7D0  }
0x12d: {  	[sflag:s2] =	ssyncset.done @!p0 $0x0  }
0x12e: {  	s17 =	simm.s32 @!p0 $0xF420;
	[sflag:s2] =	ssyncadd.s32 @!p0 $0xFFFFF830;
	s2 =	sadd.s32 @!p0 $0xA790, s14  }
0x12f: {  	[spmem:s3] =	stream.indirect.scatter.add.f32 @!p0 [tilespmem:s17], [sflag:$0xE], $0x10, s2, s16, $0xb8;
	[tilespmem:$0x132A0] =	vst v63  }
0x130: {  	s2 =	simm.s32 @!p0 $0xE  }
0x131: {  	_ =	swait.ge @!p0 [sflag:s2], $0x7D0  }
0x132: {  	[sflag:s2] =	ssyncset.done @!p0 $0x0  }
0x133: {  	[sflag:s2] =	ssyncadd.s32 @!p0 $0xFFFFF830;
	s2 =	sadd.s32 @!p0 $0x8390, s14  }
0x134: {  	[tilespmem:s17], [sflag:$0x6] =	stream.indirect.gather @!p0 [hbm4b:s15+s16], $0x10, s2, s16, $0xb8;
	[tilespmem:$0x132A0] =	vst v63  }
.Ltmp1:
0x135: {  	_ = 	snop;
	(pc) =	sbr.rel @p0 .LBB2_6-.Ltmp1, $4  }
0x136: {  	_ =	swait.ge [sflag:s23], $0x7D0  }
0x137: {  	[sflag:s23] =	ssyncset.done $0x0  }
0x138: {  	s29 =	sadd.s32 $0xA810, s13;
	s14 =	sadd.s32 $0xA890, s13;
	[sflag:s23] =	ssyncadd.s32 $0xFFFFF830  }
0x139: {  	[spmem:s3] =	stream.indirect.scatter.add.f32 [tilespmem:s28], [sflag:$0xF], $0x10, s29, s24, $0xb8;
	[tilespmem:$0x132A0] =	vst v63  }
0x13a: {  	_ =	swait.ge [sflag:s9], $0x7D0  }
0x13b: {  	[sflag:s9] =	ssyncset.done $0x0  }
0x13c: {  	s2 =	sadd.s32 $0x8410, s13;
	[sflag:s9] =	ssyncadd.s32 $0xFFFFF830  }
0x13d: {  	[tilespmem:s28], [sflag:$0x7] =	stream.indirect.gather [hbm4b:s15+s24], $0x10, s2, s24, $0xb8;
	[tilespmem:$0x132A0] =	vst v63  }
0x13e: {  	_ =	swait.ge [sflag:s26], $0x7D0  }
0x13f: {  	[sflag:s26] =	ssyncset.done $0x0  }
0x140: {  	[sflag:s26] =	ssyncadd.s32 $0xFFFFF830  }
0x141: {  	[spmem:s3] =	stream.indirect.scatter.add.f32 [tilespmem:s31], [sflag:$0x10], $0x10, s14, s24, $0xb8;
	[tilespmem:$0x132A0] =	vst v63  }
.Ltmp2:
0x142: {  	_ = 	snop;
	(pc) =	sbr.rel .LBB2_4-.Ltmp2, $4  }
0x143: {  	_ =	swait.ge [sflag:s10], $0x7D0  }
0x144: {  	[sflag:s10] =	ssyncset.done $0x0  }
0x145: {  	s29 =	sadd.s32 $0x8490, s13;
	s12 =	sadd.s32 $0x1000, s12;
	[sflag:s10] =	ssyncadd.s32 $0xFFFFF830  }
0x146: {  	[tilespmem:s31], [sflag:$0x8] =	stream.indirect.gather [hbm4b:s15+s24], $0x10, s29, s24, $0xb8;
	[tilespmem:$0x132A0] =	vst v63  }
.LBB2_6:
0x147: {  	_ =	swait.ge [sflag:s26], $0x7D0  }
0x148: {  	[sflag:s26] =	ssyncset.done $0x0  }
0x149: {  	s2 =	simm.s32 $0x9;
	[sflag:s26] =	ssyncadd.s32 $0xFFFFF830  }
0x14a: {  	[spmem:s3] =	stream.indirect.scatter.add.f32 [tilespmem:s31], [sflag:$0x10], $0x10, s14, s24, $0xb8;
	[tilespmem:$0x132A0] =	vst v63  }
0x14b: {  	_ =	swait.ge [sflag:s2], $0x7D0  }
0x14c: {  	[sflag:s2] =	ssyncset.done $0x0  }
0x14d: {  	s22 =	simm.s32 $0xA;
	[sflag:s2] =	ssyncadd.s32 $0xFFFFF830  }
0x14e: {  	_ =	swait.ge [sflag:s22], $0x7D0  }
0x14f: {  	[sflag:s22] =	ssyncset.done $0x0  }
0x150: {  	[sflag:s22] =	ssyncadd.s32 $0xFFFFF830  }
0x151: {  	_ =	swait.ge [sflag:s18], $0x7D0  }
0x152: {  	[sflag:s18] =	ssyncset.done $0x0  }
0x153: {  	[sflag:s18] =	ssyncadd.s32 $0xFFFFF830  }
0x154: {  	_ =	swait.ge [sflag:s5], $0x7D0  }
0x155: {  	[sflag:s5] =	ssyncset.done $0x0  }
0x156: {  	[sflag:s5] =	ssyncadd.s32 $0xFFFFF830  }
0x157: {  	_ =	swait.ge [sflag:s6], $0x7D0  }
0x158: {  	[sflag:s6] =	ssyncset.done $0x0  }
0x159: {  	[sflag:s6] =	ssyncadd.s32 $0xFFFFF830  }
0x15a: {  	_ =	swait.ge [sflag:s8], $0x7D0  }
0x15b: {  	[sflag:s8] =	ssyncset.done $0x0  }
0x15c: {  	[sflag:s8] =	ssyncadd.s32 $0xFFFFF830  }
0x15d: {  	_ =	swait.ge [sflag:s9], $0x7D0  }
0x15e: {  	[sflag:s9] =	ssyncset.done $0x0  }
0x15f: {  	[sflag:s9] =	ssyncadd.s32 $0xFFFFF830  }
0x160: {  	_ =	swait.ge [sflag:s10], $0x7D0  }
0x161: {  	[sflag:s10] =	ssyncset.done $0x0  }
0x162: {  	[sflag:s10] =	ssyncadd.s32 $0xFFFFF830  }
0x163: {  	s17 =	simm.s32 $0x5000;
	[bflag:$0x0] =	sbarrier.arrive $0xFFFF  }
0x164: {  	[tilespmem:s17], [sflag:$0x11] =	stream.linear.gather [spmem:s7], $0x2800, $0x38;
	[tilespmem:$0x132A0] =	vst v63  }
0x165: {  	_ =	swait.ge [sflag:s19], $0x2800  }
0x166: {  	[sflag:s19] =	ssyncset.done $0x0  }
0x167: {  	s29 =	simm.s32 $0x0;
	[sflag:s19] =	ssyncadd.s32 $0xFFFFD800  }
0x168: {  	v0 =	vld [tilespmem:s29+$0x7A80]  }
0x169: {  	v1 =	vld [tilespmem:s29+$0x7800];
	_ =	sdelay $0x4  }
0x16a: {  	v0 =	vadd.f32 v0, v1;
	_ =	sdelay $0x1  }
0x16b: {  	v0 =	vadd.f32 $1.000000000e+00, v0;
	_ =	sdelay $0x1  }
0x16c: {  	v1 =	vshra.s32 v0, $0x1;
	v0 =	vmul.f32 $5.000000000e-01, v0  }
0x16d: {  	v1 =	vsub.s32 $0x5F3759DF, v1  }
0x16e: {  	v2 =	vmul.f32 v1, v0;
	_ =	sdelay $0x1  }
0x16f: {  	v2 =	vmul.f32 v1, v2;
	_ =	sdelay $0x1  }
0x170: {  	v2 =	vsub.f32 $1.500000000e+00, v2;
	_ =	sdelay $0x1  }
0x171: {  	v1 =	vmul.f32 v1, v2;
	_ =	sdelay $0x1  }
0x172: {  	v2 =	vmul.f32 v1, v0;
	_ =	sdelay $0x1  }
0x173: {  	v2 =	vmul.f32 v2, v1;
	_ =	sdelay $0x1  }
0x174: {  	v2 =	vsub.f32 $1.500000000e+00, v2;
	_ =	sdelay $0x1  }
0x175: {  	v1 =	vmul.f32 v2, v1;
	_ =	sdelay $0x1  }
0x176: {  	s13 =	simm.s32 $0x80;
	v0 =	vmul.f32 v1, v0  }
0x177: {  	v2 =	vld [tilespmem:s13+$0xFFFFFF80]  }
0x178: {  	s12 =	simm.s32 $0x5080;
	v0 =	vmul.f32 v0, v1  }
0x179: {  	v3 =	vld [tilespmem:s12+$0xFFFFFF80]  }
0x17a: {  	v0 =	vsub.f32 $1.500000000e+00, v0;
	_ =	sdelay $0x1  }
0x17b: {  	v0 =	vmul.f32 v0, v1;
	v1 =	vmul.f32 $5.000000000e-01, v2;
	_ =	sdelay $0x1  }
0x17c: {  	v1 =	vadd.f32 v1, v3;
	v2 =	vbroadcast v0, $0x0;
	_ =	sdelay $0x1  }
0x17d: {  	v1 =	vmul.f32 v2, v1;
	_ =	sdelay $0x1  }
0x17e: {  	[tilespmem:s12+$0xFFFFFF80] =	vst v1  }
0x17f: {  	v1 =	vld [tilespmem:s13+$0xFFFFFF90];
	_ =	sdelay $0x1  }
0x180: {  	v2 =	vld [tilespmem:s12+$0xFFFFFF90];
	_ =	sdelay $0x2  }
0x181: {  	v1 =	vmul.f32 $5.000000000e-01, v1;
	_ =	sdelay $0x1  }
0x182: {  	v1 =	vadd.f32 v1, v2;
	v2 =	vbroadcast v0, $0x1;
	_ =	sdelay $0x1  }
0x183: {  	v1 =	vmul.f32 v2, v1;
	_ =	sdelay $0x1  }
0x184: {  	[tilespmem:s12+$0xFFFFFF90] =	vst v1  }
0x185: {  	v1 =	vld [tilespmem:s13+$0xFFFFFFA0];
	_ =	sdelay $0x1  }
0x186: {  	v2 =	vld [tilespmem:s12+$0xFFFFFFA0];
	_ =	sdelay $0x2  }
0x187: {  	v1 =	vmul.f32 $5.000000000e-01, v1;
	_ =	sdelay $0x1  }
0x188: {  	v1 =	vadd.f32 v1, v2;
	v2 =	vbroadcast v0, $0x2;
	_ =	sdelay $0x1  }
0x189: {  	v1 =	vmul.f32 v2, v1;
	_ =	sdelay $0x1  }
0x18a: {  	[tilespmem:s12+$0xFFFFFFA0] =	vst v1  }
0x18b: {  	v1 =	vld [tilespmem:s13+$0xFFFFFFB0];
	_ =	sdelay $0x1  }
0x18c: {  	v2 =	vld [tilespmem:s12+$0xFFFFFFB0];
	_ =	sdelay $0x2  }
0x18d: {  	v1 =	vmul.f32 $5.000000000e-01, v1;
	_ =	sdelay $0x1  }
0x18e: {  	v1 =	vadd.f32 v1, v2;
	v2 =	vbroadcast v0, $0x3;
	_ =	sdelay $0x1  }
0x18f: {  	v1 =	vmul.f32 v2, v1;
	_ =	sdelay $0x1  }
0x190: {  	[tilespmem:s12+$0xFFFFFFB0] =	vst v1  }
0x191: {  	v1 =	vld [tilespmem:s13+$0xFFFFFFC0];
	_ =	sdelay $0x1  }
0x192: {  	v2 =	vld [tilespmem:s12+$0xFFFFFFC0];
	_ =	sdelay $0x2  }
0x193: {  	v1 =	vmul.f32 $5.000000000e-01, v1;
	_ =	sdelay $0x1  }
0x194: {  	v1 =	vadd.f32 v1, v2;
	v2 =	vbroadcast v0, $0x4;
	_ =	sdelay $0x1  }
0x195: {  	v1 =	vmul.f32 v2, v1;
	_ =	sdelay $0x1  }
0x196: {  	[tilespmem:s12+$0xFFFFFFC0] =	vst v1  }
0x197: {  	v1 =	vld [tilespmem:s13+$0xFFFFFFD0];
	_ =	sdelay $0x1  }
0x198: {  	v2 =	vld [tilespmem:s12+$0xFFFFFFD0];
	_ =	sdelay $0x2  }
0x199: {  	v1 =	vmul.f32 $5.000000000e-01, v1;
	_ =	sdelay $0x1  }
0x19a: {  	v1 =	vadd.f32 v1, v2;
	v2 =	vbroadcast v0, $0x5;
	_ =	sdelay $0x1  }
0x19b: {  	v1 =	vmul.f32 v2, v1;
	_ =	sdelay $0x1  }
0x19c: {  	[tilespmem:s12+$0xFFFFFFD0] =	vst v1  }
0x19d: {  	v1 =	vld [tilespmem:s13+$0xFFFFFFE0];
	_ =	sdelay $0x1  }
0x19e: {  	v2 =	vld [tilespmem:s12+$0xFFFFFFE0];
	_ =	sdelay $0x2  }
0x19f: {  	v1 =	vmul.f32 $5.000000000e-01, v1;
	_ =	sdelay $0x1  }
0x1a0: {  	v1 =	vadd.f32 v1, v2;
	v2 =	vbroadcast v0, $0x6;
	_ =	sdelay $0x1  }
0x1a1: {  	v1 =	vmul.f32 v1, v2;
	_ =	sdelay $0x1  }
0x1a2: {  	[tilespmem:s12+$0xFFFFFFE0] =	vst v1  }
0x1a3: {  	v1 =	vld [tilespmem:s13+$0xFFFFFFF0];
	_ =	sdelay $0x1  }
0x1a4: {  	v2 =	vld [tilespmem:s12+$0xFFFFFFF0];
	_ =	sdelay $0x2  }
0x1a5: {  	v1 =	vmul.f32 $5.000000000e-01, v1;
	_ =	sdelay $0x1  }
0x1a6: {  	v1 =	vadd.f32 v1, v2;
	v2 =	vbroadcast v0, $0x7;
	_ =	sdelay $0x1  }
0x1a7: {  	v1 =	vmul.f32 v1, v2;
	_ =	sdelay $0x1  }
0x1a8: {  	[tilespmem:s12+$0xFFFFFFF0] =	vst v1  }
0x1a9: {  	v1 =	vld [tilespmem:s13+$0x0];
	_ =	sdelay $0x1  }
0x1aa: {  	v2 =	vld [tilespmem:s12+$0x0];
	_ =	sdelay $0x2  }
0x1ab: {  	v1 =	vmul.f32 $5.000000000e-01, v1;
	_ =	sdelay $0x1  }
0x1ac: {  	v1 =	vadd.f32 v1, v2;
	v2 =	vbroadcast v0, $0x8;
	_ =	sdelay $0x1  }
0x1ad: {  	v1 =	vmul.f32 v1, v2;
	_ =	sdelay $0x1  }
0x1ae: {  	[tilespmem:s12+$0x0] =	vst v1  }
0x1af: {  	v1 =	vld [tilespmem:s13+$0x10];
	_ =	sdelay $0x1  }
0x1b0: {  	v2 =	vld [tilespmem:s12+$0x10];
	_ =	sdelay $0x2  }
0x1b1: {  	v1 =	vmul.f32 $5.000000000e-01, v1;
	_ =	sdelay $0x1  }
0x1b2: {  	v1 =	vadd.f32 v1, v2;
	v2 =	vbroadcast v0, $0x9;
	_ =	sdelay $0x1  }
0x1b3: {  	v1 =	vmul.f32 v1, v2;
	_ =	sdelay $0x1  }
0x1b4: {  	[tilespmem:s12+$0x10] =	vst v1  }
0x1b5: {  	v1 =	vld [tilespmem:s13+$0x20];
	_ =	sdelay $0x1  }
0x1b6: {  	v2 =	vld [tilespmem:s12+$0x20];
	_ =	sdelay $0x2  }
0x1b7: {  	v1 =	vmul.f32 $5.000000000e-01, v1;
	_ =	sdelay $0x1  }
0x1b8: {  	v1 =	vadd.f32 v1, v2;
	v2 =	vbroadcast v0, $0xA;
	_ =	sdelay $0x1  }
0x1b9: {  	v1 =	vmul.f32 v1, v2;
	_ =	sdelay $0x1  }
0x1ba: {  	[tilespmem:s12+$0x20] =	vst v1  }
0x1bb: {  	v1 =	vld [tilespmem:s13+$0x30];
	_ =	sdelay $0x1  }
0x1bc: {  	v2 =	vld [tilespmem:s12+$0x30];
	_ =	sdelay $0x2  }
0x1bd: {  	v1 =	vmul.f32 $5.000000000e-01, v1;
	_ =	sdelay $0x1  }
0x1be: {  	v1 =	vadd.f32 v1, v2;
	v2 =	vbroadcast v0, $0xB;
	_ =	sdelay $0x1  }
0x1bf: {  	v1 =	vmul.f32 v1, v2;
	_ =	sdelay $0x1  }
0x1c0: {  	[tilespmem:s12+$0x30] =	vst v1  }
0x1c1: {  	v1 =	vld [tilespmem:s13+$0x40];
	_ =	sdelay $0x1  }
0x1c2: {  	v2 =	vld [tilespmem:s12+$0x40];
	_ =	sdelay $0x2  }
0x1c3: {  	v1 =	vmul.f32 $5.000000000e-01, v1;
	_ =	sdelay $0x1  }
0x1c4: {  	v1 =	vadd.f32 v1, v2;
	v2 =	vbroadcast v0, $0xC;
	_ =	sdelay $0x1  }
0x1c5: {  	v1 =	vmul.f32 v1, v2;
	_ =	sdelay $0x1  }
0x1c6: {  	[tilespmem:s12+$0x40] =	vst v1  }
0x1c7: {  	v1 =	vld [tilespmem:s13+$0x50];
	_ =	sdelay $0x1  }
0x1c8: {  	v2 =	vld [tilespmem:s12+$0x50];
	_ =	sdelay $0x2  }
0x1c9: {  	v1 =	vmul.f32 $5.000000000e-01, v1;
	_ =	sdelay $0x1  }
0x1ca: {  	v1 =	vadd.f32 v1, v2;
	v2 =	vbroadcast v0, $0xD;
	_ =	sdelay $0x1  }
0x1cb: {  	v1 =	vmul.f32 v1, v2;
	_ =	sdelay $0x1  }
0x1cc: {  	[tilespmem:s12+$0x50] =	vst v1  }
0x1cd: {  	v1 =	vld [tilespmem:s13+$0x60];
	_ =	sdelay $0x1  }
0x1ce: {  	v2 =	vld [tilespmem:s12+$0x60];
	_ =	sdelay $0x2  }
0x1cf: {  	v1 =	vmul.f32 $5.000000000e-01, v1;
	_ =	sdelay $0x1  }
0x1d0: {  	v3 =	vbroadcast v0, $0xE;
	v1 =	vadd.f32 v1, v2;
	_ =	sdelay $0x1  }
0x1d1: {  	v1 =	vmul.f32 v1, v3;
	_ =	sdelay $0x1  }
0x1d2: {  	[tilespmem:s12+$0x60] =	vst v1  }
0x1d3: {  	v1 =	vld [tilespmem:s13+$0x70];
	_ =	sdelay $0x1  }
0x1d4: {  	v2 =	vld [tilespmem:s12+$0x70];
	_ =	sdelay $0x2  }
0x1d5: {  	v1 =	vmul.f32 $5.000000000e-01, v1;
	_ =	sdelay $0x1  }
0x1d6: {  	v0 =	vbroadcast v0, $0xF;
	v1 =	vadd.f32 v1, v2;
	_ =	sdelay $0x1  }
0x1d7: {  	v0 =	vmul.f32 v1, v0;
	_ =	sdelay $0x1  }
0x1d8: {  	s16 =	simm.s32 $0x10;
	[tilespmem:s12+$0x70] =	vst v0  }
0x1d9: {  	s14 =	simm.s32 $0x80;
	v0 =	vld [tilespmem:s16+$0x7A80]  }
.LBB2_7:
0x1da: {  	p0 =	sne.s32 s14, $0x9C0;
	v1 =	vld [tilespmem:s16+$0x7800];
	s13 =	sadd.s32 $0x100, s13  }
0x1db: {  	v3 =	vld [tilespmem:s13+$0xFFFFFF80];
	_ =	sdelay $0x3  }
0x1dc: {  	v0 =	vadd.f32 v0, v1;
	_ =	sdelay $0x1  }
0x1dd: {  	v0 =	vadd.f32 $1.000000000e+00, v0;
	_ =	sdelay $0x1  }
0x1de: {  	v1 =	vshra.s32 v0, $0x1;
	v0 =	vmul.f32 $5.000000000e-01, v0  }
0x1df: {  	v1 =	vsub.s32 $0x5F3759DF, v1  }
0x1e0: {  	v2 =	vmul.f32 v1, v0;
	_ =	sdelay $0x1  }
0x1e1: {  	v2 =	vmul.f32 v1, v2;
	_ =	sdelay $0x1  }
0x1e2: {  	v2 =	vsub.f32 $1.500000000e+00, v2;
	_ =	sdelay $0x1  }
0x1e3: {  	v1 =	vmul.f32 v1, v2;
	_ =	sdelay $0x1  }
0x1e4: {  	v2 =	vmul.f32 v1, v0;
	_ =	sdelay $0x1  }
0x1e5: {  	v2 =	vmul.f32 v2, v1;
	_ =	sdelay $0x1  }
0x1e6: {  	v2 =	vsub.f32 $1.500000000e+00, v2;
	_ =	sdelay $0x1  }
0x1e7: {  	v1 =	vmul.f32 v2, v1;
	_ =	sdelay $0x1  }
0x1e8: {  	v0 =	vmul.f32 v1, v0;
	_ =	sdelay $0x1  }
0x1e9: {  	s12 =	sadd.s32 $0x100, s12;
	v0 =	vmul.f32 v0, v1  }
0x1ea: {  	v4 =	vld [tilespmem:s12+$0xFFFFFF80]  }
0x1eb: {  	v0 =	vsub.f32 $1.500000000e+00, v0;
	_ =	sdelay $0x1  }
0x1ec: {  	v2 =	vmul.f32 v0, v1;
	v0 =	vmul.f32 $5.000000000e-01, v3;
	_ =	sdelay $0x1  }
0x1ed: {  	v3 =	vadd.f32 v0, v4;
	v4 =	vbroadcast v2, $0x0;
	v1 =	vbroadcast v2, $0xE  }
0x1ee: {  	v0 =	vbroadcast v2, $0xF  }
0x1ef: {  	v3 =	vmul.f32 v4, v3;
	_ =	sdelay $0x1  }
0x1f0: {  	[tilespmem:s12+$0xFFFFFF80] =	vst v3  }
0x1f1: {  	v3 =	vld [tilespmem:s13+$0xFFFFFF90];
	_ =	sdelay $0x1  }
0x1f2: {  	v4 =	vld [tilespmem:s12+$0xFFFFFF90];
	_ =	sdelay $0x2  }
0x1f3: {  	v3 =	vmul.f32 $5.000000000e-01, v3;
	_ =	sdelay $0x1  }
0x1f4: {  	v3 =	vadd.f32 v3, v4;
	v4 =	vbroadcast v2, $0x1;
	_ =	sdelay $0x1  }
0x1f5: {  	v3 =	vmul.f32 v4, v3;
	_ =	sdelay $0x1  }
0x1f6: {  	[tilespmem:s12+$0xFFFFFF90] =	vst v3  }
0x1f7: {  	v3 =	vld [tilespmem:s13+$0xFFFFFFA0];
	_ =	sdelay $0x1  }
0x1f8: {  	v4 =	vld [tilespmem:s12+$0xFFFFFFA0];
	_ =	sdelay $0x2  }
0x1f9: {  	v3 =	vmul.f32 $5.000000000e-01, v3;
	_ =	sdelay $0x1  }
0x1fa: {  	v3 =	vadd.f32 v3, v4;
	v4 =	vbroadcast v2, $0x2;
	_ =	sdelay $0x1  }
0x1fb: {  	v3 =	vmul.f32 v4, v3;
	_ =	sdelay $0x1  }
0x1fc: {  	[tilespmem:s12+$0xFFFFFFA0] =	vst v3  }
0x1fd: {  	v3 =	vld [tilespmem:s13+$0xFFFFFFB0];
	_ =	sdelay $0x1  }
0x1fe: {  	v4 =	vld [tilespmem:s12+$0xFFFFFFB0];
	_ =	sdelay $0x2  }
0x1ff: {  	v3 =	vmul.f32 $5.000000000e-01, v3;
	_ =	sdelay $0x1  }
0x200: {  	v3 =	vadd.f32 v3, v4;
	v4 =	vbroadcast v2, $0x3;
	_ =	sdelay $0x1  }
0x201: {  	v3 =	vmul.f32 v4, v3;
	_ =	sdelay $0x1  }
0x202: {  	[tilespmem:s12+$0xFFFFFFB0] =	vst v3  }
0x203: {  	v3 =	vld [tilespmem:s13+$0xFFFFFFC0];
	_ =	sdelay $0x1  }
0x204: {  	v4 =	vld [tilespmem:s12+$0xFFFFFFC0];
	_ =	sdelay $0x2  }
0x205: {  	v3 =	vmul.f32 $5.000000000e-01, v3;
	_ =	sdelay $0x1  }
0x206: {  	v3 =	vadd.f32 v3, v4;
	v4 =	vbroadcast v2, $0x4;
	_ =	sdelay $0x1  }
0x207: {  	v3 =	vmul.f32 v4, v3;
	_ =	sdelay $0x1  }
0x208: {  	[tilespmem:s12+$0xFFFFFFC0] =	vst v3  }
0x209: {  	v3 =	vld [tilespmem:s13+$0xFFFFFFD0];
	_ =	sdelay $0x1  }
0x20a: {  	v4 =	vld [tilespmem:s12+$0xFFFFFFD0];
	_ =	sdelay $0x2  }
0x20b: {  	v3 =	vmul.f32 $5.000000000e-01, v3;
	_ =	sdelay $0x1  }
0x20c: {  	v3 =	vadd.f32 v3, v4;
	v4 =	vbroadcast v2, $0x5;
	_ =	sdelay $0x1  }
0x20d: {  	v3 =	vmul.f32 v4, v3;
	_ =	sdelay $0x1  }
0x20e: {  	[tilespmem:s12+$0xFFFFFFD0] =	vst v3  }
0x20f: {  	v3 =	vld [tilespmem:s13+$0xFFFFFFE0];
	_ =	sdelay $0x1  }
0x210: {  	v4 =	vld [tilespmem:s12+$0xFFFFFFE0];
	_ =	sdelay $0x2  }
0x211: {  	v3 =	vmul.f32 $5.000000000e-01, v3;
	_ =	sdelay $0x1  }
0x212: {  	v3 =	vadd.f32 v3, v4;
	v4 =	vbroadcast v2, $0x6;
	_ =	sdelay $0x1  }
0x213: {  	v3 =	vmul.f32 v3, v4;
	_ =	sdelay $0x1  }
0x214: {  	[tilespmem:s12+$0xFFFFFFE0] =	vst v3  }
0x215: {  	v3 =	vld [tilespmem:s13+$0xFFFFFFF0];
	_ =	sdelay $0x1  }
0x216: {  	v4 =	vld [tilespmem:s12+$0xFFFFFFF0];
	_ =	sdelay $0x2  }
0x217: {  	v3 =	vmul.f32 $5.000000000e-01, v3;
	_ =	sdelay $0x1  }
0x218: {  	v3 =	vadd.f32 v3, v4;
	v4 =	vbroadcast v2, $0x7;
	_ =	sdelay $0x1  }
0x219: {  	v3 =	vmul.f32 v3, v4;
	_ =	sdelay $0x1  }
0x21a: {  	[tilespmem:s12+$0xFFFFFFF0] =	vst v3  }
0x21b: {  	v3 =	vld [tilespmem:s13+$0x0];
	_ =	sdelay $0x1  }
0x21c: {  	v4 =	vld [tilespmem:s12+$0x0];
	_ =	sdelay $0x2  }
0x21d: {  	v3 =	vmul.f32 $5.000000000e-01, v3;
	_ =	sdelay $0x1  }
0x21e: {  	v3 =	vadd.f32 v3, v4;
	v4 =	vbroadcast v2, $0x8;
	_ =	sdelay $0x1  }
0x21f: {  	v3 =	vmul.f32 v3, v4;
	_ =	sdelay $0x1  }
0x220: {  	[tilespmem:s12+$0x0] =	vst v3  }
0x221: {  	v3 =	vld [tilespmem:s13+$0x10];
	_ =	sdelay $0x1  }
0x222: {  	v4 =	vld [tilespmem:s12+$0x10];
	_ =	sdelay $0x2  }
0x223: {  	v3 =	vmul.f32 $5.000000000e-01, v3;
	_ =	sdelay $0x1  }
0x224: {  	v3 =	vadd.f32 v3, v4;
	v4 =	vbroadcast v2, $0x9;
	_ =	sdelay $0x1  }
0x225: {  	v3 =	vmul.f32 v3, v4;
	_ =	sdelay $0x1  }
0x226: {  	[tilespmem:s12+$0x10] =	vst v3  }
0x227: {  	v3 =	vld [tilespmem:s13+$0x20];
	_ =	sdelay $0x1  }
0x228: {  	v4 =	vld [tilespmem:s12+$0x20];
	_ =	sdelay $0x2  }
0x229: {  	v3 =	vmul.f32 $5.000000000e-01, v3;
	_ =	sdelay $0x1  }
0x22a: {  	v3 =	vadd.f32 v3, v4;
	v4 =	vbroadcast v2, $0xA;
	_ =	sdelay $0x1  }
0x22b: {  	v3 =	vmul.f32 v3, v4;
	_ =	sdelay $0x1  }
0x22c: {  	[tilespmem:s12+$0x20] =	vst v3  }
0x22d: {  	v3 =	vld [tilespmem:s13+$0x30];
	_ =	sdelay $0x1  }
0x22e: {  	v4 =	vld [tilespmem:s12+$0x30];
	_ =	sdelay $0x2  }
0x22f: {  	v3 =	vmul.f32 $5.000000000e-01, v3;
	_ =	sdelay $0x1  }
0x230: {  	v3 =	vadd.f32 v3, v4;
	v4 =	vbroadcast v2, $0xB;
	_ =	sdelay $0x1  }
0x231: {  	v3 =	vmul.f32 v3, v4;
	_ =	sdelay $0x1  }
0x232: {  	[tilespmem:s12+$0x30] =	vst v3  }
0x233: {  	v3 =	vld [tilespmem:s13+$0x40];
	_ =	sdelay $0x1  }
0x234: {  	v4 =	vld [tilespmem:s12+$0x40];
	_ =	sdelay $0x2  }
0x235: {  	v3 =	vmul.f32 $5.000000000e-01, v3;
	_ =	sdelay $0x1  }
0x236: {  	v3 =	vadd.f32 v3, v4;
	v4 =	vbroadcast v2, $0xC;
	_ =	sdelay $0x1  }
0x237: {  	v3 =	vmul.f32 v3, v4;
	_ =	sdelay $0x1  }
0x238: {  	[tilespmem:s12+$0x40] =	vst v3  }
0x239: {  	v3 =	vld [tilespmem:s13+$0x50];
	_ =	sdelay $0x1  }
0x23a: {  	v4 =	vld [tilespmem:s12+$0x50];
	_ =	sdelay $0x2  }
0x23b: {  	v3 =	vmul.f32 $5.000000000e-01, v3;
	_ =	sdelay $0x1  }
0x23c: {  	v2 =	vbroadcast v2, $0xD;
	v3 =	vadd.f32 v3, v4;
	_ =	sdelay $0x1  }
0x23d: {  	v2 =	vmul.f32 v3, v2;
	_ =	sdelay $0x1  }
0x23e: {  	[tilespmem:s12+$0x50] =	vst v2  }
0x23f: {  	v2 =	vld [tilespmem:s13+$0x60];
	_ =	sdelay $0x1  }
0x240: {  	v3 =	vld [tilespmem:s12+$0x60];
	_ =	sdelay $0x2  }
0x241: {  	v2 =	vmul.f32 $5.000000000e-01, v2;
	_ =	sdelay $0x1  }
0x242: {  	v2 =	vadd.f32 v2, v3;
	_ =	sdelay $0x1  }
0x243: {  	v1 =	vmul.f32 v2, v1;
	_ =	sdelay $0x1  }
0x244: {  	[tilespmem:s12+$0x60] =	vst v1  }
0x245: {  	v1 =	vld [tilespmem:s13+$0x70];
	_ =	sdelay $0x1  }
0x246: {  	v2 =	vld [tilespmem:s12+$0x70];
	_ =	sdelay $0x2  }
0x247: {  	v1 =	vmul.f32 $5.000000000e-01, v1;
	_ =	sdelay $0x1  }
0x248: {  	v1 =	vadd.f32 v1, v2  }
.Ltmp3:
0x249: {  	(pc) =	sbr.rel @p0 .LBB2_7-.Ltmp3, $3  }
0x24a: {  	v0 =	vmul.f32 v1, v0;
	_ =	sdelay $0x1  }
0x24b: {  	s16 =	sshra.s32 s14, $0x2;
	[tilespmem:s12+$0x70] =	vst v0  }
0x24c: {  	s14 =	sadd.s32 $0x40, s14;
	v0 =	vld [tilespmem:s16+$0x7A80]  }
0x24d: {  	v1 =	vld [tilespmem:s16+$0x7800];
	_ =	sdelay $0x4  }
0x24e: {  	v0 =	vadd.f32 v0, v1;
	_ =	sdelay $0x1  }
0x24f: {  	v0 =	vadd.f32 $1.000000000e+00, v0;
	_ =	sdelay $0x1  }
0x250: {  	v31 =	vshra.s32 v0, $0x1;
	v0 =	vmul.f32 $5.000000000e-01, v0  }
0x251: {  	v1 =	vsub.s32 $0x5F3759DF, v31  }
0x252: {  	v2 =	vmul.f32 v1, v0;
	_ =	sdelay $0x1  }
0x253: {  	v2 =	vmul.f32 v1, v2;
	_ =	sdelay $0x1  }
0x254: {  	v2 =	vsub.f32 $1.500000000e+00, v2;
	_ =	sdelay $0x1  }
0x255: {  	v1 =	vmul.f32 v1, v2;
	_ =	sdelay $0x1  }
0x256: {  	v2 =	vmul.f32 v1, v0;
	_ =	sdelay $0x1  }
0x257: {  	v2 =	vmul.f32 v2, v1;
	_ =	sdelay $0x1  }
0x258: {  	v2 =	vsub.f32 $1.500000000e+00, v2;
	_ =	sdelay $0x1  }
0x259: {  	v1 =	vmul.f32 v2, v1;
	_ =	sdelay $0x1  }
0x25a: {  	s13 =	sadd.s32 $0x100, s13;
	v0 =	vmul.f32 v1, v0  }
0x25b: {  	v32 =	vld [tilespmem:s13+$0xFFFFFF80]  }
0x25c: {  	s12 =	sadd.s32 $0x100, s12;
	v0 =	vmul.f32 v0, v1  }
0x25d: {  	v3 =	vld [tilespmem:s12+$0xFFFFFF80]  }
0x25e: {  	v0 =	vsub.f32 $1.500000000e+00, v0;
	_ =	sdelay $0x1  }
0x25f: {  	v33 =	vmul.f32 $5.000000000e-01, v32;
	v0 =	vmul.f32 v0, v1;
	_ =	sdelay $0x1  }
0x260: {  	v1 =	vadd.f32 v33, v3;
	v34 =	vbroadcast v0, $0x0;
	_ =	sdelay $0x1  }
0x261: {  	v1 =	vmul.f32 v34, v1;
	_ =	sdelay $0x1  }
0x262: {  	[tilespmem:s12+$0xFFFFFF80] =	vst v1  }
0x263: {  	v1 =	vld [tilespmem:s13+$0xFFFFFF90];
	_ =	sdelay $0x1  }
0x264: {  	v35 =	vld [tilespmem:s12+$0xFFFFFF90];
	_ =	sdelay $0x2  }
0x265: {  	v1 =	vmul.f32 $5.000000000e-01, v1;
	_ =	sdelay $0x1  }
0x266: {  	v36 =	vbroadcast v0, $0x1;
	v1 =	vadd.f32 v1, v35;
	_ =	sdelay $0x1  }
0x267: {  	v1 =	vmul.f32 v36, v1;
	_ =	sdelay $0x1  }
0x268: {  	[tilespmem:s12+$0xFFFFFF90] =	vst v1  }
0x269: {  	v1 =	vld [tilespmem:s13+$0xFFFFFFA0];
	_ =	sdelay $0x1  }
0x26a: {  	v37 =	vld [tilespmem:s12+$0xFFFFFFA0];
	_ =	sdelay $0x2  }
0x26b: {  	v1 =	vmul.f32 $5.000000000e-01, v1;
	_ =	sdelay $0x1  }
0x26c: {  	v38 =	vbroadcast v0, $0x2;
	v1 =	vadd.f32 v1, v37;
	_ =	sdelay $0x1  }
0x26d: {  	v1 =	vmul.f32 v38, v1;
	_ =	sdelay $0x1  }
0x26e: {  	[tilespmem:s12+$0xFFFFFFA0] =	vst v1  }
0x26f: {  	v1 =	vld [tilespmem:s13+$0xFFFFFFB0];
	_ =	sdelay $0x1  }
0x270: {  	v39 =	vld [tilespmem:s12+$0xFFFFFFB0];
	_ =	sdelay $0x2  }
0x271: {  	v1 =	vmul.f32 $5.000000000e-01, v1;
	_ =	sdelay $0x1  }
0x272: {  	v40 =	vbroadcast v0, $0x3;
	v1 =	vadd.f32 v1, v39;
	_ =	sdelay $0x1  }
0x273: {  	v1 =	vmul.f32 v40, v1;
	_ =	sdelay $0x1  }
0x274: {  	[tilespmem:s12+$0xFFFFFFB0] =	vst v1  }
0x275: {  	v1 =	vld [tilespmem:s13+$0xFFFFFFC0];
	_ =	sdelay $0x1  }
0x276: {  	v41 =	vld [tilespmem:s12+$0xFFFFFFC0];
	_ =	sdelay $0x2  }
0x277: {  	v1 =	vmul.f32 $5.000000000e-01, v1;
	_ =	sdelay $0x1  }
0x278: {  	v42 =	vbroadcast v0, $0x4;
	v1 =	vadd.f32 v1, v41;
	_ =	sdelay $0x1  }
0x279: {  	v1 =	vmul.f32 v42, v1;
	_ =	sdelay $0x1  }
0x27a: {  	[tilespmem:s12+$0xFFFFFFC0] =	vst v1  }
0x27b: {  	v1 =	vld [tilespmem:s13+$0xFFFFFFD0];
	_ =	sdelay $0x1  }
0x27c: {  	v43 =	vld [tilespmem:s12+$0xFFFFFFD0];
	_ =	sdelay $0x2  }
0x27d: {  	v1 =	vmul.f32 $5.000000000e-01, v1;
	_ =	sdelay $0x1  }
0x27e: {  	v44 =	vbroadcast v0, $0x5;
	v1 =	vadd.f32 v1, v43;
	_ =	sdelay $0x1  }
0x27f: {  	v1 =	vmul.f32 v44, v1;
	_ =	sdelay $0x1  }
0x280: {  	[tilespmem:s12+$0xFFFFFFD0] =	vst v1  }
0x281: {  	v1 =	vld [tilespmem:s13+$0xFFFFFFE0];
	_ =	sdelay $0x1  }
0x282: {  	v45 =	vld [tilespmem:s12+$0xFFFFFFE0];
	_ =	sdelay $0x2  }
0x283: {  	v1 =	vmul.f32 $5.000000000e-01, v1;
	_ =	sdelay $0x1  }
0x284: {  	v46 =	vbroadcast v0, $0x6;
	v1 =	vadd.f32 v1, v45;
	_ =	sdelay $0x1  }
0x285: {  	v1 =	vmul.f32 v1, v46;
	_ =	sdelay $0x1  }
0x286: {  	[tilespmem:s12+$0xFFFFFFE0] =	vst v1  }
0x287: {  	v1 =	vld [tilespmem:s13+$0xFFFFFFF0];
	_ =	sdelay $0x1  }
0x288: {  	v47 =	vld [tilespmem:s12+$0xFFFFFFF0];
	_ =	sdelay $0x2  }
0x289: {  	v1 =	vmul.f32 $5.000000000e-01, v1;
	_ =	sdelay $0x1  }
0x28a: {  	v48 =	vbroadcast v0, $0x7;
	v1 =	vadd.f32 v1, v47;
	_ =	sdelay $0x1  }
0x28b: {  	v1 =	vmul.f32 v1, v48;
	_ =	sdelay $0x1  }
0x28c: {  	[tilespmem:s12+$0xFFFFFFF0] =	vst v1  }
0x28d: {  	v1 =	vld [tilespmem:s13+$0x0];
	_ =	sdelay $0x1  }
0x28e: {  	v49 =	vld [tilespmem:s12+$0x0];
	_ =	sdelay $0x2  }
0x28f: {  	v1 =	vmul.f32 $5.000000000e-01, v1;
	_ =	sdelay $0x1  }
0x290: {  	v50 =	vbroadcast v0, $0x8;
	v1 =	vadd.f32 v1, v49;
	_ =	sdelay $0x1  }
0x291: {  	v1 =	vmul.f32 v1, v50;
	_ =	sdelay $0x1  }
0x292: {  	[tilespmem:s12+$0x0] =	vst v1  }
0x293: {  	v1 =	vld [tilespmem:s13+$0x10];
	_ =	sdelay $0x1  }
0x294: {  	v51 =	vld [tilespmem:s12+$0x10];
	_ =	sdelay $0x2  }
0x295: {  	v1 =	vmul.f32 $5.000000000e-01, v1;
	_ =	sdelay $0x1  }
0x296: {  	v52 =	vbroadcast v0, $0x9;
	v1 =	vadd.f32 v1, v51;
	_ =	sdelay $0x1  }
0x297: {  	v1 =	vmul.f32 v1, v52;
	_ =	sdelay $0x1  }
0x298: {  	[tilespmem:s12+$0x10] =	vst v1  }
0x299: {  	v1 =	vld [tilespmem:s13+$0x20];
	_ =	sdelay $0x1  }
0x29a: {  	v53 =	vld [tilespmem:s12+$0x20];
	_ =	sdelay $0x2  }
0x29b: {  	v1 =	vmul.f32 $5.000000000e-01, v1;
	_ =	sdelay $0x1  }
0x29c: {  	v54 =	vbroadcast v0, $0xA;
	v1 =	vadd.f32 v1, v53;
	_ =	sdelay $0x1  }
0x29d: {  	v1 =	vmul.f32 v1, v54;
	_ =	sdelay $0x1  }
0x29e: {  	[tilespmem:s12+$0x20] =	vst v1  }
0x29f: {  	v1 =	vld [tilespmem:s13+$0x30];
	_ =	sdelay $0x1  }
0x2a0: {  	v55 =	vld [tilespmem:s12+$0x30];
	_ =	sdelay $0x2  }
0x2a1: {  	v1 =	vmul.f32 $5.000000000e-01, v1;
	_ =	sdelay $0x1  }
0x2a2: {  	v56 =	vbroadcast v0, $0xB;
	v1 =	vadd.f32 v1, v55;
	_ =	sdelay $0x1  }
0x2a3: {  	v1 =	vmul.f32 v1, v56;
	_ =	sdelay $0x1  }
0x2a4: {  	[tilespmem:s12+$0x30] =	vst v1  }
0x2a5: {  	v1 =	vld [tilespmem:s13+$0x40];
	_ =	sdelay $0x1  }
0x2a6: {  	v57 =	vld [tilespmem:s12+$0x40];
	_ =	sdelay $0x2  }
0x2a7: {  	v1 =	vmul.f32 $5.000000000e-01, v1;
	_ =	sdelay $0x1  }
0x2a8: {  	v58 =	vbroadcast v0, $0xC;
	v1 =	vadd.f32 v1, v57;
	_ =	sdelay $0x1  }
0x2a9: {  	v1 =	vmul.f32 v1, v58;
	_ =	sdelay $0x1  }
0x2aa: {  	[tilespmem:s12+$0x40] =	vst v1  }
0x2ab: {  	v1 =	vld [tilespmem:s13+$0x50];
	_ =	sdelay $0x1  }
0x2ac: {  	v59 =	vld [tilespmem:s12+$0x50];
	_ =	sdelay $0x2  }
0x2ad: {  	v1 =	vmul.f32 $5.000000000e-01, v1;
	_ =	sdelay $0x1  }
0x2ae: {  	v60 =	vbroadcast v0, $0xD;
	v1 =	vadd.f32 v1, v59;
	_ =	sdelay $0x1  }
0x2af: {  	v1 =	vmul.f32 v1, v60;
	_ =	sdelay $0x1  }
0x2b0: {  	[tilespmem:s12+$0x50] =	vst v1  }
0x2b1: {  	v1 =	vld [tilespmem:s13+$0x60];
	_ =	sdelay $0x1  }
0x2b2: {  	v61 =	vld [tilespmem:s12+$0x60];
	_ =	sdelay $0x2  }
0x2b3: {  	v1 =	vmul.f32 $5.000000000e-01, v1;
	_ =	sdelay $0x1  }
0x2b4: {  	v62 =	vbroadcast v0, $0xE;
	v1 =	vadd.f32 v1, v61;
	_ =	sdelay $0x1  }
0x2b5: {  	v1 =	vmul.f32 v1, v62;
	_ =	sdelay $0x1  }
0x2b6: {  	[tilespmem:s12+$0x60] =	vst v1  }
0x2b7: {  	v1 =	vld [tilespmem:s13+$0x70];
	_ =	sdelay $0x1  }
0x2b8: {  	v63 =	vld [tilespmem:s12+$0x70];
	_ =	sdelay $0x2  }
0x2b9: {  	v1 =	vmul.f32 $5.000000000e-01, v1;
	_ =	sdelay $0x1  }
0x2ba: {  	v0 =	vbroadcast v0, $0xF;
	v1 =	vadd.f32 v1, v63;
	_ =	sdelay $0x1  }
0x2bb: {  	v0 =	vmul.f32 v1, v0;
	_ =	sdelay $0x1  }
0x2bc: {  	s2 =	rddreg [dreg:$0xe];
	[tilespmem:s12+$0x70] =	vst v0  }
0x2bd: {  	[hbm4b:s2+s4] =	stream.linear.scatter [tilespmem:s17], [sflag:$0x11], $0x2800, $0x38;
	[tilespmem:$0x132A0] =	vst v63  }
0x2be: {  	_ =	swait.ge [sflag:s19], $0x2800  }
0x2bf: {  	s11 =	sadd.s32 $0x1, s11;
	s29 =	rddreg [dreg:$0xf]  }
0x2c0: {  	p0 =	sne.s32 s11, s29  }
.Ltmp4:
0x2c1: {  	_ = 	snop;
	(pc) =	sbr.rel @p0 .LBB2_1-.Ltmp4, $3  }
0x2c2: {  	_ =	sdelay $0x1  }
0x2c3: {  	[sflag:s19] =	ssyncset.done $0x0  }
0x2c4: {  	s22 =	simm.s32 $0x7D10;
	[sflag:s19] =	ssyncadd.s32 $0xFFFFD800  }
0x2c5: {  	_ =	sfence.sel $0x180000  }
0x2c6: {  	[bflag:$0x0] =	sbarrier.arrive $0xFFFF  }
0x2c7: {  	_ =	strace $0x9000004D  }
0x2c8: {  	s0 =	stileid.u32;
	[bflag:$0x2] =	sbarrier.arrive $0xFFFF  }
0x2c9: {  	p0 =	sne.s32 s0, $0x0;
	s0 =	rddreg [dreg:$0x4]  }
0x2ca: {  	s0 =	sadd.s32 @!p0 $0x100000, s0  }
0x2cb: {  	[sflag:s0] =	ssyncadd.tile.s32 @!p0 $0x1;
	_ =	shalt  }
.Lfunc_end2:
_tile_overlayer_lowered:
.L_overlay_start_2:
0x2cc: {  	(tag) =	ssettag $0x2  }
0x2cd: {  	s0 =	rddreg [dreg:$0x0];
	s2 =	stileid.u32  }
0x2ce: {  	s1 =	rddreg [dreg:$0x1];
	p0 =	sne.s32 s2, $0x0  }
0x2cf: {  	s3 =	rddreg [dreg:$0x2];
	[bflag:$0x3] =	sbarrier.arrive $0xFFFF;
	s2 =	simm.s32 @!p0 $0x1C11  }
0x2d0: {  	[timem:s3], [sflag:s2] =	dma.local @!p0 [hbm:s0], s1  }
0x2d1: {  	s0 =	simm.s32 @!p0 $0x11  }
0x2d2: {  	_ =	swait.ge @!p0 [sflag:s0], s1  }
0x2d3: {  	s1 =	ssub.s32 @!p0 $0x0, s1;
	[sflag:s0] =	ssyncset.done @!p0 $0x0  }
0x2d4: {  	[sflag:s0] =	ssyncadd.s32 @!p0 s1  }
0x2d5: {  	[bflag:$0x3] =	sbarrier.arrive $0xFFFF  }
0x2d6: {  	_ =	shalt  }

// kernel: kernel.7.cloned.1.call-start
scs
__scs_entry_jumppad:
0x0: {  	(pc) =	sbr.rel $0x88, $3  }
0x1: {  	(tag) =	ssettag $0x0;
	lr =	simm.s32 $0x1  }
0x2: {  	[smem:$0x3F9B] =	sst lr;
	_ =	strace $0xD0000000  }
0x3: {  	_ = 	snop  }
0x4: {  	_ = 	snop  }
0x5: {  	_ = 	snop  }
0x6: {  	_ = 	snop  }
0x7: {  	_ = 	snop  }
__scs_overlays_trampoline_lowered:
0x8: {  	[smem:$0x3FAA] =	sst s0  }
0x9: {  	[smem:$0x3FAB] =	sst s1  }
0xa: {  	[smem:$0x3FAC] =	sst s2  }
0xb: {  	[smem:$0x3FAD] =	sst s3  }
0xc: {  	[smem:$0x3FAE] =	sst s4  }
0xd: {  	[smem:$0x3FAF] =	sst s5  }
0xe: {  	[smem:$0x3FB0] =	sst s6  }
0xf: {  	[smem:$0x3FB1] =	sst s7  }
0x10: {  	[smem:$0x3FB2] =	sst s8  }
0x11: {  	[smem:$0x3FB3] =	sst s9;
	s0 =	simm.s32 @!p0 $0x0  }
0x12: {  	s1 =	sld [smem:$0x3F99];
	s0 =	simm.s32 @p0 $0x1  }
0x13: {  	[smem:$0x3FB4] =	sst s0;
	s0 =	simm.s32 @!p1 $0x0  }
0x14: {  	s2 =	sld [smem:$0x3F98];
	s0 =	simm.s32 @p1 $0x1  }
0x15: {  	[smem:$0x3FB5] =	sst s0;
	s0 =	simm.s32 @!p2 $0x0  }
0x16: {  	s3 =	sld [smem:$0x3FDB];
	s0 =	simm.s32 @p2 $0x1  }
0x17: {  	s4 =	simm.s32 $0x1BF5;
	[smem:$0x3FB7] =	sst s0  }
0x18: {  	s0 =	sld [smem:$0x3F9A];
	_ =	swait.ge [sflag:s4], $0x0  }
0x19: {  	s7 =	sld [smem:$0x3F9B]  }
0x1a: {  	s8 =	sadd.s32 $0xFFFFE003, lr  }
0x1b: {  	s9 =	sadd.s32 $0xFFFFFEF7, lr;
	s5 =	simm.s32 $0xFFFFFFFF;
	p2 =	slt.u32 s8, $0xFFFFF086  }
0x1c: {  	p1 =	slt.u32 s9, $0xF7A;
	s5 =	simm.s32 @!p2 $0x0  }
0x1d: {  	s5 =	simm.s32 @p1 $0x1;
	p0 =	seq.s32 s7, s2  }
0x1e: {  	s7 =	smul.u32 @!p0 $0xF7A, s2;
	p2 =	seq.s32 @!p0 s5, $0x0  }
0x1f: {  	s9 =	smul.u32 $0xF7A, s1;
	s8 =	simm.s32 @!p0 $0x1BF5;
	p2 =	por !p2, p0  }
0x20: {  	[sflag:s8] =	ssyncset.s32 @!p0 $0xFFFFF086;
	s6 =	sadd.s32 @!p0 s3, s7;
	s7 =	simm.s32 @!p0 $0x108  }
0x21: {  	s3 =	sadd.s32 s3, s9;
	s6 =	sadd.s32 @!p0 $0x88, s6;
	s7 =	simm.s32 @p2 $0x1082  }
0x22: {  	[simem:s7], [sflag:s8] =	dma.local @!p0 [hbm:s6], $0xF7A  }
0x23: {  	s9 =	sor.u32 $0xD0000000, s2;
	s6 =	simm.s32 $0x108;
	_ =	swait.ge @!p0 [sflag:s8], $0x0  }
0x24: {  	s3 =	sadd.s32 $0x88, s3;
	s6 =	simm.s32 @!p1 $0x1082;
	[sflag:s4] =	ssyncset.s32 $0xFFFFF086  }
0x25: {  	[simem:s6], [sflag:s4] =	dma.local [hbm:s3], $0xF7A  }
0x26: {  	[smem:$0x3F9B] =	sst s1;
	(tag) =	ssettag s2;
	_ =	strace s9  }
0x27: {  	s1 =	sld [smem:$0x3FAB]  }
0x28: {  	s2 =	sld [smem:$0x3FAC]  }
0x29: {  	s4 =	sld [smem:$0x3FAE]  }
0x2a: {  	p0 =	seq.s32 s5, $0x0;
	s5 =	sld [smem:$0x3FAF]  }
0x2b: {  	s6 =	sld [smem:$0x3FB0]  }
0x2c: {  	s7 =	sld [smem:$0x3FB1]  }
0x2d: {  	s3 =	simm.s32 $0x108;
	s8 =	sld [smem:$0x3FB2]  }
0x2e: {  	s3 =	simm.s32 @!p0 $0x1082;
	s9 =	sld [smem:$0x3FB3]  }
0x2f: {  	lr =	sadd.s32 s0, s3;
	s0 =	sld [smem:$0x3FAA]  }
0x30: {  	s3 =	sld [smem:$0x3FAD]  }
0x31: {  	[smem:$0x3FB6] =	sst s10  }
0x32: {  	s10 =	sld [smem:$0x3FB4];
	_ =	sdelay $0x3  }
0x33: {  	p0 =	seq.s32 s10, $0x1;
	s10 =	sld [smem:$0x3FB6];
	_ =	sdelay $0x3  }
0x34: {  	[smem:$0x3FB6] =	sst s10  }
0x35: {  	s10 =	sld [smem:$0x3FB5];
	_ =	sdelay $0x3  }
0x36: {  	p1 =	seq.s32 s10, $0x1;
	s10 =	sld [smem:$0x3FB6];
	_ =	sdelay $0x3  }
0x37: {  	[smem:$0x3FB6] =	sst s10  }
0x38: {  	s10 =	sld [smem:$0x3FB7]  }
0x39: {  	_ = 	snop;
	(pc) =	sbr.ind lr, $3  }
0x3a: {  	_ = 	snop  }
0x3b: {  	_ = 	snop  }
0x3c: {  	p2 =	seq.s32 s10, $0x1;
	s10 =	sld [smem:$0x3FB6]  }
0x3d: {  	_ =	shalt  }
0x3e: {  	_ =	shalt  }
0x3f: {  	_ =	shalt  }
0x40: {  	_ =	shalt  }
0x41: {  	_ =	shalt  }
0x42: {  	_ =	shalt  }
0x43: {  	_ =	shalt  }
0x44: {  	_ =	shalt  }
0x45: {  	_ =	shalt  }
0x46: {  	_ =	shalt  }
0x47: {  	_ =	shalt  }
0x48: {  	_ =	shalt  }
0x49: {  	_ =	shalt  }
0x4a: {  	_ =	shalt  }
0x4b: {  	_ =	shalt  }
0x4c: {  	_ =	shalt  }
0x4d: {  	_ =	shalt  }
0x4e: {  	_ =	shalt  }
0x4f: {  	_ =	shalt  }
0x50: {  	_ =	shalt  }
0x51: {  	_ =	shalt  }
0x52: {  	_ =	shalt  }
0x53: {  	_ =	shalt  }
0x54: {  	_ =	shalt  }
0x55: {  	_ =	shalt  }
0x56: {  	_ =	shalt  }
0x57: {  	_ =	shalt  }
0x58: {  	_ =	shalt  }
0x59: {  	_ =	shalt  }
0x5a: {  	_ =	shalt  }
0x5b: {  	_ =	shalt  }
0x5c: {  	_ =	shalt  }
0x5d: {  	_ =	shalt  }
0x5e: {  	_ =	shalt  }
0x5f: {  	_ =	shalt  }
0x60: {  	_ =	shalt  }
0x61: {  	_ =	shalt  }
0x62: {  	_ =	shalt  }
0x63: {  	_ =	shalt  }
0x64: {  	_ =	shalt  }
0x65: {  	_ =	shalt  }
0x66: {  	_ =	shalt  }
0x67: {  	_ =	shalt  }
0x68: {  	_ =	shalt  }
0x69: {  	_ =	shalt  }
0x6a: {  	_ =	shalt  }
0x6b: {  	_ =	shalt  }
0x6c: {  	_ =	shalt  }
0x6d: {  	_ =	shalt  }
0x6e: {  	_ =	shalt  }
0x6f: {  	_ =	shalt  }
0x70: {  	_ =	shalt  }
0x71: {  	_ =	shalt  }
0x72: {  	_ =	shalt  }
0x73: {  	_ =	shalt  }
0x74: {  	_ =	shalt  }
0x75: {  	_ =	shalt  }
0x76: {  	_ =	shalt  }
0x77: {  	_ =	shalt  }
0x78: {  	_ =	shalt  }
0x79: {  	_ =	shalt  }
0x7a: {  	_ =	shalt  }
0x7b: {  	_ =	shalt  }
0x7c: {  	_ =	shalt  }
0x7d: {  	_ =	shalt  }
0x7e: {  	_ =	shalt  }
0x7f: {  	_ =	shalt  }
0x80: {  	_ =	shalt  }
0x81: {  	_ =	shalt  }
0x82: {  	_ =	shalt  }
0x83: {  	_ =	shalt  }
0x84: {  	_ =	shalt  }
0x85: {  	_ =	shalt  }
0x86: {  	_ =	shalt  }
0x87: {  	_ =	shalt  }
.Lfunc_end0:
.L_simem_size_0:
called_computation_lowered:
.L_overlay_start_0:
0x88: {  	s2 =	sld [smem:$0x3FD9]  }
0x89: {  	s3 =	sld [smem:$0x3FFE];
	_ =	sdelay $0x1  }
0x8a: {  	s1 =	srdreg.scid  }
0x8b: {  	s0 =	sand.u32 $0x1, s1  }
0x8c: {  	s17 =	sshll.u32 s0, $0xA;
	s2 =	sadd.s32 s3, s2  }
0x8d: {  	s2 =	sadd.s32 s2, s17  }
0x8e: {  	[smem:$0x3FC2] =	sst s2  }
0x8f: {  	_ = 	snop  }
0x90: {  	s2 =	sld [smem:$0x3FD0];
	(tm) =	ssettm $0x1  }
0x91: {  	s18 =	sld [smem:$0x3FFB];
	_ =	sdelay $0x3  }
0x92: {  	_ =	strace s18  }
0x93: {  	s3 =	sld [smem:$0x3FFC];
	_ =	sdelay $0x3  }
0x94: {  	_ =	strace s3  }
0x95: {  	s3 =	sld [smem:$0x3FFD];
	_ =	sdelay $0x3  }
0x96: {  	_ =	strace s3  }
0x97: {  	_ =	strace $0x8FFFFFFF  }
0x98: {  	s19 =	sld [smem:$0x3FDB];
	_ =	sdelay $0x1  }
0x99: {  	s4 =	simm.s32 $_scs_section_size  }
0x9a: {  	s5 =	simm.s32 $_size__tile_overlayer_lowered;
	s6 =	simm.s32 $_tile_overlayer_lowered  }
0x9b: {  	s22 =	simm.s32 $0x1BFF;
	s21 =	sshll.u32 s6, $0x1;
	s3 =	sadd.s32 s4, s19  }
0x9c: {  	s7 =	simm.s32 $0x0;
	s20 =	sshll.u32 s5, $0x1;
	s5 =	sadd.s32 s21, s3  }
0x9d: {  	[timem:s7], [sflag:s22] =	dma.local [hbm:s5], s20  }
0x9e: {  	_ =	swait.ge [sflag:s22], s20  }
0x9f: {  	s4 =	ssub.s32 $0x0, s20;
	[sflag:s22] =	ssyncset.done $0x0  }
0xa0: {  	[sflag:s22] =	ssyncadd.s32 s4;
	_ =	sdelay $0x1  }
0xa1: {  	s23 =	simm.s32 $0x1B8B  }
0xa2: {  	_ =	swait.ge [sflag:s23], $0x1  }
0xa3: {  	[sflag:s23] =	ssyncset.done $0x0  }
0xa4: {  	s25 =	simm.s32 $0x1B8E;
	s24 =	sld [smem:$0x3FFE];
	[sflag:s23] =	ssyncadd.s32 $0xFFFFFFFF  }
0xa5: {  	s26 =	simm.s32 $execute0_lowered;
	[smem:$0x3FD2] =	sst s25  }
0xa6: {  	s5 =	sshll.u32 s26, $0x1;
	_ =	strace $0x80000046;
	[dreg:$0x1] =	wrdreg $0xFFFFFFFF  }
0xa7: {  	s28 =	simm.s32 $_size_execute0_lowered;
	s3 =	sadd.s32 s3, s5;
	[dreg:$0x0] =	wrdreg $0x0  }
0xa8: {  	s5 =	sshll.u32 s28, $0x1;
	[dreg:$0x2] =	wrdreg s3  }
0xa9: {  	[dreg:$0x3] =	wrdreg s5  }
0xaa: {  	[dreg:$0x4] =	wrdreg $0xC0  }
0xab: {  	_ =	task [dreg:s7], $0x5FFFF  }
0xac: {  	[dreg:$0x1] =	wrdreg $0xFFFFFFFF  }
0xad: {  	[dreg:$0x0] =	wrdreg $0x60  }
0xae: {  	[dreg:$0x2] =	wrdreg s2  }
0xaf: {  	[dreg:$0x3] =	wrdreg s24  }
0xb0: {  	[dreg:$0x4] =	wrdreg $0x28800  }
0xb1: {  	[dreg:$0x5] =	wrdreg $0x9  }
0xb2: {  	_ =	task.clear_ibuf [dreg:s7], $0x6FFFF;
	_ =	strace $0x90000046  }
0xb3: {  	s29 =	simm.s32 $0x9;
	_ =	strace $0x80000048  }
0xb4: {  	_ =	swait.ge [sflag:s29], $0x1  }
0xb5: {  	[sflag:s29] =	ssyncadd.s32 $0xFFFFFFFF  }
0xb6: {  	_ =	strace $0x90000048  }
0xb7: {  	_ =	sfence  }
0xb8: {  	s30 =	sld [smem:$0x0];
	_ =	sdelay $0x2  }
0xb9: {  	s31 =	sshll.u32 s1, $0xD;
	s1 =	sshrl.u32 s1, $0x2  }
0xba: {  	s3 =	sand.u32 $0x4000, s31;
	s1 =	sadd.s32 s1, s30  }
0xbb: {  	s0 =	sor.u32 s3, s0;
	s1 =	sshll.u32 s1, $0x11  }
0xbc: {  	s0 =	sor.u32 s1, s0  }
0xbd: {  	s0 =	sadd.s32 $0x8F2B, s0  }
0xbe: {  	[sflag:s0] =	ssyncadd.remote.s32 $0x1  }
0xbf: {  	_ =	sfence.sel $0xFFFF  }
0xc0: {  	[dreg:$0x0] =	wrdreg $0xFFFFFFFF;
	(pc) =	sbr.abs _section_cstart, $3  }
0xc1: {  	[dreg:$0x1] =	wrdreg $0xFFFFFFFF  }
0xc2: {  	_ =	task.clear_ibuf [dreg:s7], $0x2FFFF;
	_ =	strace $0x9FFFFFFF  }
0xc3: {  	(tm) =	ssettm $0x7FFFFFFF  }
tec
execute0_lowered:
.L_overlay_start_1:
0x0: {  	(tag) =	ssettag $0x1  }
0x1: {  	s4 =	rddreg [dreg:$0x0]  }
0x2: {  	s5 =	rddreg [dreg:$0x1]  }
0x3: {  	s0 =	srdreg.scid;
	s1 =	rddreg [dreg:$0x2]  }
0x4: {  	s7 =	stileid.u32;
	s2 =	simm.s32 $0x0;
	s11 =	simm.s32 $0x1  }
0x5: {  	s12 =	simm.s32 $0x0;
	s3 =	sand.u32 $0x1, s0;
	s0 =	rddreg [dreg:$0x3]  }
0x6: {  	[smem:$0x7FF] =	sst s2;
	p0 =	sne.s32 s7, $0x0;
	s6 =	sshll.u32 s3, $0x4  }
0x7: {  	s9 =	ssub.s32 $0x2, s3;
	_ =	strace $0x80000047;
	s3 =	sadd.s32 $0x1C00, s5  }
0x8: {  	s8 =	sor.u32 s7, s6;
	s10 =	sshrl.u32 s9, $0x1;
	s5 =	sadd.s32 s6, s5  }
0x9: {  	s7 =	sshrl.u32 @!p0 s1, $0x3;
	s8 =	smul.u32 $0x500, s8;
	s31 =	ssub.s32 s9, s10  }
0xa: {  	s5 =	sadd.s32 $0x2200, s5;
	s9 =	simm.s32 $0x7D;
	s10 =	simm.s32 $0x2800  }
0xb: {  	v0 =	vimm.f32 $1.000000000e+00;
	s6 =	smax.u32 s31, $0x1;
	s4 =	sadd.s32 s4, s8;
	s8 =	simm.s32 $0x2  }
.LBB2_1:
0xc: {  	[tilespmem:$0x2800] =	vst v0  }
0xd: {  	[tilespmem:$0x2810] =	vst v0  }
0xe: {  	[tilespmem:$0x2820] =	vst v0  }
0xf: {  	[tilespmem:$0x2830] =	vst v0  }
0x10: {  	[tilespmem:$0x2840] =	vst v0  }
0x11: {  	[tilespmem:$0x2850] =	vst v0  }
0x12: {  	[tilespmem:$0x2860] =	vst v0  }
0x13: {  	[tilespmem:$0x2870] =	vst v0;
	s13 =	simm.s32 @!p0 $0x1C02  }
0x14: {  	[spmem:s7], [sflag:s13] =	dma.local @!p0 [hbm:s3], $0x4F0  }
0x15: {  	s13 =	simm.s32 @!p0 $0x2  }
0x16: {  	_ =	swait.ge @!p0 [sflag:s13], $0x4F0  }
0x17: {  	[sflag:s13] =	ssyncset.done @!p0 $0x0  }
0x18: {  	[sflag:s13] =	ssyncadd.s32 @!p0 $0xFFFFFB10  }
0x19: {  	[bflag:$0x0] =	sbarrier.arrive $0xFFFF  }
0x1a: {  	[tilespmem:s2], [sflag:$0x2] =	stream.linear.gather [hbm4b:s4+s2], $0x2800, $0x38;
	[tilespmem:$0x2AF8] =	vst v63  }
0x1b: {  	_ =	swait.ge [sflag:s8], $0x2800  }
0x1c: {  	p1 =	por $0x1, $0x1;
	[sflag:s8] =	ssyncset.done $0x0  }
0x1d: {  	s15 =	simm.s32 @!p1 $0x1;
	[sflag:s8] =	ssyncadd.s32 $0xFFFFD800  }
0x1e: {  	[spmem:s1] =	stream.indirect.scatter.add.f32 [tilespmem:s10], [sflag:$0x1], $0x1, s2, s9, $0xb8;
	[tilespmem:$0x2AF8] =	vst v63  }
0x1f: {  	_ =	swait.ge @!p1 [sflag:s15], $0x7D  }
0x20: {  	s14 =	simm.s32 $0x0;
	s13 =	simm.s32 $0x1;
	[sflag:s15] =	ssyncset.done @!p1 $0x0  }
.LBB2_2:
0x21: {  	[sflag:s15] =	ssyncadd.s32 @!p1 $0xFFFFFF83  }
0x22: {  	s14 =	sadd.s32 $0x80, s14;
	s15 =	smov.u32 s13;
	s13 =	sadd.s32 $0x1, s13  }
0x23: {  	p2 =	sne.s32 s13, $0x50  }
0x24: {  	[spmem:s1] =	stream.indirect.scatter.add.f32 [tilespmem:s10], [sflag:$0x1], $0x1, s14, s9, $0xb8;
	[tilespmem:$0x2AF8] =	vst v63  }
.Ltmp0:
0x25: {  	_ = 	snop;
	(pc) =	sbr.rel @p2 .LBB2_2-.Ltmp0, $4  }
0x26: {  	p1 =	slt.u32 s15, $0x8  }
0x27: {  	s15 =	simm.s32 @!p1 $0x1  }
0x28: {  	_ =	swait.ge @!p1 [sflag:s15], $0x7D  }
0x29: {  	[sflag:s15] =	ssyncset.done @!p1 $0x0  }
0x2a: {  	[sflag:s15] =	ssyncadd.s32 @!p1 $0xFFFFFF83  }
0x2b: {  	_ =	swait.ge [sflag:s11], $0x7D  }
0x2c: {  	[sflag:s11] =	ssyncset.done $0x0  }
0x2d: {  	[sflag:s11] =	ssyncadd.s32 $0xFFFFFF83  }
0x2e: {  	_ =	swait.ge [sflag:s11], $0x7D  }
0x2f: {  	[sflag:s11] =	ssyncset.done $0x0  }
0x30: {  	[sflag:s11] =	ssyncadd.s32 $0xFFFFFF83  }
0x31: {  	_ =	swait.ge [sflag:s11], $0x7D  }
0x32: {  	[sflag:s11] =	ssyncset.done $0x0  }
0x33: {  	[sflag:s11] =	ssyncadd.s32 $0xFFFFFF83  }
0x34: {  	_ =	swait.ge [sflag:s11], $0x7D  }
0x35: {  	[sflag:s11] =	ssyncset.done $0x0  }
0x36: {  	[sflag:s11] =	ssyncadd.s32 $0xFFFFFF83  }
0x37: {  	_ =	swait.ge [sflag:s11], $0x7D  }
0x38: {  	[sflag:s11] =	ssyncset.done $0x0  }
0x39: {  	[sflag:s11] =	ssyncadd.s32 $0xFFFFFF83  }
0x3a: {  	_ =	swait.ge [sflag:s11], $0x7D  }
0x3b: {  	[sflag:s11] =	ssyncset.done $0x0  }
0x3c: {  	[sflag:s11] =	ssyncadd.s32 $0xFFFFFF83  }
0x3d: {  	_ =	swait.ge [sflag:s11], $0x7D  }
0x3e: {  	[sflag:s11] =	ssyncset.done $0x0  }
0x3f: {  	[sflag:s11] =	ssyncadd.s32 $0xFFFFFF83  }
0x40: {  	_ =	swait.ge [sflag:s11], $0x7D  }
0x41: {  	s13 =	simm.s32 @!p0 $0x1;
	s14 =	simm.s32 @!p0 $0x20;
	[sflag:s11] =	ssyncset.done $0x0  }
0x42: {  	s15 =	simm.s32 @!p0 $0x10;
	s12 =	sadd.s32 $0x1, s12;
	[sflag:s11] =	ssyncadd.s32 $0xFFFFFF83  }
0x43: {  	s16 =	simm.s32 @!p0 $0x1C02;
	p1 =	sne.s32 s12, s6;
	[bflag:$0x0] =	sbarrier.arrive $0xFFFF  }
0x44: {  	[hbm:s5@s14], [sflag:s16] =	dma.strided @!p0 [spmem:s7@s15], $0x4F0, s13, $0x10   }
.Ltmp1:
0x45: {  	_ = 	snop;
	(pc) =	sbr.rel @p1 .LBB2_1-.Ltmp1, $4  }
0x46: {  	s13 =	simm.s32 @!p0 $0x2  }
0x47: {  	_ =	swait.ge @!p0 [sflag:s13], $0x4F0  }
0x48: {  	[sflag:s13] =	ssyncset.done @!p0 $0x0  }
0x49: {  	[sflag:s13] =	ssyncadd.s32 @!p0 $0xFFFFFB10  }
0x4a: {  	_ =	sfence.sel $0x180000  }
0x4b: {  	[bflag:$0x0] =	sbarrier.arrive $0xFFFF  }
0x4c: {  	_ =	strace $0x90000047  }
0x4d: {  	s0 =	sadd.s32 @!p0 $0x100000, s0;
	[bflag:$0x2] =	sbarrier.arrive $0xFFFF  }
0x4e: {  	[sflag:s0] =	ssyncadd.tile.s32 @!p0 $0x1;
	_ =	shalt  }
.Lfunc_end2:
_tile_overlayer_lowered:
.L_overlay_start_2:
0x4f: {  	(tag) =	ssettag $0x2  }
0x50: {  	s0 =	rddreg [dreg:$0x0];
	s2 =	stileid.u32  }
0x51: {  	s1 =	rddreg [dreg:$0x1];
	p0 =	sne.s32 s2, $0x0  }
0x52: {  	s3 =	rddreg [dreg:$0x2];
	[bflag:$0x3] =	sbarrier.arrive $0xFFFF;
	s2 =	simm.s32 @!p0 $0x1C02  }
0x53: {  	[timem:s3], [sflag:s2] =	dma.local @!p0 [hbm:s0], s1  }
0x54: {  	s0 =	simm.s32 @!p0 $0x2  }
0x55: {  	_ =	swait.ge @!p0 [sflag:s0], s1  }
0x56: {  	s1 =	ssub.s32 @!p0 $0x0, s1;
	[sflag:s0] =	ssyncset.done @!p0 $0x0  }
0x57: {  	[sflag:s0] =	ssyncadd.s32 @!p0 s1  }
0x58: {  	[bflag:$0x3] =	sbarrier.arrive $0xFFFF  }
0x59: {  	_ =	shalt  }

</sc_bundles>
